<compile_context>
chip_gen: v7x
topology: tpu7x:2x2x1
jax: 0.10.2.dev20260603
libtpu: 0.0.44.dev20260713+nightly
codegen_flags: <defaults>
</compile_context>

<pallas_src>
import jax
import jax.numpy as jnp
from jax import lax
from jax.experimental import pallas as pl
from jax.experimental.pallas import tpu as pltpu
from jax.experimental.pallas import tpu_sc as plsc

N = 10000
L = 16
E = 320000
V = 100000
D = 128
B = 64

NC = 2
NS = 16
NW = NC * NS
CHUNK = 128

NHALF = N // NC
EMB_ACC_ROWS = 5120
EMB_PER_TILE = EMB_ACC_ROWS
EMB_PER_SC = NS * EMB_PER_TILE
EMB_ROWS_PER_TILE = EMB_ACC_ROWS // NS
EMB_NCHUNKS = EMB_PER_TILE // CHUNK

ACC_ROWS = 10240
ROWS_PER_TILE = ACC_ROWS // NS
EP1 = 327680
EDGE_PER_TILE = EP1 // NW
EDGE_REAL_PER_TILE = E // NW
EDGE_PAD_PER_TILE = EDGE_PER_TILE - EDGE_REAL_PER_TILE
EDGE_NCHUNKS = EDGE_PER_TILE // CHUNK

_mesh = plsc.VectorSubcoreMesh(core_axis_name="c", subcore_axis_name="s")


def _gather_scatter_loop(table_hbm, src_hbm, dst_hbm, acc_sh,
                         src_v, dst_v, rows_v, gsems, isems,
                         idx_base, n_chunks):
    nq = n_chunks // 4

    def _idx_load(slot, ci):
        off = idx_base + ci * CHUNK
        a = pltpu.make_async_copy(src_hbm.at[pl.ds(off, CHUNK)],
                                  src_v.at[slot], isems[slot])
        b = pltpu.make_async_copy(dst_hbm.at[pl.ds(off, CHUNK)],
                                  dst_v.at[slot], isems[slot])
        return a, b

    def _gather(buf, slot):
        return pltpu.make_async_copy(table_hbm.at[src_v.at[slot]],
                                     rows_v.at[buf], gsems[buf])

    for slot in range(2):
        a, b = _idx_load(slot, slot)
        a.start(); b.start(); a.wait(); b.wait()
        _gather(slot, slot).start()
    for slot in (2, 3):
        a, b = _idx_load(slot, slot)
        a.start(); b.start()

    @pl.loop(0, nq)
    def _(t):
        for b4 in range(4):
            ci = 4 * t + b4
            buf = b4 % 2
            _gather(buf, b4).wait()
            pltpu.sync_copy(rows_v.at[buf], acc_sh.at[dst_v.at[b4]], add=True)

            @pl.when(t < nq - 1)
            def _():
                a, b = _idx_load(b4, ci + 4)
                a.start(); b.start()

            nslot = (b4 + 2) % 4
            if b4 < 2:
                a, b = _idx_load(nslot, ci + 2)
                a.wait(); b.wait()
                _gather(buf, nslot).start()
            else:
                @pl.when(t < nq - 1)
                def _():
                    a, b = _idx_load(nslot, ci + 2)
                    a.wait(); b.wait()
                    _gather(buf, nslot).start()


def _emb_body(table_hbm, src_hbm, dst_hbm, zeros_hbm, out_hbm,
              src_v, dst_v, rows_v, acc_sh, gs0, gs1, is0, is1, is2, is3):
    c = lax.axis_index("c")
    s = lax.axis_index("s")

    pltpu.sync_copy(zeros_hbm.at[pl.ds(0, EMB_ROWS_PER_TILE)],
                    acc_sh.at[pl.ds(s * EMB_ROWS_PER_TILE, EMB_ROWS_PER_TILE)])
    plsc.subcore_barrier()

    idx_base = c * EMB_PER_SC + s * EMB_PER_TILE
    _gather_scatter_loop(table_hbm, src_hbm, dst_hbm, acc_sh,
                         src_v, dst_v, rows_v, (gs0, gs1),
                         (is0, is1, is2, is3), idx_base, EMB_NCHUNKS)

    plsc.subcore_barrier()
    local = s * EMB_ROWS_PER_TILE
    last_rows = NHALF - (NS - 1) * EMB_ROWS_PER_TILE

    @pl.when(s < NS - 1)
    def _():
        pltpu.sync_copy(
            acc_sh.at[pl.ds(local, EMB_ROWS_PER_TILE)],
            out_hbm.at[pl.ds(c * NHALF + local, EMB_ROWS_PER_TILE)])

    @pl.when(s == NS - 1)
    def _():
        pltpu.sync_copy(
            acc_sh.at[pl.ds(local, last_rows)],
            out_hbm.at[pl.ds(c * NHALF + local, last_rows)])


_emb_kernel = pl.kernel(
    _emb_body,
    out_type=jax.ShapeDtypeStruct((N, D), jnp.float32),
    mesh=_mesh,
    scratch_types=[
        pltpu.VMEM((4, CHUNK), jnp.int32),
        pltpu.VMEM((4, CHUNK), jnp.int32),
        pltpu.VMEM((2, CHUNK, D), jnp.float32),
        pltpu.VMEM_SHARED((EMB_ACC_ROWS, D), jnp.float32),
        pltpu.SemaphoreType.DMA,
        pltpu.SemaphoreType.DMA,
        pltpu.SemaphoreType.DMA,
        pltpu.SemaphoreType.DMA,
        pltpu.SemaphoreType.DMA,
        pltpu.SemaphoreType.DMA,
    ],
)


def _edge_body(table_hbm, src_hbm, dst_hbm, zeros_hbm, out_hbm,
               src_v, dst_v, rows_v, acc_sh, gs0, gs1, is0, is1, is2, is3):
    c = lax.axis_index("c")
    s = lax.axis_index("s")
    wid = c * NS + s

    pltpu.sync_copy(zeros_hbm,
                    acc_sh.at[pl.ds(s * ROWS_PER_TILE, ROWS_PER_TILE)])
    plsc.subcore_barrier()

    _gather_scatter_loop(table_hbm, src_hbm, dst_hbm, acc_sh,
                         src_v, dst_v, rows_v, (gs0, gs1),
                         (is0, is1, is2, is3), wid * EDGE_PER_TILE,
                         EDGE_NCHUNKS)

    plsc.subcore_barrier()
    pltpu.sync_copy(
        acc_sh.at[pl.ds(s * ROWS_PER_TILE, ROWS_PER_TILE)],
        out_hbm.at[pl.ds(c * ACC_ROWS + s * ROWS_PER_TILE, ROWS_PER_TILE)])


_edge_kernel = pl.kernel(
    _edge_body,
    out_type=jax.ShapeDtypeStruct((NC * ACC_ROWS, D), jnp.float32),
    mesh=_mesh,
    scratch_types=[
        pltpu.VMEM((4, CHUNK), jnp.int32),
        pltpu.VMEM((4, CHUNK), jnp.int32),
        pltpu.VMEM((2, CHUNK, D), jnp.float32),
        pltpu.VMEM_SHARED((ACC_ROWS, D), jnp.float32),
        pltpu.SemaphoreType.DMA,
        pltpu.SemaphoreType.DMA,
        pltpu.SemaphoreType.DMA,
        pltpu.SemaphoreType.DMA,
        pltpu.SemaphoreType.DMA,
        pltpu.SemaphoreType.DMA,
    ],
)

_ROW_BLK = 2000
_GRID = N // _ROW_BLK


def _layer_body(h_ref, q0_ref, q1_ref, w_ref, b_ref, o_ref):
    z = h_ref[...] + q0_ref[0] + q1_ref[0]
    y = jnp.dot(z, w_ref[...], preferred_element_type=jnp.float32) + b_ref[...]
    o_ref[...] = jnp.maximum(y, 0.0)


def _tc_layer(h, q, w, b):
    return pl.pallas_call(
        _layer_body,
        grid=(_GRID,),
        in_specs=[
            pl.BlockSpec((_ROW_BLK, D), lambda i: (i, 0)),
            pl.BlockSpec((1, _ROW_BLK, D), lambda i: (0, i, 0)),
            pl.BlockSpec((1, _ROW_BLK, D), lambda i: (1, i, 0)),
            pl.BlockSpec((D, D), lambda i: (0, 0)),
            pl.BlockSpec((1, D), lambda i: (0, 0)),
        ],
        out_specs=pl.BlockSpec((_ROW_BLK, D), lambda i: (i, 0)),
        out_shape=jax.ShapeDtypeStruct((N, D), jnp.float32),
    )(h, q, q, w, b.reshape(1, D))


def _pool_body(h_ref, r0_ref, r1_ref, w_ref, b_ref, batch_ref, o_ref):
    z = h_ref[...] + r0_ref[0] + r1_ref[0]
    h2 = jnp.maximum(
        jnp.dot(z, w_ref[...], preferred_element_type=jnp.float32) + b_ref[...], 0.0)
    bvec = batch_ref[0, 0, :]
    onehot = (bvec[:, None] == lax.broadcasted_iota(jnp.int32, (_ROW_BLK, B), 1)
              ).astype(jnp.float32)
    contrib = lax.dot_general(onehot, h2, (((0,), (0,)), ((), ())),
                              preferred_element_type=jnp.float32)

    @pl.when(pl.program_id(0) == 0)
    def _():
        o_ref[...] = jnp.zeros_like(o_ref)

    o_ref[...] += contrib


def _tc_pool(h, r, w, b, batch3):
    return pl.pallas_call(
        _pool_body,
        grid=(_GRID,),
        in_specs=[
            pl.BlockSpec((_ROW_BLK, D), lambda i: (i, 0)),
            pl.BlockSpec((1, _ROW_BLK, D), lambda i: (0, i, 0)),
            pl.BlockSpec((1, _ROW_BLK, D), lambda i: (1, i, 0)),
            pl.BlockSpec((D, D), lambda i: (0, 0)),
            pl.BlockSpec((1, D), lambda i: (0, 0)),
            pl.BlockSpec((1, 1, _ROW_BLK), lambda i: (i, 0, 0)),
        ],
        out_specs=pl.BlockSpec((B, D), lambda i: (0, 0)),
        out_shape=jax.ShapeDtypeStruct((B, D), jnp.float32),
    )(h, r, r, w, b.reshape(1, D), batch3)


def kernel(x, edge_index, batch, emb_table, W0, b0, W1, b1):
    x = x.astype(jnp.int32)

    tok_per_tile = NHALF * L // NS
    tok_pad = EMB_PER_TILE - tok_per_tile
    dst_local = jnp.repeat(jnp.arange(NHALF, dtype=jnp.int32), L)
    pad_src0 = jnp.broadcast_to(jnp.arange(tok_pad, dtype=jnp.int32),
                                (NS, tok_pad))
    pad_dst0 = jnp.broadcast_to(
        NHALF + jnp.arange(tok_pad, dtype=jnp.int32), (NS, tok_pad))
    halves_src = []
    halves_dst = []
    for c in range(NC):
        xs = x[c * NHALF:(c + 1) * NHALF].reshape(NS, tok_per_tile)
        halves_src.append(
            jnp.concatenate([xs, pad_src0], axis=1).reshape(-1))
        halves_dst.append(
            jnp.concatenate([dst_local.reshape(NS, tok_per_tile), pad_dst0],
                            axis=1).reshape(-1))
    src0 = jnp.concatenate(halves_src)
    dst0 = jnp.concatenate(halves_dst)

    pad_src1 = jnp.broadcast_to(
        jnp.arange(EDGE_PAD_PER_TILE, dtype=jnp.int32), (NW, EDGE_PAD_PER_TILE))
    pad_dst1 = jnp.broadcast_to(
        N + jnp.arange(EDGE_PAD_PER_TILE, dtype=jnp.int32),
        (NW, EDGE_PAD_PER_TILE))
    src1 = jnp.concatenate(
        [edge_index[0].astype(jnp.int32).reshape(NW, EDGE_REAL_PER_TILE),
         pad_src1], axis=1).reshape(-1)
    dst1 = jnp.concatenate(
        [edge_index[1].astype(jnp.int32).reshape(NW, EDGE_REAL_PER_TILE),
         pad_dst1], axis=1).reshape(-1)

    zeros_blk = jnp.zeros((ROWS_PER_TILE, D), jnp.float32)
    batch3 = batch.astype(jnp.int32).reshape(_GRID, 1, _ROW_BLK)

    h0 = _emb_kernel(emb_table, src0, dst0, zeros_blk)
    q = _edge_kernel(h0, src1, dst1, zeros_blk).reshape(NC, ACC_ROWS, D)
    h1 = _tc_layer(h0, q, W0, b0)
    r = _edge_kernel(h1, src1, dst1, zeros_blk).reshape(NC, ACC_ROWS, D)
    return _tc_pool(h1, r, W1, b1, batch3)

# --- scband reference (transcript-rebuilt; emitter-appended) ---
"""Pipeline reference for scband-surrogate-encoder-7078106104245 (READ-ONLY COPY).

The authoritative reference and input builder live on the scoring server;
editing this copy changes nothing except your own understanding.
"""

import jax, jax.numpy as jnp
import numpy as np

N = 10000   # nodes
L = 16      # tokens (max parts) per node statement
E = 320000  # edges
V = 100000  # vocabulary size
D = 128     # embed_size == rnn.hidden_size == hidden_size
B = 64      # graphs in batch


def setup_inputs(seed: int = 0) -> dict:
    key = jax.random.key(seed)
    ks = jax.random.split(key, 8)
    x = jax.random.randint(ks[0], (N, L), 0, V)
    edge_index = jax.random.randint(ks[1], (2, E), 0, N)
    batch = jnp.sort(jax.random.randint(ks[2], (N,), 0, B))
    # learned params
    emb_table = jax.random.normal(ks[3], (V, D), dtype=jnp.float32) * 0.02
    # pad_idx row zeroed (nn.Embedding padding_idx semantics)
    emb_table = emb_table.at[0].set(0.0)
    W0 = jax.random.normal(ks[4], (D, D), dtype=jnp.float32) * (1.0 / np.sqrt(D))
    b0 = jnp.zeros((D,), dtype=jnp.float32)
    W1 = jax.random.normal(ks[5], (D, D), dtype=jnp.float32) * (1.0 / np.sqrt(D))
    b1 = jnp.zeros((D,), dtype=jnp.float32)
    return {"x": x, "edge_index": edge_index, "batch": batch,
            "emb_table": emb_table, "W0": W0, "b0": b0, "W1": W1, "b1": b1}


def reference(x, edge_index, batch, emb_table, W0, b0, W1, b1):
    # CustomSTEncoder: embedding lookup over token ids, sum over token dim
    h = jnp.take(emb_table, x, axis=0)          # [N, L, D] gather
    h = jnp.sum(h, axis=1)                       # [N, D]
    src = edge_index[0]
    dst = edge_index[1]
    # GNN layer stack: [[D, D], [D, D]] message passing (scatter-add aggregation)
    # layer 0
    m = jnp.zeros_like(h).at[dst].add(h[src])    # scatter-add of neighbor msgs
    h = jax.nn.relu((h + m) @ W0 + b0)
    # layer 1
    m = jnp.zeros_like(h).at[dst].add(h[src])
    h = (h + m) @ W1 + b1
    # outer F.relu(gcn_layer0(out, edge_index))
    h = jax.nn.relu(h)
    # global_sum_pool over graph membership
    out = jax.ops.segment_sum(h, batch, num_segments=B)  # [B, D]
    return out

if __name__ == "__main__":
    import jax
    _d = setup_inputs()
    print(jax.jit(kernel)(*tuple(_d.values())))

</pallas_src>

<mosaic_0001>
#map = affine_map<(d0, d1) -> (0, 0)>
#map1 = affine_map<(d0, d1) -> (0)>
module attributes {stable_mosaic.version = 14 : i64} {
  func.func @_edge_body(%arg0: i32, %arg1: i32, %arg2: memref<10000x128xf32, #tpu.memory_space<hbm>>, %arg3: memref<327680xi32, #tpu.memory_space<hbm>>, %arg4: memref<327680xi32, #tpu.memory_space<hbm>>, %arg5: memref<640x128xf32, #tpu.memory_space<hbm>>, %arg6: memref<20480x128xf32, #tpu.memory_space<hbm>>, %arg7: memref<4x128xi32, #tpu.memory_space<vmem>>, %arg8: memref<4x128xi32, #tpu.memory_space<vmem>>, %arg9: memref<2x128x128xf32, #tpu.memory_space<vmem>>, %arg10: memref<10240x128xf32, #tpu.memory_space<vmem_shared>>, %arg11: memref<!tpu.dma_semaphore, #tpu.memory_space<semaphore_mem>>, %arg12: memref<!tpu.dma_semaphore, #tpu.memory_space<semaphore_mem>>, %arg13: memref<!tpu.dma_semaphore, #tpu.memory_space<semaphore_mem>>, %arg14: memref<!tpu.dma_semaphore, #tpu.memory_space<semaphore_mem>>, %arg15: memref<!tpu.dma_semaphore, #tpu.memory_space<semaphore_mem>>, %arg16: memref<!tpu.dma_semaphore, #tpu.memory_space<semaphore_mem>>) attributes {dimension_semantics = [#tpu.dimension_semantics<core_parallel>, #tpu.dimension_semantics<subcore_parallel>], iteration_bounds = array<i64: 2, 16>, scalar_prefetch = 0 : i64, scratch_operands = 10 : i64, tpu.core_type = #tpu.core_type<sc_vector_subcore>, window_params = [{transform_indices = #map}, {transform_indices = #map1}, {transform_indices = #map1}, {transform_indices = #map}, {transform_indices = #map}]} {
    %mul3A = arith.constant 16 : i32
    %mul3A_0 = arith.muli %arg0, %mul3A : i32
    %add3A = arith.addi %mul3A_0, %arg1 : i32
    %mul3A_1 = arith.constant 640 : i32
    %mul3A_2 = arith.muli %arg1, %mul3A_1 : i32
    "tpu.region"() ({
      %run_scoped3A = tpu.sem_alloc : memref<!tpu.dma_semaphore, #tpu.memory_space<semaphore_mem>>
      %dma_start3A_155 = arith.constant 0 : i32
      %dma_start3A_156 = tpu.memref_slice %arg10[%mul3A_2, %dma_start3A_155] : memref<10240x128xf32, #tpu.memory_space<vmem_shared>> -> memref<640x128xf32, #tpu.memory_space<vmem_shared>>
      tpu.enqueue_dma source(%arg5 : memref<640x128xf32, #tpu.memory_space<hbm>>) target(%dma_start3A_156 : memref<640x128xf32, #tpu.memory_space<vmem_shared>>) target_semaphore(%run_scoped3A : memref<!tpu.dma_semaphore, #tpu.memory_space<semaphore_mem>>)
      %dma_wait3A_157 = arith.constant 0 : i32
      %dma_wait3A_158 = tpu.memref_slice %arg10[%mul3A_2, %dma_wait3A_157] : memref<10240x128xf32, #tpu.memory_space<vmem_shared>> -> memref<640x128xf32, #tpu.memory_space<vmem_shared>>
      tpu.wait_dma2 semaphore(%run_scoped3A : memref<!tpu.dma_semaphore, #tpu.memory_space<semaphore_mem>>) src(%arg5 : memref<640x128xf32, #tpu.memory_space<hbm>>) dst(%dma_wait3A_158 : memref<640x128xf32, #tpu.memory_space<vmem_shared>>)
      tpu.yield
    }) : () -> ()
    %barrier3A = arith.constant 0 : index
    tpu.barrier barrier_id(%barrier3A)
    %mul3A_3 = arith.constant 10240 : i32
    %mul3A_4 = arith.muli %add3A, %mul3A_3 : i32
    %add3A_5 = arith.constant 0 : i32
    %add3A_6 = arith.addi %mul3A_4, %add3A_5 : i32
    %dma_start3A = arith.constant 0 : i32
    %dma_start3A_7 = arith.constant 0 : i32
    %dma_start3A_8 = tpu.memref_slice %arg7[%dma_start3A, %dma_start3A_7] : memref<4x128xi32, #tpu.memory_space<vmem>> -> memref<1x128xi32, #tpu.memory_space<vmem>>
    %dma_start3A_9 = tpu.memref_squeeze %dma_start3A_8 : memref<1x128xi32, #tpu.memory_space<vmem>> -> memref<128xi32, #tpu.memory_space<vmem>>
    %dma_start3A_10 = tpu.memref_slice %arg3[%add3A_6] : memref<327680xi32, #tpu.memory_space<hbm>> -> memref<128xi32, #tpu.memory_space<hbm>>
    %dma_start3A_11 = arith.constant 0 : i32
    %dma_start3A_12 = tpu.memref_slice %arg7[%dma_start3A, %dma_start3A_11] : memref<4x128xi32, #tpu.memory_space<vmem>> -> memref<1x128xi32, #tpu.memory_space<vmem>>
    %dma_start3A_13 = tpu.memref_squeeze %dma_start3A_12 : memref<1x128xi32, #tpu.memory_space<vmem>> -> memref<128xi32, #tpu.memory_space<vmem>>
    %dma_start3A_14 = tpu.memref_slice %arg3[%add3A_6] : memref<327680xi32, #tpu.memory_space<hbm>> -> memref<128xi32, #tpu.memory_space<hbm>>
    tpu.enqueue_dma source(%dma_start3A_14 : memref<128xi32, #tpu.memory_space<hbm>>) target(%dma_start3A_13 : memref<128xi32, #tpu.memory_space<vmem>>) target_semaphore(%arg13 : memref<!tpu.dma_semaphore, #tpu.memory_space<semaphore_mem>>)
    %dma_start3A_15 = arith.constant 0 : i32
    %dma_start3A_16 = arith.constant 0 : i32
    %dma_start3A_17 = tpu.memref_slice %arg8[%dma_start3A_15, %dma_start3A_16] : memref<4x128xi32, #tpu.memory_space<vmem>> -> memref<1x128xi32, #tpu.memory_space<vmem>>
    %dma_start3A_18 = tpu.memref_squeeze %dma_start3A_17 : memref<1x128xi32, #tpu.memory_space<vmem>> -> memref<128xi32, #tpu.memory_space<vmem>>
    %dma_start3A_19 = tpu.memref_slice %arg4[%add3A_6] : memref<327680xi32, #tpu.memory_space<hbm>> -> memref<128xi32, #tpu.memory_space<hbm>>
    %dma_start3A_20 = arith.constant 0 : i32
    %dma_start3A_21 = tpu.memref_slice %arg8[%dma_start3A_15, %dma_start3A_20] : memref<4x128xi32, #tpu.memory_space<vmem>> -> memref<1x128xi32, #tpu.memory_space<vmem>>
    %dma_start3A_22 = tpu.memref_squeeze %dma_start3A_21 : memref<1x128xi32, #tpu.memory_space<vmem>> -> memref<128xi32, #tpu.memory_space<vmem>>
    %dma_start3A_23 = tpu.memref_slice %arg4[%add3A_6] : memref<327680xi32, #tpu.memory_space<hbm>> -> memref<128xi32, #tpu.memory_space<hbm>>
    tpu.enqueue_dma source(%dma_start3A_23 : memref<128xi32, #tpu.memory_space<hbm>>) target(%dma_start3A_22 : memref<128xi32, #tpu.memory_space<vmem>>) target_semaphore(%arg13 : memref<!tpu.dma_semaphore, #tpu.memory_space<semaphore_mem>>)
    %dma_wait3A = arith.constant 0 : i32
    %dma_wait3A_24 = arith.constant 0 : i32
    %dma_wait3A_25 = tpu.memref_slice %arg7[%dma_wait3A, %dma_wait3A_24] : memref<4x128xi32, #tpu.memory_space<vmem>> -> memref<1x128xi32, #tpu.memory_space<vmem>>
    %dma_wait3A_26 = tpu.memref_squeeze %dma_wait3A_25 : memref<1x128xi32, #tpu.memory_space<vmem>> -> memref<128xi32, #tpu.memory_space<vmem>>
    %dma_wait3A_27 = tpu.memref_slice %arg3[%add3A_6] : memref<327680xi32, #tpu.memory_space<hbm>> -> memref<128xi32, #tpu.memory_space<hbm>>
    %dma_wait3A_28 = arith.constant 0 : i32
    %dma_wait3A_29 = tpu.memref_slice %arg7[%dma_wait3A, %dma_wait3A_28] : memref<4x128xi32, #tpu.memory_space<vmem>> -> memref<1x128xi32, #tpu.memory_space<vmem>>
    %dma_wait3A_30 = tpu.memref_squeeze %dma_wait3A_29 : memref<1x128xi32, #tpu.memory_space<vmem>> -> memref<128xi32, #tpu.memory_space<vmem>>
    %dma_wait3A_31 = tpu.memref_slice %arg3[%add3A_6] : memref<327680xi32, #tpu.memory_space<hbm>> -> memref<128xi32, #tpu.memory_space<hbm>>
    tpu.wait_dma2 semaphore(%arg13 : memref<!tpu.dma_semaphore, #tpu.memory_space<semaphore_mem>>) src(%dma_wait3A_31 : memref<128xi32, #tpu.memory_space<hbm>>) dst(%dma_wait3A_30 : memref<128xi32, #tpu.memory_space<vmem>>)
    %dma_wait3A_32 = arith.constant 0 : i32
    %dma_wait3A_33 = arith.constant 0 : i32
    %dma_wait3A_34 = tpu.memref_slice %arg8[%dma_wait3A_32, %dma_wait3A_33] : memref<4x128xi32, #tpu.memory_space<vmem>> -> memref<1x128xi32, #tpu.memory_space<vmem>>
    %dma_wait3A_35 = tpu.memref_squeeze %dma_wait3A_34 : memref<1x128xi32, #tpu.memory_space<vmem>> -> memref<128xi32, #tpu.memory_space<vmem>>
    %dma_wait3A_36 = tpu.memref_slice %arg4[%add3A_6] : memref<327680xi32, #tpu.memory_space<hbm>> -> memref<128xi32, #tpu.memory_space<hbm>>
    %dma_wait3A_37 = arith.constant 0 : i32
    %dma_wait3A_38 = tpu.memref_slice %arg8[%dma_wait3A_32, %dma_wait3A_37] : memref<4x128xi32, #tpu.memory_space<vmem>> -> memref<1x128xi32, #tpu.memory_space<vmem>>
    %dma_wait3A_39 = tpu.memref_squeeze %dma_wait3A_38 : memref<1x128xi32, #tpu.memory_space<vmem>> -> memref<128xi32, #tpu.memory_space<vmem>>
    %dma_wait3A_40 = tpu.memref_slice %arg4[%add3A_6] : memref<327680xi32, #tpu.memory_space<hbm>> -> memref<128xi32, #tpu.memory_space<hbm>>
    tpu.wait_dma2 semaphore(%arg13 : memref<!tpu.dma_semaphore, #tpu.memory_space<semaphore_mem>>) src(%dma_wait3A_40 : memref<128xi32, #tpu.memory_space<hbm>>) dst(%dma_wait3A_39 : memref<128xi32, #tpu.memory_space<vmem>>)
    %dma_start3A_41 = arith.constant 0 : i32
    %dma_start3A_42 = arith.constant 0 : i32
    %dma_start3A_43 = arith.constant 0 : i32
    %dma_start3A_44 = arith.constant 0 : i32
    %dma_start3A_45 = tpu.memref_slice %arg9[%dma_start3A_42, %dma_start3A_43, %dma_start3A_44] : memref<2x128x128xf32, #tpu.memory_space<vmem>> -> memref<1x128x128xf32, #tpu.memory_space<vmem>>
    %dma_start3A_46 = tpu.memref_squeeze %dma_start3A_45 : memref<1x128x128xf32, #tpu.memory_space<vmem>> -> memref<128x128xf32, #tpu.memory_space<vmem>>
    %dma_start3A_47 = arith.constant 0 : i32
    %dma_start3A_48 = tpu.memref_slice %arg7[%dma_start3A_41, %dma_start3A_47] : memref<4x128xi32, #tpu.memory_space<vmem>> -> memref<1x128xi32, #tpu.memory_space<vmem>>
    %dma_start3A_49 = tpu.memref_squeeze %dma_start3A_48 : memref<1x128xi32, #tpu.memory_space<vmem>> -> memref<128xi32, #tpu.memory_space<vmem>>
    %dma_start3A_50 = arith.constant 0 : i32
    %dma_start3A_51 = arith.constant 0 : i32
    %dma_start3A_52 = tpu.memref_slice %arg2[%dma_start3A_50, %dma_start3A_51] : memref<10000x128xf32, #tpu.memory_space<hbm>> -> memref<10000x128xf32, #tpu.memory_space<hbm>>
    tpu.enqueue_indirect_dma source(%dma_start3A_52 : memref<10000x128xf32, #tpu.memory_space<hbm>>) target(%dma_start3A_46 : memref<128x128xf32, #tpu.memory_space<vmem>>) offsets(%dma_start3A_49 : memref<128xi32, #tpu.memory_space<vmem>>) semaphore(%arg11 : memref<!tpu.dma_semaphore, #tpu.memory_space<semaphore_mem>>)
    %add3A_53 = arith.constant 128 : i32
    %add3A_54 = arith.addi %mul3A_4, %add3A_53 : i32
    %dma_start3A_55 = arith.constant 1 : i32
    %dma_start3A_56 = arith.constant 0 : i32
    %dma_start3A_57 = tpu.memref_slice %arg7[%dma_start3A_55, %dma_start3A_56] : memref<4x128xi32, #tpu.memory_space<vmem>> -> memref<1x128xi32, #tpu.memory_space<vmem>>
    %dma_start3A_58 = tpu.memref_squeeze %dma_start3A_57 : memref<1x128xi32, #tpu.memory_space<vmem>> -> memref<128xi32, #tpu.memory_space<vmem>>
    %dma_start3A_59 = tpu.memref_slice %arg3[%add3A_54] : memref<327680xi32, #tpu.memory_space<hbm>> -> memref<128xi32, #tpu.memory_space<hbm>>
    %dma_start3A_60 = arith.constant 0 : i32
    %dma_start3A_61 = tpu.memref_slice %arg7[%dma_start3A_55, %dma_start3A_60] : memref<4x128xi32, #tpu.memory_space<vmem>> -> memref<1x128xi32, #tpu.memory_space<vmem>>
    %dma_start3A_62 = tpu.memref_squeeze %dma_start3A_61 : memref<1x128xi32, #tpu.memory_space<vmem>> -> memref<128xi32, #tpu.memory_space<vmem>>
    %dma_start3A_63 = tpu.memref_slice %arg3[%add3A_54] : memref<327680xi32, #tpu.memory_space<hbm>> -> memref<128xi32, #tpu.memory_space<hbm>>
    tpu.enqueue_dma source(%dma_start3A_63 : memref<128xi32, #tpu.memory_space<hbm>>) target(%dma_start3A_62 : memref<128xi32, #tpu.memory_space<vmem>>) target_semaphore(%arg14 : memref<!tpu.dma_semaphore, #tpu.memory_space<semaphore_mem>>)
    %dma_start3A_64 = arith.constant 1 : i32
    %dma_start3A_65 = arith.constant 0 : i32
    %dma_start3A_66 = tpu.memref_slice %arg8[%dma_start3A_64, %dma_start3A_65] : memref<4x128xi32, #tpu.memory_space<vmem>> -> memref<1x128xi32, #tpu.memory_space<vmem>>
    %dma_start3A_67 = tpu.memref_squeeze %dma_start3A_66 : memref<1x128xi32, #tpu.memory_space<vmem>> -> memref<128xi32, #tpu.memory_space<vmem>>
    %dma_start3A_68 = tpu.memref_slice %arg4[%add3A_54] : memref<327680xi32, #tpu.memory_space<hbm>> -> memref<128xi32, #tpu.memory_space<hbm>>
    %dma_start3A_69 = arith.constant 0 : i32
    %dma_start3A_70 = tpu.memref_slice %arg8[%dma_start3A_64, %dma_start3A_69] : memref<4x128xi32, #tpu.memory_space<vmem>> -> memref<1x128xi32, #tpu.memory_space<vmem>>
    %dma_start3A_71 = tpu.memref_squeeze %dma_start3A_70 : memref<1x128xi32, #tpu.memory_space<vmem>> -> memref<128xi32, #tpu.memory_space<vmem>>
    %dma_start3A_72 = tpu.memref_slice %arg4[%add3A_54] : memref<327680xi32, #tpu.memory_space<hbm>> -> memref<128xi32, #tpu.memory_space<hbm>>
    tpu.enqueue_dma source(%dma_start3A_72 : memref<128xi32, #tpu.memory_space<hbm>>) target(%dma_start3A_71 : memref<128xi32, #tpu.memory_space<vmem>>) target_semaphore(%arg14 : memref<!tpu.dma_semaphore, #tpu.memory_space<semaphore_mem>>)
    %dma_wait3A_73 = arith.constant 1 : i32
    %dma_wait3A_74 = arith.constant 0 : i32
    %dma_wait3A_75 = tpu.memref_slice %arg7[%dma_wait3A_73, %dma_wait3A_74] : memref<4x128xi32, #tpu.memory_space<vmem>> -> memref<1x128xi32, #tpu.memory_space<vmem>>
    %dma_wait3A_76 = tpu.memref_squeeze %dma_wait3A_75 : memref<1x128xi32, #tpu.memory_space<vmem>> -> memref<128xi32, #tpu.memory_space<vmem>>
    %dma_wait3A_77 = tpu.memref_slice %arg3[%add3A_54] : memref<327680xi32, #tpu.memory_space<hbm>> -> memref<128xi32, #tpu.memory_space<hbm>>
    %dma_wait3A_78 = arith.constant 0 : i32
    %dma_wait3A_79 = tpu.memref_slice %arg7[%dma_wait3A_73, %dma_wait3A_78] : memref<4x128xi32, #tpu.memory_space<vmem>> -> memref<1x128xi32, #tpu.memory_space<vmem>>
    %dma_wait3A_80 = tpu.memref_squeeze %dma_wait3A_79 : memref<1x128xi32, #tpu.memory_space<vmem>> -> memref<128xi32, #tpu.memory_space<vmem>>
    %dma_wait3A_81 = tpu.memref_slice %arg3[%add3A_54] : memref<327680xi32, #tpu.memory_space<hbm>> -> memref<128xi32, #tpu.memory_space<hbm>>
    tpu.wait_dma2 semaphore(%arg14 : memref<!tpu.dma_semaphore, #tpu.memory_space<semaphore_mem>>) src(%dma_wait3A_81 : memref<128xi32, #tpu.memory_space<hbm>>) dst(%dma_wait3A_80 : memref<128xi32, #tpu.memory_space<vmem>>)
    %dma_wait3A_82 = arith.constant 1 : i32
    %dma_wait3A_83 = arith.constant 0 : i32
    %dma_wait3A_84 = tpu.memref_slice %arg8[%dma_wait3A_82, %dma_wait3A_83] : memref<4x128xi32, #tpu.memory_space<vmem>> -> memref<1x128xi32, #tpu.memory_space<vmem>>
    %dma_wait3A_85 = tpu.memref_squeeze %dma_wait3A_84 : memref<1x128xi32, #tpu.memory_space<vmem>> -> memref<128xi32, #tpu.memory_space<vmem>>
    %dma_wait3A_86 = tpu.memref_slice %arg4[%add3A_54] : memref<327680xi32, #tpu.memory_space<hbm>> -> memref<128xi32, #tpu.memory_space<hbm>>
    %dma_wait3A_87 = arith.constant 0 : i32
    %dma_wait3A_88 = tpu.memref_slice %arg8[%dma_wait3A_82, %dma_wait3A_87] : memref<4x128xi32, #tpu.memory_space<vmem>> -> memref<1x128xi32, #tpu.memory_space<vmem>>
    %dma_wait3A_89 = tpu.memref_squeeze %dma_wait3A_88 : memref<1x128xi32, #tpu.memory_space<vmem>> -> memref<128xi32, #tpu.memory_space<vmem>>
    %dma_wait3A_90 = tpu.memref_slice %arg4[%add3A_54] : memref<327680xi32, #tpu.memory_space<hbm>> -> memref<128xi32, #tpu.memory_space<hbm>>
    tpu.wait_dma2 semaphore(%arg14 : memref<!tpu.dma_semaphore, #tpu.memory_space<semaphore_mem>>) src(%dma_wait3A_90 : memref<128xi32, #tpu.memory_space<hbm>>) dst(%dma_wait3A_89 : memref<128xi32, #tpu.memory_space<vmem>>)
    %dma_start3A_91 = arith.constant 1 : i32
    %dma_start3A_92 = arith.constant 1 : i32
    %dma_start3A_93 = arith.constant 0 : i32
    %dma_start3A_94 = arith.constant 0 : i32
    %dma_start3A_95 = tpu.memref_slice %arg9[%dma_start3A_92, %dma_start3A_93, %dma_start3A_94] : memref<2x128x128xf32, #tpu.memory_space<vmem>> -> memref<1x128x128xf32, #tpu.memory_space<vmem>>
    %dma_start3A_96 = tpu.memref_squeeze %dma_start3A_95 : memref<1x128x128xf32, #tpu.memory_space<vmem>> -> memref<128x128xf32, #tpu.memory_space<vmem>>
    %dma_start3A_97 = arith.constant 0 : i32
    %dma_start3A_98 = tpu.memref_slice %arg7[%dma_start3A_91, %dma_start3A_97] : memref<4x128xi32, #tpu.memory_space<vmem>> -> memref<1x128xi32, #tpu.memory_space<vmem>>
    %dma_start3A_99 = tpu.memref_squeeze %dma_start3A_98 : memref<1x128xi32, #tpu.memory_space<vmem>> -> memref<128xi32, #tpu.memory_space<vmem>>
    %dma_start3A_100 = arith.constant 0 : i32
    %dma_start3A_101 = arith.constant 0 : i32
    %dma_start3A_102 = tpu.memref_slice %arg2[%dma_start3A_100, %dma_start3A_101] : memref<10000x128xf32, #tpu.memory_space<hbm>> -> memref<10000x128xf32, #tpu.memory_space<hbm>>
    tpu.enqueue_indirect_dma source(%dma_start3A_102 : memref<10000x128xf32, #tpu.memory_space<hbm>>) target(%dma_start3A_96 : memref<128x128xf32, #tpu.memory_space<vmem>>) offsets(%dma_start3A_99 : memref<128xi32, #tpu.memory_space<vmem>>) semaphore(%arg12 : memref<!tpu.dma_semaphore, #tpu.memory_space<semaphore_mem>>)
    %add3A_103 = arith.constant 256 : i32
    %add3A_104 = arith.addi %mul3A_4, %add3A_103 : i32
    %dma_start3A_105 = arith.constant 2 : i32
    %dma_start3A_106 = arith.constant 0 : i32
    %dma_start3A_107 = tpu.memref_slice %arg7[%dma_start3A_105, %dma_start3A_106] : memref<4x128xi32, #tpu.memory_space<vmem>> -> memref<1x128xi32, #tpu.memory_space<vmem>>
    %dma_start3A_108 = tpu.memref_squeeze %dma_start3A_107 : memref<1x128xi32, #tpu.memory_space<vmem>> -> memref<128xi32, #tpu.memory_space<vmem>>
    %dma_start3A_109 = tpu.memref_slice %arg3[%add3A_104] : memref<327680xi32, #tpu.memory_space<hbm>> -> memref<128xi32, #tpu.memory_space<hbm>>
    %dma_start3A_110 = arith.constant 0 : i32
    %dma_start3A_111 = tpu.memref_slice %arg7[%dma_start3A_105, %dma_start3A_110] : memref<4x128xi32, #tpu.memory_space<vmem>> -> memref<1x128xi32, #tpu.memory_space<vmem>>
    %dma_start3A_112 = tpu.memref_squeeze %dma_start3A_111 : memref<1x128xi32, #tpu.memory_space<vmem>> -> memref<128xi32, #tpu.memory_space<vmem>>
    %dma_start3A_113 = tpu.memref_slice %arg3[%add3A_104] : memref<327680xi32, #tpu.memory_space<hbm>> -> memref<128xi32, #tpu.memory_space<hbm>>
    tpu.enqueue_dma source(%dma_start3A_113 : memref<128xi32, #tpu.memory_space<hbm>>) target(%dma_start3A_112 : memref<128xi32, #tpu.memory_space<vmem>>) target_semaphore(%arg15 : memref<!tpu.dma_semaphore, #tpu.memory_space<semaphore_mem>>)
    %dma_start3A_114 = arith.constant 2 : i32
    %dma_start3A_115 = arith.constant 0 : i32
    %dma_start3A_116 = tpu.memref_slice %arg8[%dma_start3A_114, %dma_start3A_115] : memref<4x128xi32, #tpu.memory_space<vmem>> -> memref<1x128xi32, #tpu.memory_space<vmem>>
    %dma_start3A_117 = tpu.memref_squeeze %dma_start3A_116 : memref<1x128xi32, #tpu.memory_space<vmem>> -> memref<128xi32, #tpu.memory_space<vmem>>
    %dma_start3A_118 = tpu.memref_slice %arg4[%add3A_104] : memref<327680xi32, #tpu.memory_space<hbm>> -> memref<128xi32, #tpu.memory_space<hbm>>
    %dma_start3A_119 = arith.constant 0 : i32
    %dma_start3A_120 = tpu.memref_slice %arg8[%dma_start3A_114, %dma_start3A_119] : memref<4x128xi32, #tpu.memory_space<vmem>> -> memref<1x128xi32, #tpu.memory_space<vmem>>
    %dma_start3A_121 = tpu.memref_squeeze %dma_start3A_120 : memref<1x128xi32, #tpu.memory_space<vmem>> -> memref<128xi32, #tpu.memory_space<vmem>>
    %dma_start3A_122 = tpu.memref_slice %arg4[%add3A_104] : memref<327680xi32, #tpu.memory_space<hbm>> -> memref<128xi32, #tpu.memory_space<hbm>>
    tpu.enqueue_dma source(%dma_start3A_122 : memref<128xi32, #tpu.memory_space<hbm>>) target(%dma_start3A_121 : memref<128xi32, #tpu.memory_space<vmem>>) target_semaphore(%arg15 : memref<!tpu.dma_semaphore, #tpu.memory_space<semaphore_mem>>)
    %add3A_123 = arith.constant 384 : i32
    %add3A_124 = arith.addi %mul3A_4, %add3A_123 : i32
    %dma_start3A_125 = arith.constant 3 : i32
    %dma_start3A_126 = arith.constant 0 : i32
    %dma_start3A_127 = tpu.memref_slice %arg7[%dma_start3A_125, %dma_start3A_126] : memref<4x128xi32, #tpu.memory_space<vmem>> -> memref<1x128xi32, #tpu.memory_space<vmem>>
    %dma_start3A_128 = tpu.memref_squeeze %dma_start3A_127 : memref<1x128xi32, #tpu.memory_space<vmem>> -> memref<128xi32, #tpu.memory_space<vmem>>
    %dma_start3A_129 = tpu.memref_slice %arg3[%add3A_124] : memref<327680xi32, #tpu.memory_space<hbm>> -> memref<128xi32, #tpu.memory_space<hbm>>
    %dma_start3A_130 = arith.constant 0 : i32
    %dma_start3A_131 = tpu.memref_slice %arg7[%dma_start3A_125, %dma_start3A_130] : memref<4x128xi32, #tpu.memory_space<vmem>> -> memref<1x128xi32, #tpu.memory_space<vmem>>
    %dma_start3A_132 = tpu.memref_squeeze %dma_start3A_131 : memref<1x128xi32, #tpu.memory_space<vmem>> -> memref<128xi32, #tpu.memory_space<vmem>>
    %dma_start3A_133 = tpu.memref_slice %arg3[%add3A_124] : memref<327680xi32, #tpu.memory_space<hbm>> -> memref<128xi32, #tpu.memory_space<hbm>>
    tpu.enqueue_dma source(%dma_start3A_133 : memref<128xi32, #tpu.memory_space<hbm>>) target(%dma_start3A_132 : memref<128xi32, #tpu.memory_space<vmem>>) target_semaphore(%arg16 : memref<!tpu.dma_semaphore, #tpu.memory_space<semaphore_mem>>)
    %dma_start3A_134 = arith.constant 3 : i32
    %dma_start3A_135 = arith.constant 0 : i32
    %dma_start3A_136 = tpu.memref_slice %arg8[%dma_start3A_134, %dma_start3A_135] : memref<4x128xi32, #tpu.memory_space<vmem>> -> memref<1x128xi32, #tpu.memory_space<vmem>>
    %dma_start3A_137 = tpu.memref_squeeze %dma_start3A_136 : memref<1x128xi32, #tpu.memory_space<vmem>> -> memref<128xi32, #tpu.memory_space<vmem>>
    %dma_start3A_138 = tpu.memref_slice %arg4[%add3A_124] : memref<327680xi32, #tpu.memory_space<hbm>> -> memref<128xi32, #tpu.memory_space<hbm>>
    %dma_start3A_139 = arith.constant 0 : i32
    %dma_start3A_140 = tpu.memref_slice %arg8[%dma_start3A_134, %dma_start3A_139] : memref<4x128xi32, #tpu.memory_space<vmem>> -> memref<1x128xi32, #tpu.memory_space<vmem>>
    %dma_start3A_141 = tpu.memref_squeeze %dma_start3A_140 : memref<1x128xi32, #tpu.memory_space<vmem>> -> memref<128xi32, #tpu.memory_space<vmem>>
    %dma_start3A_142 = tpu.memref_slice %arg4[%add3A_124] : memref<327680xi32, #tpu.memory_space<hbm>> -> memref<128xi32, #tpu.memory_space<hbm>>
    tpu.enqueue_dma source(%dma_start3A_142 : memref<128xi32, #tpu.memory_space<hbm>>) target(%dma_start3A_141 : memref<128xi32, #tpu.memory_space<vmem>>) target_semaphore(%arg16 : memref<!tpu.dma_semaphore, #tpu.memory_space<semaphore_mem>>)
    %scan3A = arith.constant 0 : i32
    %scan3A_143 = arith.constant 20 : i32
    %scan3A_144 = arith.addi %scan3A, %scan3A_143 : i32
    %scan3A_145 = arith.constant 1 : i32
    scf.for %scan3A_155 = %scan3A to %scan3A_144 step %scan3A_145  : i32 {
      %mul3A_156 = arith.constant 1 : i32
      %mul3A_157 = arith.muli %scan3A_155, %mul3A_156 : i32
      %add3A_158 = arith.constant 0 : i32
      %add3A_159 = arith.addi %add3A_158, %mul3A_157 : i32
      %mul3A_160 = arith.constant 4 : i32
      %mul3A_161 = arith.muli %mul3A_160, %add3A_159 : i32
      %add3A_162 = arith.constant 0 : i32
      %add3A_163 = arith.addi %mul3A_161, %add3A_162 : i32
      %dma_wait3A_164 = arith.constant 0 : i32
      %dma_wait3A_165 = arith.constant 0 : i32
      %dma_wait3A_166 = arith.constant 0 : i32
      %dma_wait3A_167 = arith.constant 0 : i32
      %dma_wait3A_168 = tpu.memref_slice %arg9[%dma_wait3A_165, %dma_wait3A_166, %dma_wait3A_167] : memref<2x128x128xf32, #tpu.memory_space<vmem>> -> memref<1x128x128xf32, #tpu.memory_space<vmem>>
      %dma_wait3A_169 = tpu.memref_squeeze %dma_wait3A_168 : memref<1x128x128xf32, #tpu.memory_space<vmem>> -> memref<128x128xf32, #tpu.memory_space<vmem>>
      %dma_wait3A_170 = arith.constant 0 : i32
      %dma_wait3A_171 = tpu.memref_slice %arg7[%dma_wait3A_164, %dma_wait3A_170] : memref<4x128xi32, #tpu.memory_space<vmem>> -> memref<1x128xi32, #tpu.memory_space<vmem>>
      %dma_wait3A_172 = tpu.memref_squeeze %dma_wait3A_171 : memref<1x128xi32, #tpu.memory_space<vmem>> -> memref<128xi32, #tpu.memory_space<vmem>>
      %dma_wait3A_173 = arith.constant 0 : i32
      %dma_wait3A_174 = arith.constant 0 : i32
      %dma_wait3A_175 = tpu.memref_slice %arg2[%dma_wait3A_173, %dma_wait3A_174] : memref<10000x128xf32, #tpu.memory_space<hbm>> -> memref<10000x128xf32, #tpu.memory_space<hbm>>
      tpu.wait_indirect_dma semaphore(%arg11 : memref<!tpu.dma_semaphore, #tpu.memory_space<semaphore_mem>>) src(%dma_wait3A_175 : memref<10000x128xf32, #tpu.memory_space<hbm>>) dst(%dma_wait3A_169 : memref<128x128xf32, #tpu.memory_space<vmem>>)
      %run_scoped3A = arith.constant 0 : i32
      %run_scoped3A_176 = arith.constant 0 : i32
      "tpu.region"() ({
        %run_scoped3A_328 = tpu.sem_alloc : memref<!tpu.dma_semaphore, #tpu.memory_space<semaphore_mem>>
        %dma_start3A_329 = arith.constant 0 : i32
        %dma_start3A_330 = arith.constant 0 : i32
        %dma_start3A_331 = tpu.memref_slice %arg9[%run_scoped3A, %dma_start3A_329, %dma_start3A_330] : memref<2x128x128xf32, #tpu.memory_space<vmem>> -> memref<1x128x128xf32, #tpu.memory_space<vmem>>
        %dma_start3A_332 = tpu.memref_squeeze %dma_start3A_331 : memref<1x128x128xf32, #tpu.memory_space<vmem>> -> memref<128x128xf32, #tpu.memory_space<vmem>>
        %dma_start3A_333 = arith.constant 0 : i32
        %dma_start3A_334 = tpu.memref_slice %arg8[%run_scoped3A_176, %dma_start3A_333] : memref<4x128xi32, #tpu.memory_space<vmem>> -> memref<1x128xi32, #tpu.memory_space<vmem>>
        %dma_start3A_335 = tpu.memref_squeeze %dma_start3A_334 : memref<1x128xi32, #tpu.memory_space<vmem>> -> memref<128xi32, #tpu.memory_space<vmem>>
        %dma_start3A_336 = arith.constant 0 : i32
        %dma_start3A_337 = arith.constant 0 : i32
        %dma_start3A_338 = tpu.memref_slice %arg10[%dma_start3A_336, %dma_start3A_337] : memref<10240x128xf32, #tpu.memory_space<vmem_shared>> -> memref<10240x128xf32, #tpu.memory_space<vmem_shared>>
        tpu.enqueue_indirect_dma source(%dma_start3A_332 : memref<128x128xf32, #tpu.memory_space<vmem>>) target(%dma_start3A_338 : memref<10240x128xf32, #tpu.memory_space<vmem_shared>>) offsets(%dma_start3A_335 : memref<128xi32, #tpu.memory_space<vmem>>) semaphore(%run_scoped3A_328 : memref<!tpu.dma_semaphore, #tpu.memory_space<semaphore_mem>>) {add = true}
        %dma_wait3A_339 = arith.constant 0 : i32
        %dma_wait3A_340 = arith.constant 0 : i32
        %dma_wait3A_341 = tpu.memref_slice %arg9[%run_scoped3A, %dma_wait3A_339, %dma_wait3A_340] : memref<2x128x128xf32, #tpu.memory_space<vmem>> -> memref<1x128x128xf32, #tpu.memory_space<vmem>>
        %dma_wait3A_342 = tpu.memref_squeeze %dma_wait3A_341 : memref<1x128x128xf32, #tpu.memory_space<vmem>> -> memref<128x128xf32, #tpu.memory_space<vmem>>
        %dma_wait3A_343 = arith.constant 0 : i32
        %dma_wait3A_344 = tpu.memref_slice %arg8[%run_scoped3A_176, %dma_wait3A_343] : memref<4x128xi32, #tpu.memory_space<vmem>> -> memref<1x128xi32, #tpu.memory_space<vmem>>
        %dma_wait3A_345 = tpu.memref_squeeze %dma_wait3A_344 : memref<1x128xi32, #tpu.memory_space<vmem>> -> memref<128xi32, #tpu.memory_space<vmem>>
        %dma_wait3A_346 = arith.constant 0 : i32
        %dma_wait3A_347 = arith.constant 0 : i32
        %dma_wait3A_348 = tpu.memref_slice %arg10[%dma_wait3A_346, %dma_wait3A_347] : memref<10240x128xf32, #tpu.memory_space<vmem_shared>> -> memref<10240x128xf32, #tpu.memory_space<vmem_shared>>
        tpu.wait_indirect_dma semaphore(%run_scoped3A_328 : memref<!tpu.dma_semaphore, #tpu.memory_space<semaphore_mem>>) src(%dma_wait3A_342 : memref<128x128xf32, #tpu.memory_space<vmem>>) dst(%dma_wait3A_348 : memref<10240x128xf32, #tpu.memory_space<vmem_shared>>)
        tpu.yield
      }) : () -> ()
      %lt3A = arith.constant 19 : i32
      %lt3A_177 = arith.cmpi slt, %add3A_159, %lt3A : i32
      %convert_element_type3A = arith.extui %lt3A_177 : i1 to i32
      %cond3A = arith.constant 0 : i32
      %cond3A_178 = arith.cmpi ne, %convert_element_type3A, %cond3A : i32
      scf.if %cond3A_178 {
        %add3A_328 = arith.constant 4 : i32
        %add3A_329 = arith.addi %add3A_163, %add3A_328 : i32
        %mul3A_330 = arith.constant 128 : i32
        %mul3A_331 = arith.muli %add3A_329, %mul3A_330 : i32
        %add3A_332 = arith.addi %mul3A_4, %mul3A_331 : i32
        %dma_start3A_333 = arith.constant 0 : i32
        %dma_start3A_334 = arith.constant 0 : i32
        %dma_start3A_335 = tpu.memref_slice %arg7[%dma_start3A_333, %dma_start3A_334] : memref<4x128xi32, #tpu.memory_space<vmem>> -> memref<1x128xi32, #tpu.memory_space<vmem>>
        %dma_start3A_336 = tpu.memref_squeeze %dma_start3A_335 : memref<1x128xi32, #tpu.memory_space<vmem>> -> memref<128xi32, #tpu.memory_space<vmem>>
        %dma_start3A_337 = tpu.memref_slice %arg3[%add3A_332] : memref<327680xi32, #tpu.memory_space<hbm>> -> memref<128xi32, #tpu.memory_space<hbm>>
        %dma_start3A_338 = arith.constant 0 : i32
        %dma_start3A_339 = tpu.memref_slice %arg7[%dma_start3A_333, %dma_start3A_338] : memref<4x128xi32, #tpu.memory_space<vmem>> -> memref<1x128xi32, #tpu.memory_space<vmem>>
        %dma_start3A_340 = tpu.memref_squeeze %dma_start3A_339 : memref<1x128xi32, #tpu.memory_space<vmem>> -> memref<128xi32, #tpu.memory_space<vmem>>
        %dma_start3A_341 = tpu.memref_slice %arg3[%add3A_332] : memref<327680xi32, #tpu.memory_space<hbm>> -> memref<128xi32, #tpu.memory_space<hbm>>
        tpu.enqueue_dma source(%dma_start3A_341 : memref<128xi32, #tpu.memory_space<hbm>>) target(%dma_start3A_340 : memref<128xi32, #tpu.memory_space<vmem>>) target_semaphore(%arg13 : memref<!tpu.dma_semaphore, #tpu.memory_space<semaphore_mem>>)
        %dma_start3A_342 = arith.constant 0 : i32
        %dma_start3A_343 = arith.constant 0 : i32
        %dma_start3A_344 = tpu.memref_slice %arg8[%dma_start3A_342, %dma_start3A_343] : memref<4x128xi32, #tpu.memory_space<vmem>> -> memref<1x128xi32, #tpu.memory_space<vmem>>
        %dma_start3A_345 = tpu.memref_squeeze %dma_start3A_344 : memref<1x128xi32, #tpu.memory_space<vmem>> -> memref<128xi32, #tpu.memory_space<vmem>>
        %dma_start3A_346 = tpu.memref_slice %arg4[%add3A_332] : memref<327680xi32, #tpu.memory_space<hbm>> -> memref<128xi32, #tpu.memory_space<hbm>>
        %dma_start3A_347 = arith.constant 0 : i32
        %dma_start3A_348 = tpu.memref_slice %arg8[%dma_start3A_342, %dma_start3A_347] : memref<4x128xi32, #tpu.memory_space<vmem>> -> memref<1x128xi32, #tpu.memory_space<vmem>>
        %dma_start3A_349 = tpu.memref_squeeze %dma_start3A_348 : memref<1x128xi32, #tpu.memory_space<vmem>> -> memref<128xi32, #tpu.memory_space<vmem>>
        %dma_start3A_350 = tpu.memref_slice %arg4[%add3A_332] : memref<327680xi32, #tpu.memory_space<hbm>> -> memref<128xi32, #tpu.memory_space<hbm>>
        tpu.enqueue_dma source(%dma_start3A_350 : memref<128xi32, #tpu.memory_space<hbm>>) target(%dma_start3A_349 : memref<128xi32, #tpu.memory_space<vmem>>) target_semaphore(%arg13 : memref<!tpu.dma_semaphore, #tpu.memory_space<semaphore_mem>>)
      } else {
      }
      %add3A_179 = arith.constant 2 : i32
      %add3A_180 = arith.addi %add3A_163, %add3A_179 : i32
      %mul3A_181 = arith.constant 128 : i32
      %mul3A_182 = arith.muli %add3A_180, %mul3A_181 : i32
      %add3A_183 = arith.addi %mul3A_4, %mul3A_182 : i32
      %dma_wait3A_184 = arith.constant 2 : i32
      %dma_wait3A_185 = arith.constant 0 : i32
      %dma_wait3A_186 = tpu.memref_slice %arg7[%dma_wait3A_184, %dma_wait3A_185] : memref<4x128xi32, #tpu.memory_space<vmem>> -> memref<1x128xi32, #tpu.memory_space<vmem>>
      %dma_wait3A_187 = tpu.memref_squeeze %dma_wait3A_186 : memref<1x128xi32, #tpu.memory_space<vmem>> -> memref<128xi32, #tpu.memory_space<vmem>>
      %dma_wait3A_188 = tpu.memref_slice %arg3[%add3A_183] : memref<327680xi32, #tpu.memory_space<hbm>> -> memref<128xi32, #tpu.memory_space<hbm>>
      %dma_wait3A_189 = arith.constant 0 : i32
      %dma_wait3A_190 = tpu.memref_slice %arg7[%dma_wait3A_184, %dma_wait3A_189] : memref<4x128xi32, #tpu.memory_space<vmem>> -> memref<1x128xi32, #tpu.memory_space<vmem>>
      %dma_wait3A_191 = tpu.memref_squeeze %dma_wait3A_190 : memref<1x128xi32, #tpu.memory_space<vmem>> -> memref<128xi32, #tpu.memory_space<vmem>>
      %dma_wait3A_192 = tpu.memref_slice %arg3[%add3A_183] : memref<327680xi32, #tpu.memory_space<hbm>> -> memref<128xi32, #tpu.memory_space<hbm>>
      tpu.wait_dma2 semaphore(%arg15 : memref<!tpu.dma_semaphore, #tpu.memory_space<semaphore_mem>>) src(%dma_wait3A_192 : memref<128xi32, #tpu.memory_space<hbm>>) dst(%dma_wait3A_191 : memref<128xi32, #tpu.memory_space<vmem>>)
      %dma_wait3A_193 = arith.constant 2 : i32
      %dma_wait3A_194 = arith.constant 0 : i32
      %dma_wait3A_195 = tpu.memref_slice %arg8[%dma_wait3A_193, %dma_wait3A_194] : memref<4x128xi32, #tpu.memory_space<vmem>> -> memref<1x128xi32, #tpu.memory_space<vmem>>
      %dma_wait3A_196 = tpu.memref_squeeze %dma_wait3A_195 : memref<1x128xi32, #tpu.memory_space<vmem>> -> memref<128xi32, #tpu.memory_space<vmem>>
      %dma_wait3A_197 = tpu.memref_slice %arg4[%add3A_183] : memref<327680xi32, #tpu.memory_space<hbm>> -> memref<128xi32, #tpu.memory_space<hbm>>
      %dma_wait3A_198 = arith.constant 0 : i32
      %dma_wait3A_199 = tpu.memref_slice %arg8[%dma_wait3A_193, %dma_wait3A_198] : memref<4x128xi32, #tpu.memory_space<vmem>> -> memref<1x128xi32, #tpu.memory_space<vmem>>
      %dma_wait3A_200 = tpu.memref_squeeze %dma_wait3A_199 : memref<1x128xi32, #tpu.memory_space<vmem>> -> memref<128xi32, #tpu.memory_space<vmem>>
      %dma_wait3A_201 = tpu.memref_slice %arg4[%add3A_183] : memref<327680xi32, #tpu.memory_space<hbm>> -> memref<128xi32, #tpu.memory_space<hbm>>
      tpu.wait_dma2 semaphore(%arg15 : memref<!tpu.dma_semaphore, #tpu.memory_space<semaphore_mem>>) src(%dma_wait3A_201 : memref<128xi32, #tpu.memory_space<hbm>>) dst(%dma_wait3A_200 : memref<128xi32, #tpu.memory_space<vmem>>)
      %dma_start3A_202 = arith.constant 2 : i32
      %dma_start3A_203 = arith.constant 0 : i32
      %dma_start3A_204 = arith.constant 0 : i32
      %dma_start3A_205 = arith.constant 0 : i32
      %dma_start3A_206 = tpu.memref_slice %arg9[%dma_start3A_203, %dma_start3A_204, %dma_start3A_205] : memref<2x128x128xf32, #tpu.memory_space<vmem>> -> memref<1x128x128xf32, #tpu.memory_space<vmem>>
      %dma_start3A_207 = tpu.memref_squeeze %dma_start3A_206 : memref<1x128x128xf32, #tpu.memory_space<vmem>> -> memref<128x128xf32, #tpu.memory_space<vmem>>
      %dma_start3A_208 = arith.constant 0 : i32
      %dma_start3A_209 = tpu.memref_slice %arg7[%dma_start3A_202, %dma_start3A_208] : memref<4x128xi32, #tpu.memory_space<vmem>> -> memref<1x128xi32, #tpu.memory_space<vmem>>
      %dma_start3A_210 = tpu.memref_squeeze %dma_start3A_209 : memref<1x128xi32, #tpu.memory_space<vmem>> -> memref<128xi32, #tpu.memory_space<vmem>>
      %dma_start3A_211 = arith.constant 0 : i32
      %dma_start3A_212 = arith.constant 0 : i32
      %dma_start3A_213 = tpu.memref_slice %arg2[%dma_start3A_211, %dma_start3A_212] : memref<10000x128xf32, #tpu.memory_space<hbm>> -> memref<10000x128xf32, #tpu.memory_space<hbm>>
      tpu.enqueue_indirect_dma source(%dma_start3A_213 : memref<10000x128xf32, #tpu.memory_space<hbm>>) target(%dma_start3A_207 : memref<128x128xf32, #tpu.memory_space<vmem>>) offsets(%dma_start3A_210 : memref<128xi32, #tpu.memory_space<vmem>>) semaphore(%arg11 : memref<!tpu.dma_semaphore, #tpu.memory_space<semaphore_mem>>)
      %mul3A_214 = arith.constant 4 : i32
      %mul3A_215 = arith.muli %mul3A_214, %add3A_159 : i32
      %add3A_216 = arith.constant 1 : i32
      %add3A_217 = arith.addi %mul3A_215, %add3A_216 : i32
      %dma_wait3A_218 = arith.constant 1 : i32
      %dma_wait3A_219 = arith.constant 1 : i32
      %dma_wait3A_220 = arith.constant 0 : i32
      %dma_wait3A_221 = arith.constant 0 : i32
      %dma_wait3A_222 = tpu.memref_slice %arg9[%dma_wait3A_219, %dma_wait3A_220, %dma_wait3A_221] : memref<2x128x128xf32, #tpu.memory_space<vmem>> -> memref<1x128x128xf32, #tpu.memory_space<vmem>>
      %dma_wait3A_223 = tpu.memref_squeeze %dma_wait3A_222 : memref<1x128x128xf32, #tpu.memory_space<vmem>> -> memref<128x128xf32, #tpu.memory_space<vmem>>
      %dma_wait3A_224 = arith.constant 0 : i32
      %dma_wait3A_225 = tpu.memref_slice %arg7[%dma_wait3A_218, %dma_wait3A_224] : memref<4x128xi32, #tpu.memory_space<vmem>> -> memref<1x128xi32, #tpu.memory_space<vmem>>
      %dma_wait3A_226 = tpu.memref_squeeze %dma_wait3A_225 : memref<1x128xi32, #tpu.memory_space<vmem>> -> memref<128xi32, #tpu.memory_space<vmem>>
      %dma_wait3A_227 = arith.constant 0 : i32
      %dma_wait3A_228 = arith.constant 0 : i32
      %dma_wait3A_229 = tpu.memref_slice %arg2[%dma_wait3A_227, %dma_wait3A_228] : memref<10000x128xf32, #tpu.memory_space<hbm>> -> memref<10000x128xf32, #tpu.memory_space<hbm>>
      tpu.wait_indirect_dma semaphore(%arg12 : memref<!tpu.dma_semaphore, #tpu.memory_space<semaphore_mem>>) src(%dma_wait3A_229 : memref<10000x128xf32, #tpu.memory_space<hbm>>) dst(%dma_wait3A_223 : memref<128x128xf32, #tpu.memory_space<vmem>>)
      %run_scoped3A_230 = arith.constant 1 : i32
      %run_scoped3A_231 = arith.constant 1 : i32
      "tpu.region"() ({
        %run_scoped3A_328 = tpu.sem_alloc : memref<!tpu.dma_semaphore, #tpu.memory_space<semaphore_mem>>
        %dma_start3A_329 = arith.constant 0 : i32
        %dma_start3A_330 = arith.constant 0 : i32
        %dma_start3A_331 = tpu.memref_slice %arg9[%run_scoped3A_230, %dma_start3A_329, %dma_start3A_330] : memref<2x128x128xf32, #tpu.memory_space<vmem>> -> memref<1x128x128xf32, #tpu.memory_space<vmem>>
        %dma_start3A_332 = tpu.memref_squeeze %dma_start3A_331 : memref<1x128x128xf32, #tpu.memory_space<vmem>> -> memref<128x128xf32, #tpu.memory_space<vmem>>
        %dma_start3A_333 = arith.constant 0 : i32
        %dma_start3A_334 = tpu.memref_slice %arg8[%run_scoped3A_231, %dma_start3A_333] : memref<4x128xi32, #tpu.memory_space<vmem>> -> memref<1x128xi32, #tpu.memory_space<vmem>>
        %dma_start3A_335 = tpu.memref_squeeze %dma_start3A_334 : memref<1x128xi32, #tpu.memory_space<vmem>> -> memref<128xi32, #tpu.memory_space<vmem>>
        %dma_start3A_336 = arith.constant 0 : i32
        %dma_start3A_337 = arith.constant 0 : i32
        %dma_start3A_338 = tpu.memref_slice %arg10[%dma_start3A_336, %dma_start3A_337] : memref<10240x128xf32, #tpu.memory_space<vmem_shared>> -> memref<10240x128xf32, #tpu.memory_space<vmem_shared>>
        tpu.enqueue_indirect_dma source(%dma_start3A_332 : memref<128x128xf32, #tpu.memory_space<vmem>>) target(%dma_start3A_338 : memref<10240x128xf32, #tpu.memory_space<vmem_shared>>) offsets(%dma_start3A_335 : memref<128xi32, #tpu.memory_space<vmem>>) semaphore(%run_scoped3A_328 : memref<!tpu.dma_semaphore, #tpu.memory_space<semaphore_mem>>) {add = true}
        %dma_wait3A_339 = arith.constant 0 : i32
        %dma_wait3A_340 = arith.constant 0 : i32
        %dma_wait3A_341 = tpu.memref_slice %arg9[%run_scoped3A_230, %dma_wait3A_339, %dma_wait3A_340] : memref<2x128x128xf32, #tpu.memory_space<vmem>> -> memref<1x128x128xf32, #tpu.memory_space<vmem>>
        %dma_wait3A_342 = tpu.memref_squeeze %dma_wait3A_341 : memref<1x128x128xf32, #tpu.memory_space<vmem>> -> memref<128x128xf32, #tpu.memory_space<vmem>>
        %dma_wait3A_343 = arith.constant 0 : i32
        %dma_wait3A_344 = tpu.memref_slice %arg8[%run_scoped3A_231, %dma_wait3A_343] : memref<4x128xi32, #tpu.memory_space<vmem>> -> memref<1x128xi32, #tpu.memory_space<vmem>>
        %dma_wait3A_345 = tpu.memref_squeeze %dma_wait3A_344 : memref<1x128xi32, #tpu.memory_space<vmem>> -> memref<128xi32, #tpu.memory_space<vmem>>
        %dma_wait3A_346 = arith.constant 0 : i32
        %dma_wait3A_347 = arith.constant 0 : i32
        %dma_wait3A_348 = tpu.memref_slice %arg10[%dma_wait3A_346, %dma_wait3A_347] : memref<10240x128xf32, #tpu.memory_space<vmem_shared>> -> memref<10240x128xf32, #tpu.memory_space<vmem_shared>>
        tpu.wait_indirect_dma semaphore(%run_scoped3A_328 : memref<!tpu.dma_semaphore, #tpu.memory_space<semaphore_mem>>) src(%dma_wait3A_342 : memref<128x128xf32, #tpu.memory_space<vmem>>) dst(%dma_wait3A_348 : memref<10240x128xf32, #tpu.memory_space<vmem_shared>>)
        tpu.yield
      }) : () -> ()
      %lt3A_232 = arith.constant 19 : i32
      %lt3A_233 = arith.cmpi slt, %add3A_159, %lt3A_232 : i32
      %convert_element_type3A_234 = arith.extui %lt3A_233 : i1 to i32
      %cond3A_235 = arith.constant 0 : i32
      %cond3A_236 = arith.cmpi ne, %convert_element_type3A_234, %cond3A_235 : i32
      scf.if %cond3A_236 {
        %add3A_328 = arith.constant 4 : i32
        %add3A_329 = arith.addi %add3A_217, %add3A_328 : i32
        %mul3A_330 = arith.constant 128 : i32
        %mul3A_331 = arith.muli %add3A_329, %mul3A_330 : i32
        %add3A_332 = arith.addi %mul3A_4, %mul3A_331 : i32
        %dma_start3A_333 = arith.constant 1 : i32
        %dma_start3A_334 = arith.constant 0 : i32
        %dma_start3A_335 = tpu.memref_slice %arg7[%dma_start3A_333, %dma_start3A_334] : memref<4x128xi32, #tpu.memory_space<vmem>> -> memref<1x128xi32, #tpu.memory_space<vmem>>
        %dma_start3A_336 = tpu.memref_squeeze %dma_start3A_335 : memref<1x128xi32, #tpu.memory_space<vmem>> -> memref<128xi32, #tpu.memory_space<vmem>>
        %dma_start3A_337 = tpu.memref_slice %arg3[%add3A_332] : memref<327680xi32, #tpu.memory_space<hbm>> -> memref<128xi32, #tpu.memory_space<hbm>>
        %dma_start3A_338 = arith.constant 0 : i32
        %dma_start3A_339 = tpu.memref_slice %arg7[%dma_start3A_333, %dma_start3A_338] : memref<4x128xi32, #tpu.memory_space<vmem>> -> memref<1x128xi32, #tpu.memory_space<vmem>>
        %dma_start3A_340 = tpu.memref_squeeze %dma_start3A_339 : memref<1x128xi32, #tpu.memory_space<vmem>> -> memref<128xi32, #tpu.memory_space<vmem>>
        %dma_start3A_341 = tpu.memref_slice %arg3[%add3A_332] : memref<327680xi32, #tpu.memory_space<hbm>> -> memref<128xi32, #tpu.memory_space<hbm>>
        tpu.enqueue_dma source(%dma_start3A_341 : memref<128xi32, #tpu.memory_space<hbm>>) target(%dma_start3A_340 : memref<128xi32, #tpu.memory_space<vmem>>) target_semaphore(%arg14 : memref<!tpu.dma_semaphore, #tpu.memory_space<semaphore_mem>>)
        %dma_start3A_342 = arith.constant 1 : i32
        %dma_start3A_343 = arith.constant 0 : i32
        %dma_start3A_344 = tpu.memref_slice %arg8[%dma_start3A_342, %dma_start3A_343] : memref<4x128xi32, #tpu.memory_space<vmem>> -> memref<1x128xi32, #tpu.memory_space<vmem>>
        %dma_start3A_345 = tpu.memref_squeeze %dma_start3A_344 : memref<1x128xi32, #tpu.memory_space<vmem>> -> memref<128xi32, #tpu.memory_space<vmem>>
        %dma_start3A_346 = tpu.memref_slice %arg4[%add3A_332] : memref<327680xi32, #tpu.memory_space<hbm>> -> memref<128xi32, #tpu.memory_space<hbm>>
        %dma_start3A_347 = arith.constant 0 : i32
        %dma_start3A_348 = tpu.memref_slice %arg8[%dma_start3A_342, %dma_start3A_347] : memref<4x128xi32, #tpu.memory_space<vmem>> -> memref<1x128xi32, #tpu.memory_space<vmem>>
        %dma_start3A_349 = tpu.memref_squeeze %dma_start3A_348 : memref<1x128xi32, #tpu.memory_space<vmem>> -> memref<128xi32, #tpu.memory_space<vmem>>
        %dma_start3A_350 = tpu.memref_slice %arg4[%add3A_332] : memref<327680xi32, #tpu.memory_space<hbm>> -> memref<128xi32, #tpu.memory_space<hbm>>
        tpu.enqueue_dma source(%dma_start3A_350 : memref<128xi32, #tpu.memory_space<hbm>>) target(%dma_start3A_349 : memref<128xi32, #tpu.memory_space<vmem>>) target_semaphore(%arg14 : memref<!tpu.dma_semaphore, #tpu.memory_space<semaphore_mem>>)
      } else {
      }
      %add3A_237 = arith.constant 2 : i32
      %add3A_238 = arith.addi %add3A_217, %add3A_237 : i32
      %mul3A_239 = arith.constant 128 : i32
      %mul3A_240 = arith.muli %add3A_238, %mul3A_239 : i32
      %add3A_241 = arith.addi %mul3A_4, %mul3A_240 : i32
      %dma_wait3A_242 = arith.constant 3 : i32
      %dma_wait3A_243 = arith.constant 0 : i32
      %dma_wait3A_244 = tpu.memref_slice %arg7[%dma_wait3A_242, %dma_wait3A_243] : memref<4x128xi32, #tpu.memory_space<vmem>> -> memref<1x128xi32, #tpu.memory_space<vmem>>
      %dma_wait3A_245 = tpu.memref_squeeze %dma_wait3A_244 : memref<1x128xi32, #tpu.memory_space<vmem>> -> memref<128xi32, #tpu.memory_space<vmem>>
      %dma_wait3A_246 = tpu.memref_slice %arg3[%add3A_241] : memref<327680xi32, #tpu.memory_space<hbm>> -> memref<128xi32, #tpu.memory_space<hbm>>
      %dma_wait3A_247 = arith.constant 0 : i32
      %dma_wait3A_248 = tpu.memref_slice %arg7[%dma_wait3A_242, %dma_wait3A_247] : memref<4x128xi32, #tpu.memory_space<vmem>> -> memref<1x128xi32, #tpu.memory_space<vmem>>
      %dma_wait3A_249 = tpu.memref_squeeze %dma_wait3A_248 : memref<1x128xi32, #tpu.memory_space<vmem>> -> memref<128xi32, #tpu.memory_space<vmem>>
      %dma_wait3A_250 = tpu.memref_slice %arg3[%add3A_241] : memref<327680xi32, #tpu.memory_space<hbm>> -> memref<128xi32, #tpu.memory_space<hbm>>
      tpu.wait_dma2 semaphore(%arg16 : memref<!tpu.dma_semaphore, #tpu.memory_space<semaphore_mem>>) src(%dma_wait3A_250 : memref<128xi32, #tpu.memory_space<hbm>>) dst(%dma_wait3A_249 : memref<128xi32, #tpu.memory_space<vmem>>)
      %dma_wait3A_251 = arith.constant 3 : i32
      %dma_wait3A_252 = arith.constant 0 : i32
      %dma_wait3A_253 = tpu.memref_slice %arg8[%dma_wait3A_251, %dma_wait3A_252] : memref<4x128xi32, #tpu.memory_space<vmem>> -> memref<1x128xi32, #tpu.memory_space<vmem>>
      %dma_wait3A_254 = tpu.memref_squeeze %dma_wait3A_253 : memref<1x128xi32, #tpu.memory_space<vmem>> -> memref<128xi32, #tpu.memory_space<vmem>>
      %dma_wait3A_255 = tpu.memref_slice %arg4[%add3A_241] : memref<327680xi32, #tpu.memory_space<hbm>> -> memref<128xi32, #tpu.memory_space<hbm>>
      %dma_wait3A_256 = arith.constant 0 : i32
      %dma_wait3A_257 = tpu.memref_slice %arg8[%dma_wait3A_251, %dma_wait3A_256] : memref<4x128xi32, #tpu.memory_space<vmem>> -> memref<1x128xi32, #tpu.memory_space<vmem>>
      %dma_wait3A_258 = tpu.memref_squeeze %dma_wait3A_257 : memref<1x128xi32, #tpu.memory_space<vmem>> -> memref<128xi32, #tpu.memory_space<vmem>>
      %dma_wait3A_259 = tpu.memref_slice %arg4[%add3A_241] : memref<327680xi32, #tpu.memory_space<hbm>> -> memref<128xi32, #tpu.memory_space<hbm>>
      tpu.wait_dma2 semaphore(%arg16 : memref<!tpu.dma_semaphore, #tpu.memory_space<semaphore_mem>>) src(%dma_wait3A_259 : memref<128xi32, #tpu.memory_space<hbm>>) dst(%dma_wait3A_258 : memref<128xi32, #tpu.memory_space<vmem>>)
      %dma_start3A_260 = arith.constant 3 : i32
      %dma_start3A_261 = arith.constant 1 : i32
      %dma_start3A_262 = arith.constant 0 : i32
      %dma_start3A_263 = arith.constant 0 : i32
      %dma_start3A_264 = tpu.memref_slice %arg9[%dma_start3A_261, %dma_start3A_262, %dma_start3A_263] : memref<2x128x128xf32, #tpu.memory_space<vmem>> -> memref<1x128x128xf32, #tpu.memory_space<vmem>>
      %dma_start3A_265 = tpu.memref_squeeze %dma_start3A_264 : memref<1x128x128xf32, #tpu.memory_space<vmem>> -> memref<128x128xf32, #tpu.memory_space<vmem>>
      %dma_start3A_266 = arith.constant 0 : i32
      %dma_start3A_267 = tpu.memref_slice %arg7[%dma_start3A_260, %dma_start3A_266] : memref<4x128xi32, #tpu.memory_space<vmem>> -> memref<1x128xi32, #tpu.memory_space<vmem>>
      %dma_start3A_268 = tpu.memref_squeeze %dma_start3A_267 : memref<1x128xi32, #tpu.memory_space<vmem>> -> memref<128xi32, #tpu.memory_space<vmem>>
      %dma_start3A_269 = arith.constant 0 : i32
      %dma_start3A_270 = arith.constant 0 : i32
      %dma_start3A_271 = tpu.memref_slice %arg2[%dma_start3A_269, %dma_start3A_270] : memref<10000x128xf32, #tpu.memory_space<hbm>> -> memref<10000x128xf32, #tpu.memory_space<hbm>>
      tpu.enqueue_indirect_dma source(%dma_start3A_271 : memref<10000x128xf32, #tpu.memory_space<hbm>>) target(%dma_start3A_265 : memref<128x128xf32, #tpu.memory_space<vmem>>) offsets(%dma_start3A_268 : memref<128xi32, #tpu.memory_space<vmem>>) semaphore(%arg12 : memref<!tpu.dma_semaphore, #tpu.memory_space<semaphore_mem>>)
      %mul3A_272 = arith.constant 4 : i32
      %mul3A_273 = arith.muli %mul3A_272, %add3A_159 : i32
      %add3A_274 = arith.constant 2 : i32
      %add3A_275 = arith.addi %mul3A_273, %add3A_274 : i32
      %dma_wait3A_276 = arith.constant 2 : i32
      %dma_wait3A_277 = arith.constant 0 : i32
      %dma_wait3A_278 = arith.constant 0 : i32
      %dma_wait3A_279 = arith.constant 0 : i32
      %dma_wait3A_280 = tpu.memref_slice %arg9[%dma_wait3A_277, %dma_wait3A_278, %dma_wait3A_279] : memref<2x128x128xf32, #tpu.memory_space<vmem>> -> memref<1x128x128xf32, #tpu.memory_space<vmem>>
      %dma_wait3A_281 = tpu.memref_squeeze %dma_wait3A_280 : memref<1x128x128xf32, #tpu.memory_space<vmem>> -> memref<128x128xf32, #tpu.memory_space<vmem>>
      %dma_wait3A_282 = arith.constant 0 : i32
      %dma_wait3A_283 = tpu.memref_slice %arg7[%dma_wait3A_276, %dma_wait3A_282] : memref<4x128xi32, #tpu.memory_space<vmem>> -> memref<1x128xi32, #tpu.memory_space<vmem>>
      %dma_wait3A_284 = tpu.memref_squeeze %dma_wait3A_283 : memref<1x128xi32, #tpu.memory_space<vmem>> -> memref<128xi32, #tpu.memory_space<vmem>>
      %dma_wait3A_285 = arith.constant 0 : i32
      %dma_wait3A_286 = arith.constant 0 : i32
      %dma_wait3A_287 = tpu.memref_slice %arg2[%dma_wait3A_285, %dma_wait3A_286] : memref<10000x128xf32, #tpu.memory_space<hbm>> -> memref<10000x128xf32, #tpu.memory_space<hbm>>
      tpu.wait_indirect_dma semaphore(%arg11 : memref<!tpu.dma_semaphore, #tpu.memory_space<semaphore_mem>>) src(%dma_wait3A_287 : memref<10000x128xf32, #tpu.memory_space<hbm>>) dst(%dma_wait3A_281 : memref<128x128xf32, #tpu.memory_space<vmem>>)
      %run_scoped3A_288 = arith.constant 0 : i32
      %run_scoped3A_289 = arith.constant 2 : i32
      "tpu.region"() ({
        %run_scoped3A_328 = tpu.sem_alloc : memref<!tpu.dma_semaphore, #tpu.memory_space<semaphore_mem>>
        %dma_start3A_329 = arith.constant 0 : i32
        %dma_start3A_330 = arith.constant 0 : i32
        %dma_start3A_331 = tpu.memref_slice %arg9[%run_scoped3A_288, %dma_start3A_329, %dma_start3A_330] : memref<2x128x128xf32, #tpu.memory_space<vmem>> -> memref<1x128x128xf32, #tpu.memory_space<vmem>>
        %dma_start3A_332 = tpu.memref_squeeze %dma_start3A_331 : memref<1x128x128xf32, #tpu.memory_space<vmem>> -> memref<128x128xf32, #tpu.memory_space<vmem>>
        %dma_start3A_333 = arith.constant 0 : i32
        %dma_start3A_334 = tpu.memref_slice %arg8[%run_scoped3A_289, %dma_start3A_333] : memref<4x128xi32, #tpu.memory_space<vmem>> -> memref<1x128xi32, #tpu.memory_space<vmem>>
        %dma_start3A_335 = tpu.memref_squeeze %dma_start3A_334 : memref<1x128xi32, #tpu.memory_space<vmem>> -> memref<128xi32, #tpu.memory_space<vmem>>
        %dma_start3A_336 = arith.constant 0 : i32
        %dma_start3A_337 = arith.constant 0 : i32
        %dma_start3A_338 = tpu.memref_slice %arg10[%dma_start3A_336, %dma_start3A_337] : memref<10240x128xf32, #tpu.memory_space<vmem_shared>> -> memref<10240x128xf32, #tpu.memory_space<vmem_shared>>
        tpu.enqueue_indirect_dma source(%dma_start3A_332 : memref<128x128xf32, #tpu.memory_space<vmem>>) target(%dma_start3A_338 : memref<10240x128xf32, #tpu.memory_space<vmem_shared>>) offsets(%dma_start3A_335 : memref<128xi32, #tpu.memory_space<vmem>>) semaphore(%run_scoped3A_328 : memref<!tpu.dma_semaphore, #tpu.memory_space<semaphore_mem>>) {add = true}
        %dma_wait3A_339 = arith.constant 0 : i32
        %dma_wait3A_340 = arith.constant 0 : i32
        %dma_wait3A_341 = tpu.memref_slice %arg9[%run_scoped3A_288, %dma_wait3A_339, %dma_wait3A_340] : memref<2x128x128xf32, #tpu.memory_space<vmem>> -> memref<1x128x128xf32, #tpu.memory_space<vmem>>
        %dma_wait3A_342 = tpu.memref_squeeze %dma_wait3A_341 : memref<1x128x128xf32, #tpu.memory_space<vmem>> -> memref<128x128xf32, #tpu.memory_space<vmem>>
        %dma_wait3A_343 = arith.constant 0 : i32
        %dma_wait3A_344 = tpu.memref_slice %arg8[%run_scoped3A_289, %dma_wait3A_343] : memref<4x128xi32, #tpu.memory_space<vmem>> -> memref<1x128xi32, #tpu.memory_space<vmem>>
        %dma_wait3A_345 = tpu.memref_squeeze %dma_wait3A_344 : memref<1x128xi32, #tpu.memory_space<vmem>> -> memref<128xi32, #tpu.memory_space<vmem>>
        %dma_wait3A_346 = arith.constant 0 : i32
        %dma_wait3A_347 = arith.constant 0 : i32
        %dma_wait3A_348 = tpu.memref_slice %arg10[%dma_wait3A_346, %dma_wait3A_347] : memref<10240x128xf32, #tpu.memory_space<vmem_shared>> -> memref<10240x128xf32, #tpu.memory_space<vmem_shared>>
        tpu.wait_indirect_dma semaphore(%run_scoped3A_328 : memref<!tpu.dma_semaphore, #tpu.memory_space<semaphore_mem>>) src(%dma_wait3A_342 : memref<128x128xf32, #tpu.memory_space<vmem>>) dst(%dma_wait3A_348 : memref<10240x128xf32, #tpu.memory_space<vmem_shared>>)
        tpu.yield
      }) : () -> ()
      %lt3A_290 = arith.constant 19 : i32
      %lt3A_291 = arith.cmpi slt, %add3A_159, %lt3A_290 : i32
      %convert_element_type3A_292 = arith.extui %lt3A_291 : i1 to i32
      %cond3A_293 = arith.constant 0 : i32
      %cond3A_294 = arith.cmpi ne, %convert_element_type3A_292, %cond3A_293 : i32
      scf.if %cond3A_294 {
        %add3A_328 = arith.constant 4 : i32
        %add3A_329 = arith.addi %add3A_275, %add3A_328 : i32
        %mul3A_330 = arith.constant 128 : i32
        %mul3A_331 = arith.muli %add3A_329, %mul3A_330 : i32
        %add3A_332 = arith.addi %mul3A_4, %mul3A_331 : i32
        %dma_start3A_333 = arith.constant 2 : i32
        %dma_start3A_334 = arith.constant 0 : i32
        %dma_start3A_335 = tpu.memref_slice %arg7[%dma_start3A_333, %dma_start3A_334] : memref<4x128xi32, #tpu.memory_space<vmem>> -> memref<1x128xi32, #tpu.memory_space<vmem>>
        %dma_start3A_336 = tpu.memref_squeeze %dma_start3A_335 : memref<1x128xi32, #tpu.memory_space<vmem>> -> memref<128xi32, #tpu.memory_space<vmem>>
        %dma_start3A_337 = tpu.memref_slice %arg3[%add3A_332] : memref<327680xi32, #tpu.memory_space<hbm>> -> memref<128xi32, #tpu.memory_space<hbm>>
        %dma_start3A_338 = arith.constant 0 : i32
        %dma_start3A_339 = tpu.memref_slice %arg7[%dma_start3A_333, %dma_start3A_338] : memref<4x128xi32, #tpu.memory_space<vmem>> -> memref<1x128xi32, #tpu.memory_space<vmem>>
        %dma_start3A_340 = tpu.memref_squeeze %dma_start3A_339 : memref<1x128xi32, #tpu.memory_space<vmem>> -> memref<128xi32, #tpu.memory_space<vmem>>
        %dma_start3A_341 = tpu.memref_slice %arg3[%add3A_332] : memref<327680xi32, #tpu.memory_space<hbm>> -> memref<128xi32, #tpu.memory_space<hbm>>
        tpu.enqueue_dma source(%dma_start3A_341 : memref<128xi32, #tpu.memory_space<hbm>>) target(%dma_start3A_340 : memref<128xi32, #tpu.memory_space<vmem>>) target_semaphore(%arg15 : memref<!tpu.dma_semaphore, #tpu.memory_space<semaphore_mem>>)
        %dma_start3A_342 = arith.constant 2 : i32
        %dma_start3A_343 = arith.constant 0 : i32
        %dma_start3A_344 = tpu.memref_slice %arg8[%dma_start3A_342, %dma_start3A_343] : memref<4x128xi32, #tpu.memory_space<vmem>> -> memref<1x128xi32, #tpu.memory_space<vmem>>
        %dma_start3A_345 = tpu.memref_squeeze %dma_start3A_344 : memref<1x128xi32, #tpu.memory_space<vmem>> -> memref<128xi32, #tpu.memory_space<vmem>>
        %dma_start3A_346 = tpu.memref_slice %arg4[%add3A_332] : memref<327680xi32, #tpu.memory_space<hbm>> -> memref<128xi32, #tpu.memory_space<hbm>>
        %dma_start3A_347 = arith.constant 0 : i32
        %dma_start3A_348 = tpu.memref_slice %arg8[%dma_start3A_342, %dma_start3A_347] : memref<4x128xi32, #tpu.memory_space<vmem>> -> memref<1x128xi32, #tpu.memory_space<vmem>>
        %dma_start3A_349 = tpu.memref_squeeze %dma_start3A_348 : memref<1x128xi32, #tpu.memory_space<vmem>> -> memref<128xi32, #tpu.memory_space<vmem>>
        %dma_start3A_350 = tpu.memref_slice %arg4[%add3A_332] : memref<327680xi32, #tpu.memory_space<hbm>> -> memref<128xi32, #tpu.memory_space<hbm>>
        tpu.enqueue_dma source(%dma_start3A_350 : memref<128xi32, #tpu.memory_space<hbm>>) target(%dma_start3A_349 : memref<128xi32, #tpu.memory_space<vmem>>) target_semaphore(%arg15 : memref<!tpu.dma_semaphore, #tpu.memory_space<semaphore_mem>>)
      } else {
      }
      %lt3A_295 = arith.constant 19 : i32
      %lt3A_296 = arith.cmpi slt, %add3A_159, %lt3A_295 : i32
      %convert_element_type3A_297 = arith.extui %lt3A_296 : i1 to i32
      %cond3A_298 = arith.constant 0 : i32
      %cond3A_299 = arith.cmpi ne, %convert_element_type3A_297, %cond3A_298 : i32
      scf.if %cond3A_299 {
        %add3A_328 = arith.constant 2 : i32
        %add3A_329 = arith.addi %add3A_275, %add3A_328 : i32
        %mul3A_330 = arith.constant 128 : i32
        %mul3A_331 = arith.muli %add3A_329, %mul3A_330 : i32
        %add3A_332 = arith.addi %mul3A_4, %mul3A_331 : i32
        %dma_wait3A_333 = arith.constant 0 : i32
        %dma_wait3A_334 = arith.constant 0 : i32
        %dma_wait3A_335 = tpu.memref_slice %arg7[%dma_wait3A_333, %dma_wait3A_334] : memref<4x128xi32, #tpu.memory_space<vmem>> -> memref<1x128xi32, #tpu.memory_space<vmem>>
        %dma_wait3A_336 = tpu.memref_squeeze %dma_wait3A_335 : memref<1x128xi32, #tpu.memory_space<vmem>> -> memref<128xi32, #tpu.memory_space<vmem>>
        %dma_wait3A_337 = tpu.memref_slice %arg3[%add3A_332] : memref<327680xi32, #tpu.memory_space<hbm>> -> memref<128xi32, #tpu.memory_space<hbm>>
        %dma_wait3A_338 = arith.constant 0 : i32
        %dma_wait3A_339 = tpu.memref_slice %arg7[%dma_wait3A_333, %dma_wait3A_338] : memref<4x128xi32, #tpu.memory_space<vmem>> -> memref<1x128xi32, #tpu.memory_space<vmem>>
        %dma_wait3A_340 = tpu.memref_squeeze %dma_wait3A_339 : memref<1x128xi32, #tpu.memory_space<vmem>> -> memref<128xi32, #tpu.memory_space<vmem>>
        %dma_wait3A_341 = tpu.memref_slice %arg3[%add3A_332] : memref<327680xi32, #tpu.memory_space<hbm>> -> memref<128xi32, #tpu.memory_space<hbm>>
        tpu.wait_dma2 semaphore(%arg13 : memref<!tpu.dma_semaphore, #tpu.memory_space<semaphore_mem>>) src(%dma_wait3A_341 : memref<128xi32, #tpu.memory_space<hbm>>) dst(%dma_wait3A_340 : memref<128xi32, #tpu.memory_space<vmem>>)
        %dma_wait3A_342 = arith.constant 0 : i32
        %dma_wait3A_343 = arith.constant 0 : i32
        %dma_wait3A_344 = tpu.memref_slice %arg8[%dma_wait3A_342, %dma_wait3A_343] : memref<4x128xi32, #tpu.memory_space<vmem>> -> memref<1x128xi32, #tpu.memory_space<vmem>>
        %dma_wait3A_345 = tpu.memref_squeeze %dma_wait3A_344 : memref<1x128xi32, #tpu.memory_space<vmem>> -> memref<128xi32, #tpu.memory_space<vmem>>
        %dma_wait3A_346 = tpu.memref_slice %arg4[%add3A_332] : memref<327680xi32, #tpu.memory_space<hbm>> -> memref<128xi32, #tpu.memory_space<hbm>>
        %dma_wait3A_347 = arith.constant 0 : i32
        %dma_wait3A_348 = tpu.memref_slice %arg8[%dma_wait3A_342, %dma_wait3A_347] : memref<4x128xi32, #tpu.memory_space<vmem>> -> memref<1x128xi32, #tpu.memory_space<vmem>>
        %dma_wait3A_349 = tpu.memref_squeeze %dma_wait3A_348 : memref<1x128xi32, #tpu.memory_space<vmem>> -> memref<128xi32, #tpu.memory_space<vmem>>
        %dma_wait3A_350 = tpu.memref_slice %arg4[%add3A_332] : memref<327680xi32, #tpu.memory_space<hbm>> -> memref<128xi32, #tpu.memory_space<hbm>>
        tpu.wait_dma2 semaphore(%arg13 : memref<!tpu.dma_semaphore, #tpu.memory_space<semaphore_mem>>) src(%dma_wait3A_350 : memref<128xi32, #tpu.memory_space<hbm>>) dst(%dma_wait3A_349 : memref<128xi32, #tpu.memory_space<vmem>>)
        %dma_start3A_351 = arith.constant 0 : i32
        %dma_start3A_352 = arith.constant 0 : i32
        %dma_start3A_353 = arith.constant 0 : i32
        %dma_start3A_354 = arith.constant 0 : i32
        %dma_start3A_355 = tpu.memref_slice %arg9[%dma_start3A_352, %dma_start3A_353, %dma_start3A_354] : memref<2x128x128xf32, #tpu.memory_space<vmem>> -> memref<1x128x128xf32, #tpu.memory_space<vmem>>
        %dma_start3A_356 = tpu.memref_squeeze %dma_start3A_355 : memref<1x128x128xf32, #tpu.memory_space<vmem>> -> memref<128x128xf32, #tpu.memory_space<vmem>>
        %dma_start3A_357 = arith.constant 0 : i32
        %dma_start3A_358 = tpu.memref_slice %arg7[%dma_start3A_351, %dma_start3A_357] : memref<4x128xi32, #tpu.memory_space<vmem>> -> memref<1x128xi32, #tpu.memory_space<vmem>>
        %dma_start3A_359 = tpu.memref_squeeze %dma_start3A_358 : memref<1x128xi32, #tpu.memory_space<vmem>> -> memref<128xi32, #tpu.memory_space<vmem>>
        %dma_start3A_360 = arith.constant 0 : i32
        %dma_start3A_361 = arith.constant 0 : i32
        %dma_start3A_362 = tpu.memref_slice %arg2[%dma_start3A_360, %dma_start3A_361] : memref<10000x128xf32, #tpu.memory_space<hbm>> -> memref<10000x128xf32, #tpu.memory_space<hbm>>
        tpu.enqueue_indirect_dma source(%dma_start3A_362 : memref<10000x128xf32, #tpu.memory_space<hbm>>) target(%dma_start3A_356 : memref<128x128xf32, #tpu.memory_space<vmem>>) offsets(%dma_start3A_359 : memref<128xi32, #tpu.memory_space<vmem>>) semaphore(%arg11 : memref<!tpu.dma_semaphore, #tpu.memory_space<semaphore_mem>>)
      } else {
      }
      %mul3A_300 = arith.constant 4 : i32
      %mul3A_301 = arith.muli %mul3A_300, %add3A_159 : i32
      %add3A_302 = arith.constant 3 : i32
      %add3A_303 = arith.addi %mul3A_301, %add3A_302 : i32
      %dma_wait3A_304 = arith.constant 3 : i32
      %dma_wait3A_305 = arith.constant 1 : i32
      %dma_wait3A_306 = arith.constant 0 : i32
      %dma_wait3A_307 = arith.constant 0 : i32
      %dma_wait3A_308 = tpu.memref_slice %arg9[%dma_wait3A_305, %dma_wait3A_306, %dma_wait3A_307] : memref<2x128x128xf32, #tpu.memory_space<vmem>> -> memref<1x128x128xf32, #tpu.memory_space<vmem>>
      %dma_wait3A_309 = tpu.memref_squeeze %dma_wait3A_308 : memref<1x128x128xf32, #tpu.memory_space<vmem>> -> memref<128x128xf32, #tpu.memory_space<vmem>>
      %dma_wait3A_310 = arith.constant 0 : i32
      %dma_wait3A_311 = tpu.memref_slice %arg7[%dma_wait3A_304, %dma_wait3A_310] : memref<4x128xi32, #tpu.memory_space<vmem>> -> memref<1x128xi32, #tpu.memory_space<vmem>>
      %dma_wait3A_312 = tpu.memref_squeeze %dma_wait3A_311 : memref<1x128xi32, #tpu.memory_space<vmem>> -> memref<128xi32, #tpu.memory_space<vmem>>
      %dma_wait3A_313 = arith.constant 0 : i32
      %dma_wait3A_314 = arith.constant 0 : i32
      %dma_wait3A_315 = tpu.memref_slice %arg2[%dma_wait3A_313, %dma_wait3A_314] : memref<10000x128xf32, #tpu.memory_space<hbm>> -> memref<10000x128xf32, #tpu.memory_space<hbm>>
      tpu.wait_indirect_dma semaphore(%arg12 : memref<!tpu.dma_semaphore, #tpu.memory_space<semaphore_mem>>) src(%dma_wait3A_315 : memref<10000x128xf32, #tpu.memory_space<hbm>>) dst(%dma_wait3A_309 : memref<128x128xf32, #tpu.memory_space<vmem>>)
      %run_scoped3A_316 = arith.constant 1 : i32
      %run_scoped3A_317 = arith.constant 3 : i32
      "tpu.region"() ({
        %run_scoped3A_328 = tpu.sem_alloc : memref<!tpu.dma_semaphore, #tpu.memory_space<semaphore_mem>>
        %dma_start3A_329 = arith.constant 0 : i32
        %dma_start3A_330 = arith.constant 0 : i32
        %dma_start3A_331 = tpu.memref_slice %arg9[%run_scoped3A_316, %dma_start3A_329, %dma_start3A_330] : memref<2x128x128xf32, #tpu.memory_space<vmem>> -> memref<1x128x128xf32, #tpu.memory_space<vmem>>
        %dma_start3A_332 = tpu.memref_squeeze %dma_start3A_331 : memref<1x128x128xf32, #tpu.memory_space<vmem>> -> memref<128x128xf32, #tpu.memory_space<vmem>>
        %dma_start3A_333 = arith.constant 0 : i32
        %dma_start3A_334 = tpu.memref_slice %arg8[%run_scoped3A_317, %dma_start3A_333] : memref<4x128xi32, #tpu.memory_space<vmem>> -> memref<1x128xi32, #tpu.memory_space<vmem>>
        %dma_start3A_335 = tpu.memref_squeeze %dma_start3A_334 : memref<1x128xi32, #tpu.memory_space<vmem>> -> memref<128xi32, #tpu.memory_space<vmem>>
        %dma_start3A_336 = arith.constant 0 : i32
        %dma_start3A_337 = arith.constant 0 : i32
        %dma_start3A_338 = tpu.memref_slice %arg10[%dma_start3A_336, %dma_start3A_337] : memref<10240x128xf32, #tpu.memory_space<vmem_shared>> -> memref<10240x128xf32, #tpu.memory_space<vmem_shared>>
        tpu.enqueue_indirect_dma source(%dma_start3A_332 : memref<128x128xf32, #tpu.memory_space<vmem>>) target(%dma_start3A_338 : memref<10240x128xf32, #tpu.memory_space<vmem_shared>>) offsets(%dma_start3A_335 : memref<128xi32, #tpu.memory_space<vmem>>) semaphore(%run_scoped3A_328 : memref<!tpu.dma_semaphore, #tpu.memory_space<semaphore_mem>>) {add = true}
        %dma_wait3A_339 = arith.constant 0 : i32
        %dma_wait3A_340 = arith.constant 0 : i32
        %dma_wait3A_341 = tpu.memref_slice %arg9[%run_scoped3A_316, %dma_wait3A_339, %dma_wait3A_340] : memref<2x128x128xf32, #tpu.memory_space<vmem>> -> memref<1x128x128xf32, #tpu.memory_space<vmem>>
        %dma_wait3A_342 = tpu.memref_squeeze %dma_wait3A_341 : memref<1x128x128xf32, #tpu.memory_space<vmem>> -> memref<128x128xf32, #tpu.memory_space<vmem>>
        %dma_wait3A_343 = arith.constant 0 : i32
        %dma_wait3A_344 = tpu.memref_slice %arg8[%run_scoped3A_317, %dma_wait3A_343] : memref<4x128xi32, #tpu.memory_space<vmem>> -> memref<1x128xi32, #tpu.memory_space<vmem>>
        %dma_wait3A_345 = tpu.memref_squeeze %dma_wait3A_344 : memref<1x128xi32, #tpu.memory_space<vmem>> -> memref<128xi32, #tpu.memory_space<vmem>>
        %dma_wait3A_346 = arith.constant 0 : i32
        %dma_wait3A_347 = arith.constant 0 : i32
        %dma_wait3A_348 = tpu.memref_slice %arg10[%dma_wait3A_346, %dma_wait3A_347] : memref<10240x128xf32, #tpu.memory_space<vmem_shared>> -> memref<10240x128xf32, #tpu.memory_space<vmem_shared>>
        tpu.wait_indirect_dma semaphore(%run_scoped3A_328 : memref<!tpu.dma_semaphore, #tpu.memory_space<semaphore_mem>>) src(%dma_wait3A_342 : memref<128x128xf32, #tpu.memory_space<vmem>>) dst(%dma_wait3A_348 : memref<10240x128xf32, #tpu.memory_space<vmem_shared>>)
        tpu.yield
      }) : () -> ()
      %lt3A_318 = arith.constant 19 : i32
      %lt3A_319 = arith.cmpi slt, %add3A_159, %lt3A_318 : i32
      %convert_element_type3A_320 = arith.extui %lt3A_319 : i1 to i32
      %cond3A_321 = arith.constant 0 : i32
      %cond3A_322 = arith.cmpi ne, %convert_element_type3A_320, %cond3A_321 : i32
      scf.if %cond3A_322 {
        %add3A_328 = arith.constant 4 : i32
        %add3A_329 = arith.addi %add3A_303, %add3A_328 : i32
        %mul3A_330 = arith.constant 128 : i32
        %mul3A_331 = arith.muli %add3A_329, %mul3A_330 : i32
        %add3A_332 = arith.addi %mul3A_4, %mul3A_331 : i32
        %dma_start3A_333 = arith.constant 3 : i32
        %dma_start3A_334 = arith.constant 0 : i32
        %dma_start3A_335 = tpu.memref_slice %arg7[%dma_start3A_333, %dma_start3A_334] : memref<4x128xi32, #tpu.memory_space<vmem>> -> memref<1x128xi32, #tpu.memory_space<vmem>>
        %dma_start3A_336 = tpu.memref_squeeze %dma_start3A_335 : memref<1x128xi32, #tpu.memory_space<vmem>> -> memref<128xi32, #tpu.memory_space<vmem>>
        %dma_start3A_337 = tpu.memref_slice %arg3[%add3A_332] : memref<327680xi32, #tpu.memory_space<hbm>> -> memref<128xi32, #tpu.memory_space<hbm>>
        %dma_start3A_338 = arith.constant 0 : i32
        %dma_start3A_339 = tpu.memref_slice %arg7[%dma_start3A_333, %dma_start3A_338] : memref<4x128xi32, #tpu.memory_space<vmem>> -> memref<1x128xi32, #tpu.memory_space<vmem>>
        %dma_start3A_340 = tpu.memref_squeeze %dma_start3A_339 : memref<1x128xi32, #tpu.memory_space<vmem>> -> memref<128xi32, #tpu.memory_space<vmem>>
        %dma_start3A_341 = tpu.memref_slice %arg3[%add3A_332] : memref<327680xi32, #tpu.memory_space<hbm>> -> memref<128xi32, #tpu.memory_space<hbm>>
        tpu.enqueue_dma source(%dma_start3A_341 : memref<128xi32, #tpu.memory_space<hbm>>) target(%dma_start3A_340 : memref<128xi32, #tpu.memory_space<vmem>>) target_semaphore(%arg16 : memref<!tpu.dma_semaphore, #tpu.memory_space<semaphore_mem>>)
        %dma_start3A_342 = arith.constant 3 : i32
        %dma_start3A_343 = arith.constant 0 : i32
        %dma_start3A_344 = tpu.memref_slice %arg8[%dma_start3A_342, %dma_start3A_343] : memref<4x128xi32, #tpu.memory_space<vmem>> -> memref<1x128xi32, #tpu.memory_space<vmem>>
        %dma_start3A_345 = tpu.memref_squeeze %dma_start3A_344 : memref<1x128xi32, #tpu.memory_space<vmem>> -> memref<128xi32, #tpu.memory_space<vmem>>
        %dma_start3A_346 = tpu.memref_slice %arg4[%add3A_332] : memref<327680xi32, #tpu.memory_space<hbm>> -> memref<128xi32, #tpu.memory_space<hbm>>
        %dma_start3A_347 = arith.constant 0 : i32
        %dma_start3A_348 = tpu.memref_slice %arg8[%dma_start3A_342, %dma_start3A_347] : memref<4x128xi32, #tpu.memory_space<vmem>> -> memref<1x128xi32, #tpu.memory_space<vmem>>
        %dma_start3A_349 = tpu.memref_squeeze %dma_start3A_348 : memref<1x128xi32, #tpu.memory_space<vmem>> -> memref<128xi32, #tpu.memory_space<vmem>>
        %dma_start3A_350 = tpu.memref_slice %arg4[%add3A_332] : memref<327680xi32, #tpu.memory_space<hbm>> -> memref<128xi32, #tpu.memory_space<hbm>>
        tpu.enqueue_dma source(%dma_start3A_350 : memref<128xi32, #tpu.memory_space<hbm>>) target(%dma_start3A_349 : memref<128xi32, #tpu.memory_space<vmem>>) target_semaphore(%arg16 : memref<!tpu.dma_semaphore, #tpu.memory_space<semaphore_mem>>)
      } else {
      }
      %lt3A_323 = arith.constant 19 : i32
      %lt3A_324 = arith.cmpi slt, %add3A_159, %lt3A_323 : i32
      %convert_element_type3A_325 = arith.extui %lt3A_324 : i1 to i32
      %cond3A_326 = arith.constant 0 : i32
      %cond3A_327 = arith.cmpi ne, %convert_element_type3A_325, %cond3A_326 : i32
      scf.if %cond3A_327 {
        %add3A_328 = arith.constant 2 : i32
        %add3A_329 = arith.addi %add3A_303, %add3A_328 : i32
        %mul3A_330 = arith.constant 128 : i32
        %mul3A_331 = arith.muli %add3A_329, %mul3A_330 : i32
        %add3A_332 = arith.addi %mul3A_4, %mul3A_331 : i32
        %dma_wait3A_333 = arith.constant 1 : i32
        %dma_wait3A_334 = arith.constant 0 : i32
        %dma_wait3A_335 = tpu.memref_slice %arg7[%dma_wait3A_333, %dma_wait3A_334] : memref<4x128xi32, #tpu.memory_space<vmem>> -> memref<1x128xi32, #tpu.memory_space<vmem>>
        %dma_wait3A_336 = tpu.memref_squeeze %dma_wait3A_335 : memref<1x128xi32, #tpu.memory_space<vmem>> -> memref<128xi32, #tpu.memory_space<vmem>>
        %dma_wait3A_337 = tpu.memref_slice %arg3[%add3A_332] : memref<327680xi32, #tpu.memory_space<hbm>> -> memref<128xi32, #tpu.memory_space<hbm>>
        %dma_wait3A_338 = arith.constant 0 : i32
        %dma_wait3A_339 = tpu.memref_slice %arg7[%dma_wait3A_333, %dma_wait3A_338] : memref<4x128xi32, #tpu.memory_space<vmem>> -> memref<1x128xi32, #tpu.memory_space<vmem>>
        %dma_wait3A_340 = tpu.memref_squeeze %dma_wait3A_339 : memref<1x128xi32, #tpu.memory_space<vmem>> -> memref<128xi32, #tpu.memory_space<vmem>>
        %dma_wait3A_341 = tpu.memref_slice %arg3[%add3A_332] : memref<327680xi32, #tpu.memory_space<hbm>> -> memref<128xi32, #tpu.memory_space<hbm>>
        tpu.wait_dma2 semaphore(%arg14 : memref<!tpu.dma_semaphore, #tpu.memory_space<semaphore_mem>>) src(%dma_wait3A_341 : memref<128xi32, #tpu.memory_space<hbm>>) dst(%dma_wait3A_340 : memref<128xi32, #tpu.memory_space<vmem>>)
        %dma_wait3A_342 = arith.constant 1 : i32
        %dma_wait3A_343 = arith.constant 0 : i32
        %dma_wait3A_344 = tpu.memref_slice %arg8[%dma_wait3A_342, %dma_wait3A_343] : memref<4x128xi32, #tpu.memory_space<vmem>> -> memref<1x128xi32, #tpu.memory_space<vmem>>
        %dma_wait3A_345 = tpu.memref_squeeze %dma_wait3A_344 : memref<1x128xi32, #tpu.memory_space<vmem>> -> memref<128xi32, #tpu.memory_space<vmem>>
        %dma_wait3A_346 = tpu.memref_slice %arg4[%add3A_332] : memref<327680xi32, #tpu.memory_space<hbm>> -> memref<128xi32, #tpu.memory_space<hbm>>
        %dma_wait3A_347 = arith.constant 0 : i32
        %dma_wait3A_348 = tpu.memref_slice %arg8[%dma_wait3A_342, %dma_wait3A_347] : memref<4x128xi32, #tpu.memory_space<vmem>> -> memref<1x128xi32, #tpu.memory_space<vmem>>
        %dma_wait3A_349 = tpu.memref_squeeze %dma_wait3A_348 : memref<1x128xi32, #tpu.memory_space<vmem>> -> memref<128xi32, #tpu.memory_space<vmem>>
        %dma_wait3A_350 = tpu.memref_slice %arg4[%add3A_332] : memref<327680xi32, #tpu.memory_space<hbm>> -> memref<128xi32, #tpu.memory_space<hbm>>
        tpu.wait_dma2 semaphore(%arg14 : memref<!tpu.dma_semaphore, #tpu.memory_space<semaphore_mem>>) src(%dma_wait3A_350 : memref<128xi32, #tpu.memory_space<hbm>>) dst(%dma_wait3A_349 : memref<128xi32, #tpu.memory_space<vmem>>)
        %dma_start3A_351 = arith.constant 1 : i32
        %dma_start3A_352 = arith.constant 1 : i32
        %dma_start3A_353 = arith.constant 0 : i32
        %dma_start3A_354 = arith.constant 0 : i32
        %dma_start3A_355 = tpu.memref_slice %arg9[%dma_start3A_352, %dma_start3A_353, %dma_start3A_354] : memref<2x128x128xf32, #tpu.memory_space<vmem>> -> memref<1x128x128xf32, #tpu.memory_space<vmem>>
        %dma_start3A_356 = tpu.memref_squeeze %dma_start3A_355 : memref<1x128x128xf32, #tpu.memory_space<vmem>> -> memref<128x128xf32, #tpu.memory_space<vmem>>
        %dma_start3A_357 = arith.constant 0 : i32
        %dma_start3A_358 = tpu.memref_slice %arg7[%dma_start3A_351, %dma_start3A_357] : memref<4x128xi32, #tpu.memory_space<vmem>> -> memref<1x128xi32, #tpu.memory_space<vmem>>
        %dma_start3A_359 = tpu.memref_squeeze %dma_start3A_358 : memref<1x128xi32, #tpu.memory_space<vmem>> -> memref<128xi32, #tpu.memory_space<vmem>>
        %dma_start3A_360 = arith.constant 0 : i32
        %dma_start3A_361 = arith.constant 0 : i32
        %dma_start3A_362 = tpu.memref_slice %arg2[%dma_start3A_360, %dma_start3A_361] : memref<10000x128xf32, #tpu.memory_space<hbm>> -> memref<10000x128xf32, #tpu.memory_space<hbm>>
        tpu.enqueue_indirect_dma source(%dma_start3A_362 : memref<10000x128xf32, #tpu.memory_space<hbm>>) target(%dma_start3A_356 : memref<128x128xf32, #tpu.memory_space<vmem>>) offsets(%dma_start3A_359 : memref<128xi32, #tpu.memory_space<vmem>>) semaphore(%arg12 : memref<!tpu.dma_semaphore, #tpu.memory_space<semaphore_mem>>)
      } else {
      }
    }
    %scan3A_146 = arith.constant 20 : i32
    %barrier3A_147 = arith.constant 0 : index
    tpu.barrier barrier_id(%barrier3A_147)
    %mul3A_148 = arith.constant 640 : i32
    %mul3A_149 = arith.muli %arg1, %mul3A_148 : i32
    %mul3A_150 = arith.constant 10240 : i32
    %mul3A_151 = arith.muli %arg0, %mul3A_150 : i32
    %mul3A_152 = arith.constant 640 : i32
    %mul3A_153 = arith.muli %arg1, %mul3A_152 : i32
    %add3A_154 = arith.addi %mul3A_151, %mul3A_153 : i32
    "tpu.region"() ({
      %run_scoped3A = tpu.sem_alloc : memref<!tpu.dma_semaphore, #tpu.memory_space<semaphore_mem>>
      %dma_start3A_155 = arith.constant 0 : i32
      %dma_start3A_156 = tpu.memref_slice %arg6[%add3A_154, %dma_start3A_155] : memref<20480x128xf32, #tpu.memory_space<hbm>> -> memref<640x128xf32, #tpu.memory_space<hbm>>
      %dma_start3A_157 = arith.constant 0 : i32
      %dma_start3A_158 = tpu.memref_slice %arg10[%mul3A_149, %dma_start3A_157] : memref<10240x128xf32, #tpu.memory_space<vmem_shared>> -> memref<640x128xf32, #tpu.memory_space<vmem_shared>>
      tpu.enqueue_dma source(%dma_start3A_158 : memref<640x128xf32, #tpu.memory_space<vmem_shared>>) target(%dma_start3A_156 : memref<640x128xf32, #tpu.memory_space<hbm>>) target_semaphore(%run_scoped3A : memref<!tpu.dma_semaphore, #tpu.memory_space<semaphore_mem>>)
      %dma_wait3A_159 = arith.constant 0 : i32
      %dma_wait3A_160 = tpu.memref_slice %arg6[%add3A_154, %dma_wait3A_159] : memref<20480x128xf32, #tpu.memory_space<hbm>> -> memref<640x128xf32, #tpu.memory_space<hbm>>
      %dma_wait3A_161 = arith.constant 0 : i32
      %dma_wait3A_162 = tpu.memref_slice %arg10[%mul3A_149, %dma_wait3A_161] : memref<10240x128xf32, #tpu.memory_space<vmem_shared>> -> memref<640x128xf32, #tpu.memory_space<vmem_shared>>
      tpu.wait_dma2 semaphore(%run_scoped3A : memref<!tpu.dma_semaphore, #tpu.memory_space<semaphore_mem>>) src(%dma_wait3A_162 : memref<640x128xf32, #tpu.memory_space<vmem_shared>>) dst(%dma_wait3A_160 : memref<640x128xf32, #tpu.memory_space<hbm>>)
      tpu.yield
    }) : () -> ()
    return
  }
}

#map = affine_map<(d0, d1) -> (0, 0)>
#map1 = affine_map<(d0, d1) -> (0)>
module attributes {stable_mosaic.version = 14 : i64} {
  func.func @_edge_body(%arg0: i32, %arg1: i32, %arg2: memref<10000x128xf32, #tpu.memory_space<hbm>>, %arg3: memref<327680xi32, #tpu.memory_space<hbm>>, %arg4: memref<327680xi32, #tpu.memory_space<hbm>>, %arg5: memref<640x128xf32, #tpu.memory_space<hbm>>, %arg6: memref<20480x128xf32, #tpu.memory_space<hbm>>, %arg7: memref<4x128xi32, #tpu.memory_space<vmem>>, %arg8: memref<4x128xi32, #tpu.memory_space<vmem>>, %arg9: memref<2x128x128xf32, #tpu.memory_space<vmem>>, %arg10: memref<10240x128xf32, #tpu.memory_space<vmem_shared>>, %arg11: memref<!tpu.dma_semaphore, #tpu.memory_space<semaphore_mem>>, %arg12: memref<!tpu.dma_semaphore, #tpu.memory_space<semaphore_mem>>, %arg13: memref<!tpu.dma_semaphore, #tpu.memory_space<semaphore_mem>>, %arg14: memref<!tpu.dma_semaphore, #tpu.memory_space<semaphore_mem>>, %arg15: memref<!tpu.dma_semaphore, #tpu.memory_space<semaphore_mem>>, %arg16: memref<!tpu.dma_semaphore, #tpu.memory_space<semaphore_mem>>) attributes {dimension_semantics = [#tpu.dimension_semantics<core_parallel>, #tpu.dimension_semantics<subcore_parallel>], iteration_bounds = array<i64: 2, 16>, scalar_prefetch = 0 : i64, scratch_operands = 10 : i64, tpu.core_type = #tpu.core_type<sc_vector_subcore>, window_params = [{transform_indices = #map}, {transform_indices = #map1}, {transform_indices = #map1}, {transform_indices = #map}, {transform_indices = #map}]} {
    %mul3A = arith.constant 16 : i32
    %mul3A_0 = arith.muli %arg0, %mul3A : i32
    %add3A = arith.addi %mul3A_0, %arg1 : i32
    %mul3A_1 = arith.constant 640 : i32
    %mul3A_2 = arith.muli %arg1, %mul3A_1 : i32
    "tpu.region"() ({
      %run_scoped3A = tpu.sem_alloc : memref<!tpu.dma_semaphore, #tpu.memory_space<semaphore_mem>>
      %dma_start3A_155 = arith.constant 0 : i32
      %dma_start3A_156 = tpu.memref_slice %arg10[%mul3A_2, %dma_start3A_155] : memref<10240x128xf32, #tpu.memory_space<vmem_shared>> -> memref<640x128xf32, #tpu.memory_space<vmem_shared>>
      tpu.enqueue_dma source(%arg5 : memref<640x128xf32, #tpu.memory_space<hbm>>) target(%dma_start3A_156 : memref<640x128xf32, #tpu.memory_space<vmem_shared>>) target_semaphore(%run_scoped3A : memref<!tpu.dma_semaphore, #tpu.memory_space<semaphore_mem>>)
      %dma_wait3A_157 = arith.constant 0 : i32
      %dma_wait3A_158 = tpu.memref_slice %arg10[%mul3A_2, %dma_wait3A_157] : memref<10240x128xf32, #tpu.memory_space<vmem_shared>> -> memref<640x128xf32, #tpu.memory_space<vmem_shared>>
      tpu.wait_dma2 semaphore(%run_scoped3A : memref<!tpu.dma_semaphore, #tpu.memory_space<semaphore_mem>>) src(%arg5 : memref<640x128xf32, #tpu.memory_space<hbm>>) dst(%dma_wait3A_158 : memref<640x128xf32, #tpu.memory_space<vmem_shared>>)
      tpu.yield
    }) : () -> ()
    %barrier3A = arith.constant 0 : index
    tpu.barrier barrier_id(%barrier3A)
    %mul3A_3 = arith.constant 10240 : i32
    %mul3A_4 = arith.muli %add3A, %mul3A_3 : i32
    %add3A_5 = arith.constant 0 : i32
    %add3A_6 = arith.addi %mul3A_4, %add3A_5 : i32
    %dma_start3A = arith.constant 0 : i32
    %dma_start3A_7 = arith.constant 0 : i32
    %dma_start3A_8 = tpu.memref_slice %arg7[%dma_start3A, %dma_start3A_7] : memref<4x128xi32, #tpu.memory_space<vmem>> -> memref<1x128xi32, #tpu.memory_space<vmem>>
    %dma_start3A_9 = tpu.memref_squeeze %dma_start3A_8 : memref<1x128xi32, #tpu.memory_space<vmem>> -> memref<128xi32, #tpu.memory_space<vmem>>
    %dma_start3A_10 = tpu.memref_slice %arg3[%add3A_6] : memref<327680xi32, #tpu.memory_space<hbm>> -> memref<128xi32, #tpu.memory_space<hbm>>
    %dma_start3A_11 = arith.constant 0 : i32
    %dma_start3A_12 = tpu.memref_slice %arg7[%dma_start3A, %dma_start3A_11] : memref<4x128xi32, #tpu.memory_space<vmem>> -> memref<1x128xi32, #tpu.memory_space<vmem>>
    %dma_start3A_13 = tpu.memref_squeeze %dma_start3A_12 : memref<1x128xi32, #tpu.memory_space<vmem>> -> memref<128xi32, #tpu.memory_space<vmem>>
    %dma_start3A_14 = tpu.memref_slice %arg3[%add3A_6] : memref<327680xi32, #tpu.memory_space<hbm>> -> memref<128xi32, #tpu.memory_space<hbm>>
    tpu.enqueue_dma source(%dma_start3A_14 : memref<128xi32, #tpu.memory_space<hbm>>) target(%dma_start3A_13 : memref<128xi32, #tpu.memory_space<vmem>>) target_semaphore(%arg13 : memref<!tpu.dma_semaphore, #tpu.memory_space<semaphore_mem>>)
    %dma_start3A_15 = arith.constant 0 : i32
    %dma_start3A_16 = arith.constant 0 : i32
    %dma_start3A_17 = tpu.memref_slice %arg8[%dma_start3A_15, %dma_start3A_16] : memref<4x128xi32, #tpu.memory_space<vmem>> -> memref<1x128xi32, #tpu.memory_space<vmem>>
    %dma_start3A_18 = tpu.memref_squeeze %dma_start3A_17 : memref<1x128xi32, #tpu.memory_space<vmem>> -> memref<128xi32, #tpu.memory_space<vmem>>
    %dma_start3A_19 = tpu.memref_slice %arg4[%add3A_6] : memref<327680xi32, #tpu.memory_space<hbm>> -> memref<128xi32, #tpu.memory_space<hbm>>
    %dma_start3A_20 = arith.constant 0 : i32
    %dma_start3A_21 = tpu.memref_slice %arg8[%dma_start3A_15, %dma_start3A_20] : memref<4x128xi32, #tpu.memory_space<vmem>> -> memref<1x128xi32, #tpu.memory_space<vmem>>
    %dma_start3A_22 = tpu.memref_squeeze %dma_start3A_21 : memref<1x128xi32, #tpu.memory_space<vmem>> -> memref<128xi32, #tpu.memory_space<vmem>>
    %dma_start3A_23 = tpu.memref_slice %arg4[%add3A_6] : memref<327680xi32, #tpu.memory_space<hbm>> -> memref<128xi32, #tpu.memory_space<hbm>>
    tpu.enqueue_dma source(%dma_start3A_23 : memref<128xi32, #tpu.memory_space<hbm>>) target(%dma_start3A_22 : memref<128xi32, #tpu.memory_space<vmem>>) target_semaphore(%arg13 : memref<!tpu.dma_semaphore, #tpu.memory_space<semaphore_mem>>)
    %dma_wait3A = arith.constant 0 : i32
    %dma_wait3A_24 = arith.constant 0 : i32
    %dma_wait3A_25 = tpu.memref_slice %arg7[%dma_wait3A, %dma_wait3A_24] : memref<4x128xi32, #tpu.memory_space<vmem>> -> memref<1x128xi32, #tpu.memory_space<vmem>>
    %dma_wait3A_26 = tpu.memref_squeeze %dma_wait3A_25 : memref<1x128xi32, #tpu.memory_space<vmem>> -> memref<128xi32, #tpu.memory_space<vmem>>
    %dma_wait3A_27 = tpu.memref_slice %arg3[%add3A_6] : memref<327680xi32, #tpu.memory_space<hbm>> -> memref<128xi32, #tpu.memory_space<hbm>>
    %dma_wait3A_28 = arith.constant 0 : i32
    %dma_wait3A_29 = tpu.memref_slice %arg7[%dma_wait3A, %dma_wait3A_28] : memref<4x128xi32, #tpu.memory_space<vmem>> -> memref<1x128xi32, #tpu.memory_space<vmem>>
    %dma_wait3A_30 = tpu.memref_squeeze %dma_wait3A_29 : memref<1x128xi32, #tpu.memory_space<vmem>> -> memref<128xi32, #tpu.memory_space<vmem>>
    %dma_wait3A_31 = tpu.memref_slice %arg3[%add3A_6] : memref<327680xi32, #tpu.memory_space<hbm>> -> memref<128xi32, #tpu.memory_space<hbm>>
    tpu.wait_dma2 semaphore(%arg13 : memref<!tpu.dma_semaphore, #tpu.memory_space<semaphore_mem>>) src(%dma_wait3A_31 : memref<128xi32, #tpu.memory_space<hbm>>) dst(%dma_wait3A_30 : memref<128xi32, #tpu.memory_space<vmem>>)
    %dma_wait3A_32 = arith.constant 0 : i32
    %dma_wait3A_33 = arith.constant 0 : i32
    %dma_wait3A_34 = tpu.memref_slice %arg8[%dma_wait3A_32, %dma_wait3A_33] : memref<4x128xi32, #tpu.memory_space<vmem>> -> memref<1x128xi32, #tpu.memory_space<vmem>>
    %dma_wait3A_35 = tpu.memref_squeeze %dma_wait3A_34 : memref<1x128xi32, #tpu.memory_space<vmem>> -> memref<128xi32, #tpu.memory_space<vmem>>
    %dma_wait3A_36 = tpu.memref_slice %arg4[%add3A_6] : memref<327680xi32, #tpu.memory_space<hbm>> -> memref<128xi32, #tpu.memory_space<hbm>>
    %dma_wait3A_37 = arith.constant 0 : i32
    %dma_wait3A_38 = tpu.memref_slice %arg8[%dma_wait3A_32, %dma_wait3A_37] : memref<4x128xi32, #tpu.memory_space<vmem>> -> memref<1x128xi32, #tpu.memory_space<vmem>>
    %dma_wait3A_39 = tpu.memref_squeeze %dma_wait3A_38 : memref<1x128xi32, #tpu.memory_space<vmem>> -> memref<128xi32, #tpu.memory_space<vmem>>
    %dma_wait3A_40 = tpu.memref_slice %arg4[%add3A_6] : memref<327680xi32, #tpu.memory_space<hbm>> -> memref<128xi32, #tpu.memory_space<hbm>>
    tpu.wait_dma2 semaphore(%arg13 : memref<!tpu.dma_semaphore, #tpu.memory_space<semaphore_mem>>) src(%dma_wait3A_40 : memref<128xi32, #tpu.memory_space<hbm>>) dst(%dma_wait3A_39 : memref<128xi32, #tpu.memory_space<vmem>>)
    %dma_start3A_41 = arith.constant 0 : i32
    %dma_start3A_42 = arith.constant 0 : i32
    %dma_start3A_43 = arith.constant 0 : i32
    %dma_start3A_44 = arith.constant 0 : i32
    %dma_start3A_45 = tpu.memref_slice %arg9[%dma_start3A_42, %dma_start3A_43, %dma_start3A_44] : memref<2x128x128xf32, #tpu.memory_space<vmem>> -> memref<1x128x128xf32, #tpu.memory_space<vmem>>
    %dma_start3A_46 = tpu.memref_squeeze %dma_start3A_45 : memref<1x128x128xf32, #tpu.memory_space<vmem>> -> memref<128x128xf32, #tpu.memory_space<vmem>>
    %dma_start3A_47 = arith.constant 0 : i32
    %dma_start3A_48 = tpu.memref_slice %arg7[%dma_start3A_41, %dma_start3A_47] : memref<4x128xi32, #tpu.memory_space<vmem>> -> memref<1x128xi32, #tpu.memory_space<vmem>>
    %dma_start3A_49 = tpu.memref_squeeze %dma_start3A_48 : memref<1x128xi32, #tpu.memory_space<vmem>> -> memref<128xi32, #tpu.memory_space<vmem>>
    %dma_start3A_50 = arith.constant 0 : i32
    %dma_start3A_51 = arith.constant 0 : i32
    %dma_start3A_52 = tpu.memref_slice %arg2[%dma_start3A_50, %dma_start3A_51] : memref<10000x128xf32, #tpu.memory_space<hbm>> -> memref<10000x128xf32, #tpu.memory_space<hbm>>
    tpu.enqueue_indirect_dma source(%dma_start3A_52 : memref<10000x128xf32, #tpu.memory_space<hbm>>) target(%dma_start3A_46 : memref<128x128xf32, #tpu.memory_space<vmem>>) offsets(%dma_start3A_49 : memref<128xi32, #tpu.memory_space<vmem>>) semaphore(%arg11 : memref<!tpu.dma_semaphore, #tpu.memory_space<semaphore_mem>>)
    %add3A_53 = arith.constant 128 : i32
    %add3A_54 = arith.addi %mul3A_4, %add3A_53 : i32
    %dma_start3A_55 = arith.constant 1 : i32
    %dma_start3A_56 = arith.constant 0 : i32
    %dma_start3A_57 = tpu.memref_slice %arg7[%dma_start3A_55, %dma_start3A_56] : memref<4x128xi32, #tpu.memory_space<vmem>> -> memref<1x128xi32, #tpu.memory_space<vmem>>
    %dma_start3A_58 = tpu.memref_squeeze %dma_start3A_57 : memref<1x128xi32, #tpu.memory_space<vmem>> -> memref<128xi32, #tpu.memory_space<vmem>>
    %dma_start3A_59 = tpu.memref_slice %arg3[%add3A_54] : memref<327680xi32, #tpu.memory_space<hbm>> -> memref<128xi32, #tpu.memory_space<hbm>>
    %dma_start3A_60 = arith.constant 0 : i32
    %dma_start3A_61 = tpu.memref_slice %arg7[%dma_start3A_55, %dma_start3A_60] : memref<4x128xi32, #tpu.memory_space<vmem>> -> memref<1x128xi32, #tpu.memory_space<vmem>>
    %dma_start3A_62 = tpu.memref_squeeze %dma_start3A_61 : memref<1x128xi32, #tpu.memory_space<vmem>> -> memref<128xi32, #tpu.memory_space<vmem>>
    %dma_start3A_63 = tpu.memref_slice %arg3[%add3A_54] : memref<327680xi32, #tpu.memory_space<hbm>> -> memref<128xi32, #tpu.memory_space<hbm>>
    tpu.enqueue_dma source(%dma_start3A_63 : memref<128xi32, #tpu.memory_space<hbm>>) target(%dma_start3A_62 : memref<128xi32, #tpu.memory_space<vmem>>) target_semaphore(%arg14 : memref<!tpu.dma_semaphore, #tpu.memory_space<semaphore_mem>>)
    %dma_start3A_64 = arith.constant 1 : i32
    %dma_start3A_65 = arith.constant 0 : i32
    %dma_start3A_66 = tpu.memref_slice %arg8[%dma_start3A_64, %dma_start3A_65] : memref<4x128xi32, #tpu.memory_space<vmem>> -> memref<1x128xi32, #tpu.memory_space<vmem>>
    %dma_start3A_67 = tpu.memref_squeeze %dma_start3A_66 : memref<1x128xi32, #tpu.memory_space<vmem>> -> memref<128xi32, #tpu.memory_space<vmem>>
    %dma_start3A_68 = tpu.memref_slice %arg4[%add3A_54] : memref<327680xi32, #tpu.memory_space<hbm>> -> memref<128xi32, #tpu.memory_space<hbm>>
    %dma_start3A_69 = arith.constant 0 : i32
    %dma_start3A_70 = tpu.memref_slice %arg8[%dma_start3A_64, %dma_start3A_69] : memref<4x128xi32, #tpu.memory_space<vmem>> -> memref<1x128xi32, #tpu.memory_space<vmem>>
    %dma_start3A_71 = tpu.memref_squeeze %dma_start3A_70 : memref<1x128xi32, #tpu.memory_space<vmem>> -> memref<128xi32, #tpu.memory_space<vmem>>
    %dma_start3A_72 = tpu.memref_slice %arg4[%add3A_54] : memref<327680xi32, #tpu.memory_space<hbm>> -> memref<128xi32, #tpu.memory_space<hbm>>
    tpu.enqueue_dma source(%dma_start3A_72 : memref<128xi32, #tpu.memory_space<hbm>>) target(%dma_start3A_71 : memref<128xi32, #tpu.memory_space<vmem>>) target_semaphore(%arg14 : memref<!tpu.dma_semaphore, #tpu.memory_space<semaphore_mem>>)
    %dma_wait3A_73 = arith.constant 1 : i32
    %dma_wait3A_74 = arith.constant 0 : i32
    %dma_wait3A_75 = tpu.memref_slice %arg7[%dma_wait3A_73, %dma_wait3A_74] : memref<4x128xi32, #tpu.memory_space<vmem>> -> memref<1x128xi32, #tpu.memory_space<vmem>>
    %dma_wait3A_76 = tpu.memref_squeeze %dma_wait3A_75 : memref<1x128xi32, #tpu.memory_space<vmem>> -> memref<128xi32, #tpu.memory_space<vmem>>
    %dma_wait3A_77 = tpu.memref_slice %arg3[%add3A_54] : memref<327680xi32, #tpu.memory_space<hbm>> -> memref<128xi32, #tpu.memory_space<hbm>>
    %dma_wait3A_78 = arith.constant 0 : i32
    %dma_wait3A_79 = tpu.memref_slice %arg7[%dma_wait3A_73, %dma_wait3A_78] : memref<4x128xi32, #tpu.memory_space<vmem>> -> memref<1x128xi32, #tpu.memory_space<vmem>>
    %dma_wait3A_80 = tpu.memref_squeeze %dma_wait3A_79 : memref<1x128xi32, #tpu.memory_space<vmem>> -> memref<128xi32, #tpu.memory_space<vmem>>
    %dma_wait3A_81 = tpu.memref_slice %arg3[%add3A_54] : memref<327680xi32, #tpu.memory_space<hbm>> -> memref<128xi32, #tpu.memory_space<hbm>>
    tpu.wait_dma2 semaphore(%arg14 : memref<!tpu.dma_semaphore, #tpu.memory_space<semaphore_mem>>) src(%dma_wait3A_81 : memref<128xi32, #tpu.memory_space<hbm>>) dst(%dma_wait3A_80 : memref<128xi32, #tpu.memory_space<vmem>>)
    %dma_wait3A_82 = arith.constant 1 : i32
    %dma_wait3A_83 = arith.constant 0 : i32
    %dma_wait3A_84 = tpu.memref_slice %arg8[%dma_wait3A_82, %dma_wait3A_83] : memref<4x128xi32, #tpu.memory_space<vmem>> -> memref<1x128xi32, #tpu.memory_space<vmem>>
    %dma_wait3A_85 = tpu.memref_squeeze %dma_wait3A_84 : memref<1x128xi32, #tpu.memory_space<vmem>> -> memref<128xi32, #tpu.memory_space<vmem>>
    %dma_wait3A_86 = tpu.memref_slice %arg4[%add3A_54] : memref<327680xi32, #tpu.memory_space<hbm>> -> memref<128xi32, #tpu.memory_space<hbm>>
    %dma_wait3A_87 = arith.constant 0 : i32
    %dma_wait3A_88 = tpu.memref_slice %arg8[%dma_wait3A_82, %dma_wait3A_87] : memref<4x128xi32, #tpu.memory_space<vmem>> -> memref<1x128xi32, #tpu.memory_space<vmem>>
    %dma_wait3A_89 = tpu.memref_squeeze %dma_wait3A_88 : memref<1x128xi32, #tpu.memory_space<vmem>> -> memref<128xi32, #tpu.memory_space<vmem>>
    %dma_wait3A_90 = tpu.memref_slice %arg4[%add3A_54] : memref<327680xi32, #tpu.memory_space<hbm>> -> memref<128xi32, #tpu.memory_space<hbm>>
    tpu.wait_dma2 semaphore(%arg14 : memref<!tpu.dma_semaphore, #tpu.memory_space<semaphore_mem>>) src(%dma_wait3A_90 : memref<128xi32, #tpu.memory_space<hbm>>) dst(%dma_wait3A_89 : memref<128xi32, #tpu.memory_space<vmem>>)
    %dma_start3A_91 = arith.constant 1 : i32
    %dma_start3A_92 = arith.constant 1 : i32
    %dma_start3A_93 = arith.constant 0 : i32
    %dma_start3A_94 = arith.constant 0 : i32
    %dma_start3A_95 = tpu.memref_slice %arg9[%dma_start3A_92, %dma_start3A_93, %dma_start3A_94] : memref<2x128x128xf32, #tpu.memory_space<vmem>> -> memref<1x128x128xf32, #tpu.memory_space<vmem>>
    %dma_start3A_96 = tpu.memref_squeeze %dma_start3A_95 : memref<1x128x128xf32, #tpu.memory_space<vmem>> -> memref<128x128xf32, #tpu.memory_space<vmem>>
    %dma_start3A_97 = arith.constant 0 : i32
    %dma_start3A_98 = tpu.memref_slice %arg7[%dma_start3A_91, %dma_start3A_97] : memref<4x128xi32, #tpu.memory_space<vmem>> -> memref<1x128xi32, #tpu.memory_space<vmem>>
    %dma_start3A_99 = tpu.memref_squeeze %dma_start3A_98 : memref<1x128xi32, #tpu.memory_space<vmem>> -> memref<128xi32, #tpu.memory_space<vmem>>
    %dma_start3A_100 = arith.constant 0 : i32
    %dma_start3A_101 = arith.constant 0 : i32
    %dma_start3A_102 = tpu.memref_slice %arg2[%dma_start3A_100, %dma_start3A_101] : memref<10000x128xf32, #tpu.memory_space<hbm>> -> memref<10000x128xf32, #tpu.memory_space<hbm>>
    tpu.enqueue_indirect_dma source(%dma_start3A_102 : memref<10000x128xf32, #tpu.memory_space<hbm>>) target(%dma_start3A_96 : memref<128x128xf32, #tpu.memory_space<vmem>>) offsets(%dma_start3A_99 : memref<128xi32, #tpu.memory_space<vmem>>) semaphore(%arg12 : memref<!tpu.dma_semaphore, #tpu.memory_space<semaphore_mem>>)
    %add3A_103 = arith.constant 256 : i32
    %add3A_104 = arith.addi %mul3A_4, %add3A_103 : i32
    %dma_start3A_105 = arith.constant 2 : i32
    %dma_start3A_106 = arith.constant 0 : i32
    %dma_start3A_107 = tpu.memref_slice %arg7[%dma_start3A_105, %dma_start3A_106] : memref<4x128xi32, #tpu.memory_space<vmem>> -> memref<1x128xi32, #tpu.memory_space<vmem>>
    %dma_start3A_108 = tpu.memref_squeeze %dma_start3A_107 : memref<1x128xi32, #tpu.memory_space<vmem>> -> memref<128xi32, #tpu.memory_space<vmem>>
    %dma_start3A_109 = tpu.memref_slice %arg3[%add3A_104] : memref<327680xi32, #tpu.memory_space<hbm>> -> memref<128xi32, #tpu.memory_space<hbm>>
    %dma_start3A_110 = arith.constant 0 : i32
    %dma_start3A_111 = tpu.memref_slice %arg7[%dma_start3A_105, %dma_start3A_110] : memref<4x128xi32, #tpu.memory_space<vmem>> -> memref<1x128xi32, #tpu.memory_space<vmem>>
    %dma_start3A_112 = tpu.memref_squeeze %dma_start3A_111 : memref<1x128xi32, #tpu.memory_space<vmem>> -> memref<128xi32, #tpu.memory_space<vmem>>
    %dma_start3A_113 = tpu.memref_slice %arg3[%add3A_104] : memref<327680xi32, #tpu.memory_space<hbm>> -> memref<128xi32, #tpu.memory_space<hbm>>
    tpu.enqueue_dma source(%dma_start3A_113 : memref<128xi32, #tpu.memory_space<hbm>>) target(%dma_start3A_112 : memref<128xi32, #tpu.memory_space<vmem>>) target_semaphore(%arg15 : memref<!tpu.dma_semaphore, #tpu.memory_space<semaphore_mem>>)
    %dma_start3A_114 = arith.constant 2 : i32
    %dma_start3A_115 = arith.constant 0 : i32
    %dma_start3A_116 = tpu.memref_slice %arg8[%dma_start3A_114, %dma_start3A_115] : memref<4x128xi32, #tpu.memory_space<vmem>> -> memref<1x128xi32, #tpu.memory_space<vmem>>
    %dma_start3A_117 = tpu.memref_squeeze %dma_start3A_116 : memref<1x128xi32, #tpu.memory_space<vmem>> -> memref<128xi32, #tpu.memory_space<vmem>>
    %dma_start3A_118 = tpu.memref_slice %arg4[%add3A_104] : memref<327680xi32, #tpu.memory_space<hbm>> -> memref<128xi32, #tpu.memory_space<hbm>>
    %dma_start3A_119 = arith.constant 0 : i32
    %dma_start3A_120 = tpu.memref_slice %arg8[%dma_start3A_114, %dma_start3A_119] : memref<4x128xi32, #tpu.memory_space<vmem>> -> memref<1x128xi32, #tpu.memory_space<vmem>>
    %dma_start3A_121 = tpu.memref_squeeze %dma_start3A_120 : memref<1x128xi32, #tpu.memory_space<vmem>> -> memref<128xi32, #tpu.memory_space<vmem>>
    %dma_start3A_122 = tpu.memref_slice %arg4[%add3A_104] : memref<327680xi32, #tpu.memory_space<hbm>> -> memref<128xi32, #tpu.memory_space<hbm>>
    tpu.enqueue_dma source(%dma_start3A_122 : memref<128xi32, #tpu.memory_space<hbm>>) target(%dma_start3A_121 : memref<128xi32, #tpu.memory_space<vmem>>) target_semaphore(%arg15 : memref<!tpu.dma_semaphore, #tpu.memory_space<semaphore_mem>>)
    %add3A_123 = arith.constant 384 : i32
    %add3A_124 = arith.addi %mul3A_4, %add3A_123 : i32
    %dma_start3A_125 = arith.constant 3 : i32
    %dma_start3A_126 = arith.constant 0 : i32
    %dma_start3A_127 = tpu.memref_slice %arg7[%dma_start3A_125, %dma_start3A_126] : memref<4x128xi32, #tpu.memory_space<vmem>> -> memref<1x128xi32, #tpu.memory_space<vmem>>
    %dma_start3A_128 = tpu.memref_squeeze %dma_start3A_127 : memref<1x128xi32, #tpu.memory_space<vmem>> -> memref<128xi32, #tpu.memory_space<vmem>>
    %dma_start3A_129 = tpu.memref_slice %arg3[%add3A_124] : memref<327680xi32, #tpu.memory_space<hbm>> -> memref<128xi32, #tpu.memory_space<hbm>>
    %dma_start3A_130 = arith.constant 0 : i32
    %dma_start3A_131 = tpu.memref_slice %arg7[%dma_start3A_125, %dma_start3A_130] : memref<4x128xi32, #tpu.memory_space<vmem>> -> memref<1x128xi32, #tpu.memory_space<vmem>>
    %dma_start3A_132 = tpu.memref_squeeze %dma_start3A_131 : memref<1x128xi32, #tpu.memory_space<vmem>> -> memref<128xi32, #tpu.memory_space<vmem>>
    %dma_start3A_133 = tpu.memref_slice %arg3[%add3A_124] : memref<327680xi32, #tpu.memory_space<hbm>> -> memref<128xi32, #tpu.memory_space<hbm>>
    tpu.enqueue_dma source(%dma_start3A_133 : memref<128xi32, #tpu.memory_space<hbm>>) target(%dma_start3A_132 : memref<128xi32, #tpu.memory_space<vmem>>) target_semaphore(%arg16 : memref<!tpu.dma_semaphore, #tpu.memory_space<semaphore_mem>>)
    %dma_start3A_134 = arith.constant 3 : i32
    %dma_start3A_135 = arith.constant 0 : i32
    %dma_start3A_136 = tpu.memref_slice %arg8[%dma_start3A_134, %dma_start3A_135] : memref<4x128xi32, #tpu.memory_space<vmem>> -> memref<1x128xi32, #tpu.memory_space<vmem>>
    %dma_start3A_137 = tpu.memref_squeeze %dma_start3A_136 : memref<1x128xi32, #tpu.memory_space<vmem>> -> memref<128xi32, #tpu.memory_space<vmem>>
    %dma_start3A_138 = tpu.memref_slice %arg4[%add3A_124] : memref<327680xi32, #tpu.memory_space<hbm>> -> memref<128xi32, #tpu.memory_space<hbm>>
    %dma_start3A_139 = arith.constant 0 : i32
    %dma_start3A_140 = tpu.memref_slice %arg8[%dma_start3A_134, %dma_start3A_139] : memref<4x128xi32, #tpu.memory_space<vmem>> -> memref<1x128xi32, #tpu.memory_space<vmem>>
    %dma_start3A_141 = tpu.memref_squeeze %dma_start3A_140 : memref<1x128xi32, #tpu.memory_space<vmem>> -> memref<128xi32, #tpu.memory_space<vmem>>
    %dma_start3A_142 = tpu.memref_slice %arg4[%add3A_124] : memref<327680xi32, #tpu.memory_space<hbm>> -> memref<128xi32, #tpu.memory_space<hbm>>
    tpu.enqueue_dma source(%dma_start3A_142 : memref<128xi32, #tpu.memory_space<hbm>>) target(%dma_start3A_141 : memref<128xi32, #tpu.memory_space<vmem>>) target_semaphore(%arg16 : memref<!tpu.dma_semaphore, #tpu.memory_space<semaphore_mem>>)
    %scan3A = arith.constant 0 : i32
    %scan3A_143 = arith.constant 20 : i32
    %scan3A_144 = arith.addi %scan3A, %scan3A_143 : i32
    %scan3A_145 = arith.constant 1 : i32
    scf.for %scan3A_155 = %scan3A to %scan3A_144 step %scan3A_145  : i32 {
      %mul3A_156 = arith.constant 1 : i32
      %mul3A_157 = arith.muli %scan3A_155, %mul3A_156 : i32
      %add3A_158 = arith.constant 0 : i32
      %add3A_159 = arith.addi %add3A_158, %mul3A_157 : i32
      %mul3A_160 = arith.constant 4 : i32
      %mul3A_161 = arith.muli %mul3A_160, %add3A_159 : i32
      %add3A_162 = arith.constant 0 : i32
      %add3A_163 = arith.addi %mul3A_161, %add3A_162 : i32
      %dma_wait3A_164 = arith.constant 0 : i32
      %dma_wait3A_165 = arith.constant 0 : i32
      %dma_wait3A_166 = arith.constant 0 : i32
      %dma_wait3A_167 = arith.constant 0 : i32
      %dma_wait3A_168 = tpu.memref_slice %arg9[%dma_wait3A_165, %dma_wait3A_166, %dma_wait3A_167] : memref<2x128x128xf32, #tpu.memory_space<vmem>> -> memref<1x128x128xf32, #tpu.memory_space<vmem>>
      %dma_wait3A_169 = tpu.memref_squeeze %dma_wait3A_168 : memref<1x128x128xf32, #tpu.memory_space<vmem>> -> memref<128x128xf32, #tpu.memory_space<vmem>>
      %dma_wait3A_170 = arith.constant 0 : i32
      %dma_wait3A_171 = tpu.memref_slice %arg7[%dma_wait3A_164, %dma_wait3A_170] : memref<4x128xi32, #tpu.memory_space<vmem>> -> memref<1x128xi32, #tpu.memory_space<vmem>>
      %dma_wait3A_172 = tpu.memref_squeeze %dma_wait3A_171 : memref<1x128xi32, #tpu.memory_space<vmem>> -> memref<128xi32, #tpu.memory_space<vmem>>
      %dma_wait3A_173 = arith.constant 0 : i32
      %dma_wait3A_174 = arith.constant 0 : i32
      %dma_wait3A_175 = tpu.memref_slice %arg2[%dma_wait3A_173, %dma_wait3A_174] : memref<10000x128xf32, #tpu.memory_space<hbm>> -> memref<10000x128xf32, #tpu.memory_space<hbm>>
      tpu.wait_indirect_dma semaphore(%arg11 : memref<!tpu.dma_semaphore, #tpu.memory_space<semaphore_mem>>) src(%dma_wait3A_175 : memref<10000x128xf32, #tpu.memory_space<hbm>>) dst(%dma_wait3A_169 : memref<128x128xf32, #tpu.memory_space<vmem>>)
      %run_scoped3A = arith.constant 0 : i32
      %run_scoped3A_176 = arith.constant 0 : i32
      "tpu.region"() ({
        %run_scoped3A_328 = tpu.sem_alloc : memref<!tpu.dma_semaphore, #tpu.memory_space<semaphore_mem>>
        %dma_start3A_329 = arith.constant 0 : i32
        %dma_start3A_330 = arith.constant 0 : i32
        %dma_start3A_331 = tpu.memref_slice %arg9[%run_scoped3A, %dma_start3A_329, %dma_start3A_330] : memref<2x128x128xf32, #tpu.memory_space<vmem>> -> memref<1x128x128xf32, #tpu.memory_space<vmem>>
        %dma_start3A_332 = tpu.memref_squeeze %dma_start3A_331 : memref<1x128x128xf32, #tpu.memory_space<vmem>> -> memref<128x128xf32, #tpu.memory_space<vmem>>
        %dma_start3A_333 = arith.constant 0 : i32
        %dma_start3A_334 = tpu.memref_slice %arg8[%run_scoped3A_176, %dma_start3A_333] : memref<4x128xi32, #tpu.memory_space<vmem>> -> memref<1x128xi32, #tpu.memory_space<vmem>>
        %dma_start3A_335 = tpu.memref_squeeze %dma_start3A_334 : memref<1x128xi32, #tpu.memory_space<vmem>> -> memref<128xi32, #tpu.memory_space<vmem>>
        %dma_start3A_336 = arith.constant 0 : i32
        %dma_start3A_337 = arith.constant 0 : i32
        %dma_start3A_338 = tpu.memref_slice %arg10[%dma_start3A_336, %dma_start3A_337] : memref<10240x128xf32, #tpu.memory_space<vmem_shared>> -> memref<10240x128xf32, #tpu.memory_space<vmem_shared>>
        tpu.enqueue_indirect_dma source(%dma_start3A_332 : memref<128x128xf32, #tpu.memory_space<vmem>>) target(%dma_start3A_338 : memref<10240x128xf32, #tpu.memory_space<vmem_shared>>) offsets(%dma_start3A_335 : memref<128xi32, #tpu.memory_space<vmem>>) semaphore(%run_scoped3A_328 : memref<!tpu.dma_semaphore, #tpu.memory_space<semaphore_mem>>) {add = true}
        %dma_wait3A_339 = arith.constant 0 : i32
        %dma_wait3A_340 = arith.constant 0 : i32
        %dma_wait3A_341 = tpu.memref_slice %arg9[%run_scoped3A, %dma_wait3A_339, %dma_wait3A_340] : memref<2x128x128xf32, #tpu.memory_space<vmem>> -> memref<1x128x128xf32, #tpu.memory_space<vmem>>
        %dma_wait3A_342 = tpu.memref_squeeze %dma_wait3A_341 : memref<1x128x128xf32, #tpu.memory_space<vmem>> -> memref<128x128xf32, #tpu.memory_space<vmem>>
        %dma_wait3A_343 = arith.constant 0 : i32
        %dma_wait3A_344 = tpu.memref_slice %arg8[%run_scoped3A_176, %dma_wait3A_343] : memref<4x128xi32, #tpu.memory_space<vmem>> -> memref<1x128xi32, #tpu.memory_space<vmem>>
        %dma_wait3A_345 = tpu.memref_squeeze %dma_wait3A_344 : memref<1x128xi32, #tpu.memory_space<vmem>> -> memref<128xi32, #tpu.memory_space<vmem>>
        %dma_wait3A_346 = arith.constant 0 : i32
        %dma_wait3A_347 = arith.constant 0 : i32
        %dma_wait3A_348 = tpu.memref_slice %arg10[%dma_wait3A_346, %dma_wait3A_347] : memref<10240x128xf32, #tpu.memory_space<vmem_shared>> -> memref<10240x128xf32, #tpu.memory_space<vmem_shared>>
        tpu.wait_indirect_dma semaphore(%run_scoped3A_328 : memref<!tpu.dma_semaphore, #tpu.memory_space<semaphore_mem>>) src(%dma_wait3A_342 : memref<128x128xf32, #tpu.memory_space<vmem>>) dst(%dma_wait3A_348 : memref<10240x128xf32, #tpu.memory_space<vmem_shared>>)
        tpu.yield
      }) : () -> ()
      %lt3A = arith.constant 19 : i32
      %lt3A_177 = arith.cmpi slt, %add3A_159, %lt3A : i32
      %convert_element_type3A = arith.extui %lt3A_177 : i1 to i32
      %cond3A = arith.constant 0 : i32
      %cond3A_178 = arith.cmpi ne, %convert_element_type3A, %cond3A : i32
      scf.if %cond3A_178 {
        %add3A_328 = arith.constant 4 : i32
        %add3A_329 = arith.addi %add3A_163, %add3A_328 : i32
        %mul3A_330 = arith.constant 128 : i32
        %mul3A_331 = arith.muli %add3A_329, %mul3A_330 : i32
        %add3A_332 = arith.addi %mul3A_4, %mul3A_331 : i32
        %dma_start3A_333 = arith.constant 0 : i32
        %dma_start3A_334 = arith.constant 0 : i32
        %dma_start3A_335 = tpu.memref_slice %arg7[%dma_start3A_333, %dma_start3A_334] : memref<4x128xi32, #tpu.memory_space<vmem>> -> memref<1x128xi32, #tpu.memory_space<vmem>>
        %dma_start3A_336 = tpu.memref_squeeze %dma_start3A_335 : memref<1x128xi32, #tpu.memory_space<vmem>> -> memref<128xi32, #tpu.memory_space<vmem>>
        %dma_start3A_337 = tpu.memref_slice %arg3[%add3A_332] : memref<327680xi32, #tpu.memory_space<hbm>> -> memref<128xi32, #tpu.memory_space<hbm>>
        %dma_start3A_338 = arith.constant 0 : i32
        %dma_start3A_339 = tpu.memref_slice %arg7[%dma_start3A_333, %dma_start3A_338] : memref<4x128xi32, #tpu.memory_space<vmem>> -> memref<1x128xi32, #tpu.memory_space<vmem>>
        %dma_start3A_340 = tpu.memref_squeeze %dma_start3A_339 : memref<1x128xi32, #tpu.memory_space<vmem>> -> memref<128xi32, #tpu.memory_space<vmem>>
        %dma_start3A_341 = tpu.memref_slice %arg3[%add3A_332] : memref<327680xi32, #tpu.memory_space<hbm>> -> memref<128xi32, #tpu.memory_space<hbm>>
        tpu.enqueue_dma source(%dma_start3A_341 : memref<128xi32, #tpu.memory_space<hbm>>) target(%dma_start3A_340 : memref<128xi32, #tpu.memory_space<vmem>>) target_semaphore(%arg13 : memref<!tpu.dma_semaphore, #tpu.memory_space<semaphore_mem>>)
        %dma_start3A_342 = arith.constant 0 : i32
        %dma_start3A_343 = arith.constant 0 : i32
        %dma_start3A_344 = tpu.memref_slice %arg8[%dma_start3A_342, %dma_start3A_343] : memref<4x128xi32, #tpu.memory_space<vmem>> -> memref<1x128xi32, #tpu.memory_space<vmem>>
        %dma_start3A_345 = tpu.memref_squeeze %dma_start3A_344 : memref<1x128xi32, #tpu.memory_space<vmem>> -> memref<128xi32, #tpu.memory_space<vmem>>
        %dma_start3A_346 = tpu.memref_slice %arg4[%add3A_332] : memref<327680xi32, #tpu.memory_space<hbm>> -> memref<128xi32, #tpu.memory_space<hbm>>
        %dma_start3A_347 = arith.constant 0 : i32
        %dma_start3A_348 = tpu.memref_slice %arg8[%dma_start3A_342, %dma_start3A_347] : memref<4x128xi32, #tpu.memory_space<vmem>> -> memref<1x128xi32, #tpu.memory_space<vmem>>
        %dma_start3A_349 = tpu.memref_squeeze %dma_start3A_348 : memref<1x128xi32, #tpu.memory_space<vmem>> -> memref<128xi32, #tpu.memory_space<vmem>>
        %dma_start3A_350 = tpu.memref_slice %arg4[%add3A_332] : memref<327680xi32, #tpu.memory_space<hbm>> -> memref<128xi32, #tpu.memory_space<hbm>>
        tpu.enqueue_dma source(%dma_start3A_350 : memref<128xi32, #tpu.memory_space<hbm>>) target(%dma_start3A_349 : memref<128xi32, #tpu.memory_space<vmem>>) target_semaphore(%arg13 : memref<!tpu.dma_semaphore, #tpu.memory_space<semaphore_mem>>)
      } else {
      }
      %add3A_179 = arith.constant 2 : i32
      %add3A_180 = arith.addi %add3A_163, %add3A_179 : i32
      %mul3A_181 = arith.constant 128 : i32
      %mul3A_182 = arith.muli %add3A_180, %mul3A_181 : i32
      %add3A_183 = arith.addi %mul3A_4, %mul3A_182 : i32
      %dma_wait3A_184 = arith.constant 2 : i32
      %dma_wait3A_185 = arith.constant 0 : i32
      %dma_wait3A_186 = tpu.memref_slice %arg7[%dma_wait3A_184, %dma_wait3A_185] : memref<4x128xi32, #tpu.memory_space<vmem>> -> memref<1x128xi32, #tpu.memory_space<vmem>>
      %dma_wait3A_187 = tpu.memref_squeeze %dma_wait3A_186 : memref<1x128xi32, #tpu.memory_space<vmem>> -> memref<128xi32, #tpu.memory_space<vmem>>
      %dma_wait3A_188 = tpu.memref_slice %arg3[%add3A_183] : memref<327680xi32, #tpu.memory_space<hbm>> -> memref<128xi32, #tpu.memory_space<hbm>>
      %dma_wait3A_189 = arith.constant 0 : i32
      %dma_wait3A_190 = tpu.memref_slice %arg7[%dma_wait3A_184, %dma_wait3A_189] : memref<4x128xi32, #tpu.memory_space<vmem>> -> memref<1x128xi32, #tpu.memory_space<vmem>>
      %dma_wait3A_191 = tpu.memref_squeeze %dma_wait3A_190 : memref<1x128xi32, #tpu.memory_space<vmem>> -> memref<128xi32, #tpu.memory_space<vmem>>
      %dma_wait3A_192 = tpu.memref_slice %arg3[%add3A_183] : memref<327680xi32, #tpu.memory_space<hbm>> -> memref<128xi32, #tpu.memory_space<hbm>>
      tpu.wait_dma2 semaphore(%arg15 : memref<!tpu.dma_semaphore, #tpu.memory_space<semaphore_mem>>) src(%dma_wait3A_192 : memref<128xi32, #tpu.memory_space<hbm>>) dst(%dma_wait3A_191 : memref<128xi32, #tpu.memory_space<vmem>>)
      %dma_wait3A_193 = arith.constant 2 : i32
      %dma_wait3A_194 = arith.constant 0 : i32
      %dma_wait3A_195 = tpu.memref_slice %arg8[%dma_wait3A_193, %dma_wait3A_194] : memref<4x128xi32, #tpu.memory_space<vmem>> -> memref<1x128xi32, #tpu.memory_space<vmem>>
      %dma_wait3A_196 = tpu.memref_squeeze %dma_wait3A_195 : memref<1x128xi32, #tpu.memory_space<vmem>> -> memref<128xi32, #tpu.memory_space<vmem>>
      %dma_wait3A_197 = tpu.memref_slice %arg4[%add3A_183] : memref<327680xi32, #tpu.memory_space<hbm>> -> memref<128xi32, #tpu.memory_space<hbm>>
      %dma_wait3A_198 = arith.constant 0 : i32
      %dma_wait3A_199 = tpu.memref_slice %arg8[%dma_wait3A_193, %dma_wait3A_198] : memref<4x128xi32, #tpu.memory_space<vmem>> -> memref<1x128xi32, #tpu.memory_space<vmem>>
      %dma_wait3A_200 = tpu.memref_squeeze %dma_wait3A_199 : memref<1x128xi32, #tpu.memory_space<vmem>> -> memref<128xi32, #tpu.memory_space<vmem>>
      %dma_wait3A_201 = tpu.memref_slice %arg4[%add3A_183] : memref<327680xi32, #tpu.memory_space<hbm>> -> memref<128xi32, #tpu.memory_space<hbm>>
      tpu.wait_dma2 semaphore(%arg15 : memref<!tpu.dma_semaphore, #tpu.memory_space<semaphore_mem>>) src(%dma_wait3A_201 : memref<128xi32, #tpu.memory_space<hbm>>) dst(%dma_wait3A_200 : memref<128xi32, #tpu.memory_space<vmem>>)
      %dma_start3A_202 = arith.constant 2 : i32
      %dma_start3A_203 = arith.constant 0 : i32
      %dma_start3A_204 = arith.constant 0 : i32
      %dma_start3A_205 = arith.constant 0 : i32
      %dma_start3A_206 = tpu.memref_slice %arg9[%dma_start3A_203, %dma_start3A_204, %dma_start3A_205] : memref<2x128x128xf32, #tpu.memory_space<vmem>> -> memref<1x128x128xf32, #tpu.memory_space<vmem>>
      %dma_start3A_207 = tpu.memref_squeeze %dma_start3A_206 : memref<1x128x128xf32, #tpu.memory_space<vmem>> -> memref<128x128xf32, #tpu.memory_space<vmem>>
      %dma_start3A_208 = arith.constant 0 : i32
      %dma_start3A_209 = tpu.memref_slice %arg7[%dma_start3A_202, %dma_start3A_208] : memref<4x128xi32, #tpu.memory_space<vmem>> -> memref<1x128xi32, #tpu.memory_space<vmem>>
      %dma_start3A_210 = tpu.memref_squeeze %dma_start3A_209 : memref<1x128xi32, #tpu.memory_space<vmem>> -> memref<128xi32, #tpu.memory_space<vmem>>
      %dma_start3A_211 = arith.constant 0 : i32
      %dma_start3A_212 = arith.constant 0 : i32
      %dma_start3A_213 = tpu.memref_slice %arg2[%dma_start3A_211, %dma_start3A_212] : memref<10000x128xf32, #tpu.memory_space<hbm>> -> memref<10000x128xf32, #tpu.memory_space<hbm>>
      tpu.enqueue_indirect_dma source(%dma_start3A_213 : memref<10000x128xf32, #tpu.memory_space<hbm>>) target(%dma_start3A_207 : memref<128x128xf32, #tpu.memory_space<vmem>>) offsets(%dma_start3A_210 : memref<128xi32, #tpu.memory_space<vmem>>) semaphore(%arg11 : memref<!tpu.dma_semaphore, #tpu.memory_space<semaphore_mem>>)
      %mul3A_214 = arith.constant 4 : i32
      %mul3A_215 = arith.muli %mul3A_214, %add3A_159 : i32
      %add3A_216 = arith.constant 1 : i32
      %add3A_217 = arith.addi %mul3A_215, %add3A_216 : i32
      %dma_wait3A_218 = arith.constant 1 : i32
      %dma_wait3A_219 = arith.constant 1 : i32
      %dma_wait3A_220 = arith.constant 0 : i32
      %dma_wait3A_221 = arith.constant 0 : i32
      %dma_wait3A_222 = tpu.memref_slice %arg9[%dma_wait3A_219, %dma_wait3A_220, %dma_wait3A_221] : memref<2x128x128xf32, #tpu.memory_space<vmem>> -> memref<1x128x128xf32, #tpu.memory_space<vmem>>
      %dma_wait3A_223 = tpu.memref_squeeze %dma_wait3A_222 : memref<1x128x128xf32, #tpu.memory_space<vmem>> -> memref<128x128xf32, #tpu.memory_space<vmem>>
      %dma_wait3A_224 = arith.constant 0 : i32
      %dma_wait3A_225 = tpu.memref_slice %arg7[%dma_wait3A_218, %dma_wait3A_224] : memref<4x128xi32, #tpu.memory_space<vmem>> -> memref<1x128xi32, #tpu.memory_space<vmem>>
      %dma_wait3A_226 = tpu.memref_squeeze %dma_wait3A_225 : memref<1x128xi32, #tpu.memory_space<vmem>> -> memref<128xi32, #tpu.memory_space<vmem>>
      %dma_wait3A_227 = arith.constant 0 : i32
      %dma_wait3A_228 = arith.constant 0 : i32
      %dma_wait3A_229 = tpu.memref_slice %arg2[%dma_wait3A_227, %dma_wait3A_228] : memref<10000x128xf32, #tpu.memory_space<hbm>> -> memref<10000x128xf32, #tpu.memory_space<hbm>>
      tpu.wait_indirect_dma semaphore(%arg12 : memref<!tpu.dma_semaphore, #tpu.memory_space<semaphore_mem>>) src(%dma_wait3A_229 : memref<10000x128xf32, #tpu.memory_space<hbm>>) dst(%dma_wait3A_223 : memref<128x128xf32, #tpu.memory_space<vmem>>)
      %run_scoped3A_230 = arith.constant 1 : i32
      %run_scoped3A_231 = arith.constant 1 : i32
      "tpu.region"() ({
        %run_scoped3A_328 = tpu.sem_alloc : memref<!tpu.dma_semaphore, #tpu.memory_space<semaphore_mem>>
        %dma_start3A_329 = arith.constant 0 : i32
        %dma_start3A_330 = arith.constant 0 : i32
        %dma_start3A_331 = tpu.memref_slice %arg9[%run_scoped3A_230, %dma_start3A_329, %dma_start3A_330] : memref<2x128x128xf32, #tpu.memory_space<vmem>> -> memref<1x128x128xf32, #tpu.memory_space<vmem>>
        %dma_start3A_332 = tpu.memref_squeeze %dma_start3A_331 : memref<1x128x128xf32, #tpu.memory_space<vmem>> -> memref<128x128xf32, #tpu.memory_space<vmem>>
        %dma_start3A_333 = arith.constant 0 : i32
        %dma_start3A_334 = tpu.memref_slice %arg8[%run_scoped3A_231, %dma_start3A_333] : memref<4x128xi32, #tpu.memory_space<vmem>> -> memref<1x128xi32, #tpu.memory_space<vmem>>
        %dma_start3A_335 = tpu.memref_squeeze %dma_start3A_334 : memref<1x128xi32, #tpu.memory_space<vmem>> -> memref<128xi32, #tpu.memory_space<vmem>>
        %dma_start3A_336 = arith.constant 0 : i32
        %dma_start3A_337 = arith.constant 0 : i32
        %dma_start3A_338 = tpu.memref_slice %arg10[%dma_start3A_336, %dma_start3A_337] : memref<10240x128xf32, #tpu.memory_space<vmem_shared>> -> memref<10240x128xf32, #tpu.memory_space<vmem_shared>>
        tpu.enqueue_indirect_dma source(%dma_start3A_332 : memref<128x128xf32, #tpu.memory_space<vmem>>) target(%dma_start3A_338 : memref<10240x128xf32, #tpu.memory_space<vmem_shared>>) offsets(%dma_start3A_335 : memref<128xi32, #tpu.memory_space<vmem>>) semaphore(%run_scoped3A_328 : memref<!tpu.dma_semaphore, #tpu.memory_space<semaphore_mem>>) {add = true}
        %dma_wait3A_339 = arith.constant 0 : i32
        %dma_wait3A_340 = arith.constant 0 : i32
        %dma_wait3A_341 = tpu.memref_slice %arg9[%run_scoped3A_230, %dma_wait3A_339, %dma_wait3A_340] : memref<2x128x128xf32, #tpu.memory_space<vmem>> -> memref<1x128x128xf32, #tpu.memory_space<vmem>>
        %dma_wait3A_342 = tpu.memref_squeeze %dma_wait3A_341 : memref<1x128x128xf32, #tpu.memory_space<vmem>> -> memref<128x128xf32, #tpu.memory_space<vmem>>
        %dma_wait3A_343 = arith.constant 0 : i32
        %dma_wait3A_344 = tpu.memref_slice %arg8[%run_scoped3A_231, %dma_wait3A_343] : memref<4x128xi32, #tpu.memory_space<vmem>> -> memref<1x128xi32, #tpu.memory_space<vmem>>
        %dma_wait3A_345 = tpu.memref_squeeze %dma_wait3A_344 : memref<1x128xi32, #tpu.memory_space<vmem>> -> memref<128xi32, #tpu.memory_space<vmem>>
        %dma_wait3A_346 = arith.constant 0 : i32
        %dma_wait3A_347 = arith.constant 0 : i32
        %dma_wait3A_348 = tpu.memref_slice %arg10[%dma_wait3A_346, %dma_wait3A_347] : memref<10240x128xf32, #tpu.memory_space<vmem_shared>> -> memref<10240x128xf32, #tpu.memory_space<vmem_shared>>
        tpu.wait_indirect_dma semaphore(%run_scoped3A_328 : memref<!tpu.dma_semaphore, #tpu.memory_space<semaphore_mem>>) src(%dma_wait3A_342 : memref<128x128xf32, #tpu.memory_space<vmem>>) dst(%dma_wait3A_348 : memref<10240x128xf32, #tpu.memory_space<vmem_shared>>)
        tpu.yield
      }) : () -> ()
      %lt3A_232 = arith.constant 19 : i32
      %lt3A_233 = arith.cmpi slt, %add3A_159, %lt3A_232 : i32
      %convert_element_type3A_234 = arith.extui %lt3A_233 : i1 to i32
      %cond3A_235 = arith.constant 0 : i32
      %cond3A_236 = arith.cmpi ne, %convert_element_type3A_234, %cond3A_235 : i32
      scf.if %cond3A_236 {
        %add3A_328 = arith.constant 4 : i32
        %add3A_329 = arith.addi %add3A_217, %add3A_328 : i32
        %mul3A_330 = arith.constant 128 : i32
        %mul3A_331 = arith.muli %add3A_329, %mul3A_330 : i32
        %add3A_332 = arith.addi %mul3A_4, %mul3A_331 : i32
        %dma_start3A_333 = arith.constant 1 : i32
        %dma_start3A_334 = arith.constant 0 : i32
        %dma_start3A_335 = tpu.memref_slice %arg7[%dma_start3A_333, %dma_start3A_334] : memref<4x128xi32, #tpu.memory_space<vmem>> -> memref<1x128xi32, #tpu.memory_space<vmem>>
        %dma_start3A_336 = tpu.memref_squeeze %dma_start3A_335 : memref<1x128xi32, #tpu.memory_space<vmem>> -> memref<128xi32, #tpu.memory_space<vmem>>
        %dma_start3A_337 = tpu.memref_slice %arg3[%add3A_332] : memref<327680xi32, #tpu.memory_space<hbm>> -> memref<128xi32, #tpu.memory_space<hbm>>
        %dma_start3A_338 = arith.constant 0 : i32
        %dma_start3A_339 = tpu.memref_slice %arg7[%dma_start3A_333, %dma_start3A_338] : memref<4x128xi32, #tpu.memory_space<vmem>> -> memref<1x128xi32, #tpu.memory_space<vmem>>
        %dma_start3A_340 = tpu.memref_squeeze %dma_start3A_339 : memref<1x128xi32, #tpu.memory_space<vmem>> -> memref<128xi32, #tpu.memory_space<vmem>>
        %dma_start3A_341 = tpu.memref_slice %arg3[%add3A_332] : memref<327680xi32, #tpu.memory_space<hbm>> -> memref<128xi32, #tpu.memory_space<hbm>>
        tpu.enqueue_dma source(%dma_start3A_341 : memref<128xi32, #tpu.memory_space<hbm>>) target(%dma_start3A_340 : memref<128xi32, #tpu.memory_space<vmem>>) target_semaphore(%arg14 : memref<!tpu.dma_semaphore, #tpu.memory_space<semaphore_mem>>)
        %dma_start3A_342 = arith.constant 1 : i32
        %dma_start3A_343 = arith.constant 0 : i32
        %dma_start3A_344 = tpu.memref_slice %arg8[%dma_start3A_342, %dma_start3A_343] : memref<4x128xi32, #tpu.memory_space<vmem>> -> memref<1x128xi32, #tpu.memory_space<vmem>>
        %dma_start3A_345 = tpu.memref_squeeze %dma_start3A_344 : memref<1x128xi32, #tpu.memory_space<vmem>> -> memref<128xi32, #tpu.memory_space<vmem>>
        %dma_start3A_346 = tpu.memref_slice %arg4[%add3A_332] : memref<327680xi32, #tpu.memory_space<hbm>> -> memref<128xi32, #tpu.memory_space<hbm>>
        %dma_start3A_347 = arith.constant 0 : i32
        %dma_start3A_348 = tpu.memref_slice %arg8[%dma_start3A_342, %dma_start3A_347] : memref<4x128xi32, #tpu.memory_space<vmem>> -> memref<1x128xi32, #tpu.memory_space<vmem>>
        %dma_start3A_349 = tpu.memref_squeeze %dma_start3A_348 : memref<1x128xi32, #tpu.memory_space<vmem>> -> memref<128xi32, #tpu.memory_space<vmem>>
        %dma_start3A_350 = tpu.memref_slice %arg4[%add3A_332] : memref<327680xi32, #tpu.memory_space<hbm>> -> memref<128xi32, #tpu.memory_space<hbm>>
        tpu.enqueue_dma source(%dma_start3A_350 : memref<128xi32, #tpu.memory_space<hbm>>) target(%dma_start3A_349 : memref<128xi32, #tpu.memory_space<vmem>>) target_semaphore(%arg14 : memref<!tpu.dma_semaphore, #tpu.memory_space<semaphore_mem>>)
      } else {
      }
      %add3A_237 = arith.constant 2 : i32
      %add3A_238 = arith.addi %add3A_217, %add3A_237 : i32
      %mul3A_239 = arith.constant 128 : i32
      %mul3A_240 = arith.muli %add3A_238, %mul3A_239 : i32
      %add3A_241 = arith.addi %mul3A_4, %mul3A_240 : i32
      %dma_wait3A_242 = arith.constant 3 : i32
      %dma_wait3A_243 = arith.constant 0 : i32
      %dma_wait3A_244 = tpu.memref_slice %arg7[%dma_wait3A_242, %dma_wait3A_243] : memref<4x128xi32, #tpu.memory_space<vmem>> -> memref<1x128xi32, #tpu.memory_space<vmem>>
      %dma_wait3A_245 = tpu.memref_squeeze %dma_wait3A_244 : memref<1x128xi32, #tpu.memory_space<vmem>> -> memref<128xi32, #tpu.memory_space<vmem>>
      %dma_wait3A_246 = tpu.memref_slice %arg3[%add3A_241] : memref<327680xi32, #tpu.memory_space<hbm>> -> memref<128xi32, #tpu.memory_space<hbm>>
      %dma_wait3A_247 = arith.constant 0 : i32
      %dma_wait3A_248 = tpu.memref_slice %arg7[%dma_wait3A_242, %dma_wait3A_247] : memref<4x128xi32, #tpu.memory_space<vmem>> -> memref<1x128xi32, #tpu.memory_space<vmem>>
      %dma_wait3A_249 = tpu.memref_squeeze %dma_wait3A_248 : memref<1x128xi32, #tpu.memory_space<vmem>> -> memref<128xi32, #tpu.memory_space<vmem>>
      %dma_wait3A_250 = tpu.memref_slice %arg3[%add3A_241] : memref<327680xi32, #tpu.memory_space<hbm>> -> memref<128xi32, #tpu.memory_space<hbm>>
      tpu.wait_dma2 semaphore(%arg16 : memref<!tpu.dma_semaphore, #tpu.memory_space<semaphore_mem>>) src(%dma_wait3A_250 : memref<128xi32, #tpu.memory_space<hbm>>) dst(%dma_wait3A_249 : memref<128xi32, #tpu.memory_space<vmem>>)
      %dma_wait3A_251 = arith.constant 3 : i32
      %dma_wait3A_252 = arith.constant 0 : i32
      %dma_wait3A_253 = tpu.memref_slice %arg8[%dma_wait3A_251, %dma_wait3A_252] : memref<4x128xi32, #tpu.memory_space<vmem>> -> memref<1x128xi32, #tpu.memory_space<vmem>>
      %dma_wait3A_254 = tpu.memref_squeeze %dma_wait3A_253 : memref<1x128xi32, #tpu.memory_space<vmem>> -> memref<128xi32, #tpu.memory_space<vmem>>
      %dma_wait3A_255 = tpu.memref_slice %arg4[%add3A_241] : memref<327680xi32, #tpu.memory_space<hbm>> -> memref<128xi32, #tpu.memory_space<hbm>>
      %dma_wait3A_256 = arith.constant 0 : i32
      %dma_wait3A_257 = tpu.memref_slice %arg8[%dma_wait3A_251, %dma_wait3A_256] : memref<4x128xi32, #tpu.memory_space<vmem>> -> memref<1x128xi32, #tpu.memory_space<vmem>>
      %dma_wait3A_258 = tpu.memref_squeeze %dma_wait3A_257 : memref<1x128xi32, #tpu.memory_space<vmem>> -> memref<128xi32, #tpu.memory_space<vmem>>
      %dma_wait3A_259 = tpu.memref_slice %arg4[%add3A_241] : memref<327680xi32, #tpu.memory_space<hbm>> -> memref<128xi32, #tpu.memory_space<hbm>>
      tpu.wait_dma2 semaphore(%arg16 : memref<!tpu.dma_semaphore, #tpu.memory_space<semaphore_mem>>) src(%dma_wait3A_259 : memref<128xi32, #tpu.memory_space<hbm>>) dst(%dma_wait3A_258 : memref<128xi32, #tpu.memory_space<vmem>>)
      %dma_start3A_260 = arith.constant 3 : i32
      %dma_start3A_261 = arith.constant 1 : i32
      %dma_start3A_262 = arith.constant 0 : i32
      %dma_start3A_263 = arith.constant 0 : i32
      %dma_start3A_264 = tpu.memref_slice %arg9[%dma_start3A_261, %dma_start3A_262, %dma_start3A_263] : memref<2x128x128xf32, #tpu.memory_space<vmem>> -> memref<1x128x128xf32, #tpu.memory_space<vmem>>
      %dma_start3A_265 = tpu.memref_squeeze %dma_start3A_264 : memref<1x128x128xf32, #tpu.memory_space<vmem>> -> memref<128x128xf32, #tpu.memory_space<vmem>>
      %dma_start3A_266 = arith.constant 0 : i32
      %dma_start3A_267 = tpu.memref_slice %arg7[%dma_start3A_260, %dma_start3A_266] : memref<4x128xi32, #tpu.memory_space<vmem>> -> memref<1x128xi32, #tpu.memory_space<vmem>>
      %dma_start3A_268 = tpu.memref_squeeze %dma_start3A_267 : memref<1x128xi32, #tpu.memory_space<vmem>> -> memref<128xi32, #tpu.memory_space<vmem>>
      %dma_start3A_269 = arith.constant 0 : i32
      %dma_start3A_270 = arith.constant 0 : i32
      %dma_start3A_271 = tpu.memref_slice %arg2[%dma_start3A_269, %dma_start3A_270] : memref<10000x128xf32, #tpu.memory_space<hbm>> -> memref<10000x128xf32, #tpu.memory_space<hbm>>
      tpu.enqueue_indirect_dma source(%dma_start3A_271 : memref<10000x128xf32, #tpu.memory_space<hbm>>) target(%dma_start3A_265 : memref<128x128xf32, #tpu.memory_space<vmem>>) offsets(%dma_start3A_268 : memref<128xi32, #tpu.memory_space<vmem>>) semaphore(%arg12 : memref<!tpu.dma_semaphore, #tpu.memory_space<semaphore_mem>>)
      %mul3A_272 = arith.constant 4 : i32
      %mul3A_273 = arith.muli %mul3A_272, %add3A_159 : i32
      %add3A_274 = arith.constant 2 : i32
      %add3A_275 = arith.addi %mul3A_273, %add3A_274 : i32
      %dma_wait3A_276 = arith.constant 2 : i32
      %dma_wait3A_277 = arith.constant 0 : i32
      %dma_wait3A_278 = arith.constant 0 : i32
      %dma_wait3A_279 = arith.constant 0 : i32
      %dma_wait3A_280 = tpu.memref_slice %arg9[%dma_wait3A_277, %dma_wait3A_278, %dma_wait3A_279] : memref<2x128x128xf32, #tpu.memory_space<vmem>> -> memref<1x128x128xf32, #tpu.memory_space<vmem>>
      %dma_wait3A_281 = tpu.memref_squeeze %dma_wait3A_280 : memref<1x128x128xf32, #tpu.memory_space<vmem>> -> memref<128x128xf32, #tpu.memory_space<vmem>>
      %dma_wait3A_282 = arith.constant 0 : i32
      %dma_wait3A_283 = tpu.memref_slice %arg7[%dma_wait3A_276, %dma_wait3A_282] : memref<4x128xi32, #tpu.memory_space<vmem>> -> memref<1x128xi32, #tpu.memory_space<vmem>>
      %dma_wait3A_284 = tpu.memref_squeeze %dma_wait3A_283 : memref<1x128xi32, #tpu.memory_space<vmem>> -> memref<128xi32, #tpu.memory_space<vmem>>
      %dma_wait3A_285 = arith.constant 0 : i32
      %dma_wait3A_286 = arith.constant 0 : i32
      %dma_wait3A_287 = tpu.memref_slice %arg2[%dma_wait3A_285, %dma_wait3A_286] : memref<10000x128xf32, #tpu.memory_space<hbm>> -> memref<10000x128xf32, #tpu.memory_space<hbm>>
      tpu.wait_indirect_dma semaphore(%arg11 : memref<!tpu.dma_semaphore, #tpu.memory_space<semaphore_mem>>) src(%dma_wait3A_287 : memref<10000x128xf32, #tpu.memory_space<hbm>>) dst(%dma_wait3A_281 : memref<128x128xf32, #tpu.memory_space<vmem>>)
      %run_scoped3A_288 = arith.constant 0 : i32
      %run_scoped3A_289 = arith.constant 2 : i32
      "tpu.region"() ({
        %run_scoped3A_328 = tpu.sem_alloc : memref<!tpu.dma_semaphore, #tpu.memory_space<semaphore_mem>>
        %dma_start3A_329 = arith.constant 0 : i32
        %dma_start3A_330 = arith.constant 0 : i32
        %dma_start3A_331 = tpu.memref_slice %arg9[%run_scoped3A_288, %dma_start3A_329, %dma_start3A_330] : memref<2x128x128xf32, #tpu.memory_space<vmem>> -> memref<1x128x128xf32, #tpu.memory_space<vmem>>
        %dma_start3A_332 = tpu.memref_squeeze %dma_start3A_331 : memref<1x128x128xf32, #tpu.memory_space<vmem>> -> memref<128x128xf32, #tpu.memory_space<vmem>>
        %dma_start3A_333 = arith.constant 0 : i32
        %dma_start3A_334 = tpu.memref_slice %arg8[%run_scoped3A_289, %dma_start3A_333] : memref<4x128xi32, #tpu.memory_space<vmem>> -> memref<1x128xi32, #tpu.memory_space<vmem>>
        %dma_start3A_335 = tpu.memref_squeeze %dma_start3A_334 : memref<1x128xi32, #tpu.memory_space<vmem>> -> memref<128xi32, #tpu.memory_space<vmem>>
        %dma_start3A_336 = arith.constant 0 : i32
        %dma_start3A_337 = arith.constant 0 : i32
        %dma_start3A_338 = tpu.memref_slice %arg10[%dma_start3A_336, %dma_start3A_337] : memref<10240x128xf32, #tpu.memory_space<vmem_shared>> -> memref<10240x128xf32, #tpu.memory_space<vmem_shared>>
        tpu.enqueue_indirect_dma source(%dma_start3A_332 : memref<128x128xf32, #tpu.memory_space<vmem>>) target(%dma_start3A_338 : memref<10240x128xf32, #tpu.memory_space<vmem_shared>>) offsets(%dma_start3A_335 : memref<128xi32, #tpu.memory_space<vmem>>) semaphore(%run_scoped3A_328 : memref<!tpu.dma_semaphore, #tpu.memory_space<semaphore_mem>>) {add = true}
        %dma_wait3A_339 = arith.constant 0 : i32
        %dma_wait3A_340 = arith.constant 0 : i32
        %dma_wait3A_341 = tpu.memref_slice %arg9[%run_scoped3A_288, %dma_wait3A_339, %dma_wait3A_340] : memref<2x128x128xf32, #tpu.memory_space<vmem>> -> memref<1x128x128xf32, #tpu.memory_space<vmem>>
        %dma_wait3A_342 = tpu.memref_squeeze %dma_wait3A_341 : memref<1x128x128xf32, #tpu.memory_space<vmem>> -> memref<128x128xf32, #tpu.memory_space<vmem>>
        %dma_wait3A_343 = arith.constant 0 : i32
        %dma_wait3A_344 = tpu.memref_slice %arg8[%run_scoped3A_289, %dma_wait3A_343] : memref<4x128xi32, #tpu.memory_space<vmem>> -> memref<1x128xi32, #tpu.memory_space<vmem>>
        %dma_wait3A_345 = tpu.memref_squeeze %dma_wait3A_344 : memref<1x128xi32, #tpu.memory_space<vmem>> -> memref<128xi32, #tpu.memory_space<vmem>>
        %dma_wait3A_346 = arith.constant 0 : i32
        %dma_wait3A_347 = arith.constant 0 : i32
        %dma_wait3A_348 = tpu.memref_slice %arg10[%dma_wait3A_346, %dma_wait3A_347] : memref<10240x128xf32, #tpu.memory_space<vmem_shared>> -> memref<10240x128xf32, #tpu.memory_space<vmem_shared>>
        tpu.wait_indirect_dma semaphore(%run_scoped3A_328 : memref<!tpu.dma_semaphore, #tpu.memory_space<semaphore_mem>>) src(%dma_wait3A_342 : memref<128x128xf32, #tpu.memory_space<vmem>>) dst(%dma_wait3A_348 : memref<10240x128xf32, #tpu.memory_space<vmem_shared>>)
        tpu.yield
      }) : () -> ()
      %lt3A_290 = arith.constant 19 : i32
      %lt3A_291 = arith.cmpi slt, %add3A_159, %lt3A_290 : i32
      %convert_element_type3A_292 = arith.extui %lt3A_291 : i1 to i32
      %cond3A_293 = arith.constant 0 : i32
      %cond3A_294 = arith.cmpi ne, %convert_element_type3A_292, %cond3A_293 : i32
      scf.if %cond3A_294 {
        %add3A_328 = arith.constant 4 : i32
        %add3A_329 = arith.addi %add3A_275, %add3A_328 : i32
        %mul3A_330 = arith.constant 128 : i32
        %mul3A_331 = arith.muli %add3A_329, %mul3A_330 : i32
        %add3A_332 = arith.addi %mul3A_4, %mul3A_331 : i32
        %dma_start3A_333 = arith.constant 2 : i32
        %dma_start3A_334 = arith.constant 0 : i32
        %dma_start3A_335 = tpu.memref_slice %arg7[%dma_start3A_333, %dma_start3A_334] : memref<4x128xi32, #tpu.memory_space<vmem>> -> memref<1x128xi32, #tpu.memory_space<vmem>>
        %dma_start3A_336 = tpu.memref_squeeze %dma_start3A_335 : memref<1x128xi32, #tpu.memory_space<vmem>> -> memref<128xi32, #tpu.memory_space<vmem>>
        %dma_start3A_337 = tpu.memref_slice %arg3[%add3A_332] : memref<327680xi32, #tpu.memory_space<hbm>> -> memref<128xi32, #tpu.memory_space<hbm>>
        %dma_start3A_338 = arith.constant 0 : i32
        %dma_start3A_339 = tpu.memref_slice %arg7[%dma_start3A_333, %dma_start3A_338] : memref<4x128xi32, #tpu.memory_space<vmem>> -> memref<1x128xi32, #tpu.memory_space<vmem>>
        %dma_start3A_340 = tpu.memref_squeeze %dma_start3A_339 : memref<1x128xi32, #tpu.memory_space<vmem>> -> memref<128xi32, #tpu.memory_space<vmem>>
        %dma_start3A_341 = tpu.memref_slice %arg3[%add3A_332] : memref<327680xi32, #tpu.memory_space<hbm>> -> memref<128xi32, #tpu.memory_space<hbm>>
        tpu.enqueue_dma source(%dma_start3A_341 : memref<128xi32, #tpu.memory_space<hbm>>) target(%dma_start3A_340 : memref<128xi32, #tpu.memory_space<vmem>>) target_semaphore(%arg15 : memref<!tpu.dma_semaphore, #tpu.memory_space<semaphore_mem>>)
        %dma_start3A_342 = arith.constant 2 : i32
        %dma_start3A_343 = arith.constant 0 : i32
        %dma_start3A_344 = tpu.memref_slice %arg8[%dma_start3A_342, %dma_start3A_343] : memref<4x128xi32, #tpu.memory_space<vmem>> -> memref<1x128xi32, #tpu.memory_space<vmem>>
        %dma_start3A_345 = tpu.memref_squeeze %dma_start3A_344 : memref<1x128xi32, #tpu.memory_space<vmem>> -> memref<128xi32, #tpu.memory_space<vmem>>
        %dma_start3A_346 = tpu.memref_slice %arg4[%add3A_332] : memref<327680xi32, #tpu.memory_space<hbm>> -> memref<128xi32, #tpu.memory_space<hbm>>
        %dma_start3A_347 = arith.constant 0 : i32
        %dma_start3A_348 = tpu.memref_slice %arg8[%dma_start3A_342, %dma_start3A_347] : memref<4x128xi32, #tpu.memory_space<vmem>> -> memref<1x128xi32, #tpu.memory_space<vmem>>
        %dma_start3A_349 = tpu.memref_squeeze %dma_start3A_348 : memref<1x128xi32, #tpu.memory_space<vmem>> -> memref<128xi32, #tpu.memory_space<vmem>>
        %dma_start3A_350 = tpu.memref_slice %arg4[%add3A_332] : memref<327680xi32, #tpu.memory_space<hbm>> -> memref<128xi32, #tpu.memory_space<hbm>>
        tpu.enqueue_dma source(%dma_start3A_350 : memref<128xi32, #tpu.memory_space<hbm>>) target(%dma_start3A_349 : memref<128xi32, #tpu.memory_space<vmem>>) target_semaphore(%arg15 : memref<!tpu.dma_semaphore, #tpu.memory_space<semaphore_mem>>)
      } else {
      }
      %lt3A_295 = arith.constant 19 : i32
      %lt3A_296 = arith.cmpi slt, %add3A_159, %lt3A_295 : i32
      %convert_element_type3A_297 = arith.extui %lt3A_296 : i1 to i32
      %cond3A_298 = arith.constant 0 : i32
      %cond3A_299 = arith.cmpi ne, %convert_element_type3A_297, %cond3A_298 : i32
      scf.if %cond3A_299 {
        %add3A_328 = arith.constant 2 : i32
        %add3A_329 = arith.addi %add3A_275, %add3A_328 : i32
        %mul3A_330 = arith.constant 128 : i32
        %mul3A_331 = arith.muli %add3A_329, %mul3A_330 : i32
        %add3A_332 = arith.addi %mul3A_4, %mul3A_331 : i32
        %dma_wait3A_333 = arith.constant 0 : i32
        %dma_wait3A_334 = arith.constant 0 : i32
        %dma_wait3A_335 = tpu.memref_slice %arg7[%dma_wait3A_333, %dma_wait3A_334] : memref<4x128xi32, #tpu.memory_space<vmem>> -> memref<1x128xi32, #tpu.memory_space<vmem>>
        %dma_wait3A_336 = tpu.memref_squeeze %dma_wait3A_335 : memref<1x128xi32, #tpu.memory_space<vmem>> -> memref<128xi32, #tpu.memory_space<vmem>>
        %dma_wait3A_337 = tpu.memref_slice %arg3[%add3A_332] : memref<327680xi32, #tpu.memory_space<hbm>> -> memref<128xi32, #tpu.memory_space<hbm>>
        %dma_wait3A_338 = arith.constant 0 : i32
        %dma_wait3A_339 = tpu.memref_slice %arg7[%dma_wait3A_333, %dma_wait3A_338] : memref<4x128xi32, #tpu.memory_space<vmem>> -> memref<1x128xi32, #tpu.memory_space<vmem>>
        %dma_wait3A_340 = tpu.memref_squeeze %dma_wait3A_339 : memref<1x128xi32, #tpu.memory_space<vmem>> -> memref<128xi32, #tpu.memory_space<vmem>>
        %dma_wait3A_341 = tpu.memref_slice %arg3[%add3A_332] : memref<327680xi32, #tpu.memory_space<hbm>> -> memref<128xi32, #tpu.memory_space<hbm>>
        tpu.wait_dma2 semaphore(%arg13 : memref<!tpu.dma_semaphore, #tpu.memory_space<semaphore_mem>>) src(%dma_wait3A_341 : memref<128xi32, #tpu.memory_space<hbm>>) dst(%dma_wait3A_340 : memref<128xi32, #tpu.memory_space<vmem>>)
        %dma_wait3A_342 = arith.constant 0 : i32
        %dma_wait3A_343 = arith.constant 0 : i32
        %dma_wait3A_344 = tpu.memref_slice %arg8[%dma_wait3A_342, %dma_wait3A_343] : memref<4x128xi32, #tpu.memory_space<vmem>> -> memref<1x128xi32, #tpu.memory_space<vmem>>
        %dma_wait3A_345 = tpu.memref_squeeze %dma_wait3A_344 : memref<1x128xi32, #tpu.memory_space<vmem>> -> memref<128xi32, #tpu.memory_space<vmem>>
        %dma_wait3A_346 = tpu.memref_slice %arg4[%add3A_332] : memref<327680xi32, #tpu.memory_space<hbm>> -> memref<128xi32, #tpu.memory_space<hbm>>
        %dma_wait3A_347 = arith.constant 0 : i32
        %dma_wait3A_348 = tpu.memref_slice %arg8[%dma_wait3A_342, %dma_wait3A_347] : memref<4x128xi32, #tpu.memory_space<vmem>> -> memref<1x128xi32, #tpu.memory_space<vmem>>
        %dma_wait3A_349 = tpu.memref_squeeze %dma_wait3A_348 : memref<1x128xi32, #tpu.memory_space<vmem>> -> memref<128xi32, #tpu.memory_space<vmem>>
        %dma_wait3A_350 = tpu.memref_slice %arg4[%add3A_332] : memref<327680xi32, #tpu.memory_space<hbm>> -> memref<128xi32, #tpu.memory_space<hbm>>
        tpu.wait_dma2 semaphore(%arg13 : memref<!tpu.dma_semaphore, #tpu.memory_space<semaphore_mem>>) src(%dma_wait3A_350 : memref<128xi32, #tpu.memory_space<hbm>>) dst(%dma_wait3A_349 : memref<128xi32, #tpu.memory_space<vmem>>)
        %dma_start3A_351 = arith.constant 0 : i32
        %dma_start3A_352 = arith.constant 0 : i32
        %dma_start3A_353 = arith.constant 0 : i32
        %dma_start3A_354 = arith.constant 0 : i32
        %dma_start3A_355 = tpu.memref_slice %arg9[%dma_start3A_352, %dma_start3A_353, %dma_start3A_354] : memref<2x128x128xf32, #tpu.memory_space<vmem>> -> memref<1x128x128xf32, #tpu.memory_space<vmem>>
        %dma_start3A_356 = tpu.memref_squeeze %dma_start3A_355 : memref<1x128x128xf32, #tpu.memory_space<vmem>> -> memref<128x128xf32, #tpu.memory_space<vmem>>
        %dma_start3A_357 = arith.constant 0 : i32
        %dma_start3A_358 = tpu.memref_slice %arg7[%dma_start3A_351, %dma_start3A_357] : memref<4x128xi32, #tpu.memory_space<vmem>> -> memref<1x128xi32, #tpu.memory_space<vmem>>
        %dma_start3A_359 = tpu.memref_squeeze %dma_start3A_358 : memref<1x128xi32, #tpu.memory_space<vmem>> -> memref<128xi32, #tpu.memory_space<vmem>>
        %dma_start3A_360 = arith.constant 0 : i32
        %dma_start3A_361 = arith.constant 0 : i32
        %dma_start3A_362 = tpu.memref_slice %arg2[%dma_start3A_360, %dma_start3A_361] : memref<10000x128xf32, #tpu.memory_space<hbm>> -> memref<10000x128xf32, #tpu.memory_space<hbm>>
        tpu.enqueue_indirect_dma source(%dma_start3A_362 : memref<10000x128xf32, #tpu.memory_space<hbm>>) target(%dma_start3A_356 : memref<128x128xf32, #tpu.memory_space<vmem>>) offsets(%dma_start3A_359 : memref<128xi32, #tpu.memory_space<vmem>>) semaphore(%arg11 : memref<!tpu.dma_semaphore, #tpu.memory_space<semaphore_mem>>)
      } else {
      }
      %mul3A_300 = arith.constant 4 : i32
      %mul3A_301 = arith.muli %mul3A_300, %add3A_159 : i32
      %add3A_302 = arith.constant 3 : i32
      %add3A_303 = arith.addi %mul3A_301, %add3A_302 : i32
      %dma_wait3A_304 = arith.constant 3 : i32
      %dma_wait3A_305 = arith.constant 1 : i32
      %dma_wait3A_306 = arith.constant 0 : i32
      %dma_wait3A_307 = arith.constant 0 : i32
      %dma_wait3A_308 = tpu.memref_slice %arg9[%dma_wait3A_305, %dma_wait3A_306, %dma_wait3A_307] : memref<2x128x128xf32, #tpu.memory_space<vmem>> -> memref<1x128x128xf32, #tpu.memory_space<vmem>>
      %dma_wait3A_309 = tpu.memref_squeeze %dma_wait3A_308 : memref<1x128x128xf32, #tpu.memory_space<vmem>> -> memref<128x128xf32, #tpu.memory_space<vmem>>
      %dma_wait3A_310 = arith.constant 0 : i32
      %dma_wait3A_311 = tpu.memref_slice %arg7[%dma_wait3A_304, %dma_wait3A_310] : memref<4x128xi32, #tpu.memory_space<vmem>> -> memref<1x128xi32, #tpu.memory_space<vmem>>
      %dma_wait3A_312 = tpu.memref_squeeze %dma_wait3A_311 : memref<1x128xi32, #tpu.memory_space<vmem>> -> memref<128xi32, #tpu.memory_space<vmem>>
      %dma_wait3A_313 = arith.constant 0 : i32
      %dma_wait3A_314 = arith.constant 0 : i32
      %dma_wait3A_315 = tpu.memref_slice %arg2[%dma_wait3A_313, %dma_wait3A_314] : memref<10000x128xf32, #tpu.memory_space<hbm>> -> memref<10000x128xf32, #tpu.memory_space<hbm>>
      tpu.wait_indirect_dma semaphore(%arg12 : memref<!tpu.dma_semaphore, #tpu.memory_space<semaphore_mem>>) src(%dma_wait3A_315 : memref<10000x128xf32, #tpu.memory_space<hbm>>) dst(%dma_wait3A_309 : memref<128x128xf32, #tpu.memory_space<vmem>>)
      %run_scoped3A_316 = arith.constant 1 : i32
      %run_scoped3A_317 = arith.constant 3 : i32
      "tpu.region"() ({
        %run_scoped3A_328 = tpu.sem_alloc : memref<!tpu.dma_semaphore, #tpu.memory_space<semaphore_mem>>
        %dma_start3A_329 = arith.constant 0 : i32
        %dma_start3A_330 = arith.constant 0 : i32
        %dma_start3A_331 = tpu.memref_slice %arg9[%run_scoped3A_316, %dma_start3A_329, %dma_start3A_330] : memref<2x128x128xf32, #tpu.memory_space<vmem>> -> memref<1x128x128xf32, #tpu.memory_space<vmem>>
        %dma_start3A_332 = tpu.memref_squeeze %dma_start3A_331 : memref<1x128x128xf32, #tpu.memory_space<vmem>> -> memref<128x128xf32, #tpu.memory_space<vmem>>
        %dma_start3A_333 = arith.constant 0 : i32
        %dma_start3A_334 = tpu.memref_slice %arg8[%run_scoped3A_317, %dma_start3A_333] : memref<4x128xi32, #tpu.memory_space<vmem>> -> memref<1x128xi32, #tpu.memory_space<vmem>>
        %dma_start3A_335 = tpu.memref_squeeze %dma_start3A_334 : memref<1x128xi32, #tpu.memory_space<vmem>> -> memref<128xi32, #tpu.memory_space<vmem>>
        %dma_start3A_336 = arith.constant 0 : i32
        %dma_start3A_337 = arith.constant 0 : i32
        %dma_start3A_338 = tpu.memref_slice %arg10[%dma_start3A_336, %dma_start3A_337] : memref<10240x128xf32, #tpu.memory_space<vmem_shared>> -> memref<10240x128xf32, #tpu.memory_space<vmem_shared>>
        tpu.enqueue_indirect_dma source(%dma_start3A_332 : memref<128x128xf32, #tpu.memory_space<vmem>>) target(%dma_start3A_338 : memref<10240x128xf32, #tpu.memory_space<vmem_shared>>) offsets(%dma_start3A_335 : memref<128xi32, #tpu.memory_space<vmem>>) semaphore(%run_scoped3A_328 : memref<!tpu.dma_semaphore, #tpu.memory_space<semaphore_mem>>) {add = true}
        %dma_wait3A_339 = arith.constant 0 : i32
        %dma_wait3A_340 = arith.constant 0 : i32
        %dma_wait3A_341 = tpu.memref_slice %arg9[%run_scoped3A_316, %dma_wait3A_339, %dma_wait3A_340] : memref<2x128x128xf32, #tpu.memory_space<vmem>> -> memref<1x128x128xf32, #tpu.memory_space<vmem>>
        %dma_wait3A_342 = tpu.memref_squeeze %dma_wait3A_341 : memref<1x128x128xf32, #tpu.memory_space<vmem>> -> memref<128x128xf32, #tpu.memory_space<vmem>>
        %dma_wait3A_343 = arith.constant 0 : i32
        %dma_wait3A_344 = tpu.memref_slice %arg8[%run_scoped3A_317, %dma_wait3A_343] : memref<4x128xi32, #tpu.memory_space<vmem>> -> memref<1x128xi32, #tpu.memory_space<vmem>>
        %dma_wait3A_345 = tpu.memref_squeeze %dma_wait3A_344 : memref<1x128xi32, #tpu.memory_space<vmem>> -> memref<128xi32, #tpu.memory_space<vmem>>
        %dma_wait3A_346 = arith.constant 0 : i32
        %dma_wait3A_347 = arith.constant 0 : i32
        %dma_wait3A_348 = tpu.memref_slice %arg10[%dma_wait3A_346, %dma_wait3A_347] : memref<10240x128xf32, #tpu.memory_space<vmem_shared>> -> memref<10240x128xf32, #tpu.memory_space<vmem_shared>>
        tpu.wait_indirect_dma semaphore(%run_scoped3A_328 : memref<!tpu.dma_semaphore, #tpu.memory_space<semaphore_mem>>) src(%dma_wait3A_342 : memref<128x128xf32, #tpu.memory_space<vmem>>) dst(%dma_wait3A_348 : memref<10240x128xf32, #tpu.memory_space<vmem_shared>>)
        tpu.yield
      }) : () -> ()
      %lt3A_318 = arith.constant 19 : i32
      %lt3A_319 = arith.cmpi slt, %add3A_159, %lt3A_318 : i32
      %convert_element_type3A_320 = arith.extui %lt3A_319 : i1 to i32
      %cond3A_321 = arith.constant 0 : i32
      %cond3A_322 = arith.cmpi ne, %convert_element_type3A_320, %cond3A_321 : i32
      scf.if %cond3A_322 {
        %add3A_328 = arith.constant 4 : i32
        %add3A_329 = arith.addi %add3A_303, %add3A_328 : i32
        %mul3A_330 = arith.constant 128 : i32
        %mul3A_331 = arith.muli %add3A_329, %mul3A_330 : i32
        %add3A_332 = arith.addi %mul3A_4, %mul3A_331 : i32
        %dma_start3A_333 = arith.constant 3 : i32
        %dma_start3A_334 = arith.constant 0 : i32
        %dma_start3A_335 = tpu.memref_slice %arg7[%dma_start3A_333, %dma_start3A_334] : memref<4x128xi32, #tpu.memory_space<vmem>> -> memref<1x128xi32, #tpu.memory_space<vmem>>
        %dma_start3A_336 = tpu.memref_squeeze %dma_start3A_335 : memref<1x128xi32, #tpu.memory_space<vmem>> -> memref<128xi32, #tpu.memory_space<vmem>>
        %dma_start3A_337 = tpu.memref_slice %arg3[%add3A_332] : memref<327680xi32, #tpu.memory_space<hbm>> -> memref<128xi32, #tpu.memory_space<hbm>>
        %dma_start3A_338 = arith.constant 0 : i32
        %dma_start3A_339 = tpu.memref_slice %arg7[%dma_start3A_333, %dma_start3A_338] : memref<4x128xi32, #tpu.memory_space<vmem>> -> memref<1x128xi32, #tpu.memory_space<vmem>>
        %dma_start3A_340 = tpu.memref_squeeze %dma_start3A_339 : memref<1x128xi32, #tpu.memory_space<vmem>> -> memref<128xi32, #tpu.memory_space<vmem>>
        %dma_start3A_341 = tpu.memref_slice %arg3[%add3A_332] : memref<327680xi32, #tpu.memory_space<hbm>> -> memref<128xi32, #tpu.memory_space<hbm>>
        tpu.enqueue_dma source(%dma_start3A_341 : memref<128xi32, #tpu.memory_space<hbm>>) target(%dma_start3A_340 : memref<128xi32, #tpu.memory_space<vmem>>) target_semaphore(%arg16 : memref<!tpu.dma_semaphore, #tpu.memory_space<semaphore_mem>>)
        %dma_start3A_342 = arith.constant 3 : i32
        %dma_start3A_343 = arith.constant 0 : i32
        %dma_start3A_344 = tpu.memref_slice %arg8[%dma_start3A_342, %dma_start3A_343] : memref<4x128xi32, #tpu.memory_space<vmem>> -> memref<1x128xi32, #tpu.memory_space<vmem>>
        %dma_start3A_345 = tpu.memref_squeeze %dma_start3A_344 : memref<1x128xi32, #tpu.memory_space<vmem>> -> memref<128xi32, #tpu.memory_space<vmem>>
        %dma_start3A_346 = tpu.memref_slice %arg4[%add3A_332] : memref<327680xi32, #tpu.memory_space<hbm>> -> memref<128xi32, #tpu.memory_space<hbm>>
        %dma_start3A_347 = arith.constant 0 : i32
        %dma_start3A_348 = tpu.memref_slice %arg8[%dma_start3A_342, %dma_start3A_347] : memref<4x128xi32, #tpu.memory_space<vmem>> -> memref<1x128xi32, #tpu.memory_space<vmem>>
        %dma_start3A_349 = tpu.memref_squeeze %dma_start3A_348 : memref<1x128xi32, #tpu.memory_space<vmem>> -> memref<128xi32, #tpu.memory_space<vmem>>
        %dma_start3A_350 = tpu.memref_slice %arg4[%add3A_332] : memref<327680xi32, #tpu.memory_space<hbm>> -> memref<128xi32, #tpu.memory_space<hbm>>
        tpu.enqueue_dma source(%dma_start3A_350 : memref<128xi32, #tpu.memory_space<hbm>>) target(%dma_start3A_349 : memref<128xi32, #tpu.memory_space<vmem>>) target_semaphore(%arg16 : memref<!tpu.dma_semaphore, #tpu.memory_space<semaphore_mem>>)
      } else {
      }
      %lt3A_323 = arith.constant 19 : i32
      %lt3A_324 = arith.cmpi slt, %add3A_159, %lt3A_323 : i32
      %convert_element_type3A_325 = arith.extui %lt3A_324 : i1 to i32
      %cond3A_326 = arith.constant 0 : i32
      %cond3A_327 = arith.cmpi ne, %convert_element_type3A_325, %cond3A_326 : i32
      scf.if %cond3A_327 {
        %add3A_328 = arith.constant 2 : i32
        %add3A_329 = arith.addi %add3A_303, %add3A_328 : i32
        %mul3A_330 = arith.constant 128 : i32
        %mul3A_331 = arith.muli %add3A_329, %mul3A_330 : i32
        %add3A_332 = arith.addi %mul3A_4, %mul3A_331 : i32
        %dma_wait3A_333 = arith.constant 1 : i32
        %dma_wait3A_334 = arith.constant 0 : i32
        %dma_wait3A_335 = tpu.memref_slice %arg7[%dma_wait3A_333, %dma_wait3A_334] : memref<4x128xi32, #tpu.memory_space<vmem>> -> memref<1x128xi32, #tpu.memory_space<vmem>>
        %dma_wait3A_336 = tpu.memref_squeeze %dma_wait3A_335 : memref<1x128xi32, #tpu.memory_space<vmem>> -> memref<128xi32, #tpu.memory_space<vmem>>
        %dma_wait3A_337 = tpu.memref_slice %arg3[%add3A_332] : memref<327680xi32, #tpu.memory_space<hbm>> -> memref<128xi32, #tpu.memory_space<hbm>>
        %dma_wait3A_338 = arith.constant 0 : i32
        %dma_wait3A_339 = tpu.memref_slice %arg7[%dma_wait3A_333, %dma_wait3A_338] : memref<4x128xi32, #tpu.memory_space<vmem>> -> memref<1x128xi32, #tpu.memory_space<vmem>>
        %dma_wait3A_340 = tpu.memref_squeeze %dma_wait3A_339 : memref<1x128xi32, #tpu.memory_space<vmem>> -> memref<128xi32, #tpu.memory_space<vmem>>
        %dma_wait3A_341 = tpu.memref_slice %arg3[%add3A_332] : memref<327680xi32, #tpu.memory_space<hbm>> -> memref<128xi32, #tpu.memory_space<hbm>>
        tpu.wait_dma2 semaphore(%arg14 : memref<!tpu.dma_semaphore, #tpu.memory_space<semaphore_mem>>) src(%dma_wait3A_341 : memref<128xi32, #tpu.memory_space<hbm>>) dst(%dma_wait3A_340 : memref<128xi32, #tpu.memory_space<vmem>>)
        %dma_wait3A_342 = arith.constant 1 : i32
        %dma_wait3A_343 = arith.constant 0 : i32
        %dma_wait3A_344 = tpu.memref_slice %arg8[%dma_wait3A_342, %dma_wait3A_343] : memref<4x128xi32, #tpu.memory_space<vmem>> -> memref<1x128xi32, #tpu.memory_space<vmem>>
        %dma_wait3A_345 = tpu.memref_squeeze %dma_wait3A_344 : memref<1x128xi32, #tpu.memory_space<vmem>> -> memref<128xi32, #tpu.memory_space<vmem>>
        %dma_wait3A_346 = tpu.memref_slice %arg4[%add3A_332] : memref<327680xi32, #tpu.memory_space<hbm>> -> memref<128xi32, #tpu.memory_space<hbm>>
        %dma_wait3A_347 = arith.constant 0 : i32
        %dma_wait3A_348 = tpu.memref_slice %arg8[%dma_wait3A_342, %dma_wait3A_347] : memref<4x128xi32, #tpu.memory_space<vmem>> -> memref<1x128xi32, #tpu.memory_space<vmem>>
        %dma_wait3A_349 = tpu.memref_squeeze %dma_wait3A_348 : memref<1x128xi32, #tpu.memory_space<vmem>> -> memref<128xi32, #tpu.memory_space<vmem>>
        %dma_wait3A_350 = tpu.memref_slice %arg4[%add3A_332] : memref<327680xi32, #tpu.memory_space<hbm>> -> memref<128xi32, #tpu.memory_space<hbm>>
        tpu.wait_dma2 semaphore(%arg14 : memref<!tpu.dma_semaphore, #tpu.memory_space<semaphore_mem>>) src(%dma_wait3A_350 : memref<128xi32, #tpu.memory_space<hbm>>) dst(%dma_wait3A_349 : memref<128xi32, #tpu.memory_space<vmem>>)
        %dma_start3A_351 = arith.constant 1 : i32
        %dma_start3A_352 = arith.constant 1 : i32
        %dma_start3A_353 = arith.constant 0 : i32
        %dma_start3A_354 = arith.constant 0 : i32
        %dma_start3A_355 = tpu.memref_slice %arg9[%dma_start3A_352, %dma_start3A_353, %dma_start3A_354] : memref<2x128x128xf32, #tpu.memory_space<vmem>> -> memref<1x128x128xf32, #tpu.memory_space<vmem>>
        %dma_start3A_356 = tpu.memref_squeeze %dma_start3A_355 : memref<1x128x128xf32, #tpu.memory_space<vmem>> -> memref<128x128xf32, #tpu.memory_space<vmem>>
        %dma_start3A_357 = arith.constant 0 : i32
        %dma_start3A_358 = tpu.memref_slice %arg7[%dma_start3A_351, %dma_start3A_357] : memref<4x128xi32, #tpu.memory_space<vmem>> -> memref<1x128xi32, #tpu.memory_space<vmem>>
        %dma_start3A_359 = tpu.memref_squeeze %dma_start3A_358 : memref<1x128xi32, #tpu.memory_space<vmem>> -> memref<128xi32, #tpu.memory_space<vmem>>
        %dma_start3A_360 = arith.constant 0 : i32
        %dma_start3A_361 = arith.constant 0 : i32
        %dma_start3A_362 = tpu.memref_slice %arg2[%dma_start3A_360, %dma_start3A_361] : memref<10000x128xf32, #tpu.memory_space<hbm>> -> memref<10000x128xf32, #tpu.memory_space<hbm>>
        tpu.enqueue_indirect_dma source(%dma_start3A_362 : memref<10000x128xf32, #tpu.memory_space<hbm>>) target(%dma_start3A_356 : memref<128x128xf32, #tpu.memory_space<vmem>>) offsets(%dma_start3A_359 : memref<128xi32, #tpu.memory_space<vmem>>) semaphore(%arg12 : memref<!tpu.dma_semaphore, #tpu.memory_space<semaphore_mem>>)
      } else {
      }
    }
    %scan3A_146 = arith.constant 20 : i32
    %barrier3A_147 = arith.constant 0 : index
    tpu.barrier barrier_id(%barrier3A_147)
    %mul3A_148 = arith.constant 640 : i32
    %mul3A_149 = arith.muli %arg1, %mul3A_148 : i32
    %mul3A_150 = arith.constant 10240 : i32
    %mul3A_151 = arith.muli %arg0, %mul3A_150 : i32
    %mul3A_152 = arith.constant 640 : i32
    %mul3A_153 = arith.muli %arg1, %mul3A_152 : i32
    %add3A_154 = arith.addi %mul3A_151, %mul3A_153 : i32
    "tpu.region"() ({
      %run_scoped3A = tpu.sem_alloc : memref<!tpu.dma_semaphore, #tpu.memory_space<semaphore_mem>>
      %dma_start3A_155 = arith.constant 0 : i32
      %dma_start3A_156 = tpu.memref_slice %arg6[%add3A_154, %dma_start3A_155] : memref<20480x128xf32, #tpu.memory_space<hbm>> -> memref<640x128xf32, #tpu.memory_space<hbm>>
      %dma_start3A_157 = arith.constant 0 : i32
      %dma_start3A_158 = tpu.memref_slice %arg10[%mul3A_149, %dma_start3A_157] : memref<10240x128xf32, #tpu.memory_space<vmem_shared>> -> memref<640x128xf32, #tpu.memory_space<vmem_shared>>
      tpu.enqueue_dma source(%dma_start3A_158 : memref<640x128xf32, #tpu.memory_space<vmem_shared>>) target(%dma_start3A_156 : memref<640x128xf32, #tpu.memory_space<hbm>>) target_semaphore(%run_scoped3A : memref<!tpu.dma_semaphore, #tpu.memory_space<semaphore_mem>>)
      %dma_wait3A_159 = arith.constant 0 : i32
      %dma_wait3A_160 = tpu.memref_slice %arg6[%add3A_154, %dma_wait3A_159] : memref<20480x128xf32, #tpu.memory_space<hbm>> -> memref<640x128xf32, #tpu.memory_space<hbm>>
      %dma_wait3A_161 = arith.constant 0 : i32
      %dma_wait3A_162 = tpu.memref_slice %arg10[%mul3A_149, %dma_wait3A_161] : memref<10240x128xf32, #tpu.memory_space<vmem_shared>> -> memref<640x128xf32, #tpu.memory_space<vmem_shared>>
      tpu.wait_dma2 semaphore(%run_scoped3A : memref<!tpu.dma_semaphore, #tpu.memory_space<semaphore_mem>>) src(%dma_wait3A_162 : memref<640x128xf32, #tpu.memory_space<vmem_shared>>) dst(%dma_wait3A_160 : memref<640x128xf32, #tpu.memory_space<hbm>>)
      tpu.yield
    }) : () -> ()
    return
  }
}

#map = affine_map<(d0, d1) -> (0, 0)>
#map1 = affine_map<(d0, d1) -> (0)>
module attributes {stable_mosaic.version = 14 : i64} {
  func.func @_emb_body(%arg0: i32, %arg1: i32, %arg2: memref<100000x128xf32, #tpu.memory_space<hbm>>, %arg3: memref<163840xi32, #tpu.memory_space<hbm>>, %arg4: memref<163840xi32, #tpu.memory_space<hbm>>, %arg5: memref<640x128xf32, #tpu.memory_space<hbm>>, %arg6: memref<10000x128xf32, #tpu.memory_space<hbm>>, %arg7: memref<4x128xi32, #tpu.memory_space<vmem>>, %arg8: memref<4x128xi32, #tpu.memory_space<vmem>>, %arg9: memref<2x128x128xf32, #tpu.memory_space<vmem>>, %arg10: memref<5120x128xf32, #tpu.memory_space<vmem_shared>>, %arg11: memref<!tpu.dma_semaphore, #tpu.memory_space<semaphore_mem>>, %arg12: memref<!tpu.dma_semaphore, #tpu.memory_space<semaphore_mem>>, %arg13: memref<!tpu.dma_semaphore, #tpu.memory_space<semaphore_mem>>, %arg14: memref<!tpu.dma_semaphore, #tpu.memory_space<semaphore_mem>>, %arg15: memref<!tpu.dma_semaphore, #tpu.memory_space<semaphore_mem>>, %arg16: memref<!tpu.dma_semaphore, #tpu.memory_space<semaphore_mem>>) attributes {dimension_semantics = [#tpu.dimension_semantics<core_parallel>, #tpu.dimension_semantics<subcore_parallel>], iteration_bounds = array<i64: 2, 16>, scalar_prefetch = 0 : i64, scratch_operands = 10 : i64, tpu.core_type = #tpu.core_type<sc_vector_subcore>, window_params = [{transform_indices = #map}, {transform_indices = #map1}, {transform_indices = #map1}, {transform_indices = #map}, {transform_indices = #map}]} {
    %mul3A = arith.constant 320 : i32
    %mul3A_0 = arith.muli %arg1, %mul3A : i32
    "tpu.region"() ({
      %run_scoped3A = tpu.sem_alloc : memref<!tpu.dma_semaphore, #tpu.memory_space<semaphore_mem>>
      %dma_start3A_156 = arith.constant 0 : i32
      %dma_start3A_157 = tpu.memref_slice %arg10[%mul3A_0, %dma_start3A_156] : memref<5120x128xf32, #tpu.memory_space<vmem_shared>> -> memref<320x128xf32, #tpu.memory_space<vmem_shared>>
      %dma_start3A_158 = arith.constant 0 : i32
      %dma_start3A_159 = arith.constant 0 : i32
      %dma_start3A_160 = tpu.memref_slice %arg5[%dma_start3A_158, %dma_start3A_159] : memref<640x128xf32, #tpu.memory_space<hbm>> -> memref<320x128xf32, #tpu.memory_space<hbm>>
      tpu.enqueue_dma source(%dma_start3A_160 : memref<320x128xf32, #tpu.memory_space<hbm>>) target(%dma_start3A_157 : memref<320x128xf32, #tpu.memory_space<vmem_shared>>) target_semaphore(%run_scoped3A : memref<!tpu.dma_semaphore, #tpu.memory_space<semaphore_mem>>)
      %dma_wait3A_161 = arith.constant 0 : i32
      %dma_wait3A_162 = tpu.memref_slice %arg10[%mul3A_0, %dma_wait3A_161] : memref<5120x128xf32, #tpu.memory_space<vmem_shared>> -> memref<320x128xf32, #tpu.memory_space<vmem_shared>>
      %dma_wait3A_163 = arith.constant 0 : i32
      %dma_wait3A_164 = arith.constant 0 : i32
      %dma_wait3A_165 = tpu.memref_slice %arg5[%dma_wait3A_163, %dma_wait3A_164] : memref<640x128xf32, #tpu.memory_space<hbm>> -> memref<320x128xf32, #tpu.memory_space<hbm>>
      tpu.wait_dma2 semaphore(%run_scoped3A : memref<!tpu.dma_semaphore, #tpu.memory_space<semaphore_mem>>) src(%dma_wait3A_165 : memref<320x128xf32, #tpu.memory_space<hbm>>) dst(%dma_wait3A_162 : memref<320x128xf32, #tpu.memory_space<vmem_shared>>)
      tpu.yield
    }) : () -> ()
    %barrier3A = arith.constant 0 : index
    tpu.barrier barrier_id(%barrier3A)
    %mul3A_1 = arith.constant 81920 : i32
    %mul3A_2 = arith.muli %arg0, %mul3A_1 : i32
    %mul3A_3 = arith.constant 5120 : i32
    %mul3A_4 = arith.muli %arg1, %mul3A_3 : i32
    %add3A = arith.addi %mul3A_2, %mul3A_4 : i32
    %add3A_5 = arith.constant 0 : i32
    %add3A_6 = arith.addi %add3A, %add3A_5 : i32
    %dma_start3A = arith.constant 0 : i32
    %dma_start3A_7 = arith.constant 0 : i32
    %dma_start3A_8 = tpu.memref_slice %arg7[%dma_start3A, %dma_start3A_7] : memref<4x128xi32, #tpu.memory_space<vmem>> -> memref<1x128xi32, #tpu.memory_space<vmem>>
    %dma_start3A_9 = tpu.memref_squeeze %dma_start3A_8 : memref<1x128xi32, #tpu.memory_space<vmem>> -> memref<128xi32, #tpu.memory_space<vmem>>
    %dma_start3A_10 = tpu.memref_slice %arg3[%add3A_6] : memref<163840xi32, #tpu.memory_space<hbm>> -> memref<128xi32, #tpu.memory_space<hbm>>
    %dma_start3A_11 = arith.constant 0 : i32
    %dma_start3A_12 = tpu.memref_slice %arg7[%dma_start3A, %dma_start3A_11] : memref<4x128xi32, #tpu.memory_space<vmem>> -> memref<1x128xi32, #tpu.memory_space<vmem>>
    %dma_start3A_13 = tpu.memref_squeeze %dma_start3A_12 : memref<1x128xi32, #tpu.memory_space<vmem>> -> memref<128xi32, #tpu.memory_space<vmem>>
    %dma_start3A_14 = tpu.memref_slice %arg3[%add3A_6] : memref<163840xi32, #tpu.memory_space<hbm>> -> memref<128xi32, #tpu.memory_space<hbm>>
    tpu.enqueue_dma source(%dma_start3A_14 : memref<128xi32, #tpu.memory_space<hbm>>) target(%dma_start3A_13 : memref<128xi32, #tpu.memory_space<vmem>>) target_semaphore(%arg13 : memref<!tpu.dma_semaphore, #tpu.memory_space<semaphore_mem>>)
    %dma_start3A_15 = arith.constant 0 : i32
    %dma_start3A_16 = arith.constant 0 : i32
    %dma_start3A_17 = tpu.memref_slice %arg8[%dma_start3A_15, %dma_start3A_16] : memref<4x128xi32, #tpu.memory_space<vmem>> -> memref<1x128xi32, #tpu.memory_space<vmem>>
    %dma_start3A_18 = tpu.memref_squeeze %dma_start3A_17 : memref<1x128xi32, #tpu.memory_space<vmem>> -> memref<128xi32, #tpu.memory_space<vmem>>
    %dma_start3A_19 = tpu.memref_slice %arg4[%add3A_6] : memref<163840xi32, #tpu.memory_space<hbm>> -> memref<128xi32, #tpu.memory_space<hbm>>
    %dma_start3A_20 = arith.constant 0 : i32
    %dma_start3A_21 = tpu.memref_slice %arg8[%dma_start3A_15, %dma_start3A_20] : memref<4x128xi32, #tpu.memory_space<vmem>> -> memref<1x128xi32, #tpu.memory_space<vmem>>
    %dma_start3A_22 = tpu.memref_squeeze %dma_start3A_21 : memref<1x128xi32, #tpu.memory_space<vmem>> -> memref<128xi32, #tpu.memory_space<vmem>>
    %dma_start3A_23 = tpu.memref_slice %arg4[%add3A_6] : memref<163840xi32, #tpu.memory_space<hbm>> -> memref<128xi32, #tpu.memory_space<hbm>>
    tpu.enqueue_dma source(%dma_start3A_23 : memref<128xi32, #tpu.memory_space<hbm>>) target(%dma_start3A_22 : memref<128xi32, #tpu.memory_space<vmem>>) target_semaphore(%arg13 : memref<!tpu.dma_semaphore, #tpu.memory_space<semaphore_mem>>)
    %dma_wait3A = arith.constant 0 : i32
    %dma_wait3A_24 = arith.constant 0 : i32
    %dma_wait3A_25 = tpu.memref_slice %arg7[%dma_wait3A, %dma_wait3A_24] : memref<4x128xi32, #tpu.memory_space<vmem>> -> memref<1x128xi32, #tpu.memory_space<vmem>>
    %dma_wait3A_26 = tpu.memref_squeeze %dma_wait3A_25 : memref<1x128xi32, #tpu.memory_space<vmem>> -> memref<128xi32, #tpu.memory_space<vmem>>
    %dma_wait3A_27 = tpu.memref_slice %arg3[%add3A_6] : memref<163840xi32, #tpu.memory_space<hbm>> -> memref<128xi32, #tpu.memory_space<hbm>>
    %dma_wait3A_28 = arith.constant 0 : i32
    %dma_wait3A_29 = tpu.memref_slice %arg7[%dma_wait3A, %dma_wait3A_28] : memref<4x128xi32, #tpu.memory_space<vmem>> -> memref<1x128xi32, #tpu.memory_space<vmem>>
    %dma_wait3A_30 = tpu.memref_squeeze %dma_wait3A_29 : memref<1x128xi32, #tpu.memory_space<vmem>> -> memref<128xi32, #tpu.memory_space<vmem>>
    %dma_wait3A_31 = tpu.memref_slice %arg3[%add3A_6] : memref<163840xi32, #tpu.memory_space<hbm>> -> memref<128xi32, #tpu.memory_space<hbm>>
    tpu.wait_dma2 semaphore(%arg13 : memref<!tpu.dma_semaphore, #tpu.memory_space<semaphore_mem>>) src(%dma_wait3A_31 : memref<128xi32, #tpu.memory_space<hbm>>) dst(%dma_wait3A_30 : memref<128xi32, #tpu.memory_space<vmem>>)
    %dma_wait3A_32 = arith.constant 0 : i32
    %dma_wait3A_33 = arith.constant 0 : i32
    %dma_wait3A_34 = tpu.memref_slice %arg8[%dma_wait3A_32, %dma_wait3A_33] : memref<4x128xi32, #tpu.memory_space<vmem>> -> memref<1x128xi32, #tpu.memory_space<vmem>>
    %dma_wait3A_35 = tpu.memref_squeeze %dma_wait3A_34 : memref<1x128xi32, #tpu.memory_space<vmem>> -> memref<128xi32, #tpu.memory_space<vmem>>
    %dma_wait3A_36 = tpu.memref_slice %arg4[%add3A_6] : memref<163840xi32, #tpu.memory_space<hbm>> -> memref<128xi32, #tpu.memory_space<hbm>>
    %dma_wait3A_37 = arith.constant 0 : i32
    %dma_wait3A_38 = tpu.memref_slice %arg8[%dma_wait3A_32, %dma_wait3A_37] : memref<4x128xi32, #tpu.memory_space<vmem>> -> memref<1x128xi32, #tpu.memory_space<vmem>>
    %dma_wait3A_39 = tpu.memref_squeeze %dma_wait3A_38 : memref<1x128xi32, #tpu.memory_space<vmem>> -> memref<128xi32, #tpu.memory_space<vmem>>
    %dma_wait3A_40 = tpu.memref_slice %arg4[%add3A_6] : memref<163840xi32, #tpu.memory_space<hbm>> -> memref<128xi32, #tpu.memory_space<hbm>>
    tpu.wait_dma2 semaphore(%arg13 : memref<!tpu.dma_semaphore, #tpu.memory_space<semaphore_mem>>) src(%dma_wait3A_40 : memref<128xi32, #tpu.memory_space<hbm>>) dst(%dma_wait3A_39 : memref<128xi32, #tpu.memory_space<vmem>>)
    %dma_start3A_41 = arith.constant 0 : i32
    %dma_start3A_42 = arith.constant 0 : i32
    %dma_start3A_43 = arith.constant 0 : i32
    %dma_start3A_44 = arith.constant 0 : i32
    %dma_start3A_45 = tpu.memref_slice %arg9[%dma_start3A_42, %dma_start3A_43, %dma_start3A_44] : memref<2x128x128xf32, #tpu.memory_space<vmem>> -> memref<1x128x128xf32, #tpu.memory_space<vmem>>
    %dma_start3A_46 = tpu.memref_squeeze %dma_start3A_45 : memref<1x128x128xf32, #tpu.memory_space<vmem>> -> memref<128x128xf32, #tpu.memory_space<vmem>>
    %dma_start3A_47 = arith.constant 0 : i32
    %dma_start3A_48 = tpu.memref_slice %arg7[%dma_start3A_41, %dma_start3A_47] : memref<4x128xi32, #tpu.memory_space<vmem>> -> memref<1x128xi32, #tpu.memory_space<vmem>>
    %dma_start3A_49 = tpu.memref_squeeze %dma_start3A_48 : memref<1x128xi32, #tpu.memory_space<vmem>> -> memref<128xi32, #tpu.memory_space<vmem>>
    %dma_start3A_50 = arith.constant 0 : i32
    %dma_start3A_51 = arith.constant 0 : i32
    %dma_start3A_52 = tpu.memref_slice %arg2[%dma_start3A_50, %dma_start3A_51] : memref<100000x128xf32, #tpu.memory_space<hbm>> -> memref<100000x128xf32, #tpu.memory_space<hbm>>
    tpu.enqueue_indirect_dma source(%dma_start3A_52 : memref<100000x128xf32, #tpu.memory_space<hbm>>) target(%dma_start3A_46 : memref<128x128xf32, #tpu.memory_space<vmem>>) offsets(%dma_start3A_49 : memref<128xi32, #tpu.memory_space<vmem>>) semaphore(%arg11 : memref<!tpu.dma_semaphore, #tpu.memory_space<semaphore_mem>>)
    %add3A_53 = arith.constant 128 : i32
    %add3A_54 = arith.addi %add3A, %add3A_53 : i32
    %dma_start3A_55 = arith.constant 1 : i32
    %dma_start3A_56 = arith.constant 0 : i32
    %dma_start3A_57 = tpu.memref_slice %arg7[%dma_start3A_55, %dma_start3A_56] : memref<4x128xi32, #tpu.memory_space<vmem>> -> memref<1x128xi32, #tpu.memory_space<vmem>>
    %dma_start3A_58 = tpu.memref_squeeze %dma_start3A_57 : memref<1x128xi32, #tpu.memory_space<vmem>> -> memref<128xi32, #tpu.memory_space<vmem>>
    %dma_start3A_59 = tpu.memref_slice %arg3[%add3A_54] : memref<163840xi32, #tpu.memory_space<hbm>> -> memref<128xi32, #tpu.memory_space<hbm>>
    %dma_start3A_60 = arith.constant 0 : i32
    %dma_start3A_61 = tpu.memref_slice %arg7[%dma_start3A_55, %dma_start3A_60] : memref<4x128xi32, #tpu.memory_space<vmem>> -> memref<1x128xi32, #tpu.memory_space<vmem>>
    %dma_start3A_62 = tpu.memref_squeeze %dma_start3A_61 : memref<1x128xi32, #tpu.memory_space<vmem>> -> memref<128xi32, #tpu.memory_space<vmem>>
    %dma_start3A_63 = tpu.memref_slice %arg3[%add3A_54] : memref<163840xi32, #tpu.memory_space<hbm>> -> memref<128xi32, #tpu.memory_space<hbm>>
    tpu.enqueue_dma source(%dma_start3A_63 : memref<128xi32, #tpu.memory_space<hbm>>) target(%dma_start3A_62 : memref<128xi32, #tpu.memory_space<vmem>>) target_semaphore(%arg14 : memref<!tpu.dma_semaphore, #tpu.memory_space<semaphore_mem>>)
    %dma_start3A_64 = arith.constant 1 : i32
    %dma_start3A_65 = arith.constant 0 : i32
    %dma_start3A_66 = tpu.memref_slice %arg8[%dma_start3A_64, %dma_start3A_65] : memref<4x128xi32, #tpu.memory_space<vmem>> -> memref<1x128xi32, #tpu.memory_space<vmem>>
    %dma_start3A_67 = tpu.memref_squeeze %dma_start3A_66 : memref<1x128xi32, #tpu.memory_space<vmem>> -> memref<128xi32, #tpu.memory_space<vmem>>
    %dma_start3A_68 = tpu.memref_slice %arg4[%add3A_54] : memref<163840xi32, #tpu.memory_space<hbm>> -> memref<128xi32, #tpu.memory_space<hbm>>
    %dma_start3A_69 = arith.constant 0 : i32
    %dma_start3A_70 = tpu.memref_slice %arg8[%dma_start3A_64, %dma_start3A_69] : memref<4x128xi32, #tpu.memory_space<vmem>> -> memref<1x128xi32, #tpu.memory_space<vmem>>
    %dma_start3A_71 = tpu.memref_squeeze %dma_start3A_70 : memref<1x128xi32, #tpu.memory_space<vmem>> -> memref<128xi32, #tpu.memory_space<vmem>>
    %dma_start3A_72 = tpu.memref_slice %arg4[%add3A_54] : memref<163840xi32, #tpu.memory_space<hbm>> -> memref<128xi32, #tpu.memory_space<hbm>>
    tpu.enqueue_dma source(%dma_start3A_72 : memref<128xi32, #tpu.memory_space<hbm>>) target(%dma_start3A_71 : memref<128xi32, #tpu.memory_space<vmem>>) target_semaphore(%arg14 : memref<!tpu.dma_semaphore, #tpu.memory_space<semaphore_mem>>)
    %dma_wait3A_73 = arith.constant 1 : i32
    %dma_wait3A_74 = arith.constant 0 : i32
    %dma_wait3A_75 = tpu.memref_slice %arg7[%dma_wait3A_73, %dma_wait3A_74] : memref<4x128xi32, #tpu.memory_space<vmem>> -> memref<1x128xi32, #tpu.memory_space<vmem>>
    %dma_wait3A_76 = tpu.memref_squeeze %dma_wait3A_75 : memref<1x128xi32, #tpu.memory_space<vmem>> -> memref<128xi32, #tpu.memory_space<vmem>>
    %dma_wait3A_77 = tpu.memref_slice %arg3[%add3A_54] : memref<163840xi32, #tpu.memory_space<hbm>> -> memref<128xi32, #tpu.memory_space<hbm>>
    %dma_wait3A_78 = arith.constant 0 : i32
    %dma_wait3A_79 = tpu.memref_slice %arg7[%dma_wait3A_73, %dma_wait3A_78] : memref<4x128xi32, #tpu.memory_space<vmem>> -> memref<1x128xi32, #tpu.memory_space<vmem>>
    %dma_wait3A_80 = tpu.memref_squeeze %dma_wait3A_79 : memref<1x128xi32, #tpu.memory_space<vmem>> -> memref<128xi32, #tpu.memory_space<vmem>>
    %dma_wait3A_81 = tpu.memref_slice %arg3[%add3A_54] : memref<163840xi32, #tpu.memory_space<hbm>> -> memref<128xi32, #tpu.memory_space<hbm>>
    tpu.wait_dma2 semaphore(%arg14 : memref<!tpu.dma_semaphore, #tpu.memory_space<semaphore_mem>>) src(%dma_wait3A_81 : memref<128xi32, #tpu.memory_space<hbm>>) dst(%dma_wait3A_80 : memref<128xi32, #tpu.memory_space<vmem>>)
    %dma_wait3A_82 = arith.constant 1 : i32
    %dma_wait3A_83 = arith.constant 0 : i32
    %dma_wait3A_84 = tpu.memref_slice %arg8[%dma_wait3A_82, %dma_wait3A_83] : memref<4x128xi32, #tpu.memory_space<vmem>> -> memref<1x128xi32, #tpu.memory_space<vmem>>
    %dma_wait3A_85 = tpu.memref_squeeze %dma_wait3A_84 : memref<1x128xi32, #tpu.memory_space<vmem>> -> memref<128xi32, #tpu.memory_space<vmem>>
    %dma_wait3A_86 = tpu.memref_slice %arg4[%add3A_54] : memref<163840xi32, #tpu.memory_space<hbm>> -> memref<128xi32, #tpu.memory_space<hbm>>
    %dma_wait3A_87 = arith.constant 0 : i32
    %dma_wait3A_88 = tpu.memref_slice %arg8[%dma_wait3A_82, %dma_wait3A_87] : memref<4x128xi32, #tpu.memory_space<vmem>> -> memref<1x128xi32, #tpu.memory_space<vmem>>
    %dma_wait3A_89 = tpu.memref_squeeze %dma_wait3A_88 : memref<1x128xi32, #tpu.memory_space<vmem>> -> memref<128xi32, #tpu.memory_space<vmem>>
    %dma_wait3A_90 = tpu.memref_slice %arg4[%add3A_54] : memref<163840xi32, #tpu.memory_space<hbm>> -> memref<128xi32, #tpu.memory_space<hbm>>
    tpu.wait_dma2 semaphore(%arg14 : memref<!tpu.dma_semaphore, #tpu.memory_space<semaphore_mem>>) src(%dma_wait3A_90 : memref<128xi32, #tpu.memory_space<hbm>>) dst(%dma_wait3A_89 : memref<128xi32, #tpu.memory_space<vmem>>)
    %dma_start3A_91 = arith.constant 1 : i32
    %dma_start3A_92 = arith.constant 1 : i32
    %dma_start3A_93 = arith.constant 0 : i32
    %dma_start3A_94 = arith.constant 0 : i32
    %dma_start3A_95 = tpu.memref_slice %arg9[%dma_start3A_92, %dma_start3A_93, %dma_start3A_94] : memref<2x128x128xf32, #tpu.memory_space<vmem>> -> memref<1x128x128xf32, #tpu.memory_space<vmem>>
    %dma_start3A_96 = tpu.memref_squeeze %dma_start3A_95 : memref<1x128x128xf32, #tpu.memory_space<vmem>> -> memref<128x128xf32, #tpu.memory_space<vmem>>
    %dma_start3A_97 = arith.constant 0 : i32
    %dma_start3A_98 = tpu.memref_slice %arg7[%dma_start3A_91, %dma_start3A_97] : memref<4x128xi32, #tpu.memory_space<vmem>> -> memref<1x128xi32, #tpu.memory_space<vmem>>
    %dma_start3A_99 = tpu.memref_squeeze %dma_start3A_98 : memref<1x128xi32, #tpu.memory_space<vmem>> -> memref<128xi32, #tpu.memory_space<vmem>>
    %dma_start3A_100 = arith.constant 0 : i32
    %dma_start3A_101 = arith.constant 0 : i32
    %dma_start3A_102 = tpu.memref_slice %arg2[%dma_start3A_100, %dma_start3A_101] : memref<100000x128xf32, #tpu.memory_space<hbm>> -> memref<100000x128xf32, #tpu.memory_space<hbm>>
    tpu.enqueue_indirect_dma source(%dma_start3A_102 : memref<100000x128xf32, #tpu.memory_space<hbm>>) target(%dma_start3A_96 : memref<128x128xf32, #tpu.memory_space<vmem>>) offsets(%dma_start3A_99 : memref<128xi32, #tpu.memory_space<vmem>>) semaphore(%arg12 : memref<!tpu.dma_semaphore, #tpu.memory_space<semaphore_mem>>)
    %add3A_103 = arith.constant 256 : i32
    %add3A_104 = arith.addi %add3A, %add3A_103 : i32
    %dma_start3A_105 = arith.constant 2 : i32
    %dma_start3A_106 = arith.constant 0 : i32
    %dma_start3A_107 = tpu.memref_slice %arg7[%dma_start3A_105, %dma_start3A_106] : memref<4x128xi32, #tpu.memory_space<vmem>> -> memref<1x128xi32, #tpu.memory_space<vmem>>
    %dma_start3A_108 = tpu.memref_squeeze %dma_start3A_107 : memref<1x128xi32, #tpu.memory_space<vmem>> -> memref<128xi32, #tpu.memory_space<vmem>>
    %dma_start3A_109 = tpu.memref_slice %arg3[%add3A_104] : memref<163840xi32, #tpu.memory_space<hbm>> -> memref<128xi32, #tpu.memory_space<hbm>>
    %dma_start3A_110 = arith.constant 0 : i32
    %dma_start3A_111 = tpu.memref_slice %arg7[%dma_start3A_105, %dma_start3A_110] : memref<4x128xi32, #tpu.memory_space<vmem>> -> memref<1x128xi32, #tpu.memory_space<vmem>>
    %dma_start3A_112 = tpu.memref_squeeze %dma_start3A_111 : memref<1x128xi32, #tpu.memory_space<vmem>> -> memref<128xi32, #tpu.memory_space<vmem>>
    %dma_start3A_113 = tpu.memref_slice %arg3[%add3A_104] : memref<163840xi32, #tpu.memory_space<hbm>> -> memref<128xi32, #tpu.memory_space<hbm>>
    tpu.enqueue_dma source(%dma_start3A_113 : memref<128xi32, #tpu.memory_space<hbm>>) target(%dma_start3A_112 : memref<128xi32, #tpu.memory_space<vmem>>) target_semaphore(%arg15 : memref<!tpu.dma_semaphore, #tpu.memory_space<semaphore_mem>>)
    %dma_start3A_114 = arith.constant 2 : i32
    %dma_start3A_115 = arith.constant 0 : i32
    %dma_start3A_116 = tpu.memref_slice %arg8[%dma_start3A_114, %dma_start3A_115] : memref<4x128xi32, #tpu.memory_space<vmem>> -> memref<1x128xi32, #tpu.memory_space<vmem>>
    %dma_start3A_117 = tpu.memref_squeeze %dma_start3A_116 : memref<1x128xi32, #tpu.memory_space<vmem>> -> memref<128xi32, #tpu.memory_space<vmem>>
    %dma_start3A_118 = tpu.memref_slice %arg4[%add3A_104] : memref<163840xi32, #tpu.memory_space<hbm>> -> memref<128xi32, #tpu.memory_space<hbm>>
    %dma_start3A_119 = arith.constant 0 : i32
    %dma_start3A_120 = tpu.memref_slice %arg8[%dma_start3A_114, %dma_start3A_119] : memref<4x128xi32, #tpu.memory_space<vmem>> -> memref<1x128xi32, #tpu.memory_space<vmem>>
    %dma_start3A_121 = tpu.memref_squeeze %dma_start3A_120 : memref<1x128xi32, #tpu.memory_space<vmem>> -> memref<128xi32, #tpu.memory_space<vmem>>
    %dma_start3A_122 = tpu.memref_slice %arg4[%add3A_104] : memref<163840xi32, #tpu.memory_space<hbm>> -> memref<128xi32, #tpu.memory_space<hbm>>
    tpu.enqueue_dma source(%dma_start3A_122 : memref<128xi32, #tpu.memory_space<hbm>>) target(%dma_start3A_121 : memref<128xi32, #tpu.memory_space<vmem>>) target_semaphore(%arg15 : memref<!tpu.dma_semaphore, #tpu.memory_space<semaphore_mem>>)
    %add3A_123 = arith.constant 384 : i32
    %add3A_124 = arith.addi %add3A, %add3A_123 : i32
    %dma_start3A_125 = arith.constant 3 : i32
    %dma_start3A_126 = arith.constant 0 : i32
    %dma_start3A_127 = tpu.memref_slice %arg7[%dma_start3A_125, %dma_start3A_126] : memref<4x128xi32, #tpu.memory_space<vmem>> -> memref<1x128xi32, #tpu.memory_space<vmem>>
    %dma_start3A_128 = tpu.memref_squeeze %dma_start3A_127 : memref<1x128xi32, #tpu.memory_space<vmem>> -> memref<128xi32, #tpu.memory_space<vmem>>
    %dma_start3A_129 = tpu.memref_slice %arg3[%add3A_124] : memref<163840xi32, #tpu.memory_space<hbm>> -> memref<128xi32, #tpu.memory_space<hbm>>
    %dma_start3A_130 = arith.constant 0 : i32
    %dma_start3A_131 = tpu.memref_slice %arg7[%dma_start3A_125, %dma_start3A_130] : memref<4x128xi32, #tpu.memory_space<vmem>> -> memref<1x128xi32, #tpu.memory_space<vmem>>
    %dma_start3A_132 = tpu.memref_squeeze %dma_start3A_131 : memref<1x128xi32, #tpu.memory_space<vmem>> -> memref<128xi32, #tpu.memory_space<vmem>>
    %dma_start3A_133 = tpu.memref_slice %arg3[%add3A_124] : memref<163840xi32, #tpu.memory_space<hbm>> -> memref<128xi32, #tpu.memory_space<hbm>>
    tpu.enqueue_dma source(%dma_start3A_133 : memref<128xi32, #tpu.memory_space<hbm>>) target(%dma_start3A_132 : memref<128xi32, #tpu.memory_space<vmem>>) target_semaphore(%arg16 : memref<!tpu.dma_semaphore, #tpu.memory_space<semaphore_mem>>)
    %dma_start3A_134 = arith.constant 3 : i32
    %dma_start3A_135 = arith.constant 0 : i32
    %dma_start3A_136 = tpu.memref_slice %arg8[%dma_start3A_134, %dma_start3A_135] : memref<4x128xi32, #tpu.memory_space<vmem>> -> memref<1x128xi32, #tpu.memory_space<vmem>>
    %dma_start3A_137 = tpu.memref_squeeze %dma_start3A_136 : memref<1x128xi32, #tpu.memory_space<vmem>> -> memref<128xi32, #tpu.memory_space<vmem>>
    %dma_start3A_138 = tpu.memref_slice %arg4[%add3A_124] : memref<163840xi32, #tpu.memory_space<hbm>> -> memref<128xi32, #tpu.memory_space<hbm>>
    %dma_start3A_139 = arith.constant 0 : i32
    %dma_start3A_140 = tpu.memref_slice %arg8[%dma_start3A_134, %dma_start3A_139] : memref<4x128xi32, #tpu.memory_space<vmem>> -> memref<1x128xi32, #tpu.memory_space<vmem>>
    %dma_start3A_141 = tpu.memref_squeeze %dma_start3A_140 : memref<1x128xi32, #tpu.memory_space<vmem>> -> memref<128xi32, #tpu.memory_space<vmem>>
    %dma_start3A_142 = tpu.memref_slice %arg4[%add3A_124] : memref<163840xi32, #tpu.memory_space<hbm>> -> memref<128xi32, #tpu.memory_space<hbm>>
    tpu.enqueue_dma source(%dma_start3A_142 : memref<128xi32, #tpu.memory_space<hbm>>) target(%dma_start3A_141 : memref<128xi32, #tpu.memory_space<vmem>>) target_semaphore(%arg16 : memref<!tpu.dma_semaphore, #tpu.memory_space<semaphore_mem>>)
    %scan3A = arith.constant 0 : i32
    %scan3A_143 = arith.constant 10 : i32
    %scan3A_144 = arith.addi %scan3A, %scan3A_143 : i32
    %scan3A_145 = arith.constant 1 : i32
    scf.for %scan3A_156 = %scan3A to %scan3A_144 step %scan3A_145  : i32 {
      %mul3A_157 = arith.constant 1 : i32
      %mul3A_158 = arith.muli %scan3A_156, %mul3A_157 : i32
      %add3A_159 = arith.constant 0 : i32
      %add3A_160 = arith.addi %add3A_159, %mul3A_158 : i32
      %mul3A_161 = arith.constant 4 : i32
      %mul3A_162 = arith.muli %mul3A_161, %add3A_160 : i32
      %add3A_163 = arith.constant 0 : i32
      %add3A_164 = arith.addi %mul3A_162, %add3A_163 : i32
      %dma_wait3A_165 = arith.constant 0 : i32
      %dma_wait3A_166 = arith.constant 0 : i32
      %dma_wait3A_167 = arith.constant 0 : i32
      %dma_wait3A_168 = arith.constant 0 : i32
      %dma_wait3A_169 = tpu.memref_slice %arg9[%dma_wait3A_166, %dma_wait3A_167, %dma_wait3A_168] : memref<2x128x128xf32, #tpu.memory_space<vmem>> -> memref<1x128x128xf32, #tpu.memory_space<vmem>>
      %dma_wait3A_170 = tpu.memref_squeeze %dma_wait3A_169 : memref<1x128x128xf32, #tpu.memory_space<vmem>> -> memref<128x128xf32, #tpu.memory_space<vmem>>
      %dma_wait3A_171 = arith.constant 0 : i32
      %dma_wait3A_172 = tpu.memref_slice %arg7[%dma_wait3A_165, %dma_wait3A_171] : memref<4x128xi32, #tpu.memory_space<vmem>> -> memref<1x128xi32, #tpu.memory_space<vmem>>
      %dma_wait3A_173 = tpu.memref_squeeze %dma_wait3A_172 : memref<1x128xi32, #tpu.memory_space<vmem>> -> memref<128xi32, #tpu.memory_space<vmem>>
      %dma_wait3A_174 = arith.constant 0 : i32
      %dma_wait3A_175 = arith.constant 0 : i32
      %dma_wait3A_176 = tpu.memref_slice %arg2[%dma_wait3A_174, %dma_wait3A_175] : memref<100000x128xf32, #tpu.memory_space<hbm>> -> memref<100000x128xf32, #tpu.memory_space<hbm>>
      tpu.wait_indirect_dma semaphore(%arg11 : memref<!tpu.dma_semaphore, #tpu.memory_space<semaphore_mem>>) src(%dma_wait3A_176 : memref<100000x128xf32, #tpu.memory_space<hbm>>) dst(%dma_wait3A_170 : memref<128x128xf32, #tpu.memory_space<vmem>>)
      %run_scoped3A = arith.constant 0 : i32
      %run_scoped3A_177 = arith.constant 0 : i32
      "tpu.region"() ({
        %run_scoped3A_332 = tpu.sem_alloc : memref<!tpu.dma_semaphore, #tpu.memory_space<semaphore_mem>>
        %dma_start3A_333 = arith.constant 0 : i32
        %dma_start3A_334 = arith.constant 0 : i32
        %dma_start3A_335 = tpu.memref_slice %arg9[%run_scoped3A, %dma_start3A_333, %dma_start3A_334] : memref<2x128x128xf32, #tpu.memory_space<vmem>> -> memref<1x128x128xf32, #tpu.memory_space<vmem>>
        %dma_start3A_336 = tpu.memref_squeeze %dma_start3A_335 : memref<1x128x128xf32, #tpu.memory_space<vmem>> -> memref<128x128xf32, #tpu.memory_space<vmem>>
        %dma_start3A_337 = arith.constant 0 : i32
        %dma_start3A_338 = tpu.memref_slice %arg8[%run_scoped3A_177, %dma_start3A_337] : memref<4x128xi32, #tpu.memory_space<vmem>> -> memref<1x128xi32, #tpu.memory_space<vmem>>
        %dma_start3A_339 = tpu.memref_squeeze %dma_start3A_338 : memref<1x128xi32, #tpu.memory_space<vmem>> -> memref<128xi32, #tpu.memory_space<vmem>>
        %dma_start3A_340 = arith.constant 0 : i32
        %dma_start3A_341 = arith.constant 0 : i32
        %dma_start3A_342 = tpu.memref_slice %arg10[%dma_start3A_340, %dma_start3A_341] : memref<5120x128xf32, #tpu.memory_space<vmem_shared>> -> memref<5120x128xf32, #tpu.memory_space<vmem_shared>>
        tpu.enqueue_indirect_dma source(%dma_start3A_336 : memref<128x128xf32, #tpu.memory_space<vmem>>) target(%dma_start3A_342 : memref<5120x128xf32, #tpu.memory_space<vmem_shared>>) offsets(%dma_start3A_339 : memref<128xi32, #tpu.memory_space<vmem>>) semaphore(%run_scoped3A_332 : memref<!tpu.dma_semaphore, #tpu.memory_space<semaphore_mem>>) {add = true}
        %dma_wait3A_343 = arith.constant 0 : i32
        %dma_wait3A_344 = arith.constant 0 : i32
        %dma_wait3A_345 = tpu.memref_slice %arg9[%run_scoped3A, %dma_wait3A_343, %dma_wait3A_344] : memref<2x128x128xf32, #tpu.memory_space<vmem>> -> memref<1x128x128xf32, #tpu.memory_space<vmem>>
        %dma_wait3A_346 = tpu.memref_squeeze %dma_wait3A_345 : memref<1x128x128xf32, #tpu.memory_space<vmem>> -> memref<128x128xf32, #tpu.memory_space<vmem>>
        %dma_wait3A_347 = arith.constant 0 : i32
        %dma_wait3A_348 = tpu.memref_slice %arg8[%run_scoped3A_177, %dma_wait3A_347] : memref<4x128xi32, #tpu.memory_space<vmem>> -> memref<1x128xi32, #tpu.memory_space<vmem>>
        %dma_wait3A_349 = tpu.memref_squeeze %dma_wait3A_348 : memref<1x128xi32, #tpu.memory_space<vmem>> -> memref<128xi32, #tpu.memory_space<vmem>>
        %dma_wait3A_350 = arith.constant 0 : i32
        %dma_wait3A_351 = arith.constant 0 : i32
        %dma_wait3A_352 = tpu.memref_slice %arg10[%dma_wait3A_350, %dma_wait3A_351] : memref<5120x128xf32, #tpu.memory_space<vmem_shared>> -> memref<5120x128xf32, #tpu.memory_space<vmem_shared>>
        tpu.wait_indirect_dma semaphore(%run_scoped3A_332 : memref<!tpu.dma_semaphore, #tpu.memory_space<semaphore_mem>>) src(%dma_wait3A_346 : memref<128x128xf32, #tpu.memory_space<vmem>>) dst(%dma_wait3A_352 : memref<5120x128xf32, #tpu.memory_space<vmem_shared>>)
        tpu.yield
      }) : () -> ()
      %lt3A_178 = arith.constant 9 : i32
      %lt3A_179 = arith.cmpi slt, %add3A_160, %lt3A_178 : i32
      %convert_element_type3A_180 = arith.extui %lt3A_179 : i1 to i32
      %cond3A_181 = arith.constant 0 : i32
      %cond3A_182 = arith.cmpi ne, %convert_element_type3A_180, %cond3A_181 : i32
      scf.if %cond3A_182 {
        %add3A_332 = arith.constant 4 : i32
        %add3A_333 = arith.addi %add3A_164, %add3A_332 : i32
        %mul3A_334 = arith.constant 128 : i32
        %mul3A_335 = arith.muli %add3A_333, %mul3A_334 : i32
        %add3A_336 = arith.addi %add3A, %mul3A_335 : i32
        %dma_start3A_337 = arith.constant 0 : i32
        %dma_start3A_338 = arith.constant 0 : i32
        %dma_start3A_339 = tpu.memref_slice %arg7[%dma_start3A_337, %dma_start3A_338] : memref<4x128xi32, #tpu.memory_space<vmem>> -> memref<1x128xi32, #tpu.memory_space<vmem>>
        %dma_start3A_340 = tpu.memref_squeeze %dma_start3A_339 : memref<1x128xi32, #tpu.memory_space<vmem>> -> memref<128xi32, #tpu.memory_space<vmem>>
        %dma_start3A_341 = tpu.memref_slice %arg3[%add3A_336] : memref<163840xi32, #tpu.memory_space<hbm>> -> memref<128xi32, #tpu.memory_space<hbm>>
        %dma_start3A_342 = arith.constant 0 : i32
        %dma_start3A_343 = tpu.memref_slice %arg7[%dma_start3A_337, %dma_start3A_342] : memref<4x128xi32, #tpu.memory_space<vmem>> -> memref<1x128xi32, #tpu.memory_space<vmem>>
        %dma_start3A_344 = tpu.memref_squeeze %dma_start3A_343 : memref<1x128xi32, #tpu.memory_space<vmem>> -> memref<128xi32, #tpu.memory_space<vmem>>
        %dma_start3A_345 = tpu.memref_slice %arg3[%add3A_336] : memref<163840xi32, #tpu.memory_space<hbm>> -> memref<128xi32, #tpu.memory_space<hbm>>
        tpu.enqueue_dma source(%dma_start3A_345 : memref<128xi32, #tpu.memory_space<hbm>>) target(%dma_start3A_344 : memref<128xi32, #tpu.memory_space<vmem>>) target_semaphore(%arg13 : memref<!tpu.dma_semaphore, #tpu.memory_space<semaphore_mem>>)
        %dma_start3A_346 = arith.constant 0 : i32
        %dma_start3A_347 = arith.constant 0 : i32
        %dma_start3A_348 = tpu.memref_slice %arg8[%dma_start3A_346, %dma_start3A_347] : memref<4x128xi32, #tpu.memory_space<vmem>> -> memref<1x128xi32, #tpu.memory_space<vmem>>
        %dma_start3A_349 = tpu.memref_squeeze %dma_start3A_348 : memref<1x128xi32, #tpu.memory_space<vmem>> -> memref<128xi32, #tpu.memory_space<vmem>>
        %dma_start3A_350 = tpu.memref_slice %arg4[%add3A_336] : memref<163840xi32, #tpu.memory_space<hbm>> -> memref<128xi32, #tpu.memory_space<hbm>>
        %dma_start3A_351 = arith.constant 0 : i32
        %dma_start3A_352 = tpu.memref_slice %arg8[%dma_start3A_346, %dma_start3A_351] : memref<4x128xi32, #tpu.memory_space<vmem>> -> memref<1x128xi32, #tpu.memory_space<vmem>>
        %dma_start3A_353 = tpu.memref_squeeze %dma_start3A_352 : memref<1x128xi32, #tpu.memory_space<vmem>> -> memref<128xi32, #tpu.memory_space<vmem>>
        %dma_start3A_354 = tpu.memref_slice %arg4[%add3A_336] : memref<163840xi32, #tpu.memory_space<hbm>> -> memref<128xi32, #tpu.memory_space<hbm>>
        tpu.enqueue_dma source(%dma_start3A_354 : memref<128xi32, #tpu.memory_space<hbm>>) target(%dma_start3A_353 : memref<128xi32, #tpu.memory_space<vmem>>) target_semaphore(%arg13 : memref<!tpu.dma_semaphore, #tpu.memory_space<semaphore_mem>>)
      } else {
      }
      %add3A_183 = arith.constant 2 : i32
      %add3A_184 = arith.addi %add3A_164, %add3A_183 : i32
      %mul3A_185 = arith.constant 128 : i32
      %mul3A_186 = arith.muli %add3A_184, %mul3A_185 : i32
      %add3A_187 = arith.addi %add3A, %mul3A_186 : i32
      %dma_wait3A_188 = arith.constant 2 : i32
      %dma_wait3A_189 = arith.constant 0 : i32
      %dma_wait3A_190 = tpu.memref_slice %arg7[%dma_wait3A_188, %dma_wait3A_189] : memref<4x128xi32, #tpu.memory_space<vmem>> -> memref<1x128xi32, #tpu.memory_space<vmem>>
      %dma_wait3A_191 = tpu.memref_squeeze %dma_wait3A_190 : memref<1x128xi32, #tpu.memory_space<vmem>> -> memref<128xi32, #tpu.memory_space<vmem>>
      %dma_wait3A_192 = tpu.memref_slice %arg3[%add3A_187] : memref<163840xi32, #tpu.memory_space<hbm>> -> memref<128xi32, #tpu.memory_space<hbm>>
      %dma_wait3A_193 = arith.constant 0 : i32
      %dma_wait3A_194 = tpu.memref_slice %arg7[%dma_wait3A_188, %dma_wait3A_193] : memref<4x128xi32, #tpu.memory_space<vmem>> -> memref<1x128xi32, #tpu.memory_space<vmem>>
      %dma_wait3A_195 = tpu.memref_squeeze %dma_wait3A_194 : memref<1x128xi32, #tpu.memory_space<vmem>> -> memref<128xi32, #tpu.memory_space<vmem>>
      %dma_wait3A_196 = tpu.memref_slice %arg3[%add3A_187] : memref<163840xi32, #tpu.memory_space<hbm>> -> memref<128xi32, #tpu.memory_space<hbm>>
      tpu.wait_dma2 semaphore(%arg15 : memref<!tpu.dma_semaphore, #tpu.memory_space<semaphore_mem>>) src(%dma_wait3A_196 : memref<128xi32, #tpu.memory_space<hbm>>) dst(%dma_wait3A_195 : memref<128xi32, #tpu.memory_space<vmem>>)
      %dma_wait3A_197 = arith.constant 2 : i32
      %dma_wait3A_198 = arith.constant 0 : i32
      %dma_wait3A_199 = tpu.memref_slice %arg8[%dma_wait3A_197, %dma_wait3A_198] : memref<4x128xi32, #tpu.memory_space<vmem>> -> memref<1x128xi32, #tpu.memory_space<vmem>>
      %dma_wait3A_200 = tpu.memref_squeeze %dma_wait3A_199 : memref<1x128xi32, #tpu.memory_space<vmem>> -> memref<128xi32, #tpu.memory_space<vmem>>
      %dma_wait3A_201 = tpu.memref_slice %arg4[%add3A_187] : memref<163840xi32, #tpu.memory_space<hbm>> -> memref<128xi32, #tpu.memory_space<hbm>>
      %dma_wait3A_202 = arith.constant 0 : i32
      %dma_wait3A_203 = tpu.memref_slice %arg8[%dma_wait3A_197, %dma_wait3A_202] : memref<4x128xi32, #tpu.memory_space<vmem>> -> memref<1x128xi32, #tpu.memory_space<vmem>>
      %dma_wait3A_204 = tpu.memref_squeeze %dma_wait3A_203 : memref<1x128xi32, #tpu.memory_space<vmem>> -> memref<128xi32, #tpu.memory_space<vmem>>
      %dma_wait3A_205 = tpu.memref_slice %arg4[%add3A_187] : memref<163840xi32, #tpu.memory_space<hbm>> -> memref<128xi32, #tpu.memory_space<hbm>>
      tpu.wait_dma2 semaphore(%arg15 : memref<!tpu.dma_semaphore, #tpu.memory_space<semaphore_mem>>) src(%dma_wait3A_205 : memref<128xi32, #tpu.memory_space<hbm>>) dst(%dma_wait3A_204 : memref<128xi32, #tpu.memory_space<vmem>>)
      %dma_start3A_206 = arith.constant 2 : i32
      %dma_start3A_207 = arith.constant 0 : i32
      %dma_start3A_208 = arith.constant 0 : i32
      %dma_start3A_209 = arith.constant 0 : i32
      %dma_start3A_210 = tpu.memref_slice %arg9[%dma_start3A_207, %dma_start3A_208, %dma_start3A_209] : memref<2x128x128xf32, #tpu.memory_space<vmem>> -> memref<1x128x128xf32, #tpu.memory_space<vmem>>
      %dma_start3A_211 = tpu.memref_squeeze %dma_start3A_210 : memref<1x128x128xf32, #tpu.memory_space<vmem>> -> memref<128x128xf32, #tpu.memory_space<vmem>>
      %dma_start3A_212 = arith.constant 0 : i32
      %dma_start3A_213 = tpu.memref_slice %arg7[%dma_start3A_206, %dma_start3A_212] : memref<4x128xi32, #tpu.memory_space<vmem>> -> memref<1x128xi32, #tpu.memory_space<vmem>>
      %dma_start3A_214 = tpu.memref_squeeze %dma_start3A_213 : memref<1x128xi32, #tpu.memory_space<vmem>> -> memref<128xi32, #tpu.memory_space<vmem>>
      %dma_start3A_215 = arith.constant 0 : i32
      %dma_start3A_216 = arith.constant 0 : i32
      %dma_start3A_217 = tpu.memref_slice %arg2[%dma_start3A_215, %dma_start3A_216] : memref<100000x128xf32, #tpu.memory_space<hbm>> -> memref<100000x128xf32, #tpu.memory_space<hbm>>
      tpu.enqueue_indirect_dma source(%dma_start3A_217 : memref<100000x128xf32, #tpu.memory_space<hbm>>) target(%dma_start3A_211 : memref<128x128xf32, #tpu.memory_space<vmem>>) offsets(%dma_start3A_214 : memref<128xi32, #tpu.memory_space<vmem>>) semaphore(%arg11 : memref<!tpu.dma_semaphore, #tpu.memory_space<semaphore_mem>>)
      %mul3A_218 = arith.constant 4 : i32
      %mul3A_219 = arith.muli %mul3A_218, %add3A_160 : i32
      %add3A_220 = arith.constant 1 : i32
      %add3A_221 = arith.addi %mul3A_219, %add3A_220 : i32
      %dma_wait3A_222 = arith.constant 1 : i32
      %dma_wait3A_223 = arith.constant 1 : i32
      %dma_wait3A_224 = arith.constant 0 : i32
      %dma_wait3A_225 = arith.constant 0 : i32
      %dma_wait3A_226 = tpu.memref_slice %arg9[%dma_wait3A_223, %dma_wait3A_224, %dma_wait3A_225] : memref<2x128x128xf32, #tpu.memory_space<vmem>> -> memref<1x128x128xf32, #tpu.memory_space<vmem>>
      %dma_wait3A_227 = tpu.memref_squeeze %dma_wait3A_226 : memref<1x128x128xf32, #tpu.memory_space<vmem>> -> memref<128x128xf32, #tpu.memory_space<vmem>>
      %dma_wait3A_228 = arith.constant 0 : i32
      %dma_wait3A_229 = tpu.memref_slice %arg7[%dma_wait3A_222, %dma_wait3A_228] : memref<4x128xi32, #tpu.memory_space<vmem>> -> memref<1x128xi32, #tpu.memory_space<vmem>>
      %dma_wait3A_230 = tpu.memref_squeeze %dma_wait3A_229 : memref<1x128xi32, #tpu.memory_space<vmem>> -> memref<128xi32, #tpu.memory_space<vmem>>
      %dma_wait3A_231 = arith.constant 0 : i32
      %dma_wait3A_232 = arith.constant 0 : i32
      %dma_wait3A_233 = tpu.memref_slice %arg2[%dma_wait3A_231, %dma_wait3A_232] : memref<100000x128xf32, #tpu.memory_space<hbm>> -> memref<100000x128xf32, #tpu.memory_space<hbm>>
      tpu.wait_indirect_dma semaphore(%arg12 : memref<!tpu.dma_semaphore, #tpu.memory_space<semaphore_mem>>) src(%dma_wait3A_233 : memref<100000x128xf32, #tpu.memory_space<hbm>>) dst(%dma_wait3A_227 : memref<128x128xf32, #tpu.memory_space<vmem>>)
      %run_scoped3A_234 = arith.constant 1 : i32
      %run_scoped3A_235 = arith.constant 1 : i32
      "tpu.region"() ({
        %run_scoped3A_332 = tpu.sem_alloc : memref<!tpu.dma_semaphore, #tpu.memory_space<semaphore_mem>>
        %dma_start3A_333 = arith.constant 0 : i32
        %dma_start3A_334 = arith.constant 0 : i32
        %dma_start3A_335 = tpu.memref_slice %arg9[%run_scoped3A_234, %dma_start3A_333, %dma_start3A_334] : memref<2x128x128xf32, #tpu.memory_space<vmem>> -> memref<1x128x128xf32, #tpu.memory_space<vmem>>
        %dma_start3A_336 = tpu.memref_squeeze %dma_start3A_335 : memref<1x128x128xf32, #tpu.memory_space<vmem>> -> memref<128x128xf32, #tpu.memory_space<vmem>>
        %dma_start3A_337 = arith.constant 0 : i32
        %dma_start3A_338 = tpu.memref_slice %arg8[%run_scoped3A_235, %dma_start3A_337] : memref<4x128xi32, #tpu.memory_space<vmem>> -> memref<1x128xi32, #tpu.memory_space<vmem>>
        %dma_start3A_339 = tpu.memref_squeeze %dma_start3A_338 : memref<1x128xi32, #tpu.memory_space<vmem>> -> memref<128xi32, #tpu.memory_space<vmem>>
        %dma_start3A_340 = arith.constant 0 : i32
        %dma_start3A_341 = arith.constant 0 : i32
        %dma_start3A_342 = tpu.memref_slice %arg10[%dma_start3A_340, %dma_start3A_341] : memref<5120x128xf32, #tpu.memory_space<vmem_shared>> -> memref<5120x128xf32, #tpu.memory_space<vmem_shared>>
        tpu.enqueue_indirect_dma source(%dma_start3A_336 : memref<128x128xf32, #tpu.memory_space<vmem>>) target(%dma_start3A_342 : memref<5120x128xf32, #tpu.memory_space<vmem_shared>>) offsets(%dma_start3A_339 : memref<128xi32, #tpu.memory_space<vmem>>) semaphore(%run_scoped3A_332 : memref<!tpu.dma_semaphore, #tpu.memory_space<semaphore_mem>>) {add = true}
        %dma_wait3A_343 = arith.constant 0 : i32
        %dma_wait3A_344 = arith.constant 0 : i32
        %dma_wait3A_345 = tpu.memref_slice %arg9[%run_scoped3A_234, %dma_wait3A_343, %dma_wait3A_344] : memref<2x128x128xf32, #tpu.memory_space<vmem>> -> memref<1x128x128xf32, #tpu.memory_space<vmem>>
        %dma_wait3A_346 = tpu.memref_squeeze %dma_wait3A_345 : memref<1x128x128xf32, #tpu.memory_space<vmem>> -> memref<128x128xf32, #tpu.memory_space<vmem>>
        %dma_wait3A_347 = arith.constant 0 : i32
        %dma_wait3A_348 = tpu.memref_slice %arg8[%run_scoped3A_235, %dma_wait3A_347] : memref<4x128xi32, #tpu.memory_space<vmem>> -> memref<1x128xi32, #tpu.memory_space<vmem>>
        %dma_wait3A_349 = tpu.memref_squeeze %dma_wait3A_348 : memref<1x128xi32, #tpu.memory_space<vmem>> -> memref<128xi32, #tpu.memory_space<vmem>>
        %dma_wait3A_350 = arith.constant 0 : i32
        %dma_wait3A_351 = arith.constant 0 : i32
        %dma_wait3A_352 = tpu.memref_slice %arg10[%dma_wait3A_350, %dma_wait3A_351] : memref<5120x128xf32, #tpu.memory_space<vmem_shared>> -> memref<5120x128xf32, #tpu.memory_space<vmem_shared>>
        tpu.wait_indirect_dma semaphore(%run_scoped3A_332 : memref<!tpu.dma_semaphore, #tpu.memory_space<semaphore_mem>>) src(%dma_wait3A_346 : memref<128x128xf32, #tpu.memory_space<vmem>>) dst(%dma_wait3A_352 : memref<5120x128xf32, #tpu.memory_space<vmem_shared>>)
        tpu.yield
      }) : () -> ()
      %lt3A_236 = arith.constant 9 : i32
      %lt3A_237 = arith.cmpi slt, %add3A_160, %lt3A_236 : i32
      %convert_element_type3A_238 = arith.extui %lt3A_237 : i1 to i32
      %cond3A_239 = arith.constant 0 : i32
      %cond3A_240 = arith.cmpi ne, %convert_element_type3A_238, %cond3A_239 : i32
      scf.if %cond3A_240 {
        %add3A_332 = arith.constant 4 : i32
        %add3A_333 = arith.addi %add3A_221, %add3A_332 : i32
        %mul3A_334 = arith.constant 128 : i32
        %mul3A_335 = arith.muli %add3A_333, %mul3A_334 : i32
        %add3A_336 = arith.addi %add3A, %mul3A_335 : i32
        %dma_start3A_337 = arith.constant 1 : i32
        %dma_start3A_338 = arith.constant 0 : i32
        %dma_start3A_339 = tpu.memref_slice %arg7[%dma_start3A_337, %dma_start3A_338] : memref<4x128xi32, #tpu.memory_space<vmem>> -> memref<1x128xi32, #tpu.memory_space<vmem>>
        %dma_start3A_340 = tpu.memref_squeeze %dma_start3A_339 : memref<1x128xi32, #tpu.memory_space<vmem>> -> memref<128xi32, #tpu.memory_space<vmem>>
        %dma_start3A_341 = tpu.memref_slice %arg3[%add3A_336] : memref<163840xi32, #tpu.memory_space<hbm>> -> memref<128xi32, #tpu.memory_space<hbm>>
        %dma_start3A_342 = arith.constant 0 : i32
        %dma_start3A_343 = tpu.memref_slice %arg7[%dma_start3A_337, %dma_start3A_342] : memref<4x128xi32, #tpu.memory_space<vmem>> -> memref<1x128xi32, #tpu.memory_space<vmem>>
        %dma_start3A_344 = tpu.memref_squeeze %dma_start3A_343 : memref<1x128xi32, #tpu.memory_space<vmem>> -> memref<128xi32, #tpu.memory_space<vmem>>
        %dma_start3A_345 = tpu.memref_slice %arg3[%add3A_336] : memref<163840xi32, #tpu.memory_space<hbm>> -> memref<128xi32, #tpu.memory_space<hbm>>
        tpu.enqueue_dma source(%dma_start3A_345 : memref<128xi32, #tpu.memory_space<hbm>>) target(%dma_start3A_344 : memref<128xi32, #tpu.memory_space<vmem>>) target_semaphore(%arg14 : memref<!tpu.dma_semaphore, #tpu.memory_space<semaphore_mem>>)
        %dma_start3A_346 = arith.constant 1 : i32
        %dma_start3A_347 = arith.constant 0 : i32
        %dma_start3A_348 = tpu.memref_slice %arg8[%dma_start3A_346, %dma_start3A_347] : memref<4x128xi32, #tpu.memory_space<vmem>> -> memref<1x128xi32, #tpu.memory_space<vmem>>
        %dma_start3A_349 = tpu.memref_squeeze %dma_start3A_348 : memref<1x128xi32, #tpu.memory_space<vmem>> -> memref<128xi32, #tpu.memory_space<vmem>>
        %dma_start3A_350 = tpu.memref_slice %arg4[%add3A_336] : memref<163840xi32, #tpu.memory_space<hbm>> -> memref<128xi32, #tpu.memory_space<hbm>>
        %dma_start3A_351 = arith.constant 0 : i32
        %dma_start3A_352 = tpu.memref_slice %arg8[%dma_start3A_346, %dma_start3A_351] : memref<4x128xi32, #tpu.memory_space<vmem>> -> memref<1x128xi32, #tpu.memory_space<vmem>>
        %dma_start3A_353 = tpu.memref_squeeze %dma_start3A_352 : memref<1x128xi32, #tpu.memory_space<vmem>> -> memref<128xi32, #tpu.memory_space<vmem>>
        %dma_start3A_354 = tpu.memref_slice %arg4[%add3A_336] : memref<163840xi32, #tpu.memory_space<hbm>> -> memref<128xi32, #tpu.memory_space<hbm>>
        tpu.enqueue_dma source(%dma_start3A_354 : memref<128xi32, #tpu.memory_space<hbm>>) target(%dma_start3A_353 : memref<128xi32, #tpu.memory_space<vmem>>) target_semaphore(%arg14 : memref<!tpu.dma_semaphore, #tpu.memory_space<semaphore_mem>>)
      } else {
      }
      %add3A_241 = arith.constant 2 : i32
      %add3A_242 = arith.addi %add3A_221, %add3A_241 : i32
      %mul3A_243 = arith.constant 128 : i32
      %mul3A_244 = arith.muli %add3A_242, %mul3A_243 : i32
      %add3A_245 = arith.addi %add3A, %mul3A_244 : i32
      %dma_wait3A_246 = arith.constant 3 : i32
      %dma_wait3A_247 = arith.constant 0 : i32
      %dma_wait3A_248 = tpu.memref_slice %arg7[%dma_wait3A_246, %dma_wait3A_247] : memref<4x128xi32, #tpu.memory_space<vmem>> -> memref<1x128xi32, #tpu.memory_space<vmem>>
      %dma_wait3A_249 = tpu.memref_squeeze %dma_wait3A_248 : memref<1x128xi32, #tpu.memory_space<vmem>> -> memref<128xi32, #tpu.memory_space<vmem>>
      %dma_wait3A_250 = tpu.memref_slice %arg3[%add3A_245] : memref<163840xi32, #tpu.memory_space<hbm>> -> memref<128xi32, #tpu.memory_space<hbm>>
      %dma_wait3A_251 = arith.constant 0 : i32
      %dma_wait3A_252 = tpu.memref_slice %arg7[%dma_wait3A_246, %dma_wait3A_251] : memref<4x128xi32, #tpu.memory_space<vmem>> -> memref<1x128xi32, #tpu.memory_space<vmem>>
      %dma_wait3A_253 = tpu.memref_squeeze %dma_wait3A_252 : memref<1x128xi32, #tpu.memory_space<vmem>> -> memref<128xi32, #tpu.memory_space<vmem>>
      %dma_wait3A_254 = tpu.memref_slice %arg3[%add3A_245] : memref<163840xi32, #tpu.memory_space<hbm>> -> memref<128xi32, #tpu.memory_space<hbm>>
      tpu.wait_dma2 semaphore(%arg16 : memref<!tpu.dma_semaphore, #tpu.memory_space<semaphore_mem>>) src(%dma_wait3A_254 : memref<128xi32, #tpu.memory_space<hbm>>) dst(%dma_wait3A_253 : memref<128xi32, #tpu.memory_space<vmem>>)
      %dma_wait3A_255 = arith.constant 3 : i32
      %dma_wait3A_256 = arith.constant 0 : i32
      %dma_wait3A_257 = tpu.memref_slice %arg8[%dma_wait3A_255, %dma_wait3A_256] : memref<4x128xi32, #tpu.memory_space<vmem>> -> memref<1x128xi32, #tpu.memory_space<vmem>>
      %dma_wait3A_258 = tpu.memref_squeeze %dma_wait3A_257 : memref<1x128xi32, #tpu.memory_space<vmem>> -> memref<128xi32, #tpu.memory_space<vmem>>
      %dma_wait3A_259 = tpu.memref_slice %arg4[%add3A_245] : memref<163840xi32, #tpu.memory_space<hbm>> -> memref<128xi32, #tpu.memory_space<hbm>>
      %dma_wait3A_260 = arith.constant 0 : i32
      %dma_wait3A_261 = tpu.memref_slice %arg8[%dma_wait3A_255, %dma_wait3A_260] : memref<4x128xi32, #tpu.memory_space<vmem>> -> memref<1x128xi32, #tpu.memory_space<vmem>>
      %dma_wait3A_262 = tpu.memref_squeeze %dma_wait3A_261 : memref<1x128xi32, #tpu.memory_space<vmem>> -> memref<128xi32, #tpu.memory_space<vmem>>
      %dma_wait3A_263 = tpu.memref_slice %arg4[%add3A_245] : memref<163840xi32, #tpu.memory_space<hbm>> -> memref<128xi32, #tpu.memory_space<hbm>>
      tpu.wait_dma2 semaphore(%arg16 : memref<!tpu.dma_semaphore, #tpu.memory_space<semaphore_mem>>) src(%dma_wait3A_263 : memref<128xi32, #tpu.memory_space<hbm>>) dst(%dma_wait3A_262 : memref<128xi32, #tpu.memory_space<vmem>>)
      %dma_start3A_264 = arith.constant 3 : i32
      %dma_start3A_265 = arith.constant 1 : i32
      %dma_start3A_266 = arith.constant 0 : i32
      %dma_start3A_267 = arith.constant 0 : i32
      %dma_start3A_268 = tpu.memref_slice %arg9[%dma_start3A_265, %dma_start3A_266, %dma_start3A_267] : memref<2x128x128xf32, #tpu.memory_space<vmem>> -> memref<1x128x128xf32, #tpu.memory_space<vmem>>
      %dma_start3A_269 = tpu.memref_squeeze %dma_start3A_268 : memref<1x128x128xf32, #tpu.memory_space<vmem>> -> memref<128x128xf32, #tpu.memory_space<vmem>>
      %dma_start3A_270 = arith.constant 0 : i32
      %dma_start3A_271 = tpu.memref_slice %arg7[%dma_start3A_264, %dma_start3A_270] : memref<4x128xi32, #tpu.memory_space<vmem>> -> memref<1x128xi32, #tpu.memory_space<vmem>>
      %dma_start3A_272 = tpu.memref_squeeze %dma_start3A_271 : memref<1x128xi32, #tpu.memory_space<vmem>> -> memref<128xi32, #tpu.memory_space<vmem>>
      %dma_start3A_273 = arith.constant 0 : i32
      %dma_start3A_274 = arith.constant 0 : i32
      %dma_start3A_275 = tpu.memref_slice %arg2[%dma_start3A_273, %dma_start3A_274] : memref<100000x128xf32, #tpu.memory_space<hbm>> -> memref<100000x128xf32, #tpu.memory_space<hbm>>
      tpu.enqueue_indirect_dma source(%dma_start3A_275 : memref<100000x128xf32, #tpu.memory_space<hbm>>) target(%dma_start3A_269 : memref<128x128xf32, #tpu.memory_space<vmem>>) offsets(%dma_start3A_272 : memref<128xi32, #tpu.memory_space<vmem>>) semaphore(%arg12 : memref<!tpu.dma_semaphore, #tpu.memory_space<semaphore_mem>>)
      %mul3A_276 = arith.constant 4 : i32
      %mul3A_277 = arith.muli %mul3A_276, %add3A_160 : i32
      %add3A_278 = arith.constant 2 : i32
      %add3A_279 = arith.addi %mul3A_277, %add3A_278 : i32
      %dma_wait3A_280 = arith.constant 2 : i32
      %dma_wait3A_281 = arith.constant 0 : i32
      %dma_wait3A_282 = arith.constant 0 : i32
      %dma_wait3A_283 = arith.constant 0 : i32
      %dma_wait3A_284 = tpu.memref_slice %arg9[%dma_wait3A_281, %dma_wait3A_282, %dma_wait3A_283] : memref<2x128x128xf32, #tpu.memory_space<vmem>> -> memref<1x128x128xf32, #tpu.memory_space<vmem>>
      %dma_wait3A_285 = tpu.memref_squeeze %dma_wait3A_284 : memref<1x128x128xf32, #tpu.memory_space<vmem>> -> memref<128x128xf32, #tpu.memory_space<vmem>>
      %dma_wait3A_286 = arith.constant 0 : i32
      %dma_wait3A_287 = tpu.memref_slice %arg7[%dma_wait3A_280, %dma_wait3A_286] : memref<4x128xi32, #tpu.memory_space<vmem>> -> memref<1x128xi32, #tpu.memory_space<vmem>>
      %dma_wait3A_288 = tpu.memref_squeeze %dma_wait3A_287 : memref<1x128xi32, #tpu.memory_space<vmem>> -> memref<128xi32, #tpu.memory_space<vmem>>
      %dma_wait3A_289 = arith.constant 0 : i32
      %dma_wait3A_290 = arith.constant 0 : i32
      %dma_wait3A_291 = tpu.memref_slice %arg2[%dma_wait3A_289, %dma_wait3A_290] : memref<100000x128xf32, #tpu.memory_space<hbm>> -> memref<100000x128xf32, #tpu.memory_space<hbm>>
      tpu.wait_indirect_dma semaphore(%arg11 : memref<!tpu.dma_semaphore, #tpu.memory_space<semaphore_mem>>) src(%dma_wait3A_291 : memref<100000x128xf32, #tpu.memory_space<hbm>>) dst(%dma_wait3A_285 : memref<128x128xf32, #tpu.memory_space<vmem>>)
      %run_scoped3A_292 = arith.constant 0 : i32
      %run_scoped3A_293 = arith.constant 2 : i32
      "tpu.region"() ({
        %run_scoped3A_332 = tpu.sem_alloc : memref<!tpu.dma_semaphore, #tpu.memory_space<semaphore_mem>>
        %dma_start3A_333 = arith.constant 0 : i32
        %dma_start3A_334 = arith.constant 0 : i32
        %dma_start3A_335 = tpu.memref_slice %arg9[%run_scoped3A_292, %dma_start3A_333, %dma_start3A_334] : memref<2x128x128xf32, #tpu.memory_space<vmem>> -> memref<1x128x128xf32, #tpu.memory_space<vmem>>
        %dma_start3A_336 = tpu.memref_squeeze %dma_start3A_335 : memref<1x128x128xf32, #tpu.memory_space<vmem>> -> memref<128x128xf32, #tpu.memory_space<vmem>>
        %dma_start3A_337 = arith.constant 0 : i32
        %dma_start3A_338 = tpu.memref_slice %arg8[%run_scoped3A_293, %dma_start3A_337] : memref<4x128xi32, #tpu.memory_space<vmem>> -> memref<1x128xi32, #tpu.memory_space<vmem>>
        %dma_start3A_339 = tpu.memref_squeeze %dma_start3A_338 : memref<1x128xi32, #tpu.memory_space<vmem>> -> memref<128xi32, #tpu.memory_space<vmem>>
        %dma_start3A_340 = arith.constant 0 : i32
        %dma_start3A_341 = arith.constant 0 : i32
        %dma_start3A_342 = tpu.memref_slice %arg10[%dma_start3A_340, %dma_start3A_341] : memref<5120x128xf32, #tpu.memory_space<vmem_shared>> -> memref<5120x128xf32, #tpu.memory_space<vmem_shared>>
        tpu.enqueue_indirect_dma source(%dma_start3A_336 : memref<128x128xf32, #tpu.memory_space<vmem>>) target(%dma_start3A_342 : memref<5120x128xf32, #tpu.memory_space<vmem_shared>>) offsets(%dma_start3A_339 : memref<128xi32, #tpu.memory_space<vmem>>) semaphore(%run_scoped3A_332 : memref<!tpu.dma_semaphore, #tpu.memory_space<semaphore_mem>>) {add = true}
        %dma_wait3A_343 = arith.constant 0 : i32
        %dma_wait3A_344 = arith.constant 0 : i32
        %dma_wait3A_345 = tpu.memref_slice %arg9[%run_scoped3A_292, %dma_wait3A_343, %dma_wait3A_344] : memref<2x128x128xf32, #tpu.memory_space<vmem>> -> memref<1x128x128xf32, #tpu.memory_space<vmem>>
        %dma_wait3A_346 = tpu.memref_squeeze %dma_wait3A_345 : memref<1x128x128xf32, #tpu.memory_space<vmem>> -> memref<128x128xf32, #tpu.memory_space<vmem>>
        %dma_wait3A_347 = arith.constant 0 : i32
        %dma_wait3A_348 = tpu.memref_slice %arg8[%run_scoped3A_293, %dma_wait3A_347] : memref<4x128xi32, #tpu.memory_space<vmem>> -> memref<1x128xi32, #tpu.memory_space<vmem>>
        %dma_wait3A_349 = tpu.memref_squeeze %dma_wait3A_348 : memref<1x128xi32, #tpu.memory_space<vmem>> -> memref<128xi32, #tpu.memory_space<vmem>>
        %dma_wait3A_350 = arith.constant 0 : i32
        %dma_wait3A_351 = arith.constant 0 : i32
        %dma_wait3A_352 = tpu.memref_slice %arg10[%dma_wait3A_350, %dma_wait3A_351] : memref<5120x128xf32, #tpu.memory_space<vmem_shared>> -> memref<5120x128xf32, #tpu.memory_space<vmem_shared>>
        tpu.wait_indirect_dma semaphore(%run_scoped3A_332 : memref<!tpu.dma_semaphore, #tpu.memory_space<semaphore_mem>>) src(%dma_wait3A_346 : memref<128x128xf32, #tpu.memory_space<vmem>>) dst(%dma_wait3A_352 : memref<5120x128xf32, #tpu.memory_space<vmem_shared>>)
        tpu.yield
      }) : () -> ()
      %lt3A_294 = arith.constant 9 : i32
      %lt3A_295 = arith.cmpi slt, %add3A_160, %lt3A_294 : i32
      %convert_element_type3A_296 = arith.extui %lt3A_295 : i1 to i32
      %cond3A_297 = arith.constant 0 : i32
      %cond3A_298 = arith.cmpi ne, %convert_element_type3A_296, %cond3A_297 : i32
      scf.if %cond3A_298 {
        %add3A_332 = arith.constant 4 : i32
        %add3A_333 = arith.addi %add3A_279, %add3A_332 : i32
        %mul3A_334 = arith.constant 128 : i32
        %mul3A_335 = arith.muli %add3A_333, %mul3A_334 : i32
        %add3A_336 = arith.addi %add3A, %mul3A_335 : i32
        %dma_start3A_337 = arith.constant 2 : i32
        %dma_start3A_338 = arith.constant 0 : i32
        %dma_start3A_339 = tpu.memref_slice %arg7[%dma_start3A_337, %dma_start3A_338] : memref<4x128xi32, #tpu.memory_space<vmem>> -> memref<1x128xi32, #tpu.memory_space<vmem>>
        %dma_start3A_340 = tpu.memref_squeeze %dma_start3A_339 : memref<1x128xi32, #tpu.memory_space<vmem>> -> memref<128xi32, #tpu.memory_space<vmem>>
        %dma_start3A_341 = tpu.memref_slice %arg3[%add3A_336] : memref<163840xi32, #tpu.memory_space<hbm>> -> memref<128xi32, #tpu.memory_space<hbm>>
        %dma_start3A_342 = arith.constant 0 : i32
        %dma_start3A_343 = tpu.memref_slice %arg7[%dma_start3A_337, %dma_start3A_342] : memref<4x128xi32, #tpu.memory_space<vmem>> -> memref<1x128xi32, #tpu.memory_space<vmem>>
        %dma_start3A_344 = tpu.memref_squeeze %dma_start3A_343 : memref<1x128xi32, #tpu.memory_space<vmem>> -> memref<128xi32, #tpu.memory_space<vmem>>
        %dma_start3A_345 = tpu.memref_slice %arg3[%add3A_336] : memref<163840xi32, #tpu.memory_space<hbm>> -> memref<128xi32, #tpu.memory_space<hbm>>
        tpu.enqueue_dma source(%dma_start3A_345 : memref<128xi32, #tpu.memory_space<hbm>>) target(%dma_start3A_344 : memref<128xi32, #tpu.memory_space<vmem>>) target_semaphore(%arg15 : memref<!tpu.dma_semaphore, #tpu.memory_space<semaphore_mem>>)
        %dma_start3A_346 = arith.constant 2 : i32
        %dma_start3A_347 = arith.constant 0 : i32
        %dma_start3A_348 = tpu.memref_slice %arg8[%dma_start3A_346, %dma_start3A_347] : memref<4x128xi32, #tpu.memory_space<vmem>> -> memref<1x128xi32, #tpu.memory_space<vmem>>
        %dma_start3A_349 = tpu.memref_squeeze %dma_start3A_348 : memref<1x128xi32, #tpu.memory_space<vmem>> -> memref<128xi32, #tpu.memory_space<vmem>>
        %dma_start3A_350 = tpu.memref_slice %arg4[%add3A_336] : memref<163840xi32, #tpu.memory_space<hbm>> -> memref<128xi32, #tpu.memory_space<hbm>>
        %dma_start3A_351 = arith.constant 0 : i32
        %dma_start3A_352 = tpu.memref_slice %arg8[%dma_start3A_346, %dma_start3A_351] : memref<4x128xi32, #tpu.memory_space<vmem>> -> memref<1x128xi32, #tpu.memory_space<vmem>>
        %dma_start3A_353 = tpu.memref_squeeze %dma_start3A_352 : memref<1x128xi32, #tpu.memory_space<vmem>> -> memref<128xi32, #tpu.memory_space<vmem>>
        %dma_start3A_354 = tpu.memref_slice %arg4[%add3A_336] : memref<163840xi32, #tpu.memory_space<hbm>> -> memref<128xi32, #tpu.memory_space<hbm>>
        tpu.enqueue_dma source(%dma_start3A_354 : memref<128xi32, #tpu.memory_space<hbm>>) target(%dma_start3A_353 : memref<128xi32, #tpu.memory_space<vmem>>) target_semaphore(%arg15 : memref<!tpu.dma_semaphore, #tpu.memory_space<semaphore_mem>>)
      } else {
      }
      %lt3A_299 = arith.constant 9 : i32
      %lt3A_300 = arith.cmpi slt, %add3A_160, %lt3A_299 : i32
      %convert_element_type3A_301 = arith.extui %lt3A_300 : i1 to i32
      %cond3A_302 = arith.constant 0 : i32
      %cond3A_303 = arith.cmpi ne, %convert_element_type3A_301, %cond3A_302 : i32
      scf.if %cond3A_303 {
        %add3A_332 = arith.constant 2 : i32
        %add3A_333 = arith.addi %add3A_279, %add3A_332 : i32
        %mul3A_334 = arith.constant 128 : i32
        %mul3A_335 = arith.muli %add3A_333, %mul3A_334 : i32
        %add3A_336 = arith.addi %add3A, %mul3A_335 : i32
        %dma_wait3A_337 = arith.constant 0 : i32
        %dma_wait3A_338 = arith.constant 0 : i32
        %dma_wait3A_339 = tpu.memref_slice %arg7[%dma_wait3A_337, %dma_wait3A_338] : memref<4x128xi32, #tpu.memory_space<vmem>> -> memref<1x128xi32, #tpu.memory_space<vmem>>
        %dma_wait3A_340 = tpu.memref_squeeze %dma_wait3A_339 : memref<1x128xi32, #tpu.memory_space<vmem>> -> memref<128xi32, #tpu.memory_space<vmem>>
        %dma_wait3A_341 = tpu.memref_slice %arg3[%add3A_336] : memref<163840xi32, #tpu.memory_space<hbm>> -> memref<128xi32, #tpu.memory_space<hbm>>
        %dma_wait3A_342 = arith.constant 0 : i32
        %dma_wait3A_343 = tpu.memref_slice %arg7[%dma_wait3A_337, %dma_wait3A_342] : memref<4x128xi32, #tpu.memory_space<vmem>> -> memref<1x128xi32, #tpu.memory_space<vmem>>
        %dma_wait3A_344 = tpu.memref_squeeze %dma_wait3A_343 : memref<1x128xi32, #tpu.memory_space<vmem>> -> memref<128xi32, #tpu.memory_space<vmem>>
        %dma_wait3A_345 = tpu.memref_slice %arg3[%add3A_336] : memref<163840xi32, #tpu.memory_space<hbm>> -> memref<128xi32, #tpu.memory_space<hbm>>
        tpu.wait_dma2 semaphore(%arg13 : memref<!tpu.dma_semaphore, #tpu.memory_space<semaphore_mem>>) src(%dma_wait3A_345 : memref<128xi32, #tpu.memory_space<hbm>>) dst(%dma_wait3A_344 : memref<128xi32, #tpu.memory_space<vmem>>)
        %dma_wait3A_346 = arith.constant 0 : i32
        %dma_wait3A_347 = arith.constant 0 : i32
        %dma_wait3A_348 = tpu.memref_slice %arg8[%dma_wait3A_346, %dma_wait3A_347] : memref<4x128xi32, #tpu.memory_space<vmem>> -> memref<1x128xi32, #tpu.memory_space<vmem>>
        %dma_wait3A_349 = tpu.memref_squeeze %dma_wait3A_348 : memref<1x128xi32, #tpu.memory_space<vmem>> -> memref<128xi32, #tpu.memory_space<vmem>>
        %dma_wait3A_350 = tpu.memref_slice %arg4[%add3A_336] : memref<163840xi32, #tpu.memory_space<hbm>> -> memref<128xi32, #tpu.memory_space<hbm>>
        %dma_wait3A_351 = arith.constant 0 : i32
        %dma_wait3A_352 = tpu.memref_slice %arg8[%dma_wait3A_346, %dma_wait3A_351] : memref<4x128xi32, #tpu.memory_space<vmem>> -> memref<1x128xi32, #tpu.memory_space<vmem>>
        %dma_wait3A_353 = tpu.memref_squeeze %dma_wait3A_352 : memref<1x128xi32, #tpu.memory_space<vmem>> -> memref<128xi32, #tpu.memory_space<vmem>>
        %dma_wait3A_354 = tpu.memref_slice %arg4[%add3A_336] : memref<163840xi32, #tpu.memory_space<hbm>> -> memref<128xi32, #tpu.memory_space<hbm>>
        tpu.wait_dma2 semaphore(%arg13 : memref<!tpu.dma_semaphore, #tpu.memory_space<semaphore_mem>>) src(%dma_wait3A_354 : memref<128xi32, #tpu.memory_space<hbm>>) dst(%dma_wait3A_353 : memref<128xi32, #tpu.memory_space<vmem>>)
        %dma_start3A_355 = arith.constant 0 : i32
        %dma_start3A_356 = arith.constant 0 : i32
        %dma_start3A_357 = arith.constant 0 : i32
        %dma_start3A_358 = arith.constant 0 : i32
        %dma_start3A_359 = tpu.memref_slice %arg9[%dma_start3A_356, %dma_start3A_357, %dma_start3A_358] : memref<2x128x128xf32, #tpu.memory_space<vmem>> -> memref<1x128x128xf32, #tpu.memory_space<vmem>>
        %dma_start3A_360 = tpu.memref_squeeze %dma_start3A_359 : memref<1x128x128xf32, #tpu.memory_space<vmem>> -> memref<128x128xf32, #tpu.memory_space<vmem>>
        %dma_start3A_361 = arith.constant 0 : i32
        %dma_start3A_362 = tpu.memref_slice %arg7[%dma_start3A_355, %dma_start3A_361] : memref<4x128xi32, #tpu.memory_space<vmem>> -> memref<1x128xi32, #tpu.memory_space<vmem>>
        %dma_start3A_363 = tpu.memref_squeeze %dma_start3A_362 : memref<1x128xi32, #tpu.memory_space<vmem>> -> memref<128xi32, #tpu.memory_space<vmem>>
        %dma_start3A_364 = arith.constant 0 : i32
        %dma_start3A_365 = arith.constant 0 : i32
        %dma_start3A_366 = tpu.memref_slice %arg2[%dma_start3A_364, %dma_start3A_365] : memref<100000x128xf32, #tpu.memory_space<hbm>> -> memref<100000x128xf32, #tpu.memory_space<hbm>>
        tpu.enqueue_indirect_dma source(%dma_start3A_366 : memref<100000x128xf32, #tpu.memory_space<hbm>>) target(%dma_start3A_360 : memref<128x128xf32, #tpu.memory_space<vmem>>) offsets(%dma_start3A_363 : memref<128xi32, #tpu.memory_space<vmem>>) semaphore(%arg11 : memref<!tpu.dma_semaphore, #tpu.memory_space<semaphore_mem>>)
      } else {
      }
      %mul3A_304 = arith.constant 4 : i32
      %mul3A_305 = arith.muli %mul3A_304, %add3A_160 : i32
      %add3A_306 = arith.constant 3 : i32
      %add3A_307 = arith.addi %mul3A_305, %add3A_306 : i32
      %dma_wait3A_308 = arith.constant 3 : i32
      %dma_wait3A_309 = arith.constant 1 : i32
      %dma_wait3A_310 = arith.constant 0 : i32
      %dma_wait3A_311 = arith.constant 0 : i32
      %dma_wait3A_312 = tpu.memref_slice %arg9[%dma_wait3A_309, %dma_wait3A_310, %dma_wait3A_311] : memref<2x128x128xf32, #tpu.memory_space<vmem>> -> memref<1x128x128xf32, #tpu.memory_space<vmem>>
      %dma_wait3A_313 = tpu.memref_squeeze %dma_wait3A_312 : memref<1x128x128xf32, #tpu.memory_space<vmem>> -> memref<128x128xf32, #tpu.memory_space<vmem>>
      %dma_wait3A_314 = arith.constant 0 : i32
      %dma_wait3A_315 = tpu.memref_slice %arg7[%dma_wait3A_308, %dma_wait3A_314] : memref<4x128xi32, #tpu.memory_space<vmem>> -> memref<1x128xi32, #tpu.memory_space<vmem>>
      %dma_wait3A_316 = tpu.memref_squeeze %dma_wait3A_315 : memref<1x128xi32, #tpu.memory_space<vmem>> -> memref<128xi32, #tpu.memory_space<vmem>>
      %dma_wait3A_317 = arith.constant 0 : i32
      %dma_wait3A_318 = arith.constant 0 : i32
      %dma_wait3A_319 = tpu.memref_slice %arg2[%dma_wait3A_317, %dma_wait3A_318] : memref<100000x128xf32, #tpu.memory_space<hbm>> -> memref<100000x128xf32, #tpu.memory_space<hbm>>
      tpu.wait_indirect_dma semaphore(%arg12 : memref<!tpu.dma_semaphore, #tpu.memory_space<semaphore_mem>>) src(%dma_wait3A_319 : memref<100000x128xf32, #tpu.memory_space<hbm>>) dst(%dma_wait3A_313 : memref<128x128xf32, #tpu.memory_space<vmem>>)
      %run_scoped3A_320 = arith.constant 1 : i32
      %run_scoped3A_321 = arith.constant 3 : i32
      "tpu.region"() ({
        %run_scoped3A_332 = tpu.sem_alloc : memref<!tpu.dma_semaphore, #tpu.memory_space<semaphore_mem>>
        %dma_start3A_333 = arith.constant 0 : i32
        %dma_start3A_334 = arith.constant 0 : i32
        %dma_start3A_335 = tpu.memref_slice %arg9[%run_scoped3A_320, %dma_start3A_333, %dma_start3A_334] : memref<2x128x128xf32, #tpu.memory_space<vmem>> -> memref<1x128x128xf32, #tpu.memory_space<vmem>>
        %dma_start3A_336 = tpu.memref_squeeze %dma_start3A_335 : memref<1x128x128xf32, #tpu.memory_space<vmem>> -> memref<128x128xf32, #tpu.memory_space<vmem>>
        %dma_start3A_337 = arith.constant 0 : i32
        %dma_start3A_338 = tpu.memref_slice %arg8[%run_scoped3A_321, %dma_start3A_337] : memref<4x128xi32, #tpu.memory_space<vmem>> -> memref<1x128xi32, #tpu.memory_space<vmem>>
        %dma_start3A_339 = tpu.memref_squeeze %dma_start3A_338 : memref<1x128xi32, #tpu.memory_space<vmem>> -> memref<128xi32, #tpu.memory_space<vmem>>
        %dma_start3A_340 = arith.constant 0 : i32
        %dma_start3A_341 = arith.constant 0 : i32
        %dma_start3A_342 = tpu.memref_slice %arg10[%dma_start3A_340, %dma_start3A_341] : memref<5120x128xf32, #tpu.memory_space<vmem_shared>> -> memref<5120x128xf32, #tpu.memory_space<vmem_shared>>
        tpu.enqueue_indirect_dma source(%dma_start3A_336 : memref<128x128xf32, #tpu.memory_space<vmem>>) target(%dma_start3A_342 : memref<5120x128xf32, #tpu.memory_space<vmem_shared>>) offsets(%dma_start3A_339 : memref<128xi32, #tpu.memory_space<vmem>>) semaphore(%run_scoped3A_332 : memref<!tpu.dma_semaphore, #tpu.memory_space<semaphore_mem>>) {add = true}
        %dma_wait3A_343 = arith.constant 0 : i32
        %dma_wait3A_344 = arith.constant 0 : i32
        %dma_wait3A_345 = tpu.memref_slice %arg9[%run_scoped3A_320, %dma_wait3A_343, %dma_wait3A_344] : memref<2x128x128xf32, #tpu.memory_space<vmem>> -> memref<1x128x128xf32, #tpu.memory_space<vmem>>
        %dma_wait3A_346 = tpu.memref_squeeze %dma_wait3A_345 : memref<1x128x128xf32, #tpu.memory_space<vmem>> -> memref<128x128xf32, #tpu.memory_space<vmem>>
        %dma_wait3A_347 = arith.constant 0 : i32
        %dma_wait3A_348 = tpu.memref_slice %arg8[%run_scoped3A_321, %dma_wait3A_347] : memref<4x128xi32, #tpu.memory_space<vmem>> -> memref<1x128xi32, #tpu.memory_space<vmem>>
        %dma_wait3A_349 = tpu.memref_squeeze %dma_wait3A_348 : memref<1x128xi32, #tpu.memory_space<vmem>> -> memref<128xi32, #tpu.memory_space<vmem>>
        %dma_wait3A_350 = arith.constant 0 : i32
        %dma_wait3A_351 = arith.constant 0 : i32
        %dma_wait3A_352 = tpu.memref_slice %arg10[%dma_wait3A_350, %dma_wait3A_351] : memref<5120x128xf32, #tpu.memory_space<vmem_shared>> -> memref<5120x128xf32, #tpu.memory_space<vmem_shared>>
        tpu.wait_indirect_dma semaphore(%run_scoped3A_332 : memref<!tpu.dma_semaphore, #tpu.memory_space<semaphore_mem>>) src(%dma_wait3A_346 : memref<128x128xf32, #tpu.memory_space<vmem>>) dst(%dma_wait3A_352 : memref<5120x128xf32, #tpu.memory_space<vmem_shared>>)
        tpu.yield
      }) : () -> ()
      %lt3A_322 = arith.constant 9 : i32
      %lt3A_323 = arith.cmpi slt, %add3A_160, %lt3A_322 : i32
      %convert_element_type3A_324 = arith.extui %lt3A_323 : i1 to i32
      %cond3A_325 = arith.constant 0 : i32
      %cond3A_326 = arith.cmpi ne, %convert_element_type3A_324, %cond3A_325 : i32
      scf.if %cond3A_326 {
        %add3A_332 = arith.constant 4 : i32
        %add3A_333 = arith.addi %add3A_307, %add3A_332 : i32
        %mul3A_334 = arith.constant 128 : i32
        %mul3A_335 = arith.muli %add3A_333, %mul3A_334 : i32
        %add3A_336 = arith.addi %add3A, %mul3A_335 : i32
        %dma_start3A_337 = arith.constant 3 : i32
        %dma_start3A_338 = arith.constant 0 : i32
        %dma_start3A_339 = tpu.memref_slice %arg7[%dma_start3A_337, %dma_start3A_338] : memref<4x128xi32, #tpu.memory_space<vmem>> -> memref<1x128xi32, #tpu.memory_space<vmem>>
        %dma_start3A_340 = tpu.memref_squeeze %dma_start3A_339 : memref<1x128xi32, #tpu.memory_space<vmem>> -> memref<128xi32, #tpu.memory_space<vmem>>
        %dma_start3A_341 = tpu.memref_slice %arg3[%add3A_336] : memref<163840xi32, #tpu.memory_space<hbm>> -> memref<128xi32, #tpu.memory_space<hbm>>
        %dma_start3A_342 = arith.constant 0 : i32
        %dma_start3A_343 = tpu.memref_slice %arg7[%dma_start3A_337, %dma_start3A_342] : memref<4x128xi32, #tpu.memory_space<vmem>> -> memref<1x128xi32, #tpu.memory_space<vmem>>
        %dma_start3A_344 = tpu.memref_squeeze %dma_start3A_343 : memref<1x128xi32, #tpu.memory_space<vmem>> -> memref<128xi32, #tpu.memory_space<vmem>>
        %dma_start3A_345 = tpu.memref_slice %arg3[%add3A_336] : memref<163840xi32, #tpu.memory_space<hbm>> -> memref<128xi32, #tpu.memory_space<hbm>>
        tpu.enqueue_dma source(%dma_start3A_345 : memref<128xi32, #tpu.memory_space<hbm>>) target(%dma_start3A_344 : memref<128xi32, #tpu.memory_space<vmem>>) target_semaphore(%arg16 : memref<!tpu.dma_semaphore, #tpu.memory_space<semaphore_mem>>)
        %dma_start3A_346 = arith.constant 3 : i32
        %dma_start3A_347 = arith.constant 0 : i32
        %dma_start3A_348 = tpu.memref_slice %arg8[%dma_start3A_346, %dma_start3A_347] : memref<4x128xi32, #tpu.memory_space<vmem>> -> memref<1x128xi32, #tpu.memory_space<vmem>>
        %dma_start3A_349 = tpu.memref_squeeze %dma_start3A_348 : memref<1x128xi32, #tpu.memory_space<vmem>> -> memref<128xi32, #tpu.memory_space<vmem>>
        %dma_start3A_350 = tpu.memref_slice %arg4[%add3A_336] : memref<163840xi32, #tpu.memory_space<hbm>> -> memref<128xi32, #tpu.memory_space<hbm>>
        %dma_start3A_351 = arith.constant 0 : i32
        %dma_start3A_352 = tpu.memref_slice %arg8[%dma_start3A_346, %dma_start3A_351] : memref<4x128xi32, #tpu.memory_space<vmem>> -> memref<1x128xi32, #tpu.memory_space<vmem>>
        %dma_start3A_353 = tpu.memref_squeeze %dma_start3A_352 : memref<1x128xi32, #tpu.memory_space<vmem>> -> memref<128xi32, #tpu.memory_space<vmem>>
        %dma_start3A_354 = tpu.memref_slice %arg4[%add3A_336] : memref<163840xi32, #tpu.memory_space<hbm>> -> memref<128xi32, #tpu.memory_space<hbm>>
        tpu.enqueue_dma source(%dma_start3A_354 : memref<128xi32, #tpu.memory_space<hbm>>) target(%dma_start3A_353 : memref<128xi32, #tpu.memory_space<vmem>>) target_semaphore(%arg16 : memref<!tpu.dma_semaphore, #tpu.memory_space<semaphore_mem>>)
      } else {
      }
      %lt3A_327 = arith.constant 9 : i32
      %lt3A_328 = arith.cmpi slt, %add3A_160, %lt3A_327 : i32
      %convert_element_type3A_329 = arith.extui %lt3A_328 : i1 to i32
      %cond3A_330 = arith.constant 0 : i32
      %cond3A_331 = arith.cmpi ne, %convert_element_type3A_329, %cond3A_330 : i32
      scf.if %cond3A_331 {
        %add3A_332 = arith.constant 2 : i32
        %add3A_333 = arith.addi %add3A_307, %add3A_332 : i32
        %mul3A_334 = arith.constant 128 : i32
        %mul3A_335 = arith.muli %add3A_333, %mul3A_334 : i32
        %add3A_336 = arith.addi %add3A, %mul3A_335 : i32
        %dma_wait3A_337 = arith.constant 1 : i32
        %dma_wait3A_338 = arith.constant 0 : i32
        %dma_wait3A_339 = tpu.memref_slice %arg7[%dma_wait3A_337, %dma_wait3A_338] : memref<4x128xi32, #tpu.memory_space<vmem>> -> memref<1x128xi32, #tpu.memory_space<vmem>>
        %dma_wait3A_340 = tpu.memref_squeeze %dma_wait3A_339 : memref<1x128xi32, #tpu.memory_space<vmem>> -> memref<128xi32, #tpu.memory_space<vmem>>
        %dma_wait3A_341 = tpu.memref_slice %arg3[%add3A_336] : memref<163840xi32, #tpu.memory_space<hbm>> -> memref<128xi32, #tpu.memory_space<hbm>>
        %dma_wait3A_342 = arith.constant 0 : i32
        %dma_wait3A_343 = tpu.memref_slice %arg7[%dma_wait3A_337, %dma_wait3A_342] : memref<4x128xi32, #tpu.memory_space<vmem>> -> memref<1x128xi32, #tpu.memory_space<vmem>>
        %dma_wait3A_344 = tpu.memref_squeeze %dma_wait3A_343 : memref<1x128xi32, #tpu.memory_space<vmem>> -> memref<128xi32, #tpu.memory_space<vmem>>
        %dma_wait3A_345 = tpu.memref_slice %arg3[%add3A_336] : memref<163840xi32, #tpu.memory_space<hbm>> -> memref<128xi32, #tpu.memory_space<hbm>>
        tpu.wait_dma2 semaphore(%arg14 : memref<!tpu.dma_semaphore, #tpu.memory_space<semaphore_mem>>) src(%dma_wait3A_345 : memref<128xi32, #tpu.memory_space<hbm>>) dst(%dma_wait3A_344 : memref<128xi32, #tpu.memory_space<vmem>>)
        %dma_wait3A_346 = arith.constant 1 : i32
        %dma_wait3A_347 = arith.constant 0 : i32
        %dma_wait3A_348 = tpu.memref_slice %arg8[%dma_wait3A_346, %dma_wait3A_347] : memref<4x128xi32, #tpu.memory_space<vmem>> -> memref<1x128xi32, #tpu.memory_space<vmem>>
        %dma_wait3A_349 = tpu.memref_squeeze %dma_wait3A_348 : memref<1x128xi32, #tpu.memory_space<vmem>> -> memref<128xi32, #tpu.memory_space<vmem>>
        %dma_wait3A_350 = tpu.memref_slice %arg4[%add3A_336] : memref<163840xi32, #tpu.memory_space<hbm>> -> memref<128xi32, #tpu.memory_space<hbm>>
        %dma_wait3A_351 = arith.constant 0 : i32
        %dma_wait3A_352 = tpu.memref_slice %arg8[%dma_wait3A_346, %dma_wait3A_351] : memref<4x128xi32, #tpu.memory_space<vmem>> -> memref<1x128xi32, #tpu.memory_space<vmem>>
        %dma_wait3A_353 = tpu.memref_squeeze %dma_wait3A_352 : memref<1x128xi32, #tpu.memory_space<vmem>> -> memref<128xi32, #tpu.memory_space<vmem>>
        %dma_wait3A_354 = tpu.memref_slice %arg4[%add3A_336] : memref<163840xi32, #tpu.memory_space<hbm>> -> memref<128xi32, #tpu.memory_space<hbm>>
        tpu.wait_dma2 semaphore(%arg14 : memref<!tpu.dma_semaphore, #tpu.memory_space<semaphore_mem>>) src(%dma_wait3A_354 : memref<128xi32, #tpu.memory_space<hbm>>) dst(%dma_wait3A_353 : memref<128xi32, #tpu.memory_space<vmem>>)
        %dma_start3A_355 = arith.constant 1 : i32
        %dma_start3A_356 = arith.constant 1 : i32
        %dma_start3A_357 = arith.constant 0 : i32
        %dma_start3A_358 = arith.constant 0 : i32
        %dma_start3A_359 = tpu.memref_slice %arg9[%dma_start3A_356, %dma_start3A_357, %dma_start3A_358] : memref<2x128x128xf32, #tpu.memory_space<vmem>> -> memref<1x128x128xf32, #tpu.memory_space<vmem>>
        %dma_start3A_360 = tpu.memref_squeeze %dma_start3A_359 : memref<1x128x128xf32, #tpu.memory_space<vmem>> -> memref<128x128xf32, #tpu.memory_space<vmem>>
        %dma_start3A_361 = arith.constant 0 : i32
        %dma_start3A_362 = tpu.memref_slice %arg7[%dma_start3A_355, %dma_start3A_361] : memref<4x128xi32, #tpu.memory_space<vmem>> -> memref<1x128xi32, #tpu.memory_space<vmem>>
        %dma_start3A_363 = tpu.memref_squeeze %dma_start3A_362 : memref<1x128xi32, #tpu.memory_space<vmem>> -> memref<128xi32, #tpu.memory_space<vmem>>
        %dma_start3A_364 = arith.constant 0 : i32
        %dma_start3A_365 = arith.constant 0 : i32
        %dma_start3A_366 = tpu.memref_slice %arg2[%dma_start3A_364, %dma_start3A_365] : memref<100000x128xf32, #tpu.memory_space<hbm>> -> memref<100000x128xf32, #tpu.memory_space<hbm>>
        tpu.enqueue_indirect_dma source(%dma_start3A_366 : memref<100000x128xf32, #tpu.memory_space<hbm>>) target(%dma_start3A_360 : memref<128x128xf32, #tpu.memory_space<vmem>>) offsets(%dma_start3A_363 : memref<128xi32, #tpu.memory_space<vmem>>) semaphore(%arg12 : memref<!tpu.dma_semaphore, #tpu.memory_space<semaphore_mem>>)
      } else {
      }
    }
    %scan3A_146 = arith.constant 10 : i32
    %barrier3A_147 = arith.constant 0 : index
    tpu.barrier barrier_id(%barrier3A_147)
    %mul3A_148 = arith.constant 320 : i32
    %mul3A_149 = arith.muli %arg1, %mul3A_148 : i32
    %lt3A = arith.constant 15 : i32
    %lt3A_150 = arith.cmpi slt, %arg1, %lt3A : i32
    %convert_element_type3A = arith.extui %lt3A_150 : i1 to i32
    %cond3A = arith.constant 0 : i32
    %cond3A_151 = arith.cmpi ne, %convert_element_type3A, %cond3A : i32
    scf.if %cond3A_151 {
      %mul3A_156 = arith.constant 5000 : i32
      %mul3A_157 = arith.muli %arg0, %mul3A_156 : i32
      %add3A_158 = arith.addi %mul3A_157, %mul3A_149 : i32
      "tpu.region"() ({
        %run_scoped3A = tpu.sem_alloc : memref<!tpu.dma_semaphore, #tpu.memory_space<semaphore_mem>>
        %dma_start3A_159 = arith.constant 0 : i32
        %dma_start3A_160 = tpu.memref_slice %arg6[%add3A_158, %dma_start3A_159] : memref<10000x128xf32, #tpu.memory_space<hbm>> -> memref<320x128xf32, #tpu.memory_space<hbm>>
        %dma_start3A_161 = arith.constant 0 : i32
        %dma_start3A_162 = tpu.memref_slice %arg10[%mul3A_149, %dma_start3A_161] : memref<5120x128xf32, #tpu.memory_space<vmem_shared>> -> memref<320x128xf32, #tpu.memory_space<vmem_shared>>
        tpu.enqueue_dma source(%dma_start3A_162 : memref<320x128xf32, #tpu.memory_space<vmem_shared>>) target(%dma_start3A_160 : memref<320x128xf32, #tpu.memory_space<hbm>>) target_semaphore(%run_scoped3A : memref<!tpu.dma_semaphore, #tpu.memory_space<semaphore_mem>>)
        %dma_wait3A_163 = arith.constant 0 : i32
        %dma_wait3A_164 = tpu.memref_slice %arg6[%add3A_158, %dma_wait3A_163] : memref<10000x128xf32, #tpu.memory_space<hbm>> -> memref<320x128xf32, #tpu.memory_space<hbm>>
        %dma_wait3A_165 = arith.constant 0 : i32
        %dma_wait3A_166 = tpu.memref_slice %arg10[%mul3A_149, %dma_wait3A_165] : memref<5120x128xf32, #tpu.memory_space<vmem_shared>> -> memref<320x128xf32, #tpu.memory_space<vmem_shared>>
        tpu.wait_dma2 semaphore(%run_scoped3A : memref<!tpu.dma_semaphore, #tpu.memory_space<semaphore_mem>>) src(%dma_wait3A_166 : memref<320x128xf32, #tpu.memory_space<vmem_shared>>) dst(%dma_wait3A_164 : memref<320x128xf32, #tpu.memory_space<hbm>>)
        tpu.yield
      }) : () -> ()
    } else {
    }
    %eq3A = arith.constant 15 : i32
    %eq3A_152 = arith.cmpi eq, %arg1, %eq3A : i32
    %convert_element_type3A_153 = arith.extui %eq3A_152 : i1 to i32
    %cond3A_154 = arith.constant 0 : i32
    %cond3A_155 = arith.cmpi ne, %convert_element_type3A_153, %cond3A_154 : i32
    scf.if %cond3A_155 {
      %mul3A_156 = arith.constant 5000 : i32
      %mul3A_157 = arith.muli %arg0, %mul3A_156 : i32
      %add3A_158 = arith.addi %mul3A_157, %mul3A_149 : i32
      "tpu.region"() ({
        %run_scoped3A = tpu.sem_alloc : memref<!tpu.dma_semaphore, #tpu.memory_space<semaphore_mem>>
        %dma_start3A_159 = arith.constant 0 : i32
        %dma_start3A_160 = tpu.memref_slice %arg6[%add3A_158, %dma_start3A_159] : memref<10000x128xf32, #tpu.memory_space<hbm>> -> memref<200x128xf32, #tpu.memory_space<hbm>>
        %dma_start3A_161 = arith.constant 0 : i32
        %dma_start3A_162 = tpu.memref_slice %arg10[%mul3A_149, %dma_start3A_161] : memref<5120x128xf32, #tpu.memory_space<vmem_shared>> -> memref<200x128xf32, #tpu.memory_space<vmem_shared>>
        tpu.enqueue_dma source(%dma_start3A_162 : memref<200x128xf32, #tpu.memory_space<vmem_shared>>) target(%dma_start3A_160 : memref<200x128xf32, #tpu.memory_space<hbm>>) target_semaphore(%run_scoped3A : memref<!tpu.dma_semaphore, #tpu.memory_space<semaphore_mem>>)
        %dma_wait3A_163 = arith.constant 0 : i32
        %dma_wait3A_164 = tpu.memref_slice %arg6[%add3A_158, %dma_wait3A_163] : memref<10000x128xf32, #tpu.memory_space<hbm>> -> memref<200x128xf32, #tpu.memory_space<hbm>>
        %dma_wait3A_165 = arith.constant 0 : i32
        %dma_wait3A_166 = tpu.memref_slice %arg10[%mul3A_149, %dma_wait3A_165] : memref<5120x128xf32, #tpu.memory_space<vmem_shared>> -> memref<200x128xf32, #tpu.memory_space<vmem_shared>>
        tpu.wait_dma2 semaphore(%run_scoped3A : memref<!tpu.dma_semaphore, #tpu.memory_space<semaphore_mem>>) src(%dma_wait3A_166 : memref<200x128xf32, #tpu.memory_space<vmem_shared>>) dst(%dma_wait3A_164 : memref<200x128xf32, #tpu.memory_space<hbm>>)
        tpu.yield
      }) : () -> ()
    } else {
    }
    return
  }
}

module attributes {stable_mosaic.version = 14 : i64} {
  func.func @_layer_body(%arg0: i32, %arg1: memref<2000x128xf32, #tpu.memory_space<vmem>>, %arg2: memref<1x2000x128xf32, #tpu.memory_space<vmem>>, %arg3: memref<1x2000x128xf32, #tpu.memory_space<vmem>>, %arg4: memref<128x128xf32, #tpu.memory_space<vmem>>, %arg5: memref<1x128xf32, #tpu.memory_space<vmem>>, %arg6: memref<2000x128xf32, #tpu.memory_space<vmem>>) attributes {dimension_semantics = [#tpu.dimension_semantics<arbitrary>], iteration_bounds = array<i64: 5>, scalar_prefetch = 0 : i64, scratch_operands = 0 : i64, tpu.core_type = #tpu.core_type<tc>, window_params = [{transform_indices = @transform_0, window_bounds = array<i64: 2000, 128>}, {transform_indices = @transform_1, window_bounds = array<i64: 1, 2000, 128>}, {transform_indices = @transform_2, window_bounds = array<i64: 1, 2000, 128>}, {pipeline_mode = #tpu.pipeline_mode<synchronous>, transform_indices = @transform_3, window_bounds = array<i64: 128, 128>}, {pipeline_mode = #tpu.pipeline_mode<synchronous>, transform_indices = @transform_4, window_bounds = array<i64: 1, 128>}, {transform_indices = @transform_5, window_bounds = array<i64: 2000, 128>}]} {
    %get3A = arith.constant 0 : index
    %get3A_0 = arith.constant 0 : index
    %get3A_1 = vector.load %arg1[%get3A, %get3A_0] : memref<2000x128xf32, #tpu.memory_space<vmem>>, vector<2000x128xf32>
    %get3A_2 = arith.constant 0 : index
    %get3A_3 = arith.constant 0 : index
    %get3A_4 = arith.constant 0 : index
    %get3A_5 = vector.load %arg2[%get3A_2, %get3A_3, %get3A_4] : memref<1x2000x128xf32, #tpu.memory_space<vmem>>, vector<1x2000x128xf32>
    %get3A_6 = vector.shape_cast %get3A_5 : vector<1x2000x128xf32> to vector<2000x128xf32>
    %add3A = arith.addf %get3A_1, %get3A_6 : vector<2000x128xf32>
    %get3A_7 = arith.constant 0 : index
    %get3A_8 = arith.constant 0 : index
    %get3A_9 = arith.constant 0 : index
    %get3A_10 = vector.load %arg3[%get3A_7, %get3A_8, %get3A_9] : memref<1x2000x128xf32, #tpu.memory_space<vmem>>, vector<1x2000x128xf32>
    %get3A_11 = vector.shape_cast %get3A_10 : vector<1x2000x128xf32> to vector<2000x128xf32>
    %add3A_12 = arith.addf %add3A, %get3A_11 : vector<2000x128xf32>
    %get3A_13 = arith.constant 0 : index
    %get3A_14 = arith.constant 0 : index
    %get3A_15 = vector.load %arg4[%get3A_13, %get3A_14] : memref<128x128xf32, #tpu.memory_space<vmem>>, vector<128x128xf32>
    %dot_general3A = arith.constant dense<0.000000e+00> : vector<2000x128xf32>
    %dot_general3A_16 = tpu.matmul %add3A_12, %get3A_15, %dot_general3A {dimension_numbers = #tpu.dot_dimension_numbers<[1], [0], [0], [1], [0, 0, 1, 1], [], []>, transpose_lhs_hint = false} : vector<2000x128xf32>, vector<128x128xf32>, vector<2000x128xf32> -> vector<2000x128xf32>
    %get3A_17 = arith.constant 0 : index
    %get3A_18 = arith.constant 0 : index
    %get3A_19 = vector.load %arg5[%get3A_17, %get3A_18] : memref<1x128xf32, #tpu.memory_space<vmem>>, vector<1x128xf32>
    %add3A_20 = vector.broadcast %get3A_19 : vector<1x128xf32> to vector<2000x128xf32>
    %add3A_21 = arith.addf %dot_general3A_16, %add3A_20 : vector<2000x128xf32>
    %max3A = arith.constant 0.000000e+00 : f32
    %max3A_22 = vector.broadcast %max3A : f32 to vector<2000x128xf32>
    %max3A_23 = arith.maximumf %add3A_21, %max3A_22 : vector<2000x128xf32>
    %swap3A = arith.constant 0 : index
    %swap3A_24 = arith.constant 0 : index
    %swap3A_25 = vector.load %arg6[%swap3A, %swap3A_24] : memref<2000x128xf32, #tpu.memory_space<vmem>>, vector<2000x128xf32>
    tpu.vector_store %arg6[%swap3A, %swap3A_24], %max3A_23 {strides = array<i32>} : memref<2000x128xf32, #tpu.memory_space<vmem>>, vector<2000x128xf32>,
    return
  }
  func.func @transform_0(%arg0: i32) -> (i32, i32) {
    %c0_i32 = arith.constant 0 : i32
    %c0_i32_0 = arith.constant 0 : i32
    return %arg0, %c0_i32 : i32, i32
  }
  func.func @transform_1(%arg0: i32) -> (i32, i32, i32) {
    %c0_i32 = arith.constant 0 : i32
    %c0_i32_0 = arith.constant 0 : i32
    %c0_i32_1 = arith.constant 0 : i32
    return %c0_i32, %arg0, %c0_i32_0 : i32, i32, i32
  }
  func.func @transform_2(%arg0: i32) -> (i32, i32, i32) {
    %c1_i32 = arith.constant 1 : i32
    %c0_i32 = arith.constant 0 : i32
    %c0_i32_0 = arith.constant 0 : i32
    return %c1_i32, %arg0, %c0_i32 : i32, i32, i32
  }
  func.func @transform_3(%arg0: i32) -> (i32, i32) {
    %c0_i32 = arith.constant 0 : i32
    %c0_i32_0 = arith.constant 0 : i32
    %c0_i32_1 = arith.constant 0 : i32
    return %c0_i32, %c0_i32_0 : i32, i32
  }
  func.func @transform_4(%arg0: i32) -> (i32, i32) {
    %c0_i32 = arith.constant 0 : i32
    %c0_i32_0 = arith.constant 0 : i32
    %c0_i32_1 = arith.constant 0 : i32
    return %c0_i32, %c0_i32_0 : i32, i32
  }
  func.func @transform_5(%arg0: i32) -> (i32, i32) {
    %c0_i32 = arith.constant 0 : i32
    %c0_i32_0 = arith.constant 0 : i32
    return %arg0, %c0_i32 : i32, i32
  }
}

module attributes {stable_mosaic.version = 14 : i64} {
  func.func @_pool_body(%arg0: i32, %arg1: memref<2000x128xf32, #tpu.memory_space<vmem>>, %arg2: memref<1x2000x128xf32, #tpu.memory_space<vmem>>, %arg3: memref<1x2000x128xf32, #tpu.memory_space<vmem>>, %arg4: memref<128x128xf32, #tpu.memory_space<vmem>>, %arg5: memref<1x128xf32, #tpu.memory_space<vmem>>, %arg6: memref<1x1x2000xi32, #tpu.memory_space<vmem>>, %arg7: memref<64x128xf32, #tpu.memory_space<vmem>>) attributes {dimension_semantics = [#tpu.dimension_semantics<arbitrary>], iteration_bounds = array<i64: 5>, scalar_prefetch = 0 : i64, scratch_operands = 0 : i64, tpu.core_type = #tpu.core_type<tc>, window_params = [{transform_indices = @transform_0, window_bounds = array<i64: 2000, 128>}, {transform_indices = @transform_1, window_bounds = array<i64: 1, 2000, 128>}, {transform_indices = @transform_2, window_bounds = array<i64: 1, 2000, 128>}, {pipeline_mode = #tpu.pipeline_mode<synchronous>, transform_indices = @transform_3, window_bounds = array<i64: 128, 128>}, {pipeline_mode = #tpu.pipeline_mode<synchronous>, transform_indices = @transform_4, window_bounds = array<i64: 1, 128>}, {transform_indices = @transform_5, window_bounds = array<i64: 1, 1, 2000>}, {pipeline_mode = #tpu.pipeline_mode<synchronous>, transform_indices = @transform_6, window_bounds = array<i64: 64, 128>}]} {
    %get3A = arith.constant 0 : index
    %get3A_0 = arith.constant 0 : index
    %get3A_1 = vector.load %arg1[%get3A, %get3A_0] : memref<2000x128xf32, #tpu.memory_space<vmem>>, vector<2000x128xf32>
    %get3A_2 = arith.constant 0 : index
    %get3A_3 = arith.constant 0 : index
    %get3A_4 = arith.constant 0 : index
    %get3A_5 = vector.load %arg2[%get3A_2, %get3A_3, %get3A_4] : memref<1x2000x128xf32, #tpu.memory_space<vmem>>, vector<1x2000x128xf32>
    %get3A_6 = vector.shape_cast %get3A_5 : vector<1x2000x128xf32> to vector<2000x128xf32>
    %add3A = arith.addf %get3A_1, %get3A_6 : vector<2000x128xf32>
    %get3A_7 = arith.constant 0 : index
    %get3A_8 = arith.constant 0 : index
    %get3A_9 = arith.constant 0 : index
    %get3A_10 = vector.load %arg3[%get3A_7, %get3A_8, %get3A_9] : memref<1x2000x128xf32, #tpu.memory_space<vmem>>, vector<1x2000x128xf32>
    %get3A_11 = vector.shape_cast %get3A_10 : vector<1x2000x128xf32> to vector<2000x128xf32>
    %add3A_12 = arith.addf %add3A, %get3A_11 : vector<2000x128xf32>
    %get3A_13 = arith.constant 0 : index
    %get3A_14 = arith.constant 0 : index
    %get3A_15 = vector.load %arg4[%get3A_13, %get3A_14] : memref<128x128xf32, #tpu.memory_space<vmem>>, vector<128x128xf32>
    %dot_general3A = arith.constant dense<0.000000e+00> : vector<2000x128xf32>
    %dot_general3A_16 = tpu.matmul %add3A_12, %get3A_15, %dot_general3A {dimension_numbers = #tpu.dot_dimension_numbers<[1], [0], [0], [1], [0, 0, 1, 1], [], []>, transpose_lhs_hint = false} : vector<2000x128xf32>, vector<128x128xf32>, vector<2000x128xf32> -> vector<2000x128xf32>
    %get3A_17 = arith.constant 0 : index
    %get3A_18 = arith.constant 0 : index
    %get3A_19 = vector.load %arg5[%get3A_17, %get3A_18] : memref<1x128xf32, #tpu.memory_space<vmem>>, vector<1x128xf32>
    %add3A_20 = vector.broadcast %get3A_19 : vector<1x128xf32> to vector<2000x128xf32>
    %add3A_21 = arith.addf %dot_general3A_16, %add3A_20 : vector<2000x128xf32>
    %max3A = arith.constant 0.000000e+00 : f32
    %max3A_22 = vector.broadcast %max3A : f32 to vector<2000x128xf32>
    %max3A_23 = arith.maximumf %add3A_21, %max3A_22 : vector<2000x128xf32>
    %get3A_24 = arith.constant 0 : index
    %get3A_25 = arith.constant 0 : index
    %get3A_26 = arith.constant 0 : index
    %get3A_27 = vector.load %arg6[%get3A_24, %get3A_25, %get3A_26] : memref<1x1x2000xi32, #tpu.memory_space<vmem>>, vector<1x1x2000xi32>
    %get3A_28 = vector.shape_cast %get3A_27 : vector<1x1x2000xi32> to vector<2000xi32>
    %broadcast_in_dim3A = vector.shape_cast %get3A_28 : vector<2000xi32> to vector<2000x1xi32>
    %iota3A = tpu.iota {dimensions = array<i32: 1>} : vector<2000x64xi32>
    %eq3A = vector.broadcast %broadcast_in_dim3A : vector<2000x1xi32> to vector<2000x64xi32>
    %eq3A_29 = arith.cmpi eq, %eq3A, %iota3A : vector<2000x64xi32>
    %convert_element_type3A = arith.extui %eq3A_29 : vector<2000x64xi1> to vector<2000x64xi32>
    %convert_element_type3A_30 = arith.sitofp %convert_element_type3A : vector<2000x64xi32> to vector<2000x64xf32>
    %dot_general3A_31 = arith.constant dense<0.000000e+00> : vector<64x128xf32>
    %dot_general3A_32 = tpu.matmul %convert_element_type3A_30, %max3A_23, %dot_general3A_31 {dimension_numbers = #tpu.dot_dimension_numbers<[0], [0], [1], [1], [0, 1, 1, 1], [], []>, transpose_lhs_hint = false} : vector<2000x64xf32>, vector<2000x128xf32>, vector<64x128xf32> -> vector<64x128xf32>
    %eq3A_33 = arith.constant 0 : i32
    %eq3A_34 = arith.cmpi eq, %arg0, %eq3A_33 : i32
    %convert_element_type3A_35 = arith.extui %eq3A_34 : i1 to i32
    %cond3A = arith.constant 0 : i32
    %cond3A_36 = arith.cmpi ne, %convert_element_type3A_35, %cond3A : i32
    scf.if %cond3A_36 {
      %broadcast_in_dim3A_43 = arith.constant 0.000000e+00 : f32
      %broadcast_in_dim3A_44 = vector.broadcast %broadcast_in_dim3A_43 : f32 to vector<64x128xf32>
      %swap3A_45 = arith.constant 0 : index
      %swap3A_46 = arith.constant 0 : index
      %swap3A_47 = vector.load %arg7[%swap3A_45, %swap3A_46] : memref<64x128xf32, #tpu.memory_space<vmem>>, vector<64x128xf32>
      tpu.vector_store %arg7[%swap3A_45, %swap3A_46], %broadcast_in_dim3A_44 {strides = array<i32>} : memref<64x128xf32, #tpu.memory_space<vmem>>, vector<64x128xf32>,
    } else {
    }
    %get3A_37 = arith.constant 0 : index
    %get3A_38 = arith.constant 0 : index
    %get3A_39 = vector.load %arg7[%get3A_37, %get3A_38] : memref<64x128xf32, #tpu.memory_space<vmem>>, vector<64x128xf32>
    %add3A_40 = arith.addf %get3A_39, %dot_general3A_32 : vector<64x128xf32>
    %swap3A = arith.constant 0 : index
    %swap3A_41 = arith.constant 0 : index
    %swap3A_42 = vector.load %arg7[%swap3A, %swap3A_41] : memref<64x128xf32, #tpu.memory_space<vmem>>, vector<64x128xf32>
    tpu.vector_store %arg7[%swap3A, %swap3A_41], %add3A_40 {strides = array<i32>} : memref<64x128xf32, #tpu.memory_space<vmem>>, vector<64x128xf32>,
    return
  }
  func.func @transform_0(%arg0: i32) -> (i32, i32) {
    %c0_i32 = arith.constant 0 : i32
    %c0_i32_0 = arith.constant 0 : i32
    return %arg0, %c0_i32 : i32, i32
  }
  func.func @transform_1(%arg0: i32) -> (i32, i32, i32) {
    %c0_i32 = arith.constant 0 : i32
    %c0_i32_0 = arith.constant 0 : i32
    %c0_i32_1 = arith.constant 0 : i32
    return %c0_i32, %arg0, %c0_i32_0 : i32, i32, i32
  }
  func.func @transform_2(%arg0: i32) -> (i32, i32, i32) {
    %c1_i32 = arith.constant 1 : i32
    %c0_i32 = arith.constant 0 : i32
    %c0_i32_0 = arith.constant 0 : i32
    return %c1_i32, %arg0, %c0_i32 : i32, i32, i32
  }
  func.func @transform_3(%arg0: i32) -> (i32, i32) {
    %c0_i32 = arith.constant 0 : i32
    %c0_i32_0 = arith.constant 0 : i32
    %c0_i32_1 = arith.constant 0 : i32
    return %c0_i32, %c0_i32_0 : i32, i32
  }
  func.func @transform_4(%arg0: i32) -> (i32, i32) {
    %c0_i32 = arith.constant 0 : i32
    %c0_i32_0 = arith.constant 0 : i32
    %c0_i32_1 = arith.constant 0 : i32
    return %c0_i32, %c0_i32_0 : i32, i32
  }
  func.func @transform_5(%arg0: i32) -> (i32, i32, i32) {
    %c0_i32 = arith.constant 0 : i32
    %c0_i32_0 = arith.constant 0 : i32
    %c0_i32_1 = arith.constant 0 : i32
    return %arg0, %c0_i32, %c0_i32_0 : i32, i32, i32
  }
  func.func @transform_6(%arg0: i32) -> (i32, i32) {
    %c0_i32 = arith.constant 0 : i32
    %c0_i32_0 = arith.constant 0 : i32
    %c0_i32_1 = arith.constant 0 : i32
    return %c0_i32, %c0_i32_0 : i32, i32
  }
}

</mosaic_0001>

<sc_bundles>
// kernel: kernel.10.cloned.1.call-start
scs
__scs_entry_jumppad:
0x0: {  	(pc) =	sbr.rel $0x88, $3  }
0x1: {  	(tag) =	ssettag $0x0;
	lr =	simm.s32 $0x1  }
0x2: {  	[smem:$0x3F99] =	sst lr;
	_ =	strace $0xD0000000  }
0x3: {  	_ = 	snop  }
0x4: {  	_ = 	snop  }
0x5: {  	_ = 	snop  }
0x6: {  	_ = 	snop  }
0x7: {  	_ = 	snop  }
__scs_overlays_trampoline_lowered:
0x8: {  	[smem:$0x3FA8] =	sst s0  }
0x9: {  	[smem:$0x3FA9] =	sst s1  }
0xa: {  	[smem:$0x3FAA] =	sst s2  }
0xb: {  	[smem:$0x3FAB] =	sst s3  }
0xc: {  	[smem:$0x3FAC] =	sst s4  }
0xd: {  	[smem:$0x3FAD] =	sst s5  }
0xe: {  	[smem:$0x3FAE] =	sst s6  }
0xf: {  	[smem:$0x3FAF] =	sst s7  }
0x10: {  	[smem:$0x3FB0] =	sst s8  }
0x11: {  	[smem:$0x3FB1] =	sst s9;
	s0 =	simm.s32 @!p0 $0x0  }
0x12: {  	s1 =	sld [smem:$0x3F97];
	s0 =	simm.s32 @p0 $0x1  }
0x13: {  	[smem:$0x3FB2] =	sst s0;
	s0 =	simm.s32 @!p1 $0x0  }
0x14: {  	s2 =	sld [smem:$0x3F96];
	s0 =	simm.s32 @p1 $0x1  }
0x15: {  	[smem:$0x3FB3] =	sst s0;
	s0 =	simm.s32 @!p2 $0x0  }
0x16: {  	s3 =	sld [smem:$0x3FDB];
	s0 =	simm.s32 @p2 $0x1  }
0x17: {  	s4 =	simm.s32 $0x1BF5;
	[smem:$0x3FB5] =	sst s0  }
0x18: {  	s0 =	sld [smem:$0x3F98];
	_ =	swait.ge [sflag:s4], $0x0  }
0x19: {  	s7 =	sld [smem:$0x3F99]  }
0x1a: {  	s8 =	sadd.s32 $0xFFFFE003, lr  }
0x1b: {  	s9 =	sadd.s32 $0xFFFFFEF7, lr;
	s5 =	simm.s32 $0xFFFFFFFF;
	p2 =	slt.u32 s8, $0xFFFFF086  }
0x1c: {  	p1 =	slt.u32 s9, $0xF7A;
	s5 =	simm.s32 @!p2 $0x0  }
0x1d: {  	s5 =	simm.s32 @p1 $0x1;
	p0 =	seq.s32 s7, s2  }
0x1e: {  	s7 =	smul.u32 @!p0 $0xF7A, s2;
	p2 =	seq.s32 @!p0 s5, $0x0  }
0x1f: {  	s9 =	smul.u32 $0xF7A, s1;
	s8 =	simm.s32 @!p0 $0x1BF5;
	p2 =	por !p2, p0  }
0x20: {  	[sflag:s8] =	ssyncset.s32 @!p0 $0xFFFFF086;
	s6 =	sadd.s32 @!p0 s3, s7;
	s7 =	simm.s32 @!p0 $0x108  }
0x21: {  	s3 =	sadd.s32 s3, s9;
	s6 =	sadd.s32 @!p0 $0x88, s6;
	s7 =	simm.s32 @p2 $0x1082  }
0x22: {  	[simem:s7], [sflag:s8] =	dma.local @!p0 [hbm:s6], $0xF7A  }
0x23: {  	s9 =	sor.u32 $0xD0000000, s2;
	s6 =	simm.s32 $0x108;
	_ =	swait.ge @!p0 [sflag:s8], $0x0  }
0x24: {  	s3 =	sadd.s32 $0x88, s3;
	s6 =	simm.s32 @!p1 $0x1082;
	[sflag:s4] =	ssyncset.s32 $0xFFFFF086  }
0x25: {  	[simem:s6], [sflag:s4] =	dma.local [hbm:s3], $0xF7A  }
0x26: {  	[smem:$0x3F99] =	sst s1;
	(tag) =	ssettag s2;
	_ =	strace s9  }
0x27: {  	s1 =	sld [smem:$0x3FA9]  }
0x28: {  	s2 =	sld [smem:$0x3FAA]  }
0x29: {  	s4 =	sld [smem:$0x3FAC]  }
0x2a: {  	p0 =	seq.s32 s5, $0x0;
	s5 =	sld [smem:$0x3FAD]  }
0x2b: {  	s6 =	sld [smem:$0x3FAE]  }
0x2c: {  	s7 =	sld [smem:$0x3FAF]  }
0x2d: {  	s3 =	simm.s32 $0x108;
	s8 =	sld [smem:$0x3FB0]  }
0x2e: {  	s3 =	simm.s32 @!p0 $0x1082;
	s9 =	sld [smem:$0x3FB1]  }
0x2f: {  	lr =	sadd.s32 s0, s3;
	s0 =	sld [smem:$0x3FA8]  }
0x30: {  	s3 =	sld [smem:$0x3FAB]  }
0x31: {  	[smem:$0x3FB4] =	sst s10  }
0x32: {  	s10 =	sld [smem:$0x3FB2];
	_ =	sdelay $0x3  }
0x33: {  	p0 =	seq.s32 s10, $0x1;
	s10 =	sld [smem:$0x3FB4];
	_ =	sdelay $0x3  }
0x34: {  	[smem:$0x3FB4] =	sst s10  }
0x35: {  	s10 =	sld [smem:$0x3FB3];
	_ =	sdelay $0x3  }
0x36: {  	p1 =	seq.s32 s10, $0x1;
	s10 =	sld [smem:$0x3FB4];
	_ =	sdelay $0x3  }
0x37: {  	[smem:$0x3FB4] =	sst s10  }
0x38: {  	s10 =	sld [smem:$0x3FB5]  }
0x39: {  	_ = 	snop;
	(pc) =	sbr.ind lr, $3  }
0x3a: {  	_ = 	snop  }
0x3b: {  	_ = 	snop  }
0x3c: {  	p2 =	seq.s32 s10, $0x1;
	s10 =	sld [smem:$0x3FB4]  }
0x3d: {  	_ =	shalt  }
0x3e: {  	_ =	shalt  }
0x3f: {  	_ =	shalt  }
0x40: {  	_ =	shalt  }
0x41: {  	_ =	shalt  }
0x42: {  	_ =	shalt  }
0x43: {  	_ =	shalt  }
0x44: {  	_ =	shalt  }
0x45: {  	_ =	shalt  }
0x46: {  	_ =	shalt  }
0x47: {  	_ =	shalt  }
0x48: {  	_ =	shalt  }
0x49: {  	_ =	shalt  }
0x4a: {  	_ =	shalt  }
0x4b: {  	_ =	shalt  }
0x4c: {  	_ =	shalt  }
0x4d: {  	_ =	shalt  }
0x4e: {  	_ =	shalt  }
0x4f: {  	_ =	shalt  }
0x50: {  	_ =	shalt  }
0x51: {  	_ =	shalt  }
0x52: {  	_ =	shalt  }
0x53: {  	_ =	shalt  }
0x54: {  	_ =	shalt  }
0x55: {  	_ =	shalt  }
0x56: {  	_ =	shalt  }
0x57: {  	_ =	shalt  }
0x58: {  	_ =	shalt  }
0x59: {  	_ =	shalt  }
0x5a: {  	_ =	shalt  }
0x5b: {  	_ =	shalt  }
0x5c: {  	_ =	shalt  }
0x5d: {  	_ =	shalt  }
0x5e: {  	_ =	shalt  }
0x5f: {  	_ =	shalt  }
0x60: {  	_ =	shalt  }
0x61: {  	_ =	shalt  }
0x62: {  	_ =	shalt  }
0x63: {  	_ =	shalt  }
0x64: {  	_ =	shalt  }
0x65: {  	_ =	shalt  }
0x66: {  	_ =	shalt  }
0x67: {  	_ =	shalt  }
0x68: {  	_ =	shalt  }
0x69: {  	_ =	shalt  }
0x6a: {  	_ =	shalt  }
0x6b: {  	_ =	shalt  }
0x6c: {  	_ =	shalt  }
0x6d: {  	_ =	shalt  }
0x6e: {  	_ =	shalt  }
0x6f: {  	_ =	shalt  }
0x70: {  	_ =	shalt  }
0x71: {  	_ =	shalt  }
0x72: {  	_ =	shalt  }
0x73: {  	_ =	shalt  }
0x74: {  	_ =	shalt  }
0x75: {  	_ =	shalt  }
0x76: {  	_ =	shalt  }
0x77: {  	_ =	shalt  }
0x78: {  	_ =	shalt  }
0x79: {  	_ =	shalt  }
0x7a: {  	_ =	shalt  }
0x7b: {  	_ =	shalt  }
0x7c: {  	_ =	shalt  }
0x7d: {  	_ =	shalt  }
0x7e: {  	_ =	shalt  }
0x7f: {  	_ =	shalt  }
0x80: {  	_ =	shalt  }
0x81: {  	_ =	shalt  }
0x82: {  	_ =	shalt  }
0x83: {  	_ =	shalt  }
0x84: {  	_ =	shalt  }
0x85: {  	_ =	shalt  }
0x86: {  	_ =	shalt  }
0x87: {  	_ =	shalt  }
.Lfunc_end0:
.L_simem_size_0:
called_computation.1_lowered:
.L_overlay_start_0:
0x88: {  	s2 =	sld [smem:$0x3FD9]  }
0x89: {  	s3 =	sld [smem:$0x3FFE];
	_ =	sdelay $0x1  }
0x8a: {  	s1 =	srdreg.scid  }
0x8b: {  	s0 =	sand.u32 $0x1, s1  }
0x8c: {  	s16 =	sshll.u32 s0, $0xA;
	s2 =	sadd.s32 s3, s2  }
0x8d: {  	s2 =	sadd.s32 s2, s16  }
0x8e: {  	[smem:$0x3FC0] =	sst s2  }
0x8f: {  	_ = 	snop  }
0x90: {  	(tm) =	ssettm $0x1  }
0x91: {  	s17 =	sld [smem:$0x3FFB];
	_ =	sdelay $0x3  }
0x92: {  	_ =	strace s17  }
0x93: {  	s2 =	sld [smem:$0x3FFC];
	_ =	sdelay $0x3  }
0x94: {  	_ =	strace s2  }
0x95: {  	s2 =	sld [smem:$0x3FFD];
	_ =	sdelay $0x3  }
0x96: {  	_ =	strace s2  }
0x97: {  	_ =	strace $0x8FFFFFFF  }
0x98: {  	s18 =	sld [smem:$0x3FDB];
	_ =	sdelay $0x1  }
0x99: {  	s19 =	simm.s32 $_scs_section_size  }
0x9a: {  	s4 =	simm.s32 $_size__tile_overlayer_lowered;
	s5 =	simm.s32 $_tile_overlayer_lowered  }
0x9b: {  	s22 =	simm.s32 $0x1BFF;
	s21 =	sshll.u32 s5, $0x1;
	s2 =	sadd.s32 s19, s18  }
0x9c: {  	s6 =	simm.s32 $0x0;
	s20 =	sshll.u32 s4, $0x1;
	s4 =	sadd.s32 s21, s2  }
0x9d: {  	[timem:s6], [sflag:s22] =	dma.local [hbm:s4], s20  }
0x9e: {  	_ =	swait.ge [sflag:s22], s20  }
0x9f: {  	s3 =	ssub.s32 $0x0, s20;
	[sflag:s22] =	ssyncset.done $0x0  }
0xa0: {  	[sflag:s22] =	ssyncadd.s32 s3;
	_ =	sdelay $0x1  }
0xa1: {  	s23 =	simm.s32 $0x1B8B  }
0xa2: {  	_ =	swait.ge [sflag:s23], $0x1  }
0xa3: {  	[sflag:s23] =	ssyncset.done $0x0  }
0xa4: {  	s25 =	simm.s32 $0x1B8E;
	s24 =	sld [smem:$0x3FFE];
	[sflag:s23] =	ssyncadd.s32 $0xFFFFFFFF  }
0xa5: {  	s26 =	simm.s32 $execute0_lowered;
	[smem:$0x3FD2] =	sst s25  }
0xa6: {  	s4 =	sshll.u32 s26, $0x1;
	_ =	strace $0x80000049;
	[dreg:$0x1] =	wrdreg $0xFFFFFFFF  }
0xa7: {  	s28 =	simm.s32 $_size_execute0_lowered;
	s2 =	sadd.s32 s2, s4;
	[dreg:$0x0] =	wrdreg $0x0  }
0xa8: {  	s4 =	sshll.u32 s28, $0x1;
	[dreg:$0x2] =	wrdreg s2  }
0xa9: {  	[dreg:$0x3] =	wrdreg s4  }
0xaa: {  	[dreg:$0x4] =	wrdreg $0xC0  }
0xab: {  	_ =	task [dreg:s6], $0x5FFFF  }
0xac: {  	[dreg:$0x1] =	wrdreg $0xFFFFFFFF  }
0xad: {  	[dreg:$0x0] =	wrdreg $0x60  }
0xae: {  	[dreg:$0x2] =	wrdreg s24  }
0xaf: {  	[dreg:$0x3] =	wrdreg $0x84000  }
0xb0: {  	[dreg:$0x4] =	wrdreg $0x9  }
0xb1: {  	_ =	task.clear_ibuf [dreg:s6], $0x5FFFF;
	_ =	strace $0x90000049  }
0xb2: {  	s29 =	simm.s32 $0x9;
	_ =	strace $0x8000004B  }
0xb3: {  	_ =	swait.ge [sflag:s29], $0x1  }
0xb4: {  	[sflag:s29] =	ssyncadd.s32 $0xFFFFFFFF  }
0xb5: {  	_ =	strace $0x9000004B  }
0xb6: {  	_ =	sfence  }
0xb7: {  	s30 =	sld [smem:$0x0];
	_ =	sdelay $0x2  }
0xb8: {  	s31 =	sshll.u32 s1, $0xD;
	s1 =	sshrl.u32 s1, $0x2  }
0xb9: {  	s3 =	sand.u32 $0x4000, s31;
	s1 =	sadd.s32 s1, s30  }
0xba: {  	s0 =	sor.u32 s3, s0;
	s1 =	sshll.u32 s1, $0x11  }
0xbb: {  	s0 =	sor.u32 s1, s0  }
0xbc: {  	s0 =	sadd.s32 $0x8F2B, s0  }
0xbd: {  	[sflag:s0] =	ssyncadd.remote.s32 $0x1  }
0xbe: {  	_ =	sfence.sel $0xFFFF  }
0xbf: {  	[dreg:$0x0] =	wrdreg $0xFFFFFFFF;
	(pc) =	sbr.abs _section_cstart, $3  }
0xc0: {  	[dreg:$0x1] =	wrdreg $0xFFFFFFFF  }
0xc1: {  	_ =	task.clear_ibuf [dreg:s6], $0x2FFFF;
	_ =	strace $0x9FFFFFFF  }
0xc2: {  	(tm) =	ssettm $0x7FFFFFFF  }
0xc3: {  	_ =	shalt  }
tec
execute0_lowered:
.L_overlay_start_1:
0x0: {  	(tag) =	ssettag $0x1  }
0x1: {  	s0 =	rddreg [dreg:$0x0]  }
0x2: {  	s1 =	rddreg [dreg:$0x1];
	s3 =	simm.s32 $0x0;
	s2 =	srdreg.scid  }
0x3: {  	s12 =	stileid.u32;
	s28 =	simm.s32 $0x200;
	s29 =	simm.s32 $0x3  }
0x4: {  	s30 =	simm.s32 $0x80;
	s31 =	simm.s32 $0x400;
	[smem:$0x7FF] =	sst s3  }
0x5: {  	s2 =	sand.u32 $0x1, s2;
	s4 =	sadd.s32 $0xEE00, s0;
	s5 =	smul.u32 $0x2800, s12  }
0x6: {  	s7 =	sadd.s32 $0x40000, s0;
	s9 =	sadd.s32 $0x36000, s0;
	s10 =	sadd.s32 $0xC600, s0  }
0x7: {  	s26 =	smul.u32 $0x50000, s12;
	s24 =	sshll.u32 s12, $0x6;
	_ =	strace $0x8000004A  }
0x8: {  	s6 =	sshll.u32 s2, $0x4;
	s8 =	smul.u32 $0x28000, s2;
	s2 =	ssub.s32 $0x2, s2  }
0x9: {  	[dreg:$0x3] =	wrdreg s10;
	s6 =	sor.u32 s12, s6;
	s11 =	sshrl.u32 s2, $0x1  }
0xa: {  	s12 =	simm.s32 $0x2;
	s6 =	smul.u32 $0x2800, s6;
	s5 =	sadd.s32 s5, s8  }
0xb: {  	s2 =	ssub.s32 s2, s11;
	s8 =	sshrl.u32 s26, $0x2;
	s0 =	sadd.s32 s5, s0  }
0xc: {  	s18 =	sor.u32 $0x380, s5;
	s20 =	sor.u32 $0x300, s5;
	s22 =	sor.u32 $0x280, s5  }
0xd: {  	s5 =	sor.u32 $0x200, s5;
	s25 =	sadd.s32 s8, s1;
	s26 =	smax.u32 s2, $0x1  }
0xe: {  	s2 =	simm.s32 $0x4;
	s8 =	simm.s32 $0x180;
	s6 =	sshrl.u32 s6, $0x3  }
0xf: {  	s21 =	sshrl.u32 s20, $0x3;
	s23 =	sshrl.u32 s22, $0x3;
	[dreg:$0xc] =	wrdreg s25  }
0x10: {  	s5 =	sshrl.u32 s5, $0x3;
	s0 =	sadd.s32 $0x4A000, s0;
	[dreg:$0xf] =	wrdreg s26  }
0x11: {  	s26 =	simm.s32 $0x7;
	s13 =	sadd.s32 s7, s6;
	[dreg:$0xe] =	wrdreg s0  }
0x12: {  	s14 =	sadd.s32 s9, s6;
	s15 =	sor.u32 $0x10, s6;
	[dreg:$0x4] =	wrdreg s13  }
0x13: {  	s11 =	sor.u32 $0x20, s6;
	[dreg:$0x5] =	wrdreg s14;
	s13 =	sadd.s32 s7, s15  }
0x14: {  	s6 =	sor.u32 $0x30, s6;
	s10 =	sadd.s32 s9, s15;
	[dreg:$0x6] =	wrdreg s13  }
0x15: {  	s20 =	sadd.s32 s5, s9;
	s16 =	sadd.s32 s7, s11;
	[dreg:$0x7] =	wrdreg s10  }
0x16: {  	s0 =	simm.s32 $0x280;
	s17 =	sadd.s32 s9, s11;
	[dreg:$0x8] =	wrdreg s16  }
0x17: {  	s19 =	sadd.s32 s7, s6;
	s6 =	sadd.s32 s9, s6;
	[dreg:$0x9] =	wrdreg s17  }
0x18: {  	s11 =	simm.s32 $0x5;
	[dreg:$0xa] =	wrdreg s19;
	s10 =	sshrl.u32 s18, $0x3  }
0x19: {  	[dreg:$0xb] =	wrdreg s6;
	s16 =	sadd.s32 s21, s9;
	s17 =	sadd.s32 s21, s7  }
.Ltmp0:
0x1a: {  	s18 =	sadd.s32 s23, s9;
	s19 =	sadd.s32 s23, s7;
	(pc) =	sbr.rel .LBB2_1-.Ltmp0, $4  }
0x1b: {  	s21 =	sadd.s32 s5, s7;
	s23 =	sor.u32 $0x1C07, s24;
	s5 =	simm.s32 $0x4400  }
0x1c: {  	s6 =	simm.s32 $0x100;
	s13 =	simm.s32 $0x6;
	s24 =	simm.s32 $0x0  }
0x1d: {  	s14 =	sadd.s32 s10, s9;
	s15 =	sadd.s32 s10, s7;
	s7 =	simm.s32 $0x300  }
0x1e: {  	s9 =	simm.s32 $0x380;
	s10 =	simm.s32 $0x1;
	[dreg:$0xd] =	wrdreg s23  }
.LBB2_4:
0x1f: {  	_ =	swait.ge [sflag:s12], $0x4000  }
0x20: {  	[sflag:s12] =	ssyncset.done $0x0  }
0x21: {  	[sflag:s12] =	ssyncadd.s32 $0xFFFFC000  }
0x22: {  	[spmem:s1] =	stream.indirect.scatter.add.f32 [tilespmem:s5], [sflag:$0x7], $0x80, s9, s30, $0xb8;
	[tilespmem:$0x1C400] =	vst v63  }
0x23: {  	_ =	swait.ge [sflag:s26], $0x4000  }
0x24: {  	[sflag:s26] =	ssyncset.done $0x0  }
0x25: {  	[sflag:s26] =	ssyncadd.s32 $0xFFFFC000  }
0x26: {  	[bflag:$0x0] =	sbarrier.arrive $0xFFFF  }
0x27: {  	s23 =	rddreg [dreg:$0xd]  }
0x28: {  	s22 =	rddreg [dreg:$0xe]  }
0x29: {  	s24 =	rddreg [dreg:$0x11]  }
0x2a: {  	[hbm:s22], [sflag:s23] =	dma.local [spmem:s24], $0x2800  }
0x2b: {  	_ =	swait.ge [sflag:s26], $0x2800  }
0x2c: {  	s22 =	rddreg [dreg:$0x10]  }
0x2d: {  	s25 =	rddreg [dreg:$0xf];
	s24 =	sadd.s32 $0x1, s22  }
0x2e: {  	p0 =	sne.s32 s24, s25  }
.Ltmp1:
0x2f: {  	_ = 	snop;
	(pc) =	sbr.rel @!p0 .LBB2_5-.Ltmp1, $3  }
0x30: {  	_ =	sdelay $0x1  }
0x31: {  	[sflag:s26] =	ssyncset.done $0x0  }
0x32: {  	[sflag:s26] =	ssyncadd.s32 $0xFFFFD800  }
.LBB2_1:
0x33: {  	[dreg:$0x10] =	wrdreg s24  }
0x34: {  	s22 =	rddreg [dreg:$0xc]  }
0x35: {  	s25 =	rddreg [dreg:$0x3];
	s22 =	sshrl.u32 s22, $0x3  }
0x36: {  	[dreg:$0x11] =	wrdreg s22  }
0x37: {  	[spmem:s22], [sflag:s23] =	dma.local [hbm:s25], $0x2800  }
0x38: {  	_ =	swait.ge [sflag:s26], $0x2800  }
0x39: {  	[sflag:s26] =	ssyncset.done $0x0  }
0x3a: {  	[sflag:s26] =	ssyncadd.s32 $0xFFFFD800  }
0x3b: {  	[bflag:$0x0] =	sbarrier.arrive $0xFFFF  }
0x3c: {  	s24 =	rddreg [dreg:$0x4]  }
0x3d: {  	[tilespmem:s3], [sflag:$0x3] =	stream.linear.gather [hbm4b:s24+s3], $0x80, $0x38;
	[tilespmem:$0x1C400] =	vst v63  }
0x3e: {  	s25 =	rddreg [dreg:$0x5]  }
0x3f: {  	[tilespmem:s28], [sflag:$0x3] =	stream.linear.gather [hbm4b:s25+s3], $0x80, $0x38;
	[tilespmem:$0x1C400] =	vst v63  }
0x40: {  	_ =	swait.ge [sflag:s29], $0x80  }
0x41: {  	[sflag:s29] =	ssyncset.done $0x0  }
0x42: {  	[sflag:s29] =	ssyncadd.s32 $0xFFFFFF80  }
0x43: {  	_ =	swait.ge [sflag:s29], $0x80  }
0x44: {  	[sflag:s29] =	ssyncset.done $0x0  }
0x45: {  	[sflag:s29] =	ssyncadd.s32 $0xFFFFFF80  }
0x46: {  	[tilespmem:s31], [sflag:$0x1] =	stream.indirect.gather [hbm4b:s4+s30], $0x80, s3, s30, $0xb8;
	[tilespmem:$0x1C400] =	vst v63  }
0x47: {  	s23 =	rddreg [dreg:$0x6]  }
0x48: {  	[tilespmem:s30], [sflag:$0x4] =	stream.linear.gather [hbm4b:s23+s3], $0x80, $0x38;
	[tilespmem:$0x1C400] =	vst v63  }
0x49: {  	s24 =	rddreg [dreg:$0x7]  }
0x4a: {  	[tilespmem:s0], [sflag:$0x4] =	stream.linear.gather [hbm4b:s24+s3], $0x80, $0x38;
	[tilespmem:$0x1C400] =	vst v63  }
0x4b: {  	_ =	swait.ge [sflag:s2], $0x80  }
0x4c: {  	[sflag:s2] =	ssyncset.done $0x0  }
0x4d: {  	[sflag:s2] =	ssyncadd.s32 $0xFFFFFF80  }
0x4e: {  	_ =	swait.ge [sflag:s2], $0x80  }
0x4f: {  	[sflag:s2] =	ssyncset.done $0x0  }
0x50: {  	[sflag:s2] =	ssyncadd.s32 $0xFFFFFF80  }
0x51: {  	[tilespmem:s5], [sflag:$0x2] =	stream.indirect.gather [hbm4b:s4+s30], $0x80, s30, s30, $0xb8;
	[tilespmem:$0x1C400] =	vst v63  }
0x52: {  	s25 =	rddreg [dreg:$0x8]  }
0x53: {  	[tilespmem:s6], [sflag:$0x5] =	stream.linear.gather [hbm4b:s25+s3], $0x80, $0x38;
	[tilespmem:$0x1C400] =	vst v63  }
0x54: {  	s23 =	rddreg [dreg:$0x9]  }
0x55: {  	[tilespmem:s7], [sflag:$0x5] =	stream.linear.gather [hbm4b:s23+s3], $0x80, $0x38;
	[tilespmem:$0x1C400] =	vst v63  }
0x56: {  	s24 =	rddreg [dreg:$0xa]  }
0x57: {  	[tilespmem:s8], [sflag:$0x6] =	stream.linear.gather [hbm4b:s24+s3], $0x80, $0x38;
	[tilespmem:$0x1C400] =	vst v63  }
0x58: {  	s25 =	rddreg [dreg:$0xb]  }
0x59: {  	[tilespmem:s9], [sflag:$0x6] =	stream.linear.gather [hbm4b:s25+s3], $0x80, $0x38;
	[tilespmem:$0x1C400] =	vst v63  }
0x5a: {  	s25 =	simm.s32 $0x0  }
.LBB2_2:
0x5b: {  	_ =	swait.ge [sflag:s10], $0x4000  }
0x5c: {  	[sflag:s10] =	ssyncset.done $0x0  }
0x5d: {  	[sflag:s10] =	ssyncadd.s32 $0xFFFFC000  }
0x5e: {  	[spmem:s1] =	stream.indirect.scatter.add.f32 [tilespmem:s31], [sflag:$0x7], $0x80, s28, s30, $0xb8;
	[tilespmem:$0x1C400] =	vst v63  }
0x5f: {  	_ =	swait.ge [sflag:s26], $0x4000  }
0x60: {  	p0 =	seq.s32 s25, $0x4C0;
	[sflag:s26] =	ssyncset.done $0x0  }
0x61: {  	s23 =	sadd.s32 @!p0 s25, s21;
	s24 =	simm.s32 @!p0 $0x0;
	[sflag:s26] =	ssyncadd.s32 $0xFFFFC000  }
0x62: {  	[tilespmem:s24], [sflag:$0x3] =	stream.linear.gather @!p0 [hbm4b:s23+s24], $0x80, $0x38;
	[tilespmem:$0x1C400] =	vst v63  }
0x63: {  	s22 =	simm.s32 @!p0 $0x200;
	s23 =	sadd.s32 @!p0 s25, s20  }
0x64: {  	[tilespmem:s22], [sflag:$0x3] =	stream.linear.gather @!p0 [hbm4b:s23+s24], $0x80, $0x38;
	[tilespmem:$0x1C400] =	vst v63  }
0x65: {  	_ =	swait.ge [sflag:s11], $0x80  }
0x66: {  	[sflag:s11] =	ssyncset.done $0x0  }
0x67: {  	[sflag:s11] =	ssyncadd.s32 $0xFFFFFF80  }
0x68: {  	_ =	swait.ge [sflag:s11], $0x80  }
0x69: {  	[sflag:s11] =	ssyncset.done $0x0  }
0x6a: {  	[sflag:s11] =	ssyncadd.s32 $0xFFFFFF80  }
0x6b: {  	[tilespmem:s31], [sflag:$0x1] =	stream.indirect.gather [hbm4b:s4+s30], $0x80, s6, s30, $0xb8;
	[tilespmem:$0x1C400] =	vst v63  }
0x6c: {  	_ =	swait.ge [sflag:s12], $0x4000  }
0x6d: {  	[sflag:s12] =	ssyncset.done $0x0  }
0x6e: {  	[sflag:s12] =	ssyncadd.s32 $0xFFFFC000  }
0x6f: {  	[spmem:s1] =	stream.indirect.scatter.add.f32 [tilespmem:s5], [sflag:$0x7], $0x80, s0, s30, $0xb8;
	[tilespmem:$0x1C400] =	vst v63  }
0x70: {  	_ =	swait.ge [sflag:s26], $0x4000  }
0x71: {  	[sflag:s26] =	ssyncset.done $0x0  }
0x72: {  	s22 =	sadd.s32 @!p0 s25, s19;
	s23 =	simm.s32 @!p0 $0x80;
	[sflag:s26] =	ssyncadd.s32 $0xFFFFC000  }
0x73: {  	[tilespmem:s23], [sflag:$0x4] =	stream.linear.gather @!p0 [hbm4b:s22+s24], $0x80, $0x38;
	[tilespmem:$0x1C400] =	vst v63  }
0x74: {  	s22 =	sadd.s32 @!p0 s25, s18;
	s23 =	simm.s32 @!p0 $0x280  }
0x75: {  	[tilespmem:s23], [sflag:$0x4] =	stream.linear.gather @!p0 [hbm4b:s22+s24], $0x80, $0x38;
	[tilespmem:$0x1C400] =	vst v63  }
0x76: {  	_ =	swait.ge [sflag:s13], $0x80  }
0x77: {  	[sflag:s13] =	ssyncset.done $0x0  }
0x78: {  	[sflag:s13] =	ssyncadd.s32 $0xFFFFFF80  }
0x79: {  	_ =	swait.ge [sflag:s13], $0x80  }
0x7a: {  	[sflag:s13] =	ssyncset.done $0x0  }
0x7b: {  	[sflag:s13] =	ssyncadd.s32 $0xFFFFFF80  }
0x7c: {  	[tilespmem:s5], [sflag:$0x2] =	stream.indirect.gather [hbm4b:s4+s30], $0x80, s8, s30, $0xb8;
	[tilespmem:$0x1C400] =	vst v63  }
0x7d: {  	_ =	swait.ge [sflag:s10], $0x4000  }
0x7e: {  	[sflag:s10] =	ssyncset.done $0x0  }
.Ltmp2:
0x7f: {  	[sflag:s10] =	ssyncadd.s32 $0xFFFFC000;
	(pc) =	sbr.rel @p0 .LBB2_4-.Ltmp2, $4  }
0x80: {  	[spmem:s1] =	stream.indirect.scatter.add.f32 [tilespmem:s31], [sflag:$0x7], $0x80, s7, s30, $0xb8;
	[tilespmem:$0x1C400] =	vst v63  }
0x81: {  	_ =	swait.ge [sflag:s26], $0x4000  }
0x82: {  	[sflag:s26] =	ssyncset.done $0x0  }
0x83: {  	[sflag:s26] =	ssyncadd.s32 $0xFFFFC000  }
0x84: {  	s22 =	sadd.s32 s25, s17  }
0x85: {  	[tilespmem:s6], [sflag:$0x5] =	stream.linear.gather [hbm4b:s22+s3], $0x80, $0x38;
	[tilespmem:$0x1C400] =	vst v63  }
0x86: {  	s24 =	sadd.s32 s25, s16  }
0x87: {  	[tilespmem:s7], [sflag:$0x5] =	stream.linear.gather [hbm4b:s24+s3], $0x80, $0x38;
	[tilespmem:$0x1C400] =	vst v63  }
0x88: {  	_ =	swait.ge [sflag:s29], $0x80  }
0x89: {  	[sflag:s29] =	ssyncset.done $0x0  }
0x8a: {  	[sflag:s29] =	ssyncadd.s32 $0xFFFFFF80  }
0x8b: {  	_ =	swait.ge [sflag:s29], $0x80  }
0x8c: {  	[sflag:s29] =	ssyncset.done $0x0  }
0x8d: {  	[sflag:s29] =	ssyncadd.s32 $0xFFFFFF80  }
0x8e: {  	[tilespmem:s31], [sflag:$0x1] =	stream.indirect.gather [hbm4b:s4+s30], $0x80, s3, s30, $0xb8;
	[tilespmem:$0x1C400] =	vst v63  }
0x8f: {  	_ =	swait.ge [sflag:s12], $0x4000  }
0x90: {  	[sflag:s12] =	ssyncset.done $0x0  }
0x91: {  	[sflag:s12] =	ssyncadd.s32 $0xFFFFC000  }
0x92: {  	[spmem:s1] =	stream.indirect.scatter.add.f32 [tilespmem:s5], [sflag:$0x7], $0x80, s9, s30, $0xb8;
	[tilespmem:$0x1C400] =	vst v63  }
0x93: {  	_ =	swait.ge [sflag:s26], $0x4000  }
0x94: {  	[sflag:s26] =	ssyncset.done $0x0  }
0x95: {  	s23 =	sadd.s32 s25, s15;
	[sflag:s26] =	ssyncadd.s32 $0xFFFFC000  }
0x96: {  	[tilespmem:s8], [sflag:$0x6] =	stream.linear.gather [hbm4b:s23+s3], $0x80, $0x38;
	[tilespmem:$0x1C400] =	vst v63  }
0x97: {  	s24 =	sadd.s32 s25, s14  }
0x98: {  	[tilespmem:s9], [sflag:$0x6] =	stream.linear.gather [hbm4b:s24+s3], $0x80, $0x38;
	[tilespmem:$0x1C400] =	vst v63  }
0x99: {  	_ =	swait.ge [sflag:s2], $0x80  }
0x9a: {  	[sflag:s2] =	ssyncset.done $0x0  }
.Ltmp3:
0x9b: {  	[sflag:s2] =	ssyncadd.s32 $0xFFFFFF80;
	(pc) =	sbr.rel .LBB2_2-.Ltmp3, $4  }
0x9c: {  	_ =	swait.ge [sflag:s2], $0x80  }
0x9d: {  	[sflag:s2] =	ssyncset.done $0x0  }
0x9e: {  	s25 =	sadd.s32 $0x40, s25;
	[sflag:s2] =	ssyncadd.s32 $0xFFFFFF80  }
0x9f: {  	[tilespmem:s5], [sflag:$0x2] =	stream.indirect.gather [hbm4b:s4+s30], $0x80, s30, s30, $0xb8;
	[tilespmem:$0x1C400] =	vst v63  }
.LBB2_5:
0xa0: {  	_ =	sfence.sel $0x180000  }
0xa1: {  	[bflag:$0x0] =	sbarrier.arrive $0xFFFF  }
0xa2: {  	_ =	strace $0x9000004A  }
0xa3: {  	s0 =	stileid.u32;
	[bflag:$0x2] =	sbarrier.arrive $0xFFFF  }
0xa4: {  	p0 =	sne.s32 s0, $0x0;
	s0 =	rddreg [dreg:$0x2]  }
0xa5: {  	s0 =	sadd.s32 @!p0 $0x100000, s0  }
0xa6: {  	[sflag:s0] =	ssyncadd.tile.s32 @!p0 $0x1;
	_ =	shalt  }
.Lfunc_end2:
_tile_overlayer_lowered:
.L_overlay_start_2:
0xa7: {  	(tag) =	ssettag $0x2  }
0xa8: {  	s0 =	rddreg [dreg:$0x0];
	s2 =	stileid.u32  }
0xa9: {  	s1 =	rddreg [dreg:$0x1];
	p0 =	sne.s32 s2, $0x0  }
0xaa: {  	s3 =	rddreg [dreg:$0x2];
	[bflag:$0x3] =	sbarrier.arrive $0xFFFF;
	s2 =	simm.s32 @!p0 $0x1C07  }
0xab: {  	[timem:s3], [sflag:s2] =	dma.local @!p0 [hbm:s0], s1  }
0xac: {  	s0 =	simm.s32 @!p0 $0x7  }
0xad: {  	_ =	swait.ge @!p0 [sflag:s0], s1  }
0xae: {  	s1 =	ssub.s32 @!p0 $0x0, s1;
	[sflag:s0] =	ssyncset.done @!p0 $0x0  }
0xaf: {  	[sflag:s0] =	ssyncadd.s32 @!p0 s1  }
0xb0: {  	[bflag:$0x3] =	sbarrier.arrive $0xFFFF  }
0xb1: {  	_ =	shalt  }

// kernel: kernel.13.cloned.1.call-start
scs
__scs_entry_jumppad:
0x0: {  	(pc) =	sbr.rel $0x88, $3  }
0x1: {  	(tag) =	ssettag $0x0;
	lr =	simm.s32 $0x1  }
0x2: {  	[smem:$0x3F99] =	sst lr;
	_ =	strace $0xD0000000  }
0x3: {  	_ = 	snop  }
0x4: {  	_ = 	snop  }
0x5: {  	_ = 	snop  }
0x6: {  	_ = 	snop  }
0x7: {  	_ = 	snop  }
__scs_overlays_trampoline_lowered:
0x8: {  	[smem:$0x3FA8] =	sst s0  }
0x9: {  	[smem:$0x3FA9] =	sst s1  }
0xa: {  	[smem:$0x3FAA] =	sst s2  }
0xb: {  	[smem:$0x3FAB] =	sst s3  }
0xc: {  	[smem:$0x3FAC] =	sst s4  }
0xd: {  	[smem:$0x3FAD] =	sst s5  }
0xe: {  	[smem:$0x3FAE] =	sst s6  }
0xf: {  	[smem:$0x3FAF] =	sst s7  }
0x10: {  	[smem:$0x3FB0] =	sst s8  }
0x11: {  	[smem:$0x3FB1] =	sst s9;
	s0 =	simm.s32 @!p0 $0x0  }
0x12: {  	s1 =	sld [smem:$0x3F97];
	s0 =	simm.s32 @p0 $0x1  }
0x13: {  	[smem:$0x3FB2] =	sst s0;
	s0 =	simm.s32 @!p1 $0x0  }
0x14: {  	s2 =	sld [smem:$0x3F96];
	s0 =	simm.s32 @p1 $0x1  }
0x15: {  	[smem:$0x3FB3] =	sst s0;
	s0 =	simm.s32 @!p2 $0x0  }
0x16: {  	s3 =	sld [smem:$0x3FDB];
	s0 =	simm.s32 @p2 $0x1  }
0x17: {  	s4 =	simm.s32 $0x1BF5;
	[smem:$0x3FB5] =	sst s0  }
0x18: {  	s0 =	sld [smem:$0x3F98];
	_ =	swait.ge [sflag:s4], $0x0  }
0x19: {  	s7 =	sld [smem:$0x3F99]  }
0x1a: {  	s8 =	sadd.s32 $0xFFFFE003, lr  }
0x1b: {  	s9 =	sadd.s32 $0xFFFFFEF7, lr;
	s5 =	simm.s32 $0xFFFFFFFF;
	p2 =	slt.u32 s8, $0xFFFFF086  }
0x1c: {  	p1 =	slt.u32 s9, $0xF7A;
	s5 =	simm.s32 @!p2 $0x0  }
0x1d: {  	s5 =	simm.s32 @p1 $0x1;
	p0 =	seq.s32 s7, s2  }
0x1e: {  	s7 =	smul.u32 @!p0 $0xF7A, s2;
	p2 =	seq.s32 @!p0 s5, $0x0  }
0x1f: {  	s9 =	smul.u32 $0xF7A, s1;
	s8 =	simm.s32 @!p0 $0x1BF5;
	p2 =	por !p2, p0  }
0x20: {  	[sflag:s8] =	ssyncset.s32 @!p0 $0xFFFFF086;
	s6 =	sadd.s32 @!p0 s3, s7;
	s7 =	simm.s32 @!p0 $0x108  }
0x21: {  	s3 =	sadd.s32 s3, s9;
	s6 =	sadd.s32 @!p0 $0x88, s6;
	s7 =	simm.s32 @p2 $0x1082  }
0x22: {  	[simem:s7], [sflag:s8] =	dma.local @!p0 [hbm:s6], $0xF7A  }
0x23: {  	s9 =	sor.u32 $0xD0000000, s2;
	s6 =	simm.s32 $0x108;
	_ =	swait.ge @!p0 [sflag:s8], $0x0  }
0x24: {  	s3 =	sadd.s32 $0x88, s3;
	s6 =	simm.s32 @!p1 $0x1082;
	[sflag:s4] =	ssyncset.s32 $0xFFFFF086  }
0x25: {  	[simem:s6], [sflag:s4] =	dma.local [hbm:s3], $0xF7A  }
0x26: {  	[smem:$0x3F99] =	sst s1;
	(tag) =	ssettag s2;
	_ =	strace s9  }
0x27: {  	s1 =	sld [smem:$0x3FA9]  }
0x28: {  	s2 =	sld [smem:$0x3FAA]  }
0x29: {  	s4 =	sld [smem:$0x3FAC]  }
0x2a: {  	p0 =	seq.s32 s5, $0x0;
	s5 =	sld [smem:$0x3FAD]  }
0x2b: {  	s6 =	sld [smem:$0x3FAE]  }
0x2c: {  	s7 =	sld [smem:$0x3FAF]  }
0x2d: {  	s3 =	simm.s32 $0x108;
	s8 =	sld [smem:$0x3FB0]  }
0x2e: {  	s3 =	simm.s32 @!p0 $0x1082;
	s9 =	sld [smem:$0x3FB1]  }
0x2f: {  	lr =	sadd.s32 s0, s3;
	s0 =	sld [smem:$0x3FA8]  }
0x30: {  	s3 =	sld [smem:$0x3FAB]  }
0x31: {  	[smem:$0x3FB4] =	sst s10  }
0x32: {  	s10 =	sld [smem:$0x3FB2];
	_ =	sdelay $0x3  }
0x33: {  	p0 =	seq.s32 s10, $0x1;
	s10 =	sld [smem:$0x3FB4];
	_ =	sdelay $0x3  }
0x34: {  	[smem:$0x3FB4] =	sst s10  }
0x35: {  	s10 =	sld [smem:$0x3FB3];
	_ =	sdelay $0x3  }
0x36: {  	p1 =	seq.s32 s10, $0x1;
	s10 =	sld [smem:$0x3FB4];
	_ =	sdelay $0x3  }
0x37: {  	[smem:$0x3FB4] =	sst s10  }
0x38: {  	s10 =	sld [smem:$0x3FB5]  }
0x39: {  	_ = 	snop;
	(pc) =	sbr.ind lr, $3  }
0x3a: {  	_ = 	snop  }
0x3b: {  	_ = 	snop  }
0x3c: {  	p2 =	seq.s32 s10, $0x1;
	s10 =	sld [smem:$0x3FB4]  }
0x3d: {  	_ =	shalt  }
0x3e: {  	_ =	shalt  }
0x3f: {  	_ =	shalt  }
0x40: {  	_ =	shalt  }
0x41: {  	_ =	shalt  }
0x42: {  	_ =	shalt  }
0x43: {  	_ =	shalt  }
0x44: {  	_ =	shalt  }
0x45: {  	_ =	shalt  }
0x46: {  	_ =	shalt  }
0x47: {  	_ =	shalt  }
0x48: {  	_ =	shalt  }
0x49: {  	_ =	shalt  }
0x4a: {  	_ =	shalt  }
0x4b: {  	_ =	shalt  }
0x4c: {  	_ =	shalt  }
0x4d: {  	_ =	shalt  }
0x4e: {  	_ =	shalt  }
0x4f: {  	_ =	shalt  }
0x50: {  	_ =	shalt  }
0x51: {  	_ =	shalt  }
0x52: {  	_ =	shalt  }
0x53: {  	_ =	shalt  }
0x54: {  	_ =	shalt  }
0x55: {  	_ =	shalt  }
0x56: {  	_ =	shalt  }
0x57: {  	_ =	shalt  }
0x58: {  	_ =	shalt  }
0x59: {  	_ =	shalt  }
0x5a: {  	_ =	shalt  }
0x5b: {  	_ =	shalt  }
0x5c: {  	_ =	shalt  }
0x5d: {  	_ =	shalt  }
0x5e: {  	_ =	shalt  }
0x5f: {  	_ =	shalt  }
0x60: {  	_ =	shalt  }
0x61: {  	_ =	shalt  }
0x62: {  	_ =	shalt  }
0x63: {  	_ =	shalt  }
0x64: {  	_ =	shalt  }
0x65: {  	_ =	shalt  }
0x66: {  	_ =	shalt  }
0x67: {  	_ =	shalt  }
0x68: {  	_ =	shalt  }
0x69: {  	_ =	shalt  }
0x6a: {  	_ =	shalt  }
0x6b: {  	_ =	shalt  }
0x6c: {  	_ =	shalt  }
0x6d: {  	_ =	shalt  }
0x6e: {  	_ =	shalt  }
0x6f: {  	_ =	shalt  }
0x70: {  	_ =	shalt  }
0x71: {  	_ =	shalt  }
0x72: {  	_ =	shalt  }
0x73: {  	_ =	shalt  }
0x74: {  	_ =	shalt  }
0x75: {  	_ =	shalt  }
0x76: {  	_ =	shalt  }
0x77: {  	_ =	shalt  }
0x78: {  	_ =	shalt  }
0x79: {  	_ =	shalt  }
0x7a: {  	_ =	shalt  }
0x7b: {  	_ =	shalt  }
0x7c: {  	_ =	shalt  }
0x7d: {  	_ =	shalt  }
0x7e: {  	_ =	shalt  }
0x7f: {  	_ =	shalt  }
0x80: {  	_ =	shalt  }
0x81: {  	_ =	shalt  }
0x82: {  	_ =	shalt  }
0x83: {  	_ =	shalt  }
0x84: {  	_ =	shalt  }
0x85: {  	_ =	shalt  }
0x86: {  	_ =	shalt  }
0x87: {  	_ =	shalt  }
.Lfunc_end0:
.L_simem_size_0:
called_computation.2_lowered:
.L_overlay_start_0:
0x88: {  	s2 =	sld [smem:$0x3FD9]  }
0x89: {  	s3 =	sld [smem:$0x3FFE];
	_ =	sdelay $0x1  }
0x8a: {  	s1 =	srdreg.scid  }
0x8b: {  	s0 =	sand.u32 $0x1, s1  }
0x8c: {  	s16 =	sshll.u32 s0, $0xA;
	s2 =	sadd.s32 s3, s2  }
0x8d: {  	s2 =	sadd.s32 s2, s16  }
0x8e: {  	[smem:$0x3FC0] =	sst s2  }
0x8f: {  	_ = 	snop  }
0x90: {  	(tm) =	ssettm $0x1  }
0x91: {  	s17 =	sld [smem:$0x3FFB];
	_ =	sdelay $0x3  }
0x92: {  	_ =	strace s17  }
0x93: {  	s2 =	sld [smem:$0x3FFC];
	_ =	sdelay $0x3  }
0x94: {  	_ =	strace s2  }
0x95: {  	s2 =	sld [smem:$0x3FFD];
	_ =	sdelay $0x3  }
0x96: {  	_ =	strace s2  }
0x97: {  	_ =	strace $0x8FFFFFFF  }
0x98: {  	s18 =	sld [smem:$0x3FDB];
	_ =	sdelay $0x1  }
0x99: {  	s19 =	simm.s32 $_scs_section_size  }
0x9a: {  	s4 =	simm.s32 $_size__tile_overlayer_lowered;
	s5 =	simm.s32 $_tile_overlayer_lowered  }
0x9b: {  	s22 =	simm.s32 $0x1BFF;
	s21 =	sshll.u32 s5, $0x1;
	s2 =	sadd.s32 s19, s18  }
0x9c: {  	s6 =	simm.s32 $0x0;
	s20 =	sshll.u32 s4, $0x1;
	s4 =	sadd.s32 s21, s2  }
0x9d: {  	[timem:s6], [sflag:s22] =	dma.local [hbm:s4], s20  }
0x9e: {  	_ =	swait.ge [sflag:s22], s20  }
0x9f: {  	s3 =	ssub.s32 $0x0, s20;
	[sflag:s22] =	ssyncset.done $0x0  }
0xa0: {  	[sflag:s22] =	ssyncadd.s32 s3;
	_ =	sdelay $0x1  }
0xa1: {  	s23 =	simm.s32 $0x1B8B  }
0xa2: {  	_ =	swait.ge [sflag:s23], $0x1  }
0xa3: {  	[sflag:s23] =	ssyncset.done $0x0  }
0xa4: {  	s25 =	simm.s32 $0x1B8E;
	s24 =	sld [smem:$0x3FFE];
	[sflag:s23] =	ssyncadd.s32 $0xFFFFFFFF  }
0xa5: {  	s26 =	simm.s32 $execute0_lowered;
	[smem:$0x3FD2] =	sst s25  }
0xa6: {  	s4 =	sshll.u32 s26, $0x1;
	_ =	strace $0x8000004C;
	[dreg:$0x1] =	wrdreg $0xFFFFFFFF  }
0xa7: {  	s28 =	simm.s32 $_size_execute0_lowered;
	s2 =	sadd.s32 s2, s4;
	[dreg:$0x0] =	wrdreg $0x0  }
0xa8: {  	s4 =	sshll.u32 s28, $0x1;
	[dreg:$0x2] =	wrdreg s2  }
0xa9: {  	[dreg:$0x3] =	wrdreg s4  }
0xaa: {  	[dreg:$0x4] =	wrdreg $0xC0  }
0xab: {  	_ =	task [dreg:s6], $0x5FFFF  }
0xac: {  	[dreg:$0x1] =	wrdreg $0xFFFFFFFF  }
0xad: {  	[dreg:$0x0] =	wrdreg $0x60  }
0xae: {  	[dreg:$0x2] =	wrdreg s24  }
0xaf: {  	[dreg:$0x3] =	wrdreg $0x84000  }
0xb0: {  	[dreg:$0x4] =	wrdreg $0x9  }
0xb1: {  	_ =	task.clear_ibuf [dreg:s6], $0x5FFFF;
	_ =	strace $0x9000004C  }
0xb2: {  	s29 =	simm.s32 $0x9;
	_ =	strace $0x8000004E  }
0xb3: {  	_ =	swait.ge [sflag:s29], $0x1  }
0xb4: {  	[sflag:s29] =	ssyncadd.s32 $0xFFFFFFFF  }
0xb5: {  	_ =	strace $0x9000004E  }
0xb6: {  	_ =	sfence  }
0xb7: {  	s30 =	sld [smem:$0x0];
	_ =	sdelay $0x2  }
0xb8: {  	s31 =	sshll.u32 s1, $0xD;
	s1 =	sshrl.u32 s1, $0x2  }
0xb9: {  	s3 =	sand.u32 $0x4000, s31;
	s1 =	sadd.s32 s1, s30  }
0xba: {  	s0 =	sor.u32 s3, s0;
	s1 =	sshll.u32 s1, $0x11  }
0xbb: {  	s0 =	sor.u32 s1, s0  }
0xbc: {  	s0 =	sadd.s32 $0x8F2B, s0  }
0xbd: {  	[sflag:s0] =	ssyncadd.remote.s32 $0x1  }
0xbe: {  	_ =	sfence.sel $0xFFFF  }
0xbf: {  	[dreg:$0x0] =	wrdreg $0xFFFFFFFF;
	(pc) =	sbr.abs _section_cstart, $3  }
0xc0: {  	[dreg:$0x1] =	wrdreg $0xFFFFFFFF  }
0xc1: {  	_ =	task.clear_ibuf [dreg:s6], $0x2FFFF;
	_ =	strace $0x9FFFFFFF  }
0xc2: {  	(tm) =	ssettm $0x7FFFFFFF  }
0xc3: {  	_ =	shalt  }
tec
execute0_lowered:
.L_overlay_start_1:
0x0: {  	(tag) =	ssettag $0x1  }
0x1: {  	s0 =	rddreg [dreg:$0x0]  }
0x2: {  	s1 =	rddreg [dreg:$0x1];
	s3 =	simm.s32 $0x0;
	s2 =	srdreg.scid  }
0x3: {  	s12 =	stileid.u32;
	s28 =	simm.s32 $0x200;
	s29 =	simm.s32 $0x3  }
0x4: {  	s30 =	simm.s32 $0x80;
	s31 =	simm.s32 $0x400;
	[smem:$0x7FF] =	sst s3  }
0x5: {  	s2 =	sand.u32 $0x1, s2;
	s4 =	sadd.s32 $0xEE00, s0;
	s5 =	smul.u32 $0x2800, s12  }
0x6: {  	s7 =	sadd.s32 $0x40000, s0;
	s9 =	sadd.s32 $0x36000, s0;
	s10 =	sadd.s32 $0xC600, s0  }
0x7: {  	s26 =	smul.u32 $0x50000, s12;
	s24 =	sshll.u32 s12, $0x6;
	_ =	strace $0x8000004D  }
0x8: {  	s6 =	sshll.u32 s2, $0x4;
	s8 =	smul.u32 $0x28000, s2;
	s2 =	ssub.s32 $0x2, s2  }
0x9: {  	[dreg:$0x3] =	wrdreg s10;
	s6 =	sor.u32 s12, s6;
	s11 =	sshrl.u32 s2, $0x1  }
0xa: {  	s12 =	simm.s32 $0x2;
	s6 =	smul.u32 $0x2800, s6;
	s5 =	sadd.s32 s5, s8  }
0xb: {  	s2 =	ssub.s32 s2, s11;
	s8 =	sshrl.u32 s26, $0x2;
	s0 =	sadd.s32 s5, s0  }
0xc: {  	s18 =	sor.u32 $0x380, s5;
	s20 =	sor.u32 $0x300, s5;
	s22 =	sor.u32 $0x280, s5  }
0xd: {  	s5 =	sor.u32 $0x200, s5;
	s25 =	sadd.s32 s8, s1;
	s26 =	smax.u32 s2, $0x1  }
0xe: {  	s2 =	simm.s32 $0x4;
	s8 =	simm.s32 $0x180;
	s6 =	sshrl.u32 s6, $0x3  }
0xf: {  	s21 =	sshrl.u32 s20, $0x3;
	s23 =	sshrl.u32 s22, $0x3;
	[dreg:$0xc] =	wrdreg s25  }
0x10: {  	s5 =	sshrl.u32 s5, $0x3;
	s0 =	sadd.s32 $0x4A000, s0;
	[dreg:$0xf] =	wrdreg s26  }
0x11: {  	s26 =	simm.s32 $0x7;
	s13 =	sadd.s32 s7, s6;
	[dreg:$0xe] =	wrdreg s0  }
0x12: {  	s14 =	sadd.s32 s9, s6;
	s15 =	sor.u32 $0x10, s6;
	[dreg:$0x4] =	wrdreg s13  }
0x13: {  	s11 =	sor.u32 $0x20, s6;
	[dreg:$0x5] =	wrdreg s14;
	s13 =	sadd.s32 s7, s15  }
0x14: {  	s6 =	sor.u32 $0x30, s6;
	s10 =	sadd.s32 s9, s15;
	[dreg:$0x6] =	wrdreg s13  }
0x15: {  	s20 =	sadd.s32 s5, s9;
	s16 =	sadd.s32 s7, s11;
	[dreg:$0x7] =	wrdreg s10  }
0x16: {  	s0 =	simm.s32 $0x280;
	s17 =	sadd.s32 s9, s11;
	[dreg:$0x8] =	wrdreg s16  }
0x17: {  	s19 =	sadd.s32 s7, s6;
	s6 =	sadd.s32 s9, s6;
	[dreg:$0x9] =	wrdreg s17  }
0x18: {  	s11 =	simm.s32 $0x5;
	[dreg:$0xa] =	wrdreg s19;
	s10 =	sshrl.u32 s18, $0x3  }
0x19: {  	[dreg:$0xb] =	wrdreg s6;
	s16 =	sadd.s32 s21, s9;
	s17 =	sadd.s32 s21, s7  }
.Ltmp0:
0x1a: {  	s18 =	sadd.s32 s23, s9;
	s19 =	sadd.s32 s23, s7;
	(pc) =	sbr.rel .LBB2_1-.Ltmp0, $4  }
0x1b: {  	s21 =	sadd.s32 s5, s7;
	s23 =	sor.u32 $0x1C07, s24;
	s5 =	simm.s32 $0x4400  }
0x1c: {  	s6 =	simm.s32 $0x100;
	s13 =	simm.s32 $0x6;
	s24 =	simm.s32 $0x0  }
0x1d: {  	s14 =	sadd.s32 s10, s9;
	s15 =	sadd.s32 s10, s7;
	s7 =	simm.s32 $0x300  }
0x1e: {  	s9 =	simm.s32 $0x380;
	s10 =	simm.s32 $0x1;
	[dreg:$0xd] =	wrdreg s23  }
.LBB2_4:
0x1f: {  	_ =	swait.ge [sflag:s12], $0x4000  }
0x20: {  	[sflag:s12] =	ssyncset.done $0x0  }
0x21: {  	[sflag:s12] =	ssyncadd.s32 $0xFFFFC000  }
0x22: {  	[spmem:s1] =	stream.indirect.scatter.add.f32 [tilespmem:s5], [sflag:$0x7], $0x80, s9, s30, $0xb8;
	[tilespmem:$0x1C400] =	vst v63  }
0x23: {  	_ =	swait.ge [sflag:s26], $0x4000  }
0x24: {  	[sflag:s26] =	ssyncset.done $0x0  }
0x25: {  	[sflag:s26] =	ssyncadd.s32 $0xFFFFC000  }
0x26: {  	[bflag:$0x0] =	sbarrier.arrive $0xFFFF  }
0x27: {  	s23 =	rddreg [dreg:$0xd]  }
0x28: {  	s22 =	rddreg [dreg:$0xe]  }
0x29: {  	s24 =	rddreg [dreg:$0x11]  }
0x2a: {  	[hbm:s22], [sflag:s23] =	dma.local [spmem:s24], $0x2800  }
0x2b: {  	_ =	swait.ge [sflag:s26], $0x2800  }
0x2c: {  	s22 =	rddreg [dreg:$0x10]  }
0x2d: {  	s25 =	rddreg [dreg:$0xf];
	s24 =	sadd.s32 $0x1, s22  }
0x2e: {  	p0 =	sne.s32 s24, s25  }
.Ltmp1:
0x2f: {  	_ = 	snop;
	(pc) =	sbr.rel @!p0 .LBB2_5-.Ltmp1, $3  }
0x30: {  	_ =	sdelay $0x1  }
0x31: {  	[sflag:s26] =	ssyncset.done $0x0  }
0x32: {  	[sflag:s26] =	ssyncadd.s32 $0xFFFFD800  }
.LBB2_1:
0x33: {  	[dreg:$0x10] =	wrdreg s24  }
0x34: {  	s22 =	rddreg [dreg:$0xc]  }
0x35: {  	s25 =	rddreg [dreg:$0x3];
	s22 =	sshrl.u32 s22, $0x3  }
0x36: {  	[dreg:$0x11] =	wrdreg s22  }
0x37: {  	[spmem:s22], [sflag:s23] =	dma.local [hbm:s25], $0x2800  }
0x38: {  	_ =	swait.ge [sflag:s26], $0x2800  }
0x39: {  	[sflag:s26] =	ssyncset.done $0x0  }
0x3a: {  	[sflag:s26] =	ssyncadd.s32 $0xFFFFD800  }
0x3b: {  	[bflag:$0x0] =	sbarrier.arrive $0xFFFF  }
0x3c: {  	s24 =	rddreg [dreg:$0x4]  }
0x3d: {  	[tilespmem:s3], [sflag:$0x3] =	stream.linear.gather [hbm4b:s24+s3], $0x80, $0x38;
	[tilespmem:$0x1C400] =	vst v63  }
0x3e: {  	s25 =	rddreg [dreg:$0x5]  }
0x3f: {  	[tilespmem:s28], [sflag:$0x3] =	stream.linear.gather [hbm4b:s25+s3], $0x80, $0x38;
	[tilespmem:$0x1C400] =	vst v63  }
0x40: {  	_ =	swait.ge [sflag:s29], $0x80  }
0x41: {  	[sflag:s29] =	ssyncset.done $0x0  }
0x42: {  	[sflag:s29] =	ssyncadd.s32 $0xFFFFFF80  }
0x43: {  	_ =	swait.ge [sflag:s29], $0x80  }
0x44: {  	[sflag:s29] =	ssyncset.done $0x0  }
0x45: {  	[sflag:s29] =	ssyncadd.s32 $0xFFFFFF80  }
0x46: {  	[tilespmem:s31], [sflag:$0x1] =	stream.indirect.gather [hbm4b:s4+s30], $0x80, s3, s30, $0xb8;
	[tilespmem:$0x1C400] =	vst v63  }
0x47: {  	s23 =	rddreg [dreg:$0x6]  }
0x48: {  	[tilespmem:s30], [sflag:$0x4] =	stream.linear.gather [hbm4b:s23+s3], $0x80, $0x38;
	[tilespmem:$0x1C400] =	vst v63  }
0x49: {  	s24 =	rddreg [dreg:$0x7]  }
0x4a: {  	[tilespmem:s0], [sflag:$0x4] =	stream.linear.gather [hbm4b:s24+s3], $0x80, $0x38;
	[tilespmem:$0x1C400] =	vst v63  }
0x4b: {  	_ =	swait.ge [sflag:s2], $0x80  }
0x4c: {  	[sflag:s2] =	ssyncset.done $0x0  }
0x4d: {  	[sflag:s2] =	ssyncadd.s32 $0xFFFFFF80  }
0x4e: {  	_ =	swait.ge [sflag:s2], $0x80  }
0x4f: {  	[sflag:s2] =	ssyncset.done $0x0  }
0x50: {  	[sflag:s2] =	ssyncadd.s32 $0xFFFFFF80  }
0x51: {  	[tilespmem:s5], [sflag:$0x2] =	stream.indirect.gather [hbm4b:s4+s30], $0x80, s30, s30, $0xb8;
	[tilespmem:$0x1C400] =	vst v63  }
0x52: {  	s25 =	rddreg [dreg:$0x8]  }
0x53: {  	[tilespmem:s6], [sflag:$0x5] =	stream.linear.gather [hbm4b:s25+s3], $0x80, $0x38;
	[tilespmem:$0x1C400] =	vst v63  }
0x54: {  	s23 =	rddreg [dreg:$0x9]  }
0x55: {  	[tilespmem:s7], [sflag:$0x5] =	stream.linear.gather [hbm4b:s23+s3], $0x80, $0x38;
	[tilespmem:$0x1C400] =	vst v63  }
0x56: {  	s24 =	rddreg [dreg:$0xa]  }
0x57: {  	[tilespmem:s8], [sflag:$0x6] =	stream.linear.gather [hbm4b:s24+s3], $0x80, $0x38;
	[tilespmem:$0x1C400] =	vst v63  }
0x58: {  	s25 =	rddreg [dreg:$0xb]  }
0x59: {  	[tilespmem:s9], [sflag:$0x6] =	stream.linear.gather [hbm4b:s25+s3], $0x80, $0x38;
	[tilespmem:$0x1C400] =	vst v63  }
0x5a: {  	s25 =	simm.s32 $0x0  }
.LBB2_2:
0x5b: {  	_ =	swait.ge [sflag:s10], $0x4000  }
0x5c: {  	[sflag:s10] =	ssyncset.done $0x0  }
0x5d: {  	[sflag:s10] =	ssyncadd.s32 $0xFFFFC000  }
0x5e: {  	[spmem:s1] =	stream.indirect.scatter.add.f32 [tilespmem:s31], [sflag:$0x7], $0x80, s28, s30, $0xb8;
	[tilespmem:$0x1C400] =	vst v63  }
0x5f: {  	_ =	swait.ge [sflag:s26], $0x4000  }
0x60: {  	p0 =	seq.s32 s25, $0x4C0;
	[sflag:s26] =	ssyncset.done $0x0  }
0x61: {  	s23 =	sadd.s32 @!p0 s25, s21;
	s24 =	simm.s32 @!p0 $0x0;
	[sflag:s26] =	ssyncadd.s32 $0xFFFFC000  }
0x62: {  	[tilespmem:s24], [sflag:$0x3] =	stream.linear.gather @!p0 [hbm4b:s23+s24], $0x80, $0x38;
	[tilespmem:$0x1C400] =	vst v63  }
0x63: {  	s22 =	simm.s32 @!p0 $0x200;
	s23 =	sadd.s32 @!p0 s25, s20  }
0x64: {  	[tilespmem:s22], [sflag:$0x3] =	stream.linear.gather @!p0 [hbm4b:s23+s24], $0x80, $0x38;
	[tilespmem:$0x1C400] =	vst v63  }
0x65: {  	_ =	swait.ge [sflag:s11], $0x80  }
0x66: {  	[sflag:s11] =	ssyncset.done $0x0  }
0x67: {  	[sflag:s11] =	ssyncadd.s32 $0xFFFFFF80  }
0x68: {  	_ =	swait.ge [sflag:s11], $0x80  }
0x69: {  	[sflag:s11] =	ssyncset.done $0x0  }
0x6a: {  	[sflag:s11] =	ssyncadd.s32 $0xFFFFFF80  }
0x6b: {  	[tilespmem:s31], [sflag:$0x1] =	stream.indirect.gather [hbm4b:s4+s30], $0x80, s6, s30, $0xb8;
	[tilespmem:$0x1C400] =	vst v63  }
0x6c: {  	_ =	swait.ge [sflag:s12], $0x4000  }
0x6d: {  	[sflag:s12] =	ssyncset.done $0x0  }
0x6e: {  	[sflag:s12] =	ssyncadd.s32 $0xFFFFC000  }
0x6f: {  	[spmem:s1] =	stream.indirect.scatter.add.f32 [tilespmem:s5], [sflag:$0x7], $0x80, s0, s30, $0xb8;
	[tilespmem:$0x1C400] =	vst v63  }
0x70: {  	_ =	swait.ge [sflag:s26], $0x4000  }
0x71: {  	[sflag:s26] =	ssyncset.done $0x0  }
0x72: {  	s22 =	sadd.s32 @!p0 s25, s19;
	s23 =	simm.s32 @!p0 $0x80;
	[sflag:s26] =	ssyncadd.s32 $0xFFFFC000  }
0x73: {  	[tilespmem:s23], [sflag:$0x4] =	stream.linear.gather @!p0 [hbm4b:s22+s24], $0x80, $0x38;
	[tilespmem:$0x1C400] =	vst v63  }
0x74: {  	s22 =	sadd.s32 @!p0 s25, s18;
	s23 =	simm.s32 @!p0 $0x280  }
0x75: {  	[tilespmem:s23], [sflag:$0x4] =	stream.linear.gather @!p0 [hbm4b:s22+s24], $0x80, $0x38;
	[tilespmem:$0x1C400] =	vst v63  }
0x76: {  	_ =	swait.ge [sflag:s13], $0x80  }
0x77: {  	[sflag:s13] =	ssyncset.done $0x0  }
0x78: {  	[sflag:s13] =	ssyncadd.s32 $0xFFFFFF80  }
0x79: {  	_ =	swait.ge [sflag:s13], $0x80  }
0x7a: {  	[sflag:s13] =	ssyncset.done $0x0  }
0x7b: {  	[sflag:s13] =	ssyncadd.s32 $0xFFFFFF80  }
0x7c: {  	[tilespmem:s5], [sflag:$0x2] =	stream.indirect.gather [hbm4b:s4+s30], $0x80, s8, s30, $0xb8;
	[tilespmem:$0x1C400] =	vst v63  }
0x7d: {  	_ =	swait.ge [sflag:s10], $0x4000  }
0x7e: {  	[sflag:s10] =	ssyncset.done $0x0  }
.Ltmp2:
0x7f: {  	[sflag:s10] =	ssyncadd.s32 $0xFFFFC000;
	(pc) =	sbr.rel @p0 .LBB2_4-.Ltmp2, $4  }
0x80: {  	[spmem:s1] =	stream.indirect.scatter.add.f32 [tilespmem:s31], [sflag:$0x7], $0x80, s7, s30, $0xb8;
	[tilespmem:$0x1C400] =	vst v63  }
0x81: {  	_ =	swait.ge [sflag:s26], $0x4000  }
0x82: {  	[sflag:s26] =	ssyncset.done $0x0  }
0x83: {  	[sflag:s26] =	ssyncadd.s32 $0xFFFFC000  }
0x84: {  	s22 =	sadd.s32 s25, s17  }
0x85: {  	[tilespmem:s6], [sflag:$0x5] =	stream.linear.gather [hbm4b:s22+s3], $0x80, $0x38;
	[tilespmem:$0x1C400] =	vst v63  }
0x86: {  	s24 =	sadd.s32 s25, s16  }
0x87: {  	[tilespmem:s7], [sflag:$0x5] =	stream.linear.gather [hbm4b:s24+s3], $0x80, $0x38;
	[tilespmem:$0x1C400] =	vst v63  }
0x88: {  	_ =	swait.ge [sflag:s29], $0x80  }
0x89: {  	[sflag:s29] =	ssyncset.done $0x0  }
0x8a: {  	[sflag:s29] =	ssyncadd.s32 $0xFFFFFF80  }
0x8b: {  	_ =	swait.ge [sflag:s29], $0x80  }
0x8c: {  	[sflag:s29] =	ssyncset.done $0x0  }
0x8d: {  	[sflag:s29] =	ssyncadd.s32 $0xFFFFFF80  }
0x8e: {  	[tilespmem:s31], [sflag:$0x1] =	stream.indirect.gather [hbm4b:s4+s30], $0x80, s3, s30, $0xb8;
	[tilespmem:$0x1C400] =	vst v63  }
0x8f: {  	_ =	swait.ge [sflag:s12], $0x4000  }
0x90: {  	[sflag:s12] =	ssyncset.done $0x0  }
0x91: {  	[sflag:s12] =	ssyncadd.s32 $0xFFFFC000  }
0x92: {  	[spmem:s1] =	stream.indirect.scatter.add.f32 [tilespmem:s5], [sflag:$0x7], $0x80, s9, s30, $0xb8;
	[tilespmem:$0x1C400] =	vst v63  }
0x93: {  	_ =	swait.ge [sflag:s26], $0x4000  }
0x94: {  	[sflag:s26] =	ssyncset.done $0x0  }
0x95: {  	s23 =	sadd.s32 s25, s15;
	[sflag:s26] =	ssyncadd.s32 $0xFFFFC000  }
0x96: {  	[tilespmem:s8], [sflag:$0x6] =	stream.linear.gather [hbm4b:s23+s3], $0x80, $0x38;
	[tilespmem:$0x1C400] =	vst v63  }
0x97: {  	s24 =	sadd.s32 s25, s14  }
0x98: {  	[tilespmem:s9], [sflag:$0x6] =	stream.linear.gather [hbm4b:s24+s3], $0x80, $0x38;
	[tilespmem:$0x1C400] =	vst v63  }
0x99: {  	_ =	swait.ge [sflag:s2], $0x80  }
0x9a: {  	[sflag:s2] =	ssyncset.done $0x0  }
.Ltmp3:
0x9b: {  	[sflag:s2] =	ssyncadd.s32 $0xFFFFFF80;
	(pc) =	sbr.rel .LBB2_2-.Ltmp3, $4  }
0x9c: {  	_ =	swait.ge [sflag:s2], $0x80  }
0x9d: {  	[sflag:s2] =	ssyncset.done $0x0  }
0x9e: {  	s25 =	sadd.s32 $0x40, s25;
	[sflag:s2] =	ssyncadd.s32 $0xFFFFFF80  }
0x9f: {  	[tilespmem:s5], [sflag:$0x2] =	stream.indirect.gather [hbm4b:s4+s30], $0x80, s30, s30, $0xb8;
	[tilespmem:$0x1C400] =	vst v63  }
.LBB2_5:
0xa0: {  	_ =	sfence.sel $0x180000  }
0xa1: {  	[bflag:$0x0] =	sbarrier.arrive $0xFFFF  }
0xa2: {  	_ =	strace $0x9000004D  }
0xa3: {  	s0 =	stileid.u32;
	[bflag:$0x2] =	sbarrier.arrive $0xFFFF  }
0xa4: {  	p0 =	sne.s32 s0, $0x0;
	s0 =	rddreg [dreg:$0x2]  }
0xa5: {  	s0 =	sadd.s32 @!p0 $0x100000, s0  }
0xa6: {  	[sflag:s0] =	ssyncadd.tile.s32 @!p0 $0x1;
	_ =	shalt  }
.Lfunc_end2:
_tile_overlayer_lowered:
.L_overlay_start_2:
0xa7: {  	(tag) =	ssettag $0x2  }
0xa8: {  	s0 =	rddreg [dreg:$0x0];
	s2 =	stileid.u32  }
0xa9: {  	s1 =	rddreg [dreg:$0x1];
	p0 =	sne.s32 s2, $0x0  }
0xaa: {  	s3 =	rddreg [dreg:$0x2];
	[bflag:$0x3] =	sbarrier.arrive $0xFFFF;
	s2 =	simm.s32 @!p0 $0x1C07  }
0xab: {  	[timem:s3], [sflag:s2] =	dma.local @!p0 [hbm:s0], s1  }
0xac: {  	s0 =	simm.s32 @!p0 $0x7  }
0xad: {  	_ =	swait.ge @!p0 [sflag:s0], s1  }
0xae: {  	s1 =	ssub.s32 @!p0 $0x0, s1;
	[sflag:s0] =	ssyncset.done @!p0 $0x0  }
0xaf: {  	[sflag:s0] =	ssyncadd.s32 @!p0 s1  }
0xb0: {  	[bflag:$0x3] =	sbarrier.arrive $0xFFFF  }
0xb1: {  	_ =	shalt  }

// kernel: kernel.7.cloned.1.call-start
scs
__scs_entry_jumppad:
0x0: {  	(pc) =	sbr.rel $0x88, $3  }
0x1: {  	(tag) =	ssettag $0x0;
	lr =	simm.s32 $0x1  }
0x2: {  	[smem:$0x3F99] =	sst lr;
	_ =	strace $0xD0000000  }
0x3: {  	_ = 	snop  }
0x4: {  	_ = 	snop  }
0x5: {  	_ = 	snop  }
0x6: {  	_ = 	snop  }
0x7: {  	_ = 	snop  }
__scs_overlays_trampoline_lowered:
0x8: {  	[smem:$0x3FA8] =	sst s0  }
0x9: {  	[smem:$0x3FA9] =	sst s1  }
0xa: {  	[smem:$0x3FAA] =	sst s2  }
0xb: {  	[smem:$0x3FAB] =	sst s3  }
0xc: {  	[smem:$0x3FAC] =	sst s4  }
0xd: {  	[smem:$0x3FAD] =	sst s5  }
0xe: {  	[smem:$0x3FAE] =	sst s6  }
0xf: {  	[smem:$0x3FAF] =	sst s7  }
0x10: {  	[smem:$0x3FB0] =	sst s8  }
0x11: {  	[smem:$0x3FB1] =	sst s9;
	s0 =	simm.s32 @!p0 $0x0  }
0x12: {  	s1 =	sld [smem:$0x3F97];
	s0 =	simm.s32 @p0 $0x1  }
0x13: {  	[smem:$0x3FB2] =	sst s0;
	s0 =	simm.s32 @!p1 $0x0  }
0x14: {  	s2 =	sld [smem:$0x3F96];
	s0 =	simm.s32 @p1 $0x1  }
0x15: {  	[smem:$0x3FB3] =	sst s0;
	s0 =	simm.s32 @!p2 $0x0  }
0x16: {  	s3 =	sld [smem:$0x3FDB];
	s0 =	simm.s32 @p2 $0x1  }
0x17: {  	s4 =	simm.s32 $0x1BF5;
	[smem:$0x3FB5] =	sst s0  }
0x18: {  	s0 =	sld [smem:$0x3F98];
	_ =	swait.ge [sflag:s4], $0x0  }
0x19: {  	s7 =	sld [smem:$0x3F99]  }
0x1a: {  	s8 =	sadd.s32 $0xFFFFE003, lr  }
0x1b: {  	s9 =	sadd.s32 $0xFFFFFEF7, lr;
	s5 =	simm.s32 $0xFFFFFFFF;
	p2 =	slt.u32 s8, $0xFFFFF086  }
0x1c: {  	p1 =	slt.u32 s9, $0xF7A;
	s5 =	simm.s32 @!p2 $0x0  }
0x1d: {  	s5 =	simm.s32 @p1 $0x1;
	p0 =	seq.s32 s7, s2  }
0x1e: {  	s7 =	smul.u32 @!p0 $0xF7A, s2;
	p2 =	seq.s32 @!p0 s5, $0x0  }
0x1f: {  	s9 =	smul.u32 $0xF7A, s1;
	s8 =	simm.s32 @!p0 $0x1BF5;
	p2 =	por !p2, p0  }
0x20: {  	[sflag:s8] =	ssyncset.s32 @!p0 $0xFFFFF086;
	s6 =	sadd.s32 @!p0 s3, s7;
	s7 =	simm.s32 @!p0 $0x108  }
0x21: {  	s3 =	sadd.s32 s3, s9;
	s6 =	sadd.s32 @!p0 $0x88, s6;
	s7 =	simm.s32 @p2 $0x1082  }
0x22: {  	[simem:s7], [sflag:s8] =	dma.local @!p0 [hbm:s6], $0xF7A  }
0x23: {  	s9 =	sor.u32 $0xD0000000, s2;
	s6 =	simm.s32 $0x108;
	_ =	swait.ge @!p0 [sflag:s8], $0x0  }
0x24: {  	s3 =	sadd.s32 $0x88, s3;
	s6 =	simm.s32 @!p1 $0x1082;
	[sflag:s4] =	ssyncset.s32 $0xFFFFF086  }
0x25: {  	[simem:s6], [sflag:s4] =	dma.local [hbm:s3], $0xF7A  }
0x26: {  	[smem:$0x3F99] =	sst s1;
	(tag) =	ssettag s2;
	_ =	strace s9  }
0x27: {  	s1 =	sld [smem:$0x3FA9]  }
0x28: {  	s2 =	sld [smem:$0x3FAA]  }
0x29: {  	s4 =	sld [smem:$0x3FAC]  }
0x2a: {  	p0 =	seq.s32 s5, $0x0;
	s5 =	sld [smem:$0x3FAD]  }
0x2b: {  	s6 =	sld [smem:$0x3FAE]  }
0x2c: {  	s7 =	sld [smem:$0x3FAF]  }
0x2d: {  	s3 =	simm.s32 $0x108;
	s8 =	sld [smem:$0x3FB0]  }
0x2e: {  	s3 =	simm.s32 @!p0 $0x1082;
	s9 =	sld [smem:$0x3FB1]  }
0x2f: {  	lr =	sadd.s32 s0, s3;
	s0 =	sld [smem:$0x3FA8]  }
0x30: {  	s3 =	sld [smem:$0x3FAB]  }
0x31: {  	[smem:$0x3FB4] =	sst s10  }
0x32: {  	s10 =	sld [smem:$0x3FB2];
	_ =	sdelay $0x3  }
0x33: {  	p0 =	seq.s32 s10, $0x1;
	s10 =	sld [smem:$0x3FB4];
	_ =	sdelay $0x3  }
0x34: {  	[smem:$0x3FB4] =	sst s10  }
0x35: {  	s10 =	sld [smem:$0x3FB3];
	_ =	sdelay $0x3  }
0x36: {  	p1 =	seq.s32 s10, $0x1;
	s10 =	sld [smem:$0x3FB4];
	_ =	sdelay $0x3  }
0x37: {  	[smem:$0x3FB4] =	sst s10  }
0x38: {  	s10 =	sld [smem:$0x3FB5]  }
0x39: {  	_ = 	snop;
	(pc) =	sbr.ind lr, $3  }
0x3a: {  	_ = 	snop  }
0x3b: {  	_ = 	snop  }
0x3c: {  	p2 =	seq.s32 s10, $0x1;
	s10 =	sld [smem:$0x3FB4]  }
0x3d: {  	_ =	shalt  }
0x3e: {  	_ =	shalt  }
0x3f: {  	_ =	shalt  }
0x40: {  	_ =	shalt  }
0x41: {  	_ =	shalt  }
0x42: {  	_ =	shalt  }
0x43: {  	_ =	shalt  }
0x44: {  	_ =	shalt  }
0x45: {  	_ =	shalt  }
0x46: {  	_ =	shalt  }
0x47: {  	_ =	shalt  }
0x48: {  	_ =	shalt  }
0x49: {  	_ =	shalt  }
0x4a: {  	_ =	shalt  }
0x4b: {  	_ =	shalt  }
0x4c: {  	_ =	shalt  }
0x4d: {  	_ =	shalt  }
0x4e: {  	_ =	shalt  }
0x4f: {  	_ =	shalt  }
0x50: {  	_ =	shalt  }
0x51: {  	_ =	shalt  }
0x52: {  	_ =	shalt  }
0x53: {  	_ =	shalt  }
0x54: {  	_ =	shalt  }
0x55: {  	_ =	shalt  }
0x56: {  	_ =	shalt  }
0x57: {  	_ =	shalt  }
0x58: {  	_ =	shalt  }
0x59: {  	_ =	shalt  }
0x5a: {  	_ =	shalt  }
0x5b: {  	_ =	shalt  }
0x5c: {  	_ =	shalt  }
0x5d: {  	_ =	shalt  }
0x5e: {  	_ =	shalt  }
0x5f: {  	_ =	shalt  }
0x60: {  	_ =	shalt  }
0x61: {  	_ =	shalt  }
0x62: {  	_ =	shalt  }
0x63: {  	_ =	shalt  }
0x64: {  	_ =	shalt  }
0x65: {  	_ =	shalt  }
0x66: {  	_ =	shalt  }
0x67: {  	_ =	shalt  }
0x68: {  	_ =	shalt  }
0x69: {  	_ =	shalt  }
0x6a: {  	_ =	shalt  }
0x6b: {  	_ =	shalt  }
0x6c: {  	_ =	shalt  }
0x6d: {  	_ =	shalt  }
0x6e: {  	_ =	shalt  }
0x6f: {  	_ =	shalt  }
0x70: {  	_ =	shalt  }
0x71: {  	_ =	shalt  }
0x72: {  	_ =	shalt  }
0x73: {  	_ =	shalt  }
0x74: {  	_ =	shalt  }
0x75: {  	_ =	shalt  }
0x76: {  	_ =	shalt  }
0x77: {  	_ =	shalt  }
0x78: {  	_ =	shalt  }
0x79: {  	_ =	shalt  }
0x7a: {  	_ =	shalt  }
0x7b: {  	_ =	shalt  }
0x7c: {  	_ =	shalt  }
0x7d: {  	_ =	shalt  }
0x7e: {  	_ =	shalt  }
0x7f: {  	_ =	shalt  }
0x80: {  	_ =	shalt  }
0x81: {  	_ =	shalt  }
0x82: {  	_ =	shalt  }
0x83: {  	_ =	shalt  }
0x84: {  	_ =	shalt  }
0x85: {  	_ =	shalt  }
0x86: {  	_ =	shalt  }
0x87: {  	_ =	shalt  }
.Lfunc_end0:
.L_simem_size_0:
called_computation_lowered:
.L_overlay_start_0:
0x88: {  	s2 =	sld [smem:$0x3FD9]  }
0x89: {  	s3 =	sld [smem:$0x3FFE];
	_ =	sdelay $0x1  }
0x8a: {  	s1 =	srdreg.scid  }
0x8b: {  	s0 =	sand.u32 $0x1, s1  }
0x8c: {  	s17 =	sshll.u32 s0, $0xA;
	s2 =	sadd.s32 s3, s2  }
0x8d: {  	s2 =	sadd.s32 s2, s17  }
0x8e: {  	[smem:$0x3FC0] =	sst s2  }
0x8f: {  	_ = 	snop  }
0x90: {  	s2 =	sld [smem:$0x3FC6];
	(tm) =	ssettm $0x1  }
0x91: {  	s18 =	sld [smem:$0x3FFB];
	_ =	sdelay $0x3  }
0x92: {  	_ =	strace s18  }
0x93: {  	s3 =	sld [smem:$0x3FFC];
	_ =	sdelay $0x3  }
0x94: {  	_ =	strace s3  }
0x95: {  	s3 =	sld [smem:$0x3FFD];
	_ =	sdelay $0x3  }
0x96: {  	_ =	strace s3  }
0x97: {  	_ =	strace $0x8FFFFFFF  }
0x98: {  	s19 =	sld [smem:$0x3FDB];
	_ =	sdelay $0x1  }
0x99: {  	s4 =	simm.s32 $_scs_section_size  }
0x9a: {  	s5 =	simm.s32 $_size__tile_overlayer_lowered;
	s6 =	simm.s32 $_tile_overlayer_lowered  }
0x9b: {  	s22 =	simm.s32 $0x1BFF;
	s21 =	sshll.u32 s6, $0x1;
	s3 =	sadd.s32 s4, s19  }
0x9c: {  	s7 =	simm.s32 $0x0;
	s20 =	sshll.u32 s5, $0x1;
	s5 =	sadd.s32 s21, s3  }
0x9d: {  	[timem:s7], [sflag:s22] =	dma.local [hbm:s5], s20  }
0x9e: {  	_ =	swait.ge [sflag:s22], s20  }
0x9f: {  	s4 =	ssub.s32 $0x0, s20;
	[sflag:s22] =	ssyncset.done $0x0  }
0xa0: {  	[sflag:s22] =	ssyncadd.s32 s4;
	_ =	sdelay $0x1  }
0xa1: {  	s23 =	simm.s32 $0x1B8B  }
0xa2: {  	_ =	swait.ge [sflag:s23], $0x1  }
0xa3: {  	[sflag:s23] =	ssyncset.done $0x0  }
0xa4: {  	s25 =	simm.s32 $0x1B8E;
	s24 =	sld [smem:$0x3FFE];
	[sflag:s23] =	ssyncadd.s32 $0xFFFFFFFF  }
0xa5: {  	s26 =	simm.s32 $execute0_lowered;
	[smem:$0x3FD2] =	sst s25  }
0xa6: {  	s5 =	sshll.u32 s26, $0x1;
	_ =	strace $0x80000046;
	[dreg:$0x1] =	wrdreg $0xFFFFFFFF  }
0xa7: {  	s28 =	simm.s32 $_size_execute0_lowered;
	s3 =	sadd.s32 s3, s5;
	[dreg:$0x0] =	wrdreg $0x0  }
0xa8: {  	s5 =	sshll.u32 s28, $0x1;
	[dreg:$0x2] =	wrdreg s3  }
0xa9: {  	[dreg:$0x3] =	wrdreg s5  }
0xaa: {  	[dreg:$0x4] =	wrdreg $0xC0  }
0xab: {  	_ =	task [dreg:s7], $0x5FFFF  }
0xac: {  	[dreg:$0x1] =	wrdreg $0xFFFFFFFF  }
0xad: {  	[dreg:$0x0] =	wrdreg $0x60  }
0xae: {  	[dreg:$0x2] =	wrdreg s2  }
0xaf: {  	[dreg:$0x3] =	wrdreg s24  }
0xb0: {  	[dreg:$0x4] =	wrdreg $0x84000  }
0xb1: {  	[dreg:$0x5] =	wrdreg $0x9  }
0xb2: {  	_ =	task.clear_ibuf [dreg:s7], $0x6FFFF;
	_ =	strace $0x90000046  }
0xb3: {  	s29 =	simm.s32 $0x9;
	_ =	strace $0x80000048  }
0xb4: {  	_ =	swait.ge [sflag:s29], $0x1  }
0xb5: {  	[sflag:s29] =	ssyncadd.s32 $0xFFFFFFFF  }
0xb6: {  	_ =	strace $0x90000048  }
0xb7: {  	_ =	sfence  }
0xb8: {  	s30 =	sld [smem:$0x0];
	_ =	sdelay $0x2  }
0xb9: {  	s31 =	sshll.u32 s1, $0xD;
	s1 =	sshrl.u32 s1, $0x2  }
0xba: {  	s3 =	sand.u32 $0x4000, s31;
	s1 =	sadd.s32 s1, s30  }
0xbb: {  	s0 =	sor.u32 s3, s0;
	s1 =	sshll.u32 s1, $0x11  }
0xbc: {  	s0 =	sor.u32 s1, s0  }
0xbd: {  	s0 =	sadd.s32 $0x8F2B, s0  }
0xbe: {  	[sflag:s0] =	ssyncadd.remote.s32 $0x1  }
0xbf: {  	_ =	sfence.sel $0xFFFF  }
0xc0: {  	[dreg:$0x0] =	wrdreg $0xFFFFFFFF;
	(pc) =	sbr.abs _section_cstart, $3  }
0xc1: {  	[dreg:$0x1] =	wrdreg $0xFFFFFFFF  }
0xc2: {  	_ =	task.clear_ibuf [dreg:s7], $0x2FFFF;
	_ =	strace $0x9FFFFFFF  }
0xc3: {  	(tm) =	ssettm $0x7FFFFFFF  }
tec
execute0_lowered:
.L_overlay_start_1:
0x0: {  	(tag) =	ssettag $0x1  }
0x1: {  	s1 =	rddreg [dreg:$0x0]  }
0x2: {  	s0 =	rddreg [dreg:$0x1]  }
0x3: {  	s2 =	rddreg [dreg:$0x2];
	s4 =	srdreg.scid  }
0x4: {  	s16 =	stileid.u32;
	s3 =	simm.s32 $0x0;
	s28 =	simm.s32 $0x7  }
0x5: {  	s29 =	simm.s32 $0x200;
	s30 =	simm.s32 $0x3;
	s31 =	simm.s32 $0x80  }
0x6: {  	s4 =	sand.u32 $0x1, s4;
	s5 =	smul.u32 $0x1400, s16;
	[smem:$0x7FF] =	sst s3  }
0x7: {  	s7 =	sadd.s32 $0x2600, s0;
	s8 =	sadd.s32 $0x7600, s0;
	s6 =	smul.u32 $0x14000, s4  }
0x8: {  	s10 =	sadd.s32 $0xEE00, s0;
	s9 =	ssub.s32 $0x2, s4;
	s20 =	smul.u32 $0x13880, s4  }
0x9: {  	s0 =	sadd.s32 $0xC600, s0;
	s4 =	smul.u32 $0x9C400, s4;
	s11 =	sshrl.u32 s9, $0x1  }
0xa: {  	p0 =	seq.s32 s16, $0xF;
	s6 =	sadd.s32 s5, s6;
	s9 =	ssub.s32 s9, s11  }
0xb: {  	s11 =	smul.u32 $0x28000, s16;
	s5 =	sadd.s32 s5, s20;
	s4 =	sshrl.u32 s4, $0x3  }
0xc: {  	s12 =	sshrl.u32 s6, $0x3;
	s22 =	sor.u32 $0x380, s6;
	s5 =	sadd.s32 s10, s5  }
0xd: {  	s4 =	sadd.s32 s10, s4;
	s24 =	sor.u32 $0x300, s6;
	s26 =	sor.u32 $0x280, s6  }
0xe: {  	s6 =	sor.u32 $0x200, s6;
	s13 =	sadd.s32 s7, s12;
	s15 =	sadd.s32 s8, s12  }
0xf: {  	s17 =	sor.u32 $0x10, s12;
	s18 =	sor.u32 $0x20, s12;
	s12 =	sor.u32 $0x30, s12  }
0x10: {  	[dreg:$0xc] =	wrdreg s5;
	s23 =	sshrl.u32 s22, $0x3;
	s25 =	sshrl.u32 s24, $0x3  }
0x11: {  	s10 =	sshrl.u32 s26, $0x3;
	s6 =	sshrl.u32 s6, $0x3;
	s22 =	sshll.u32 s16, $0x6  }
0x12: {  	s26 =	smax.u32 s9, $0x1;
	s16 =	simm.s32 $0x400;
	[dreg:$0x4] =	wrdreg s13  }
0x13: {  	s5 =	simm.s32 $0x4400;
	s9 =	simm.s32 $0x380;
	[dreg:$0x5] =	wrdreg s15  }
0x14: {  	s14 =	sadd.s32 s7, s17;
	s13 =	sadd.s32 s8, s17;
	s19 =	sadd.s32 s7, s18  }
0x15: {  	s21 =	sadd.s32 s7, s12;
	s12 =	sadd.s32 s8, s12;
	[dreg:$0x6] =	wrdreg s14  }
0x16: {  	s15 =	sadd.s32 s25, s8;
	s17 =	sadd.s32 s25, s7;
	[dreg:$0x7] =	wrdreg s13  }
0x17: {  	s20 =	sadd.s32 s6, s8;
	s24 =	sor.u32 $0x1C07, s22;
	[dreg:$0x8] =	wrdreg s19  }
0x18: {  	s22 =	simm.s32 $0x6;
	s13 =	sadd.s32 s8, s18;
	[dreg:$0xa] =	wrdreg s21  }
0x19: {  	[dreg:$0xb] =	wrdreg s12;
	s14 =	sadd.s32 s23, s7;
	s18 =	sadd.s32 s10, s8  }
0x1a: {  	s19 =	sadd.s32 s10, s7;
	s21 =	sadd.s32 s6, s7;
	s12 =	sshrl.u32 s11, $0x2  }
0x1b: {  	s6 =	simm.s32 $0x100;
	[dreg:$0x9] =	wrdreg s13;
	s13 =	sadd.s32 s23, s8  }
0x1c: {  	s23 =	sadd.s32 $0x12C00, s4;
	_ =	strace $0x80000047;
	[dreg:$0xd] =	wrdreg s0  }
.Ltmp0:
0x1d: {  	s7 =	simm.s32 $0x300;
	[dreg:$0x10] =	wrdreg s23;
	(pc) =	sbr.rel .LBB2_1-.Ltmp0, $4  }
0x1e: {  	s10 =	simm.s32 $0x1;
	s25 =	sadd.s32 s12, s2;
	[dreg:$0x11] =	wrdreg s26  }
0x1f: {  	s11 =	simm.s32 $0x5;
	s4 =	simm.s32 $0x4;
	[dreg:$0xe] =	wrdreg s25  }
0x20: {  	s8 =	simm.s32 $0x180;
	s23 =	simm.s32 $0x0;
	[dreg:$0xf] =	wrdreg s24  }
0x21: {  	s12 =	simm.s32 $0x2;
	s0 =	simm.s32 $0x280;
	[dreg:$0x12] =	wrdreg s23  }
.LBB2_4:
0x22: {  	_ =	swait.ge [sflag:s12], $0x4000  }
0x23: {  	[sflag:s12] =	ssyncset.done $0x0  }
0x24: {  	[sflag:s12] =	ssyncadd.s32 $0xFFFFC000  }
0x25: {  	[spmem:s2] =	stream.indirect.scatter.add.f32 [tilespmem:s5], [sflag:$0x7], $0x80, s9, s31, $0xb8;
	[tilespmem:$0x12400] =	vst v63  }
0x26: {  	_ =	swait.ge [sflag:s28], $0x4000  }
0x27: {  	[sflag:s28] =	ssyncset.done $0x0  }
0x28: {  	[sflag:s28] =	ssyncadd.s32 $0xFFFFC000  }
0x29: {  	[bflag:$0x0] =	sbarrier.arrive $0xFFFF  }
0x2a: {  	s25 =	rddreg [dreg:$0xe]  }
0x2b: {  	s26 =	rddreg [dreg:$0xf]  }
0x2c: {  	s24 =	rddreg [dreg:$0x10];
	s23 =	sshrl.u32 @p0 s25, $0x3  }
0x2d: {  	[hbm:s24], [sflag:s26] =	dma.local @p0 [spmem:s23], $0xC80  }
0x2e: {  	s23 =	simm.s32 @p0 $0x7  }
0x2f: {  	_ =	swait.ge @p0 [sflag:s23], $0xC80  }
0x30: {  	[sflag:s23] =	ssyncset.done @p0 $0x0  }
0x31: {  	s24 =	rddreg [dreg:$0xc];
	[sflag:s23] =	ssyncadd.s32 @p0 $0xFFFFF380;
	s23 =	sshrl.u32 @!p0 s25, $0x3  }
0x32: {  	[hbm:s24], [sflag:s26] =	dma.local @!p0 [spmem:s23], $0x1400  }
0x33: {  	s23 =	smov.u32 s26;
	s26 =	simm.s32 @!p0 $0x7  }
0x34: {  	_ =	swait.ge @!p0 [sflag:s26], $0x1400  }
0x35: {  	s24 =	rddreg [dreg:$0x12]  }
0x36: {  	[sflag:s26] =	ssyncset.done @!p0 $0x0;
	s26 =	rddreg [dreg:$0x11];
	s24 =	sadd.s32 $0x1, s24  }
0x37: {  	p1 =	sne.s32 s24, s26  }
.Ltmp1:
0x38: {  	_ = 	snop;
	(pc) =	sbr.rel @!p1 .LBB2_5-.Ltmp1, $3  }
0x39: {  	_ =	sdelay $0x1  }
0x3a: {  	[dreg:$0x12] =	wrdreg s24;
	s24 =	smov.u32 s23;
	s23 =	simm.s32 @!p0 $0x7  }
0x3b: {  	[sflag:s23] =	ssyncadd.s32 @!p0 $0xFFFFEC00  }
.LBB2_1:
0x3c: {  	s26 =	sshrl.u32 s25, $0x3;
	s23 =	rddreg [dreg:$0xd]  }
0x3d: {  	[spmem:s26], [sflag:s24] =	dma.local [hbm:s23], $0x1400  }
0x3e: {  	_ =	swait.ge [sflag:s28], $0x1400  }
0x3f: {  	[sflag:s28] =	ssyncset.done $0x0  }
0x40: {  	[sflag:s28] =	ssyncadd.s32 $0xFFFFEC00  }
0x41: {  	[bflag:$0x0] =	sbarrier.arrive $0xFFFF  }
0x42: {  	s25 =	rddreg [dreg:$0x4]  }
0x43: {  	[tilespmem:s3], [sflag:$0x3] =	stream.linear.gather [hbm4b:s25+s3], $0x80, $0x38;
	[tilespmem:$0x12400] =	vst v63  }
0x44: {  	s26 =	rddreg [dreg:$0x5]  }
0x45: {  	[tilespmem:s29], [sflag:$0x3] =	stream.linear.gather [hbm4b:s26+s3], $0x80, $0x38;
	[tilespmem:$0x12400] =	vst v63  }
0x46: {  	_ =	swait.ge [sflag:s30], $0x80  }
0x47: {  	[sflag:s30] =	ssyncset.done $0x0  }
0x48: {  	[sflag:s30] =	ssyncadd.s32 $0xFFFFFF80  }
0x49: {  	_ =	swait.ge [sflag:s30], $0x80  }
0x4a: {  	[sflag:s30] =	ssyncset.done $0x0  }
0x4b: {  	[sflag:s30] =	ssyncadd.s32 $0xFFFFFF80  }
0x4c: {  	[tilespmem:s16], [sflag:$0x1] =	stream.indirect.gather [hbm4b:s1+s31], $0x80, s3, s31, $0xb8;
	[tilespmem:$0x12400] =	vst v63  }
0x4d: {  	s24 =	rddreg [dreg:$0x6]  }
0x4e: {  	[tilespmem:s31], [sflag:$0x4] =	stream.linear.gather [hbm4b:s24+s3], $0x80, $0x38;
	[tilespmem:$0x12400] =	vst v63  }
0x4f: {  	s25 =	rddreg [dreg:$0x7]  }
0x50: {  	[tilespmem:s0], [sflag:$0x4] =	stream.linear.gather [hbm4b:s25+s3], $0x80, $0x38;
	[tilespmem:$0x12400] =	vst v63  }
0x51: {  	_ =	swait.ge [sflag:s4], $0x80  }
0x52: {  	[sflag:s4] =	ssyncset.done $0x0  }
0x53: {  	[sflag:s4] =	ssyncadd.s32 $0xFFFFFF80  }
0x54: {  	_ =	swait.ge [sflag:s4], $0x80  }
0x55: {  	[sflag:s4] =	ssyncset.done $0x0  }
0x56: {  	[sflag:s4] =	ssyncadd.s32 $0xFFFFFF80  }
0x57: {  	[tilespmem:s5], [sflag:$0x2] =	stream.indirect.gather [hbm4b:s1+s31], $0x80, s31, s31, $0xb8;
	[tilespmem:$0x12400] =	vst v63  }
0x58: {  	s26 =	rddreg [dreg:$0x8]  }
0x59: {  	[tilespmem:s6], [sflag:$0x5] =	stream.linear.gather [hbm4b:s26+s3], $0x80, $0x38;
	[tilespmem:$0x12400] =	vst v63  }
0x5a: {  	s24 =	rddreg [dreg:$0x9]  }
0x5b: {  	[tilespmem:s7], [sflag:$0x5] =	stream.linear.gather [hbm4b:s24+s3], $0x80, $0x38;
	[tilespmem:$0x12400] =	vst v63  }
0x5c: {  	s25 =	rddreg [dreg:$0xa]  }
0x5d: {  	[tilespmem:s8], [sflag:$0x6] =	stream.linear.gather [hbm4b:s25+s3], $0x80, $0x38;
	[tilespmem:$0x12400] =	vst v63  }
0x5e: {  	s26 =	rddreg [dreg:$0xb]  }
0x5f: {  	[tilespmem:s9], [sflag:$0x6] =	stream.linear.gather [hbm4b:s26+s3], $0x80, $0x38;
	[tilespmem:$0x12400] =	vst v63  }
0x60: {  	s26 =	simm.s32 $0x0  }
.LBB2_2:
0x61: {  	_ =	swait.ge [sflag:s10], $0x4000  }
0x62: {  	[sflag:s10] =	ssyncset.done $0x0  }
0x63: {  	[sflag:s10] =	ssyncadd.s32 $0xFFFFC000  }
0x64: {  	[spmem:s2] =	stream.indirect.scatter.add.f32 [tilespmem:s16], [sflag:$0x7], $0x80, s29, s31, $0xb8;
	[tilespmem:$0x12400] =	vst v63  }
0x65: {  	_ =	swait.ge [sflag:s28], $0x4000  }
0x66: {  	p1 =	seq.s32 s26, $0x240;
	[sflag:s28] =	ssyncset.done $0x0  }
0x67: {  	s23 =	sadd.s32 @!p1 s26, s21;
	s24 =	simm.s32 @!p1 $0x0;
	[sflag:s28] =	ssyncadd.s32 $0xFFFFC000  }
0x68: {  	[tilespmem:s24], [sflag:$0x3] =	stream.linear.gather @!p1 [hbm4b:s23+s24], $0x80, $0x38;
	[tilespmem:$0x12400] =	vst v63  }
0x69: {  	s25 =	simm.s32 @!p1 $0x200;
	s23 =	sadd.s32 @!p1 s26, s20  }
0x6a: {  	[tilespmem:s25], [sflag:$0x3] =	stream.linear.gather @!p1 [hbm4b:s23+s24], $0x80, $0x38;
	[tilespmem:$0x12400] =	vst v63  }
0x6b: {  	_ =	swait.ge [sflag:s11], $0x80  }
0x6c: {  	[sflag:s11] =	ssyncset.done $0x0  }
0x6d: {  	[sflag:s11] =	ssyncadd.s32 $0xFFFFFF80  }
0x6e: {  	_ =	swait.ge [sflag:s11], $0x80  }
0x6f: {  	[sflag:s11] =	ssyncset.done $0x0  }
0x70: {  	[sflag:s11] =	ssyncadd.s32 $0xFFFFFF80  }
0x71: {  	[tilespmem:s16], [sflag:$0x1] =	stream.indirect.gather [hbm4b:s1+s31], $0x80, s6, s31, $0xb8;
	[tilespmem:$0x12400] =	vst v63  }
0x72: {  	_ =	swait.ge [sflag:s12], $0x4000  }
0x73: {  	[sflag:s12] =	ssyncset.done $0x0  }
0x74: {  	[sflag:s12] =	ssyncadd.s32 $0xFFFFC000  }
0x75: {  	[spmem:s2] =	stream.indirect.scatter.add.f32 [tilespmem:s5], [sflag:$0x7], $0x80, s0, s31, $0xb8;
	[tilespmem:$0x12400] =	vst v63  }
0x76: {  	_ =	swait.ge [sflag:s28], $0x4000  }
0x77: {  	[sflag:s28] =	ssyncset.done $0x0  }
0x78: {  	s23 =	sadd.s32 @!p1 s26, s19;
	s25 =	simm.s32 @!p1 $0x80;
	[sflag:s28] =	ssyncadd.s32 $0xFFFFC000  }
0x79: {  	[tilespmem:s25], [sflag:$0x4] =	stream.linear.gather @!p1 [hbm4b:s23+s24], $0x80, $0x38;
	[tilespmem:$0x12400] =	vst v63  }
0x7a: {  	s23 =	sadd.s32 @!p1 s26, s18;
	s25 =	simm.s32 @!p1 $0x280  }
0x7b: {  	[tilespmem:s25], [sflag:$0x4] =	stream.linear.gather @!p1 [hbm4b:s23+s24], $0x80, $0x38;
	[tilespmem:$0x12400] =	vst v63  }
0x7c: {  	_ =	swait.ge [sflag:s22], $0x80  }
0x7d: {  	[sflag:s22] =	ssyncset.done $0x0  }
0x7e: {  	[sflag:s22] =	ssyncadd.s32 $0xFFFFFF80  }
0x7f: {  	_ =	swait.ge [sflag:s22], $0x80  }
0x80: {  	[sflag:s22] =	ssyncset.done $0x0  }
0x81: {  	[sflag:s22] =	ssyncadd.s32 $0xFFFFFF80  }
0x82: {  	[tilespmem:s5], [sflag:$0x2] =	stream.indirect.gather [hbm4b:s1+s31], $0x80, s8, s31, $0xb8;
	[tilespmem:$0x12400] =	vst v63  }
0x83: {  	_ =	swait.ge [sflag:s10], $0x4000  }
0x84: {  	[sflag:s10] =	ssyncset.done $0x0  }
.Ltmp2:
0x85: {  	[sflag:s10] =	ssyncadd.s32 $0xFFFFC000;
	(pc) =	sbr.rel @p1 .LBB2_4-.Ltmp2, $4  }
0x86: {  	[spmem:s2] =	stream.indirect.scatter.add.f32 [tilespmem:s16], [sflag:$0x7], $0x80, s7, s31, $0xb8;
	[tilespmem:$0x12400] =	vst v63  }
0x87: {  	_ =	swait.ge [sflag:s28], $0x4000  }
0x88: {  	[sflag:s28] =	ssyncset.done $0x0  }
0x89: {  	[sflag:s28] =	ssyncadd.s32 $0xFFFFC000  }
0x8a: {  	s23 =	sadd.s32 s26, s17  }
0x8b: {  	[tilespmem:s6], [sflag:$0x5] =	stream.linear.gather [hbm4b:s23+s3], $0x80, $0x38;
	[tilespmem:$0x12400] =	vst v63  }
0x8c: {  	s25 =	sadd.s32 s26, s15  }
0x8d: {  	[tilespmem:s7], [sflag:$0x5] =	stream.linear.gather [hbm4b:s25+s3], $0x80, $0x38;
	[tilespmem:$0x12400] =	vst v63  }
0x8e: {  	_ =	swait.ge [sflag:s30], $0x80  }
0x8f: {  	[sflag:s30] =	ssyncset.done $0x0  }
0x90: {  	[sflag:s30] =	ssyncadd.s32 $0xFFFFFF80  }
0x91: {  	_ =	swait.ge [sflag:s30], $0x80  }
0x92: {  	[sflag:s30] =	ssyncset.done $0x0  }
0x93: {  	[sflag:s30] =	ssyncadd.s32 $0xFFFFFF80  }
0x94: {  	[tilespmem:s16], [sflag:$0x1] =	stream.indirect.gather [hbm4b:s1+s31], $0x80, s3, s31, $0xb8;
	[tilespmem:$0x12400] =	vst v63  }
0x95: {  	_ =	swait.ge [sflag:s12], $0x4000  }
0x96: {  	[sflag:s12] =	ssyncset.done $0x0  }
0x97: {  	[sflag:s12] =	ssyncadd.s32 $0xFFFFC000  }
0x98: {  	[spmem:s2] =	stream.indirect.scatter.add.f32 [tilespmem:s5], [sflag:$0x7], $0x80, s9, s31, $0xb8;
	[tilespmem:$0x12400] =	vst v63  }
0x99: {  	_ =	swait.ge [sflag:s28], $0x4000  }
0x9a: {  	[sflag:s28] =	ssyncset.done $0x0  }
0x9b: {  	s24 =	sadd.s32 s26, s14;
	[sflag:s28] =	ssyncadd.s32 $0xFFFFC000  }
0x9c: {  	[tilespmem:s8], [sflag:$0x6] =	stream.linear.gather [hbm4b:s24+s3], $0x80, $0x38;
	[tilespmem:$0x12400] =	vst v63  }
0x9d: {  	s25 =	sadd.s32 s26, s13  }
0x9e: {  	[tilespmem:s9], [sflag:$0x6] =	stream.linear.gather [hbm4b:s25+s3], $0x80, $0x38;
	[tilespmem:$0x12400] =	vst v63  }
0x9f: {  	_ =	swait.ge [sflag:s4], $0x80  }
0xa0: {  	[sflag:s4] =	ssyncset.done $0x0  }
.Ltmp3:
0xa1: {  	[sflag:s4] =	ssyncadd.s32 $0xFFFFFF80;
	(pc) =	sbr.rel .LBB2_2-.Ltmp3, $4  }
0xa2: {  	_ =	swait.ge [sflag:s4], $0x80  }
0xa3: {  	[sflag:s4] =	ssyncset.done $0x0  }
0xa4: {  	s26 =	sadd.s32 $0x40, s26;
	[sflag:s4] =	ssyncadd.s32 $0xFFFFFF80  }
0xa5: {  	[tilespmem:s5], [sflag:$0x2] =	stream.indirect.gather [hbm4b:s1+s31], $0x80, s31, s31, $0xb8;
	[tilespmem:$0x12400] =	vst v63  }
.LBB2_5:
0xa6: {  	_ =	sfence.sel $0x180000  }
0xa7: {  	[bflag:$0x0] =	sbarrier.arrive $0xFFFF  }
0xa8: {  	_ =	strace $0x90000047  }
0xa9: {  	s0 =	stileid.u32;
	[bflag:$0x2] =	sbarrier.arrive $0xFFFF  }
0xaa: {  	p0 =	sne.s32 s0, $0x0;
	s0 =	rddreg [dreg:$0x3]  }
0xab: {  	s0 =	sadd.s32 @!p0 $0x100000, s0  }
0xac: {  	[sflag:s0] =	ssyncadd.tile.s32 @!p0 $0x1;
	_ =	shalt  }
.Lfunc_end2:
_tile_overlayer_lowered:
.L_overlay_start_2:
0xad: {  	(tag) =	ssettag $0x2  }
0xae: {  	s0 =	rddreg [dreg:$0x0];
	s2 =	stileid.u32  }
0xaf: {  	s1 =	rddreg [dreg:$0x1];
	p0 =	sne.s32 s2, $0x0  }
0xb0: {  	s3 =	rddreg [dreg:$0x2];
	[bflag:$0x3] =	sbarrier.arrive $0xFFFF;
	s2 =	simm.s32 @!p0 $0x1C07  }
0xb1: {  	[timem:s3], [sflag:s2] =	dma.local @!p0 [hbm:s0], s1  }
0xb2: {  	s0 =	simm.s32 @!p0 $0x7  }
0xb3: {  	_ =	swait.ge @!p0 [sflag:s0], s1  }
0xb4: {  	s1 =	ssub.s32 @!p0 $0x0, s1;
	[sflag:s0] =	ssyncset.done @!p0 $0x0  }
0xb5: {  	[sflag:s0] =	ssyncadd.s32 @!p0 s1  }
0xb6: {  	[bflag:$0x3] =	sbarrier.arrive $0xFFFF  }
0xb7: {  	_ =	shalt  }

</sc_bundles>
